<compile_context>
chip_gen: v7x
topology: tpu7x:2x2x1
jax: 0.10.2.dev20260603
libtpu: 0.0.44.dev20260713+nightly
codegen_flags: <defaults>
</compile_context>

<pallas_src>
import functools

import jax
import jax.numpy as jnp
from jax import lax
from jax.experimental import pallas as pl
from jax.experimental.pallas import tpu as pltpu
from jax.experimental.pallas import tpu_sc as plsc

B = 256
C_SIZE = 5
EMB = 128
HID = 1024
OUT = 32000
T = 50
L = 20
TXT = 250
KPAD = 64
NTILE = 25
VTILE = OUT // NTILE
FBLK = 128
SBLK = 32

_NC = 2
_NS = 16
_NW = _NC * _NS
_GN = B * C_SIZE
_GPW = _GN // _NW
_RPW = B // _NW
_ROWPAD = OUT + KPAD


TROW = 256


def _sc_prep_body(table_hbm, ids_hbm, src_hbm, ctx_hbm, text_hbm,
                  gidx_v, rows_v, sem, sv_v, txt_v):
    wid = lax.axis_index("s") * _NC + lax.axis_index("c")
    i32 = jnp.int32

    base = wid * _GPW
    pltpu.sync_copy(ids_hbm.at[pl.ds(base, _GPW)], gidx_v)
    pltpu.async_copy(table_hbm.at[gidx_v], rows_v, sem).wait()
    pltpu.sync_copy(rows_v, ctx_hbm.at[pl.ds(base, _GPW)])

    zero16 = jnp.zeros((16,), i32)
    lane = lax.iota(i32, 16)

    def _row_body(r, acc_):
        row = wid * _RPW + r
        for c in range(TROW // 16):
            txt_v[pl.ds(c * 16, 16)] = zero16
        pltpu.sync_copy(src_hbm.at[row], sv_v)
        carry = jnp.int32(0)
        for c in range(4):
            v = sv_v[pl.ds(c * 16, 16)]
            ln = (1 + (v >= 10).astype(i32) + (v >= 100).astype(i32)
                  + (v >= 1000).astype(i32) + (v >= 10000).astype(i32))
            ln = jnp.where(lane + c * 16 < T, ln, 0)
            cs = plsc.cumsum(ln)
            offs = cs - ln + carry
            carry = carry + jnp.sum(ln)
            r0 = v % 10
            q1 = v // 10
            r1 = q1 % 10
            q2 = q1 // 10
            r2 = q2 % 10
            q3 = q2 // 10
            r3 = q3 % 10
            r4 = q3 // 10
            for k in range(5):
                e = ln - 1 - k
                dk = jnp.where(e == 1, r1,
                     jnp.where(e == 2, r2,
                     jnp.where(e == 3, r3,
                     jnp.where(e == 4, r4, r0))))
                pos = jnp.where(k < ln, offs + k, TROW - 1)
                plsc.store_scatter(txt_v, [pos], dk)
        pltpu.sync_copy(txt_v, text_hbm.at[row])
        return acc_

    lax.fori_loop(0, _RPW, _row_body, 0)


_sc_prep = functools.partial(
    pl.kernel,
    mesh=plsc.VectorSubcoreMesh(core_axis_name="c", subcore_axis_name="s",
                                num_cores=_NC, num_subcores=_NS),
    out_type=(jax.ShapeDtypeStruct((_GN, EMB), jnp.float32),
              jax.ShapeDtypeStruct((B, TROW), jnp.int32)),
    scratch_types=[
        pltpu.VMEM((_GPW,), jnp.int32),
        pltpu.VMEM((_GPW, EMB), jnp.float32),
        pltpu.SemaphoreType.DMA,
        pltpu.VMEM((KPAD,), jnp.int32),
        pltpu.VMEM((TROW,), jnp.int32),
    ],
    compiler_params=pltpu.CompilerParams(needs_layout_passes=False),
)(_sc_prep_body)


def _bias_scatter_body(idx_hbm, val_hbm, out_hbm, row_a, row_b, iv_v, vv_v,
                       sem_a, sem_b):
    wid = lax.axis_index("s") * _NC + lax.axis_index("c")
    zero16f = jnp.zeros((16,), jnp.float32)
    bufs = (row_a, row_b)
    sems = (sem_a, sem_b)

    def _zinit(i, carry):
        row_a[pl.ds(i * 16, 16)] = zero16f
        row_b[pl.ds(i * 16, 16)] = zero16f
        return carry

    lax.fori_loop(0, _ROWPAD // 16, _zinit, 0)

    pltpu.sync_copy(idx_hbm.at[pl.ds(wid * _RPW, _RPW)], iv_v)
    pltpu.sync_copy(val_hbm.at[pl.ds(wid * _RPW, _RPW)], vv_v)

    pend = [None, None]
    for r in range(_RPW):
        bsel = r % 2
        rv = bufs[bsel]
        if pend[bsel] is not None:
            pend[bsel].wait()
            for c in range(KPAD // 16):
                ii = iv_v[r - 2, pl.ds(c * 16, 16)]
                plsc.store_scatter(rv, [ii], zero16f)
        for c in range(KPAD // 16):
            ii = iv_v[r, pl.ds(c * 16, 16)]
            xx = vv_v[r, pl.ds(c * 16, 16)]
            plsc.addupdate_scatter(rv, [ii], xx)
        pend[bsel] = pltpu.async_copy(
            rv.at[pl.ds(0, OUT)], out_hbm.at[wid * _RPW + r], sems[bsel])
    pend[0].wait()
    pend[1].wait()


_bias_scatter = functools.partial(
    pl.kernel,
    mesh=plsc.VectorSubcoreMesh(core_axis_name="c", subcore_axis_name="s",
                                num_cores=_NC, num_subcores=_NS),
    out_type=jax.ShapeDtypeStruct((B, OUT), jnp.float32),
    scratch_types=[
        pltpu.VMEM((_ROWPAD,), jnp.float32),
        pltpu.VMEM((_ROWPAD,), jnp.float32),
        pltpu.VMEM((_RPW, KPAD), jnp.int32),
        pltpu.VMEM((_RPW, KPAD), jnp.float32),
        pltpu.SemaphoreType.DMA,
        pltpu.SemaphoreType.DMA,
    ],
    compiler_params=pltpu.CompilerParams(needs_layout_passes=False),
)(_bias_scatter_body)


def _ndigits(n):
    return (1 + (n >= 10).astype(jnp.int32) + (n >= 100).astype(jnp.int32)
            + (n >= 1000).astype(jnp.int32) + (n >= 10000).astype(jnp.int32))


def _shift_right_sel(x, amt, lo, hi):
    S = x.shape[-1]
    out = jnp.zeros_like(x)
    amtb = jnp.broadcast_to(amt, x.shape)
    for dlt in range(lo, hi + 1):
        sh = jnp.concatenate([jnp.zeros_like(x[:, :dlt]), x[:, : S - dlt]], axis=-1)
        out = jnp.where(amtb == dlt, sh, out)
    return out


def _features_body(ps_ref, src_ref, slen_ref, text_ref, val_ref, idx_ref):
    i32, f32 = jnp.int32, jnp.float32
    src = src_ref[...]
    ps = ps_ref[...]
    slen = slen_ref[...]
    acc = text_ref[...]

    l_src = _ndigits(src)
    tlen = jnp.sum(l_src, axis=1, keepdims=True)

    w5 = (10000 * acc[:, 0:TXT] + 1000 * acc[:, 1:TXT + 1]
          + 100 * acc[:, 2:TXT + 2] + 10 * acc[:, 3:TXT + 3]
          + acc[:, 4:TXT + 4])

    def _p5(ln):
        return jnp.where(ln == 1, 10000,
               jnp.where(ln == 2, 1000,
               jnp.where(ln == 3, 100,
               jnp.where(ln == 4, 10, 1))))

    s3 = lax.broadcasted_iota(i32, (1, 1, TXT), 2)
    p5t = _p5(l_src)
    lo = src * p5t
    diff = w5[:, None, :] - lo[:, :, None]
    du = lax.bitcast_convert_type(diff, jnp.uint32)
    p5u = jnp.broadcast_to(p5t.astype(jnp.uint32)[:, :, None], (FBLK, T, TXT))
    endb = jnp.broadcast_to((l_src - tlen)[:, :, None], (FBLK, T, TXT))
    M = ((du < p5u) & (s3 <= -endb)).astype(i32)

    def match_mask(num):
        n = _ndigits(num)
        p5n = jnp.broadcast_to(_p5(n), (FBLK, TXT))
        d2 = w5 - jnp.broadcast_to(num * _p5(n), (FBLK, TXT))
        s2 = lax.broadcasted_iota(i32, (1, TXT), 1)
        fit = jnp.broadcast_to(tlen - n, (FBLK, TXT))
        return ((d2 >= 0) & (d2 < p5n) & (s2 <= fit)).astype(i32), n

    l1 = ps[:, L - 1:L]
    l0 = ps[:, L - 2:L - 1]
    ml1, n1 = match_mask(l1)
    ml0, n0 = match_mask(l0)

    ml1R = _shift_right_sel(ml1, n1, 1, 5)
    ml1R3 = jnp.broadcast_to(ml1R[:, None, :], (FBLK, T, TXT))
    found_bi = jnp.max(ml1R3 * M, axis=2)
    preR = _shift_right_sel(ml0, n0 + n1, 2, 10) * ml1R
    preR3 = jnp.broadcast_to(preR[:, None, :], (FBLK, T, TXT))
    found_tri = jnp.max(preR3 * M, axis=2)

    kk = lax.broadcasted_iota(i32, (1, T), 1)
    kk3 = lax.broadcasted_iota(i32, (1, 1, T), 2)
    eq = src[:, :, None] == src[:, None, :]
    first_occ = jnp.min(jnp.where(eq, kk3, T), axis=2)
    is_l1 = (src == jnp.broadcast_to(l1, (FBLK, T))).astype(i32)
    present1 = jnp.max(is_l1, axis=1, keepdims=True)
    kpos = jnp.min(jnp.where(is_l1 == 1, jnp.broadcast_to(kk, (FBLK, T)), T),
                   axis=1, keepdims=True)

    ok1 = (first_occ < jnp.broadcast_to(slen, (FBLK, T))).astype(i32)
    reo_or = (jnp.broadcast_to(present1, (FBLK, T))
              * (first_occ < jnp.broadcast_to(kpos, (FBLK, T))).astype(i32))
    tot = (ok1 * (1 + found_bi + found_tri + reo_or)).astype(f32)
    fm = first_occ == jnp.broadcast_to(kk, (FBLK, T))
    vals = jnp.where(fm, 0.5 * tot, 0.0)
    idx = jnp.where(fm, src, OUT + jnp.broadcast_to(kk, (FBLK, T)))

    pad_i = lax.broadcasted_iota(i32, (FBLK, KPAD - T), 1) + (OUT + T)
    val_ref[...] = jnp.concatenate(
        [vals, jnp.zeros((FBLK, KPAD - T), f32)], axis=1)
    idx_ref[...] = jnp.concatenate([idx, pad_i], axis=1)


_features = pl.pallas_call(
    _features_body,
    grid=(B // FBLK,),
    in_specs=[
        pl.BlockSpec((FBLK, L), lambda i: (i, 0)),
        pl.BlockSpec((FBLK, T), lambda i: (i, 0)),
        pl.BlockSpec((FBLK, 1), lambda i: (i, 0)),
        pl.BlockSpec((FBLK, TROW), lambda i: (i, 0)),
    ],
    out_specs=[
        pl.BlockSpec((FBLK, KPAD), lambda i: (i, 0)),
        pl.BlockSpec((FBLK, KPAD), lambda i: (i, 0)),
    ],
    out_shape=[
        jax.ShapeDtypeStruct((B, KPAD), jnp.float32),
        jax.ShapeDtypeStruct((B, KPAD), jnp.int32),
    ],
)


def _nt_dot(a, b):
    return lax.dot_general(a, b, (((1,), (1,)), ((), ())),
                           preferred_element_type=jnp.float32)


def _matmul_body(ctx_ref, w1_ref, b1_ref, enc_ref, w2_ref, b2_ref,
                 w3_ref, b3_ref, out_ref, h_ref, x_ref):
    bf16 = jnp.bfloat16

    @pl.when(pl.program_id(0) == 0)
    def _():
        h = jnp.tanh(_nt_dot(ctx_ref[...], w1_ref[...]) + b1_ref[...])
        h_ref[...] = h.astype(bf16)
        x_ref[...] = enc_ref[...].astype(bf16)

    acc = (_nt_dot(h_ref[...], w2_ref[...].astype(bf16))
           + _nt_dot(x_ref[...], w3_ref[...].astype(bf16)))
    out_ref[...] = acc + b2_ref[0] + b3_ref[0]


_matmul = pl.pallas_call(
    _matmul_body,
    grid=(NTILE,),
    in_specs=[
        pl.BlockSpec((B, C_SIZE * EMB), lambda j: (0, 0)),
        pl.BlockSpec((HID, C_SIZE * EMB), lambda j: (0, 0)),
        pl.BlockSpec((1, HID), lambda j: (0, 0)),
        pl.BlockSpec((B, HID), lambda j: (0, 0)),
        pl.BlockSpec((VTILE, HID), lambda j: (j, 0)),
        pl.BlockSpec((1, 1, VTILE), lambda j: (j, 0, 0)),
        pl.BlockSpec((VTILE, HID), lambda j: (j, 0)),
        pl.BlockSpec((1, 1, VTILE), lambda j: (j, 0, 0)),
    ],
    out_specs=pl.BlockSpec((B, VTILE), lambda j: (0, j)),
    out_shape=jax.ShapeDtypeStruct((B, OUT), jnp.float32),
    scratch_shapes=[pltpu.VMEM((B, HID), jnp.bfloat16),
                    pltpu.VMEM((B, HID), jnp.bfloat16)],
    compiler_params=pltpu.CompilerParams(vmem_limit_bytes=100 * 1024 * 1024),
)


def _softmax_body(x_ref, bias_ref, o_ref):
    x = x_ref[...] + bias_ref[...]
    m = jnp.max(x, axis=1, keepdims=True)
    e = jnp.exp(x - m)
    o_ref[...] = e / jnp.sum(e, axis=1, keepdims=True)


_softmax = pl.pallas_call(
    _softmax_body,
    grid=(B // SBLK,),
    in_specs=[pl.BlockSpec((SBLK, OUT), lambda i: (i, 0)),
              pl.BlockSpec((SBLK, OUT), lambda i: (i, 0))],
    out_specs=pl.BlockSpec((SBLK, OUT), lambda i: (i, 0)),
    out_shape=jax.ShapeDtypeStruct((B, OUT), jnp.float32),
)


def kernel(encoder_output, predict_sequence, source, source_lens,
           E_table, W1, b1, W2, b2, W3, b3):
    ps = predict_sequence.astype(jnp.int32)
    src = source.astype(jnp.int32)
    slen = source_lens.astype(jnp.int32).reshape(B, 1)

    ids = ps[:, -C_SIZE:].reshape(-1)
    src64 = jnp.concatenate([src, jnp.zeros((B, KPAD - T), jnp.int32)], axis=1)
    ctx_rows, text = _sc_prep(E_table, ids, src64)
    ctx = ctx_rows.reshape(B, C_SIZE * EMB)
    vals, idx = _features(ps, src, slen, text)
    bias = _bias_scatter(idx, vals)

    logits = _matmul(ctx, W1, b1.reshape(1, HID), encoder_output,
                     W2, b2.reshape(NTILE, 1, VTILE),
                     W3, b3.reshape(NTILE, 1, VTILE))
    return _softmax(logits, bias)

# --- scband reference (transcript-rebuilt; emitter-appended) ---
"""Pipeline reference for scband-nnlmdecoder-35373350650612 (READ-ONLY COPY).

The authoritative reference and input builder live on the scoring server;
editing this copy changes nothing except your own understanding.
"""

import jax, jax.numpy as jnp
import numpy as np

B = 256
C_SIZE = 5
EMB = 128
HID = 1024
OUT = 32000
VOCAB = 32000
T = 50
L = 20
A1, A2, A3, A4, A5 = 1.0, 0.5, 0.5, 0.5, 0.5


def setup_inputs(seed: int = 0):
    key = jax.random.key(seed)
    ks = jax.random.split(key, 12)
    inp = {}
    inp['encoder_output'] = jax.random.normal(ks[0], (B, HID), dtype=jnp.float32)
    inp['predict_sequence'] = jax.random.randint(ks[1], (B, L), 0, VOCAB)
    inp['source'] = jax.random.randint(ks[2], (B, T), 0, VOCAB)
    inp['source_lens'] = jax.random.randint(ks[3], (B,), 0, T)
    inp['E_table'] = jax.random.normal(ks[4], (VOCAB, EMB), dtype=jnp.float32) * 0.02
    inp['W1'] = jax.random.normal(ks[5], (HID, C_SIZE * EMB), dtype=jnp.float32) * (1.0 / np.sqrt(C_SIZE * EMB))
    inp['b1'] = jnp.zeros((HID,), dtype=jnp.float32)
    inp['W2'] = jax.random.normal(ks[6], (OUT, HID), dtype=jnp.float32) * (1.0 / np.sqrt(HID))
    inp['b2'] = jnp.zeros((OUT,), dtype=jnp.float32)
    inp['W3'] = jax.random.normal(ks[7], (OUT, HID), dtype=jnp.float32) * (1.0 / np.sqrt(HID))
    inp['b3'] = jnp.zeros((OUT,), dtype=jnp.float32)
    return inp


_MAXD = 5  # max decimal digits of a token id (VOCAB - 1 = 31999)
_TEXT = T * _MAXD  # max digits in the concatenated source string
_MAXP = 3 * _MAXD  # max digits in any searched pattern


def _digits(n):
    # decimal digits of n, left-aligned in a length-5 array, plus digit count
    n = n.astype(jnp.int32)
    ln = (1 + (n >= 10).astype(jnp.int32) + (n >= 100).astype(jnp.int32)
          + (n >= 1000).astype(jnp.int32) + (n >= 10000).astype(jnp.int32))
    k = jnp.arange(_MAXD, dtype=jnp.int32)
    exp = jnp.maximum(ln[..., None] - 1 - k, 0)
    d = (n[..., None] // (10 ** exp)) % 10
    return jnp.where(k < ln[..., None], d, -1), ln


def _row_features(ps_row, src_row, slen):
    # Faithful replication of the torch python-loop feature extraction
    d_src, l_src = _digits(src_row)
    offs = jnp.cumsum(l_src) - l_src
    tlen = jnp.sum(l_src)
    five = jnp.arange(_MAXD)
    idx = jnp.where(five[None, :] < l_src[:, None],
                    offs[:, None] + five[None, :], _TEXT + _MAXP - 1)
    text = jnp.full((_TEXT + _MAXP,), -2, dtype=jnp.int32).at[idx.reshape(-1)].set(
        d_src.reshape(-1).astype(jnp.int32))
    win = text[jnp.arange(_TEXT)[:, None] + jnp.arange(_MAXP)[None, :]]

    j15 = jnp.arange(_MAXP)
    s_arr = jnp.arange(_TEXT)

    def pat_match(P, plen):
        eq = win[None, :, :] == P[:, None, :]
        inpat = j15[None, None, :] < plen[:, None, None]
        allj = jnp.where(inpat, eq, True).all(axis=2)
        fits = s_arr[None, :] + plen[:, None] <= tlen
        return (allj & fits).any(axis=1)

    l1 = ps_row[-1]
    d1, n1 = _digits(l1)
    d0, n0 = _digits(ps_row[-2])

    jA = jnp.clip(j15, 0, _MAXD - 1)
    jB2 = jnp.clip(j15 - n1, 0, _MAXD - 1)
    P2 = jnp.where(j15[None, :] < n1, d1[jA][None, :],
                   jnp.where(j15[None, :] < n1 + l_src[:, None], d_src[:, jB2], -3))
    found_bi = pat_match(P2, n1 + l_src)

    jB3 = jnp.clip(j15 - n0, 0, _MAXD - 1)
    jC3 = jnp.clip(j15 - n0 - n1, 0, _MAXD - 1)
    P3 = jnp.where(j15[None, :] < n0, d0[jA][None, :],
                   jnp.where(j15[None, :] < n0 + n1, d1[jB3][None, :],
                             jnp.where(j15[None, :] < n0 + n1 + l_src[:, None],
                                       d_src[:, jC3], -3)))
    found_tri = pat_match(P3, n0 + n1 + l_src)

    is_l1 = src_row == l1
    present1 = is_l1.any()
    kpos = jnp.argmax(is_l1)
    first_occ = jnp.argmax(src_row[None, :] == src_row[:, None], axis=1)
    reo_t = present1 & (first_occ < kpos)

    pos_ok = jnp.arange(src_row.shape[0]) < slen
    uni_f = pos_ok.astype(jnp.float32)
    bi_f = (pos_ok & found_bi).astype(jnp.float32)
    tri_f = (pos_ok & found_tri).astype(jnp.float32)
    reo_f = (pos_ok & reo_t).astype(jnp.float32)

    z = jnp.zeros((OUT,), dtype=jnp.float32)
    uni = z.at[src_row].max(uni_f)
    bi = z.at[src_row].max(bi_f)
    tri = z.at[src_row].max(tri_f)
    reo = z.at[src_row].max(reo_f)
    return uni, bi, tri, reo


def _ngram_features(predict_sequence, source, source_lens):
    return jax.vmap(_row_features)(predict_sequence, source, source_lens)


def reference(encoder_output, predict_sequence, source, source_lens, E_table, W1, b1, W2, b2, W3, b3):
    nb = encoder_output.shape[0]
    ctx_ids = predict_sequence[:, -C_SIZE:]
    ctx = jnp.take(E_table, ctx_ids, axis=0).reshape(nb, -1)
    h = jnp.tanh(ctx @ W1.T + b1)
    Vh = h @ W2.T + b2
    Wenc = encoder_output @ W3.T + b3
    output = Vh + Wenc
    uni, bi, tri, reo = _ngram_features(predict_sequence, source, source_lens)
    combine = output * A1 + uni * A2 + bi * A3 + tri * A4 + reo * A5
    return jax.nn.softmax(combine, axis=1)

if __name__ == "__main__":
    import jax
    _d = setup_inputs()
    print(jax.jit(kernel)(*tuple(_d.values())))

</pallas_src>

<mosaic_0001>
#map = affine_map<(d0, d1) -> (0, 0)>
module attributes {stable_mosaic.version = 14 : i64} {
  func.func @_bias_scatter_body(%arg0: i32, %arg1: i32, %arg2: memref<256x64xi32, #tpu.memory_space<hbm>>, %arg3: memref<256x64xf32, #tpu.memory_space<hbm>>, %arg4: memref<256x32000xf32, #tpu.memory_space<hbm>>, %arg5: memref<32064xf32, #tpu.memory_space<vmem>>, %arg6: memref<32064xf32, #tpu.memory_space<vmem>>, %arg7: memref<8x64xi32, #tpu.memory_space<vmem>>, %arg8: memref<8x64xf32, #tpu.memory_space<vmem>>, %arg9: memref<!tpu.dma_semaphore, #tpu.memory_space<semaphore_mem>>, %arg10: memref<!tpu.dma_semaphore, #tpu.memory_space<semaphore_mem>>) attributes {dimension_semantics = [#tpu.dimension_semantics<core_parallel>, #tpu.dimension_semantics<subcore_parallel>], iteration_bounds = array<i64: 2, 16>, scalar_prefetch = 0 : i64, scratch_operands = 6 : i64, tpu.core_type = #tpu.core_type<sc_vector_subcore>, window_params = [{transform_indices = #map}, {transform_indices = #map}, {transform_indices = #map}]} {
    %mul3A = arith.constant 2 : i32
    %mul3A_0 = arith.muli %arg1, %mul3A : i32
    %add3A = arith.addi %mul3A_0, %arg0 : i32
    %broadcast_in_dim3A = arith.constant 0.000000e+00 : f32
    %broadcast_in_dim3A_1 = vector.broadcast %broadcast_in_dim3A : f32 to vector<16xf32>
    %scan3A = arith.constant 0 : i32
    %scan3A_2 = arith.constant 0 : i32
    %scan3A_3 = arith.constant 2004 : i32
    %scan3A_4 = arith.addi %scan3A_2, %scan3A_3 : i32
    %scan3A_5 = arith.constant 1 : i32
    scf.for %scan3A_552 = %scan3A_2 to %scan3A_4 step %scan3A_5  : i32 {
      %mul3A_553 = arith.constant 16 : i32
      %mul3A_554 = arith.muli %scan3A_552, %mul3A_553 : i32
      %swap3A = arith.index_cast %mul3A_554 : i32 to index
      %swap3A_555 = tpu.vector_load %arg5[%swap3A] {strides = array<i32>} : memref<32064xf32, #tpu.memory_space<vmem>>, vector<16xf32>,
      tpu.vector_store %arg5[%swap3A], %broadcast_in_dim3A_1 {strides = array<i32>} : memref<32064xf32, #tpu.memory_space<vmem>>, vector<16xf32>,
      %mul3A_556 = arith.constant 16 : i32
      %mul3A_557 = arith.muli %scan3A_552, %mul3A_556 : i32
      %swap3A_558 = arith.index_cast %mul3A_557 : i32 to index
      %swap3A_559 = tpu.vector_load %arg6[%swap3A_558] {strides = array<i32>} : memref<32064xf32, #tpu.memory_space<vmem>>, vector<16xf32>,
      tpu.vector_store %arg6[%swap3A_558], %broadcast_in_dim3A_1 {strides = array<i32>} : memref<32064xf32, #tpu.memory_space<vmem>>, vector<16xf32>,
    }
    %scan3A_6 = arith.constant 2004 : i32
    %mul3A_7 = arith.constant 8 : i32
    %mul3A_8 = arith.muli %add3A, %mul3A_7 : i32
    "tpu.region"() ({
      %run_scoped3A = tpu.sem_alloc : memref<!tpu.dma_semaphore, #tpu.memory_space<semaphore_mem>>
      %dma_start3A_552 = arith.constant 0 : i32
      %dma_start3A_553 = tpu.memref_slice %arg2[%mul3A_8, %dma_start3A_552] : memref<256x64xi32, #tpu.memory_space<hbm>> -> memref<8x64xi32, #tpu.memory_space<hbm>>
      %dma_start3A_554 = arith.constant 0 : i32
      %dma_start3A_555 = tpu.memref_slice %arg2[%mul3A_8, %dma_start3A_554] : memref<256x64xi32, #tpu.memory_space<hbm>> -> memref<8x64xi32, #tpu.memory_space<hbm>>
      tpu.enqueue_dma source(%dma_start3A_555 : memref<8x64xi32, #tpu.memory_space<hbm>>) target(%arg7 : memref<8x64xi32, #tpu.memory_space<vmem>>) target_semaphore(%run_scoped3A : memref<!tpu.dma_semaphore, #tpu.memory_space<semaphore_mem>>)
      %dma_wait3A_556 = arith.constant 0 : i32
      %dma_wait3A_557 = tpu.memref_slice %arg2[%mul3A_8, %dma_wait3A_556] : memref<256x64xi32, #tpu.memory_space<hbm>> -> memref<8x64xi32, #tpu.memory_space<hbm>>
      %dma_wait3A_558 = arith.constant 0 : i32
      %dma_wait3A_559 = tpu.memref_slice %arg2[%mul3A_8, %dma_wait3A_558] : memref<256x64xi32, #tpu.memory_space<hbm>> -> memref<8x64xi32, #tpu.memory_space<hbm>>
      tpu.wait_dma2 semaphore(%run_scoped3A : memref<!tpu.dma_semaphore, #tpu.memory_space<semaphore_mem>>) src(%dma_wait3A_559 : memref<8x64xi32, #tpu.memory_space<hbm>>) dst(%arg7 : memref<8x64xi32, #tpu.memory_space<vmem>>)
      tpu.yield
    }) : () -> ()
    %mul3A_9 = arith.constant 8 : i32
    %mul3A_10 = arith.muli %add3A, %mul3A_9 : i32
    "tpu.region"() ({
      %run_scoped3A = tpu.sem_alloc : memref<!tpu.dma_semaphore, #tpu.memory_space<semaphore_mem>>
      %dma_start3A_552 = arith.constant 0 : i32
      %dma_start3A_553 = tpu.memref_slice %arg3[%mul3A_10, %dma_start3A_552] : memref<256x64xf32, #tpu.memory_space<hbm>> -> memref<8x64xf32, #tpu.memory_space<hbm>>
      %dma_start3A_554 = arith.constant 0 : i32
      %dma_start3A_555 = tpu.memref_slice %arg3[%mul3A_10, %dma_start3A_554] : memref<256x64xf32, #tpu.memory_space<hbm>> -> memref<8x64xf32, #tpu.memory_space<hbm>>
      tpu.enqueue_dma source(%dma_start3A_555 : memref<8x64xf32, #tpu.memory_space<hbm>>) target(%arg8 : memref<8x64xf32, #tpu.memory_space<vmem>>) target_semaphore(%run_scoped3A : memref<!tpu.dma_semaphore, #tpu.memory_space<semaphore_mem>>)
      %dma_wait3A_556 = arith.constant 0 : i32
      %dma_wait3A_557 = tpu.memref_slice %arg3[%mul3A_10, %dma_wait3A_556] : memref<256x64xf32, #tpu.memory_space<hbm>> -> memref<8x64xf32, #tpu.memory_space<hbm>>
      %dma_wait3A_558 = arith.constant 0 : i32
      %dma_wait3A_559 = tpu.memref_slice %arg3[%mul3A_10, %dma_wait3A_558] : memref<256x64xf32, #tpu.memory_space<hbm>> -> memref<8x64xf32, #tpu.memory_space<hbm>>
      tpu.wait_dma2 semaphore(%run_scoped3A : memref<!tpu.dma_semaphore, #tpu.memory_space<semaphore_mem>>) src(%dma_wait3A_559 : memref<8x64xf32, #tpu.memory_space<hbm>>) dst(%arg8 : memref<8x64xf32, #tpu.memory_space<vmem>>)
      tpu.yield
    }) : () -> ()
    %get3A = arith.constant 0 : i32
    %get3A_11 = arith.index_cast %get3A : i32 to index
    %get3A_12 = arith.constant 0 : index
    %get3A_13 = tpu.vector_load %arg7[%get3A_11, %get3A_12] {strides = array<i32>} : memref<8x64xi32, #tpu.memory_space<vmem>>, vector<16xi32>,
    %get3A_14 = arith.constant 0 : i32
    %get3A_15 = arith.index_cast %get3A_14 : i32 to index
    %get3A_16 = arith.constant 0 : index
    %get3A_17 = tpu.vector_load %arg8[%get3A_15, %get3A_16] {strides = array<i32>} : memref<8x64xf32, #tpu.memory_space<vmem>>, vector<16xf32>,
    tpu.vector_store_idx %arg5[%get3A_13], %get3A_17 {add = true} : memref<32064xf32, #tpu.memory_space<vmem>>[vector<16xi32>], vector<16xf32>,
    %get3A_18 = arith.constant 0 : i32
    %get3A_19 = arith.index_cast %get3A_18 : i32 to index
    %get3A_20 = arith.constant 16 : index
    %get3A_21 = tpu.vector_load %arg7[%get3A_19, %get3A_20] {strides = array<i32>} : memref<8x64xi32, #tpu.memory_space<vmem>>, vector<16xi32>,
    %get3A_22 = arith.constant 0 : i32
    %get3A_23 = arith.index_cast %get3A_22 : i32 to index
    %get3A_24 = arith.constant 16 : index
    %get3A_25 = tpu.vector_load %arg8[%get3A_23, %get3A_24] {strides = array<i32>} : memref<8x64xf32, #tpu.memory_space<vmem>>, vector<16xf32>,
    tpu.vector_store_idx %arg5[%get3A_21], %get3A_25 {add = true} : memref<32064xf32, #tpu.memory_space<vmem>>[vector<16xi32>], vector<16xf32>,
    %get3A_26 = arith.constant 0 : i32
    %get3A_27 = arith.index_cast %get3A_26 : i32 to index
    %get3A_28 = arith.constant 32 : index
    %get3A_29 = tpu.vector_load %arg7[%get3A_27, %get3A_28] {strides = array<i32>} : memref<8x64xi32, #tpu.memory_space<vmem>>, vector<16xi32>,
    %get3A_30 = arith.constant 0 : i32
    %get3A_31 = arith.index_cast %get3A_30 : i32 to index
    %get3A_32 = arith.constant 32 : index
    %get3A_33 = tpu.vector_load %arg8[%get3A_31, %get3A_32] {strides = array<i32>} : memref<8x64xf32, #tpu.memory_space<vmem>>, vector<16xf32>,
    tpu.vector_store_idx %arg5[%get3A_29], %get3A_33 {add = true} : memref<32064xf32, #tpu.memory_space<vmem>>[vector<16xi32>], vector<16xf32>,
    %get3A_34 = arith.constant 0 : i32
    %get3A_35 = arith.index_cast %get3A_34 : i32 to index
    %get3A_36 = arith.constant 48 : index
    %get3A_37 = tpu.vector_load %arg7[%get3A_35, %get3A_36] {strides = array<i32>} : memref<8x64xi32, #tpu.memory_space<vmem>>, vector<16xi32>,
    %get3A_38 = arith.constant 0 : i32
    %get3A_39 = arith.index_cast %get3A_38 : i32 to index
    %get3A_40 = arith.constant 48 : index
    %get3A_41 = tpu.vector_load %arg8[%get3A_39, %get3A_40] {strides = array<i32>} : memref<8x64xf32, #tpu.memory_space<vmem>>, vector<16xf32>,
    tpu.vector_store_idx %arg5[%get3A_37], %get3A_41 {add = true} : memref<32064xf32, #tpu.memory_space<vmem>>[vector<16xi32>], vector<16xf32>,
    %mul3A_42 = arith.constant 8 : i32
    %mul3A_43 = arith.muli %add3A, %mul3A_42 : i32
    %add3A_44 = arith.constant 0 : i32
    %add3A_45 = arith.addi %mul3A_43, %add3A_44 : i32
    %dma_start3A = arith.constant 0 : i32
    %dma_start3A_46 = tpu.memref_slice %arg5[%dma_start3A] : memref<32064xf32, #tpu.memory_space<vmem>> -> memref<32000xf32, #tpu.memory_space<vmem>>
    %dma_start3A_47 = arith.constant 0 : i32
    %dma_start3A_48 = tpu.memref_slice %arg4[%add3A_45, %dma_start3A_47] : memref<256x32000xf32, #tpu.memory_space<hbm>> -> memref<1x32000xf32, #tpu.memory_space<hbm>>
    %dma_start3A_49 = tpu.memref_squeeze %dma_start3A_48 : memref<1x32000xf32, #tpu.memory_space<hbm>> -> memref<32000xf32, #tpu.memory_space<hbm>>
    %dma_start3A_50 = arith.constant 0 : i32
    %dma_start3A_51 = tpu.memref_slice %arg4[%add3A_45, %dma_start3A_50] : memref<256x32000xf32, #tpu.memory_space<hbm>> -> memref<1x32000xf32, #tpu.memory_space<hbm>>
    %dma_start3A_52 = tpu.memref_squeeze %dma_start3A_51 : memref<1x32000xf32, #tpu.memory_space<hbm>> -> memref<32000xf32, #tpu.memory_space<hbm>>
    %dma_start3A_53 = arith.constant 0 : i32
    %dma_start3A_54 = tpu.memref_slice %arg5[%dma_start3A_53] : memref<32064xf32, #tpu.memory_space<vmem>> -> memref<32000xf32, #tpu.memory_space<vmem>>
    tpu.enqueue_dma source(%dma_start3A_54 : memref<32000xf32, #tpu.memory_space<vmem>>) target(%dma_start3A_52 : memref<32000xf32, #tpu.memory_space<hbm>>) target_semaphore(%arg9 : memref<!tpu.dma_semaphore, #tpu.memory_space<semaphore_mem>>)
    %get3A_55 = arith.constant 1 : i32
    %get3A_56 = arith.index_cast %get3A_55 : i32 to index
    %get3A_57 = arith.constant 0 : index
    %get3A_58 = tpu.vector_load %arg7[%get3A_56, %get3A_57] {strides = array<i32>} : memref<8x64xi32, #tpu.memory_space<vmem>>, vector<16xi32>,
    %get3A_59 = arith.constant 1 : i32
    %get3A_60 = arith.index_cast %get3A_59 : i32 to index
    %get3A_61 = arith.constant 0 : index
    %get3A_62 = tpu.vector_load %arg8[%get3A_60, %get3A_61] {strides = array<i32>} : memref<8x64xf32, #tpu.memory_space<vmem>>, vector<16xf32>,
    tpu.vector_store_idx %arg6[%get3A_58], %get3A_62 {add = true} : memref<32064xf32, #tpu.memory_space<vmem>>[vector<16xi32>], vector<16xf32>,
    %get3A_63 = arith.constant 1 : i32
    %get3A_64 = arith.index_cast %get3A_63 : i32 to index
    %get3A_65 = arith.constant 16 : index
    %get3A_66 = tpu.vector_load %arg7[%get3A_64, %get3A_65] {strides = array<i32>} : memref<8x64xi32, #tpu.memory_space<vmem>>, vector<16xi32>,
    %get3A_67 = arith.constant 1 : i32
    %get3A_68 = arith.index_cast %get3A_67 : i32 to index
    %get3A_69 = arith.constant 16 : index
    %get3A_70 = tpu.vector_load %arg8[%get3A_68, %get3A_69] {strides = array<i32>} : memref<8x64xf32, #tpu.memory_space<vmem>>, vector<16xf32>,
    tpu.vector_store_idx %arg6[%get3A_66], %get3A_70 {add = true} : memref<32064xf32, #tpu.memory_space<vmem>>[vector<16xi32>], vector<16xf32>,
    %get3A_71 = arith.constant 1 : i32
    %get3A_72 = arith.index_cast %get3A_71 : i32 to index
    %get3A_73 = arith.constant 32 : index
    %get3A_74 = tpu.vector_load %arg7[%get3A_72, %get3A_73] {strides = array<i32>} : memref<8x64xi32, #tpu.memory_space<vmem>>, vector<16xi32>,
    %get3A_75 = arith.constant 1 : i32
    %get3A_76 = arith.index_cast %get3A_75 : i32 to index
    %get3A_77 = arith.constant 32 : index
    %get3A_78 = tpu.vector_load %arg8[%get3A_76, %get3A_77] {strides = array<i32>} : memref<8x64xf32, #tpu.memory_space<vmem>>, vector<16xf32>,
    tpu.vector_store_idx %arg6[%get3A_74], %get3A_78 {add = true} : memref<32064xf32, #tpu.memory_space<vmem>>[vector<16xi32>], vector<16xf32>,
    %get3A_79 = arith.constant 1 : i32
    %get3A_80 = arith.index_cast %get3A_79 : i32 to index
    %get3A_81 = arith.constant 48 : index
    %get3A_82 = tpu.vector_load %arg7[%get3A_80, %get3A_81] {strides = array<i32>} : memref<8x64xi32, #tpu.memory_space<vmem>>, vector<16xi32>,
    %get3A_83 = arith.constant 1 : i32
    %get3A_84 = arith.index_cast %get3A_83 : i32 to index
    %get3A_85 = arith.constant 48 : index
    %get3A_86 = tpu.vector_load %arg8[%get3A_84, %get3A_85] {strides = array<i32>} : memref<8x64xf32, #tpu.memory_space<vmem>>, vector<16xf32>,
    tpu.vector_store_idx %arg6[%get3A_82], %get3A_86 {add = true} : memref<32064xf32, #tpu.memory_space<vmem>>[vector<16xi32>], vector<16xf32>,
    %mul3A_87 = arith.constant 8 : i32
    %mul3A_88 = arith.muli %add3A, %mul3A_87 : i32
    %add3A_89 = arith.constant 1 : i32
    %add3A_90 = arith.addi %mul3A_88, %add3A_89 : i32
    %dma_start3A_91 = arith.constant 0 : i32
    %dma_start3A_92 = tpu.memref_slice %arg6[%dma_start3A_91] : memref<32064xf32, #tpu.memory_space<vmem>> -> memref<32000xf32, #tpu.memory_space<vmem>>
    %dma_start3A_93 = arith.constant 0 : i32
    %dma_start3A_94 = tpu.memref_slice %arg4[%add3A_90, %dma_start3A_93] : memref<256x32000xf32, #tpu.memory_space<hbm>> -> memref<1x32000xf32, #tpu.memory_space<hbm>>
    %dma_start3A_95 = tpu.memref_squeeze %dma_start3A_94 : memref<1x32000xf32, #tpu.memory_space<hbm>> -> memref<32000xf32, #tpu.memory_space<hbm>>
    %dma_start3A_96 = arith.constant 0 : i32
    %dma_start3A_97 = tpu.memref_slice %arg4[%add3A_90, %dma_start3A_96] : memref<256x32000xf32, #tpu.memory_space<hbm>> -> memref<1x32000xf32, #tpu.memory_space<hbm>>
    %dma_start3A_98 = tpu.memref_squeeze %dma_start3A_97 : memref<1x32000xf32, #tpu.memory_space<hbm>> -> memref<32000xf32, #tpu.memory_space<hbm>>
    %dma_start3A_99 = arith.constant 0 : i32
    %dma_start3A_100 = tpu.memref_slice %arg6[%dma_start3A_99] : memref<32064xf32, #tpu.memory_space<vmem>> -> memref<32000xf32, #tpu.memory_space<vmem>>
    tpu.enqueue_dma source(%dma_start3A_100 : memref<32000xf32, #tpu.memory_space<vmem>>) target(%dma_start3A_98 : memref<32000xf32, #tpu.memory_space<hbm>>) target_semaphore(%arg10 : memref<!tpu.dma_semaphore, #tpu.memory_space<semaphore_mem>>)
    %dma_wait3A = arith.constant 0 : i32
    %dma_wait3A_101 = tpu.memref_slice %arg5[%dma_wait3A] : memref<32064xf32, #tpu.memory_space<vmem>> -> memref<32000xf32, #tpu.memory_space<vmem>>
    %dma_wait3A_102 = arith.constant 0 : i32
    %dma_wait3A_103 = tpu.memref_slice %arg4[%add3A_45, %dma_wait3A_102] : memref<256x32000xf32, #tpu.memory_space<hbm>> -> memref<1x32000xf32, #tpu.memory_space<hbm>>
    %dma_wait3A_104 = tpu.memref_squeeze %dma_wait3A_103 : memref<1x32000xf32, #tpu.memory_space<hbm>> -> memref<32000xf32, #tpu.memory_space<hbm>>
    %dma_wait3A_105 = arith.constant 0 : i32
    %dma_wait3A_106 = tpu.memref_slice %arg4[%add3A_45, %dma_wait3A_105] : memref<256x32000xf32, #tpu.memory_space<hbm>> -> memref<1x32000xf32, #tpu.memory_space<hbm>>
    %dma_wait3A_107 = tpu.memref_squeeze %dma_wait3A_106 : memref<1x32000xf32, #tpu.memory_space<hbm>> -> memref<32000xf32, #tpu.memory_space<hbm>>
    %dma_wait3A_108 = arith.constant 0 : i32
    %dma_wait3A_109 = tpu.memref_slice %arg5[%dma_wait3A_108] : memref<32064xf32, #tpu.memory_space<vmem>> -> memref<32000xf32, #tpu.memory_space<vmem>>
    tpu.wait_dma2 semaphore(%arg9 : memref<!tpu.dma_semaphore, #tpu.memory_space<semaphore_mem>>) src(%dma_wait3A_109 : memref<32000xf32, #tpu.memory_space<vmem>>) dst(%dma_wait3A_107 : memref<32000xf32, #tpu.memory_space<hbm>>)
    %get3A_110 = arith.constant 0 : i32
    %get3A_111 = arith.index_cast %get3A_110 : i32 to index
    %get3A_112 = arith.constant 0 : index
    %get3A_113 = tpu.vector_load %arg7[%get3A_111, %get3A_112] {strides = array<i32>} : memref<8x64xi32, #tpu.memory_space<vmem>>, vector<16xi32>,
    tpu.vector_store_idx %arg5[%get3A_113], %broadcast_in_dim3A_1 : memref<32064xf32, #tpu.memory_space<vmem>>[vector<16xi32>], vector<16xf32>,
    %get3A_114 = arith.constant 0 : i32
    %get3A_115 = arith.index_cast %get3A_114 : i32 to index
    %get3A_116 = arith.constant 16 : index
    %get3A_117 = tpu.vector_load %arg7[%get3A_115, %get3A_116] {strides = array<i32>} : memref<8x64xi32, #tpu.memory_space<vmem>>, vector<16xi32>,
    tpu.vector_store_idx %arg5[%get3A_117], %broadcast_in_dim3A_1 : memref<32064xf32, #tpu.memory_space<vmem>>[vector<16xi32>], vector<16xf32>,
    %get3A_118 = arith.constant 0 : i32
    %get3A_119 = arith.index_cast %get3A_118 : i32 to index
    %get3A_120 = arith.constant 32 : index
    %get3A_121 = tpu.vector_load %arg7[%get3A_119, %get3A_120] {strides = array<i32>} : memref<8x64xi32, #tpu.memory_space<vmem>>, vector<16xi32>,
    tpu.vector_store_idx %arg5[%get3A_121], %broadcast_in_dim3A_1 : memref<32064xf32, #tpu.memory_space<vmem>>[vector<16xi32>], vector<16xf32>,
    %get3A_122 = arith.constant 0 : i32
    %get3A_123 = arith.index_cast %get3A_122 : i32 to index
    %get3A_124 = arith.constant 48 : index
    %get3A_125 = tpu.vector_load %arg7[%get3A_123, %get3A_124] {strides = array<i32>} : memref<8x64xi32, #tpu.memory_space<vmem>>, vector<16xi32>,
    tpu.vector_store_idx %arg5[%get3A_125], %broadcast_in_dim3A_1 : memref<32064xf32, #tpu.memory_space<vmem>>[vector<16xi32>], vector<16xf32>,
    %get3A_126 = arith.constant 2 : i32
    %get3A_127 = arith.index_cast %get3A_126 : i32 to index
    %get3A_128 = arith.constant 0 : index
    %get3A_129 = tpu.vector_load %arg7[%get3A_127, %get3A_128] {strides = array<i32>} : memref<8x64xi32, #tpu.memory_space<vmem>>, vector<16xi32>,
    %get3A_130 = arith.constant 2 : i32
    %get3A_131 = arith.index_cast %get3A_130 : i32 to index
    %get3A_132 = arith.constant 0 : index
    %get3A_133 = tpu.vector_load %arg8[%get3A_131, %get3A_132] {strides = array<i32>} : memref<8x64xf32, #tpu.memory_space<vmem>>, vector<16xf32>,
    tpu.vector_store_idx %arg5[%get3A_129], %get3A_133 {add = true} : memref<32064xf32, #tpu.memory_space<vmem>>[vector<16xi32>], vector<16xf32>,
    %get3A_134 = arith.constant 2 : i32
    %get3A_135 = arith.index_cast %get3A_134 : i32 to index
    %get3A_136 = arith.constant 16 : index
    %get3A_137 = tpu.vector_load %arg7[%get3A_135, %get3A_136] {strides = array<i32>} : memref<8x64xi32, #tpu.memory_space<vmem>>, vector<16xi32>,
    %get3A_138 = arith.constant 2 : i32
    %get3A_139 = arith.index_cast %get3A_138 : i32 to index
    %get3A_140 = arith.constant 16 : index
    %get3A_141 = tpu.vector_load %arg8[%get3A_139, %get3A_140] {strides = array<i32>} : memref<8x64xf32, #tpu.memory_space<vmem>>, vector<16xf32>,
    tpu.vector_store_idx %arg5[%get3A_137], %get3A_141 {add = true} : memref<32064xf32, #tpu.memory_space<vmem>>[vector<16xi32>], vector<16xf32>,
    %get3A_142 = arith.constant 2 : i32
    %get3A_143 = arith.index_cast %get3A_142 : i32 to index
    %get3A_144 = arith.constant 32 : index
    %get3A_145 = tpu.vector_load %arg7[%get3A_143, %get3A_144] {strides = array<i32>} : memref<8x64xi32, #tpu.memory_space<vmem>>, vector<16xi32>,
    %get3A_146 = arith.constant 2 : i32
    %get3A_147 = arith.index_cast %get3A_146 : i32 to index
    %get3A_148 = arith.constant 32 : index
    %get3A_149 = tpu.vector_load %arg8[%get3A_147, %get3A_148] {strides = array<i32>} : memref<8x64xf32, #tpu.memory_space<vmem>>, vector<16xf32>,
    tpu.vector_store_idx %arg5[%get3A_145], %get3A_149 {add = true} : memref<32064xf32, #tpu.memory_space<vmem>>[vector<16xi32>], vector<16xf32>,
    %get3A_150 = arith.constant 2 : i32
    %get3A_151 = arith.index_cast %get3A_150 : i32 to index
    %get3A_152 = arith.constant 48 : index
    %get3A_153 = tpu.vector_load %arg7[%get3A_151, %get3A_152] {strides = array<i32>} : memref<8x64xi32, #tpu.memory_space<vmem>>, vector<16xi32>,
    %get3A_154 = arith.constant 2 : i32
    %get3A_155 = arith.index_cast %get3A_154 : i32 to index
    %get3A_156 = arith.constant 48 : index
    %get3A_157 = tpu.vector_load %arg8[%get3A_155, %get3A_156] {strides = array<i32>} : memref<8x64xf32, #tpu.memory_space<vmem>>, vector<16xf32>,
    tpu.vector_store_idx %arg5[%get3A_153], %get3A_157 {add = true} : memref<32064xf32, #tpu.memory_space<vmem>>[vector<16xi32>], vector<16xf32>,
    %mul3A_158 = arith.constant 8 : i32
    %mul3A_159 = arith.muli %add3A, %mul3A_158 : i32
    %add3A_160 = arith.constant 2 : i32
    %add3A_161 = arith.addi %mul3A_159, %add3A_160 : i32
    %dma_start3A_162 = arith.constant 0 : i32
    %dma_start3A_163 = tpu.memref_slice %arg5[%dma_start3A_162] : memref<32064xf32, #tpu.memory_space<vmem>> -> memref<32000xf32, #tpu.memory_space<vmem>>
    %dma_start3A_164 = arith.constant 0 : i32
    %dma_start3A_165 = tpu.memref_slice %arg4[%add3A_161, %dma_start3A_164] : memref<256x32000xf32, #tpu.memory_space<hbm>> -> memref<1x32000xf32, #tpu.memory_space<hbm>>
    %dma_start3A_166 = tpu.memref_squeeze %dma_start3A_165 : memref<1x32000xf32, #tpu.memory_space<hbm>> -> memref<32000xf32, #tpu.memory_space<hbm>>
    %dma_start3A_167 = arith.constant 0 : i32
    %dma_start3A_168 = tpu.memref_slice %arg4[%add3A_161, %dma_start3A_167] : memref<256x32000xf32, #tpu.memory_space<hbm>> -> memref<1x32000xf32, #tpu.memory_space<hbm>>
    %dma_start3A_169 = tpu.memref_squeeze %dma_start3A_168 : memref<1x32000xf32, #tpu.memory_space<hbm>> -> memref<32000xf32, #tpu.memory_space<hbm>>
    %dma_start3A_170 = arith.constant 0 : i32
    %dma_start3A_171 = tpu.memref_slice %arg5[%dma_start3A_170] : memref<32064xf32, #tpu.memory_space<vmem>> -> memref<32000xf32, #tpu.memory_space<vmem>>
    tpu.enqueue_dma source(%dma_start3A_171 : memref<32000xf32, #tpu.memory_space<vmem>>) target(%dma_start3A_169 : memref<32000xf32, #tpu.memory_space<hbm>>) target_semaphore(%arg9 : memref<!tpu.dma_semaphore, #tpu.memory_space<semaphore_mem>>)
    %dma_wait3A_172 = arith.constant 0 : i32
    %dma_wait3A_173 = tpu.memref_slice %arg6[%dma_wait3A_172] : memref<32064xf32, #tpu.memory_space<vmem>> -> memref<32000xf32, #tpu.memory_space<vmem>>
    %dma_wait3A_174 = arith.constant 0 : i32
    %dma_wait3A_175 = tpu.memref_slice %arg4[%add3A_90, %dma_wait3A_174] : memref<256x32000xf32, #tpu.memory_space<hbm>> -> memref<1x32000xf32, #tpu.memory_space<hbm>>
    %dma_wait3A_176 = tpu.memref_squeeze %dma_wait3A_175 : memref<1x32000xf32, #tpu.memory_space<hbm>> -> memref<32000xf32, #tpu.memory_space<hbm>>
    %dma_wait3A_177 = arith.constant 0 : i32
    %dma_wait3A_178 = tpu.memref_slice %arg4[%add3A_90, %dma_wait3A_177] : memref<256x32000xf32, #tpu.memory_space<hbm>> -> memref<1x32000xf32, #tpu.memory_space<hbm>>
    %dma_wait3A_179 = tpu.memref_squeeze %dma_wait3A_178 : memref<1x32000xf32, #tpu.memory_space<hbm>> -> memref<32000xf32, #tpu.memory_space<hbm>>
    %dma_wait3A_180 = arith.constant 0 : i32
    %dma_wait3A_181 = tpu.memref_slice %arg6[%dma_wait3A_180] : memref<32064xf32, #tpu.memory_space<vmem>> -> memref<32000xf32, #tpu.memory_space<vmem>>
    tpu.wait_dma2 semaphore(%arg10 : memref<!tpu.dma_semaphore, #tpu.memory_space<semaphore_mem>>) src(%dma_wait3A_181 : memref<32000xf32, #tpu.memory_space<vmem>>) dst(%dma_wait3A_179 : memref<32000xf32, #tpu.memory_space<hbm>>)
    %get3A_182 = arith.constant 1 : i32
    %get3A_183 = arith.index_cast %get3A_182 : i32 to index
    %get3A_184 = arith.constant 0 : index
    %get3A_185 = tpu.vector_load %arg7[%get3A_183, %get3A_184] {strides = array<i32>} : memref<8x64xi32, #tpu.memory_space<vmem>>, vector<16xi32>,
    tpu.vector_store_idx %arg6[%get3A_185], %broadcast_in_dim3A_1 : memref<32064xf32, #tpu.memory_space<vmem>>[vector<16xi32>], vector<16xf32>,
    %get3A_186 = arith.constant 1 : i32
    %get3A_187 = arith.index_cast %get3A_186 : i32 to index
    %get3A_188 = arith.constant 16 : index
    %get3A_189 = tpu.vector_load %arg7[%get3A_187, %get3A_188] {strides = array<i32>} : memref<8x64xi32, #tpu.memory_space<vmem>>, vector<16xi32>,
    tpu.vector_store_idx %arg6[%get3A_189], %broadcast_in_dim3A_1 : memref<32064xf32, #tpu.memory_space<vmem>>[vector<16xi32>], vector<16xf32>,
    %get3A_190 = arith.constant 1 : i32
    %get3A_191 = arith.index_cast %get3A_190 : i32 to index
    %get3A_192 = arith.constant 32 : index
    %get3A_193 = tpu.vector_load %arg7[%get3A_191, %get3A_192] {strides = array<i32>} : memref<8x64xi32, #tpu.memory_space<vmem>>, vector<16xi32>,
    tpu.vector_store_idx %arg6[%get3A_193], %broadcast_in_dim3A_1 : memref<32064xf32, #tpu.memory_space<vmem>>[vector<16xi32>], vector<16xf32>,
    %get3A_194 = arith.constant 1 : i32
    %get3A_195 = arith.index_cast %get3A_194 : i32 to index
    %get3A_196 = arith.constant 48 : index
    %get3A_197 = tpu.vector_load %arg7[%get3A_195, %get3A_196] {strides = array<i32>} : memref<8x64xi32, #tpu.memory_space<vmem>>, vector<16xi32>,
    tpu.vector_store_idx %arg6[%get3A_197], %broadcast_in_dim3A_1 : memref<32064xf32, #tpu.memory_space<vmem>>[vector<16xi32>], vector<16xf32>,
    %get3A_198 = arith.constant 3 : i32
    %get3A_199 = arith.index_cast %get3A_198 : i32 to index
    %get3A_200 = arith.constant 0 : index
    %get3A_201 = tpu.vector_load %arg7[%get3A_199, %get3A_200] {strides = array<i32>} : memref<8x64xi32, #tpu.memory_space<vmem>>, vector<16xi32>,
    %get3A_202 = arith.constant 3 : i32
    %get3A_203 = arith.index_cast %get3A_202 : i32 to index
    %get3A_204 = arith.constant 0 : index
    %get3A_205 = tpu.vector_load %arg8[%get3A_203, %get3A_204] {strides = array<i32>} : memref<8x64xf32, #tpu.memory_space<vmem>>, vector<16xf32>,
    tpu.vector_store_idx %arg6[%get3A_201], %get3A_205 {add = true} : memref<32064xf32, #tpu.memory_space<vmem>>[vector<16xi32>], vector<16xf32>,
    %get3A_206 = arith.constant 3 : i32
    %get3A_207 = arith.index_cast %get3A_206 : i32 to index
    %get3A_208 = arith.constant 16 : index
    %get3A_209 = tpu.vector_load %arg7[%get3A_207, %get3A_208] {strides = array<i32>} : memref<8x64xi32, #tpu.memory_space<vmem>>, vector<16xi32>,
    %get3A_210 = arith.constant 3 : i32
    %get3A_211 = arith.index_cast %get3A_210 : i32 to index
    %get3A_212 = arith.constant 16 : index
    %get3A_213 = tpu.vector_load %arg8[%get3A_211, %get3A_212] {strides = array<i32>} : memref<8x64xf32, #tpu.memory_space<vmem>>, vector<16xf32>,
    tpu.vector_store_idx %arg6[%get3A_209], %get3A_213 {add = true} : memref<32064xf32, #tpu.memory_space<vmem>>[vector<16xi32>], vector<16xf32>,
    %get3A_214 = arith.constant 3 : i32
    %get3A_215 = arith.index_cast %get3A_214 : i32 to index
    %get3A_216 = arith.constant 32 : index
    %get3A_217 = tpu.vector_load %arg7[%get3A_215, %get3A_216] {strides = array<i32>} : memref<8x64xi32, #tpu.memory_space<vmem>>, vector<16xi32>,
    %get3A_218 = arith.constant 3 : i32
    %get3A_219 = arith.index_cast %get3A_218 : i32 to index
    %get3A_220 = arith.constant 32 : index
    %get3A_221 = tpu.vector_load %arg8[%get3A_219, %get3A_220] {strides = array<i32>} : memref<8x64xf32, #tpu.memory_space<vmem>>, vector<16xf32>,
    tpu.vector_store_idx %arg6[%get3A_217], %get3A_221 {add = true} : memref<32064xf32, #tpu.memory_space<vmem>>[vector<16xi32>], vector<16xf32>,
    %get3A_222 = arith.constant 3 : i32
    %get3A_223 = arith.index_cast %get3A_222 : i32 to index
    %get3A_224 = arith.constant 48 : index
    %get3A_225 = tpu.vector_load %arg7[%get3A_223, %get3A_224] {strides = array<i32>} : memref<8x64xi32, #tpu.memory_space<vmem>>, vector<16xi32>,
    %get3A_226 = arith.constant 3 : i32
    %get3A_227 = arith.index_cast %get3A_226 : i32 to index
    %get3A_228 = arith.constant 48 : index
    %get3A_229 = tpu.vector_load %arg8[%get3A_227, %get3A_228] {strides = array<i32>} : memref<8x64xf32, #tpu.memory_space<vmem>>, vector<16xf32>,
    tpu.vector_store_idx %arg6[%get3A_225], %get3A_229 {add = true} : memref<32064xf32, #tpu.memory_space<vmem>>[vector<16xi32>], vector<16xf32>,
    %mul3A_230 = arith.constant 8 : i32
    %mul3A_231 = arith.muli %add3A, %mul3A_230 : i32
    %add3A_232 = arith.constant 3 : i32
    %add3A_233 = arith.addi %mul3A_231, %add3A_232 : i32
    %dma_start3A_234 = arith.constant 0 : i32
    %dma_start3A_235 = tpu.memref_slice %arg6[%dma_start3A_234] : memref<32064xf32, #tpu.memory_space<vmem>> -> memref<32000xf32, #tpu.memory_space<vmem>>
    %dma_start3A_236 = arith.constant 0 : i32
    %dma_start3A_237 = tpu.memref_slice %arg4[%add3A_233, %dma_start3A_236] : memref<256x32000xf32, #tpu.memory_space<hbm>> -> memref<1x32000xf32, #tpu.memory_space<hbm>>
    %dma_start3A_238 = tpu.memref_squeeze %dma_start3A_237 : memref<1x32000xf32, #tpu.memory_space<hbm>> -> memref<32000xf32, #tpu.memory_space<hbm>>
    %dma_start3A_239 = arith.constant 0 : i32
    %dma_start3A_240 = tpu.memref_slice %arg4[%add3A_233, %dma_start3A_239] : memref<256x32000xf32, #tpu.memory_space<hbm>> -> memref<1x32000xf32, #tpu.memory_space<hbm>>
    %dma_start3A_241 = tpu.memref_squeeze %dma_start3A_240 : memref<1x32000xf32, #tpu.memory_space<hbm>> -> memref<32000xf32, #tpu.memory_space<hbm>>
    %dma_start3A_242 = arith.constant 0 : i32
    %dma_start3A_243 = tpu.memref_slice %arg6[%dma_start3A_242] : memref<32064xf32, #tpu.memory_space<vmem>> -> memref<32000xf32, #tpu.memory_space<vmem>>
    tpu.enqueue_dma source(%dma_start3A_243 : memref<32000xf32, #tpu.memory_space<vmem>>) target(%dma_start3A_241 : memref<32000xf32, #tpu.memory_space<hbm>>) target_semaphore(%arg10 : memref<!tpu.dma_semaphore, #tpu.memory_space<semaphore_mem>>)
    %dma_wait3A_244 = arith.constant 0 : i32
    %dma_wait3A_245 = tpu.memref_slice %arg5[%dma_wait3A_244] : memref<32064xf32, #tpu.memory_space<vmem>> -> memref<32000xf32, #tpu.memory_space<vmem>>
    %dma_wait3A_246 = arith.constant 0 : i32
    %dma_wait3A_247 = tpu.memref_slice %arg4[%add3A_161, %dma_wait3A_246] : memref<256x32000xf32, #tpu.memory_space<hbm>> -> memref<1x32000xf32, #tpu.memory_space<hbm>>
    %dma_wait3A_248 = tpu.memref_squeeze %dma_wait3A_247 : memref<1x32000xf32, #tpu.memory_space<hbm>> -> memref<32000xf32, #tpu.memory_space<hbm>>
    %dma_wait3A_249 = arith.constant 0 : i32
    %dma_wait3A_250 = tpu.memref_slice %arg4[%add3A_161, %dma_wait3A_249] : memref<256x32000xf32, #tpu.memory_space<hbm>> -> memref<1x32000xf32, #tpu.memory_space<hbm>>
    %dma_wait3A_251 = tpu.memref_squeeze %dma_wait3A_250 : memref<1x32000xf32, #tpu.memory_space<hbm>> -> memref<32000xf32, #tpu.memory_space<hbm>>
    %dma_wait3A_252 = arith.constant 0 : i32
    %dma_wait3A_253 = tpu.memref_slice %arg5[%dma_wait3A_252] : memref<32064xf32, #tpu.memory_space<vmem>> -> memref<32000xf32, #tpu.memory_space<vmem>>
    tpu.wait_dma2 semaphore(%arg9 : memref<!tpu.dma_semaphore, #tpu.memory_space<semaphore_mem>>) src(%dma_wait3A_253 : memref<32000xf32, #tpu.memory_space<vmem>>) dst(%dma_wait3A_251 : memref<32000xf32, #tpu.memory_space<hbm>>)
    %get3A_254 = arith.constant 2 : i32
    %get3A_255 = arith.index_cast %get3A_254 : i32 to index
    %get3A_256 = arith.constant 0 : index
    %get3A_257 = tpu.vector_load %arg7[%get3A_255, %get3A_256] {strides = array<i32>} : memref<8x64xi32, #tpu.memory_space<vmem>>, vector<16xi32>,
    tpu.vector_store_idx %arg5[%get3A_257], %broadcast_in_dim3A_1 : memref<32064xf32, #tpu.memory_space<vmem>>[vector<16xi32>], vector<16xf32>,
    %get3A_258 = arith.constant 2 : i32
    %get3A_259 = arith.index_cast %get3A_258 : i32 to index
    %get3A_260 = arith.constant 16 : index
    %get3A_261 = tpu.vector_load %arg7[%get3A_259, %get3A_260] {strides = array<i32>} : memref<8x64xi32, #tpu.memory_space<vmem>>, vector<16xi32>,
    tpu.vector_store_idx %arg5[%get3A_261], %broadcast_in_dim3A_1 : memref<32064xf32, #tpu.memory_space<vmem>>[vector<16xi32>], vector<16xf32>,
    %get3A_262 = arith.constant 2 : i32
    %get3A_263 = arith.index_cast %get3A_262 : i32 to index
    %get3A_264 = arith.constant 32 : index
    %get3A_265 = tpu.vector_load %arg7[%get3A_263, %get3A_264] {strides = array<i32>} : memref<8x64xi32, #tpu.memory_space<vmem>>, vector<16xi32>,
    tpu.vector_store_idx %arg5[%get3A_265], %broadcast_in_dim3A_1 : memref<32064xf32, #tpu.memory_space<vmem>>[vector<16xi32>], vector<16xf32>,
    %get3A_266 = arith.constant 2 : i32
    %get3A_267 = arith.index_cast %get3A_266 : i32 to index
    %get3A_268 = arith.constant 48 : index
    %get3A_269 = tpu.vector_load %arg7[%get3A_267, %get3A_268] {strides = array<i32>} : memref<8x64xi32, #tpu.memory_space<vmem>>, vector<16xi32>,
    tpu.vector_store_idx %arg5[%get3A_269], %broadcast_in_dim3A_1 : memref<32064xf32, #tpu.memory_space<vmem>>[vector<16xi32>], vector<16xf32>,
    %get3A_270 = arith.constant 4 : i32
    %get3A_271 = arith.index_cast %get3A_270 : i32 to index
    %get3A_272 = arith.constant 0 : index
    %get3A_273 = tpu.vector_load %arg7[%get3A_271, %get3A_272] {strides = array<i32>} : memref<8x64xi32, #tpu.memory_space<vmem>>, vector<16xi32>,
    %get3A_274 = arith.constant 4 : i32
    %get3A_275 = arith.index_cast %get3A_274 : i32 to index
    %get3A_276 = arith.constant 0 : index
    %get3A_277 = tpu.vector_load %arg8[%get3A_275, %get3A_276] {strides = array<i32>} : memref<8x64xf32, #tpu.memory_space<vmem>>, vector<16xf32>,
    tpu.vector_store_idx %arg5[%get3A_273], %get3A_277 {add = true} : memref<32064xf32, #tpu.memory_space<vmem>>[vector<16xi32>], vector<16xf32>,
    %get3A_278 = arith.constant 4 : i32
    %get3A_279 = arith.index_cast %get3A_278 : i32 to index
    %get3A_280 = arith.constant 16 : index
    %get3A_281 = tpu.vector_load %arg7[%get3A_279, %get3A_280] {strides = array<i32>} : memref<8x64xi32, #tpu.memory_space<vmem>>, vector<16xi32>,
    %get3A_282 = arith.constant 4 : i32
    %get3A_283 = arith.index_cast %get3A_282 : i32 to index
    %get3A_284 = arith.constant 16 : index
    %get3A_285 = tpu.vector_load %arg8[%get3A_283, %get3A_284] {strides = array<i32>} : memref<8x64xf32, #tpu.memory_space<vmem>>, vector<16xf32>,
    tpu.vector_store_idx %arg5[%get3A_281], %get3A_285 {add = true} : memref<32064xf32, #tpu.memory_space<vmem>>[vector<16xi32>], vector<16xf32>,
    %get3A_286 = arith.constant 4 : i32
    %get3A_287 = arith.index_cast %get3A_286 : i32 to index
    %get3A_288 = arith.constant 32 : index
    %get3A_289 = tpu.vector_load %arg7[%get3A_287, %get3A_288] {strides = array<i32>} : memref<8x64xi32, #tpu.memory_space<vmem>>, vector<16xi32>,
    %get3A_290 = arith.constant 4 : i32
    %get3A_291 = arith.index_cast %get3A_290 : i32 to index
    %get3A_292 = arith.constant 32 : index
    %get3A_293 = tpu.vector_load %arg8[%get3A_291, %get3A_292] {strides = array<i32>} : memref<8x64xf32, #tpu.memory_space<vmem>>, vector<16xf32>,
    tpu.vector_store_idx %arg5[%get3A_289], %get3A_293 {add = true} : memref<32064xf32, #tpu.memory_space<vmem>>[vector<16xi32>], vector<16xf32>,
    %get3A_294 = arith.constant 4 : i32
    %get3A_295 = arith.index_cast %get3A_294 : i32 to index
    %get3A_296 = arith.constant 48 : index
    %get3A_297 = tpu.vector_load %arg7[%get3A_295, %get3A_296] {strides = array<i32>} : memref<8x64xi32, #tpu.memory_space<vmem>>, vector<16xi32>,
    %get3A_298 = arith.constant 4 : i32
    %get3A_299 = arith.index_cast %get3A_298 : i32 to index
    %get3A_300 = arith.constant 48 : index
    %get3A_301 = tpu.vector_load %arg8[%get3A_299, %get3A_300] {strides = array<i32>} : memref<8x64xf32, #tpu.memory_space<vmem>>, vector<16xf32>,
    tpu.vector_store_idx %arg5[%get3A_297], %get3A_301 {add = true} : memref<32064xf32, #tpu.memory_space<vmem>>[vector<16xi32>], vector<16xf32>,
    %mul3A_302 = arith.constant 8 : i32
    %mul3A_303 = arith.muli %add3A, %mul3A_302 : i32
    %add3A_304 = arith.constant 4 : i32
    %add3A_305 = arith.addi %mul3A_303, %add3A_304 : i32
    %dma_start3A_306 = arith.constant 0 : i32
    %dma_start3A_307 = tpu.memref_slice %arg5[%dma_start3A_306] : memref<32064xf32, #tpu.memory_space<vmem>> -> memref<32000xf32, #tpu.memory_space<vmem>>
    %dma_start3A_308 = arith.constant 0 : i32
    %dma_start3A_309 = tpu.memref_slice %arg4[%add3A_305, %dma_start3A_308] : memref<256x32000xf32, #tpu.memory_space<hbm>> -> memref<1x32000xf32, #tpu.memory_space<hbm>>
    %dma_start3A_310 = tpu.memref_squeeze %dma_start3A_309 : memref<1x32000xf32, #tpu.memory_space<hbm>> -> memref<32000xf32, #tpu.memory_space<hbm>>
    %dma_start3A_311 = arith.constant 0 : i32
    %dma_start3A_312 = tpu.memref_slice %arg4[%add3A_305, %dma_start3A_311] : memref<256x32000xf32, #tpu.memory_space<hbm>> -> memref<1x32000xf32, #tpu.memory_space<hbm>>
    %dma_start3A_313 = tpu.memref_squeeze %dma_start3A_312 : memref<1x32000xf32, #tpu.memory_space<hbm>> -> memref<32000xf32, #tpu.memory_space<hbm>>
    %dma_start3A_314 = arith.constant 0 : i32
    %dma_start3A_315 = tpu.memref_slice %arg5[%dma_start3A_314] : memref<32064xf32, #tpu.memory_space<vmem>> -> memref<32000xf32, #tpu.memory_space<vmem>>
    tpu.enqueue_dma source(%dma_start3A_315 : memref<32000xf32, #tpu.memory_space<vmem>>) target(%dma_start3A_313 : memref<32000xf32, #tpu.memory_space<hbm>>) target_semaphore(%arg9 : memref<!tpu.dma_semaphore, #tpu.memory_space<semaphore_mem>>)
    %dma_wait3A_316 = arith.constant 0 : i32
    %dma_wait3A_317 = tpu.memref_slice %arg6[%dma_wait3A_316] : memref<32064xf32, #tpu.memory_space<vmem>> -> memref<32000xf32, #tpu.memory_space<vmem>>
    %dma_wait3A_318 = arith.constant 0 : i32
    %dma_wait3A_319 = tpu.memref_slice %arg4[%add3A_233, %dma_wait3A_318] : memref<256x32000xf32, #tpu.memory_space<hbm>> -> memref<1x32000xf32, #tpu.memory_space<hbm>>
    %dma_wait3A_320 = tpu.memref_squeeze %dma_wait3A_319 : memref<1x32000xf32, #tpu.memory_space<hbm>> -> memref<32000xf32, #tpu.memory_space<hbm>>
    %dma_wait3A_321 = arith.constant 0 : i32
    %dma_wait3A_322 = tpu.memref_slice %arg4[%add3A_233, %dma_wait3A_321] : memref<256x32000xf32, #tpu.memory_space<hbm>> -> memref<1x32000xf32, #tpu.memory_space<hbm>>
    %dma_wait3A_323 = tpu.memref_squeeze %dma_wait3A_322 : memref<1x32000xf32, #tpu.memory_space<hbm>> -> memref<32000xf32, #tpu.memory_space<hbm>>
    %dma_wait3A_324 = arith.constant 0 : i32
    %dma_wait3A_325 = tpu.memref_slice %arg6[%dma_wait3A_324] : memref<32064xf32, #tpu.memory_space<vmem>> -> memref<32000xf32, #tpu.memory_space<vmem>>
    tpu.wait_dma2 semaphore(%arg10 : memref<!tpu.dma_semaphore, #tpu.memory_space<semaphore_mem>>) src(%dma_wait3A_325 : memref<32000xf32, #tpu.memory_space<vmem>>) dst(%dma_wait3A_323 : memref<32000xf32, #tpu.memory_space<hbm>>)
    %get3A_326 = arith.constant 3 : i32
    %get3A_327 = arith.index_cast %get3A_326 : i32 to index
    %get3A_328 = arith.constant 0 : index
    %get3A_329 = tpu.vector_load %arg7[%get3A_327, %get3A_328] {strides = array<i32>} : memref<8x64xi32, #tpu.memory_space<vmem>>, vector<16xi32>,
    tpu.vector_store_idx %arg6[%get3A_329], %broadcast_in_dim3A_1 : memref<32064xf32, #tpu.memory_space<vmem>>[vector<16xi32>], vector<16xf32>,
    %get3A_330 = arith.constant 3 : i32
    %get3A_331 = arith.index_cast %get3A_330 : i32 to index
    %get3A_332 = arith.constant 16 : index
    %get3A_333 = tpu.vector_load %arg7[%get3A_331, %get3A_332] {strides = array<i32>} : memref<8x64xi32, #tpu.memory_space<vmem>>, vector<16xi32>,
    tpu.vector_store_idx %arg6[%get3A_333], %broadcast_in_dim3A_1 : memref<32064xf32, #tpu.memory_space<vmem>>[vector<16xi32>], vector<16xf32>,
    %get3A_334 = arith.constant 3 : i32
    %get3A_335 = arith.index_cast %get3A_334 : i32 to index
    %get3A_336 = arith.constant 32 : index
    %get3A_337 = tpu.vector_load %arg7[%get3A_335, %get3A_336] {strides = array<i32>} : memref<8x64xi32, #tpu.memory_space<vmem>>, vector<16xi32>,
    tpu.vector_store_idx %arg6[%get3A_337], %broadcast_in_dim3A_1 : memref<32064xf32, #tpu.memory_space<vmem>>[vector<16xi32>], vector<16xf32>,
    %get3A_338 = arith.constant 3 : i32
    %get3A_339 = arith.index_cast %get3A_338 : i32 to index
    %get3A_340 = arith.constant 48 : index
    %get3A_341 = tpu.vector_load %arg7[%get3A_339, %get3A_340] {strides = array<i32>} : memref<8x64xi32, #tpu.memory_space<vmem>>, vector<16xi32>,
    tpu.vector_store_idx %arg6[%get3A_341], %broadcast_in_dim3A_1 : memref<32064xf32, #tpu.memory_space<vmem>>[vector<16xi32>], vector<16xf32>,
    %get3A_342 = arith.constant 5 : i32
    %get3A_343 = arith.index_cast %get3A_342 : i32 to index
    %get3A_344 = arith.constant 0 : index
    %get3A_345 = tpu.vector_load %arg7[%get3A_343, %get3A_344] {strides = array<i32>} : memref<8x64xi32, #tpu.memory_space<vmem>>, vector<16xi32>,
    %get3A_346 = arith.constant 5 : i32
    %get3A_347 = arith.index_cast %get3A_346 : i32 to index
    %get3A_348 = arith.constant 0 : index
    %get3A_349 = tpu.vector_load %arg8[%get3A_347, %get3A_348] {strides = array<i32>} : memref<8x64xf32, #tpu.memory_space<vmem>>, vector<16xf32>,
    tpu.vector_store_idx %arg6[%get3A_345], %get3A_349 {add = true} : memref<32064xf32, #tpu.memory_space<vmem>>[vector<16xi32>], vector<16xf32>,
    %get3A_350 = arith.constant 5 : i32
    %get3A_351 = arith.index_cast %get3A_350 : i32 to index
    %get3A_352 = arith.constant 16 : index
    %get3A_353 = tpu.vector_load %arg7[%get3A_351, %get3A_352] {strides = array<i32>} : memref<8x64xi32, #tpu.memory_space<vmem>>, vector<16xi32>,
    %get3A_354 = arith.constant 5 : i32
    %get3A_355 = arith.index_cast %get3A_354 : i32 to index
    %get3A_356 = arith.constant 16 : index
    %get3A_357 = tpu.vector_load %arg8[%get3A_355, %get3A_356] {strides = array<i32>} : memref<8x64xf32, #tpu.memory_space<vmem>>, vector<16xf32>,
    tpu.vector_store_idx %arg6[%get3A_353], %get3A_357 {add = true} : memref<32064xf32, #tpu.memory_space<vmem>>[vector<16xi32>], vector<16xf32>,
    %get3A_358 = arith.constant 5 : i32
    %get3A_359 = arith.index_cast %get3A_358 : i32 to index
    %get3A_360 = arith.constant 32 : index
    %get3A_361 = tpu.vector_load %arg7[%get3A_359, %get3A_360] {strides = array<i32>} : memref<8x64xi32, #tpu.memory_space<vmem>>, vector<16xi32>,
    %get3A_362 = arith.constant 5 : i32
    %get3A_363 = arith.index_cast %get3A_362 : i32 to index
    %get3A_364 = arith.constant 32 : index
    %get3A_365 = tpu.vector_load %arg8[%get3A_363, %get3A_364] {strides = array<i32>} : memref<8x64xf32, #tpu.memory_space<vmem>>, vector<16xf32>,
    tpu.vector_store_idx %arg6[%get3A_361], %get3A_365 {add = true} : memref<32064xf32, #tpu.memory_space<vmem>>[vector<16xi32>], vector<16xf32>,
    %get3A_366 = arith.constant 5 : i32
    %get3A_367 = arith.index_cast %get3A_366 : i32 to index
    %get3A_368 = arith.constant 48 : index
    %get3A_369 = tpu.vector_load %arg7[%get3A_367, %get3A_368] {strides = array<i32>} : memref<8x64xi32, #tpu.memory_space<vmem>>, vector<16xi32>,
    %get3A_370 = arith.constant 5 : i32
    %get3A_371 = arith.index_cast %get3A_370 : i32 to index
    %get3A_372 = arith.constant 48 : index
    %get3A_373 = tpu.vector_load %arg8[%get3A_371, %get3A_372] {strides = array<i32>} : memref<8x64xf32, #tpu.memory_space<vmem>>, vector<16xf32>,
    tpu.vector_store_idx %arg6[%get3A_369], %get3A_373 {add = true} : memref<32064xf32, #tpu.memory_space<vmem>>[vector<16xi32>], vector<16xf32>,
    %mul3A_374 = arith.constant 8 : i32
    %mul3A_375 = arith.muli %add3A, %mul3A_374 : i32
    %add3A_376 = arith.constant 5 : i32
    %add3A_377 = arith.addi %mul3A_375, %add3A_376 : i32
    %dma_start3A_378 = arith.constant 0 : i32
    %dma_start3A_379 = tpu.memref_slice %arg6[%dma_start3A_378] : memref<32064xf32, #tpu.memory_space<vmem>> -> memref<32000xf32, #tpu.memory_space<vmem>>
    %dma_start3A_380 = arith.constant 0 : i32
    %dma_start3A_381 = tpu.memref_slice %arg4[%add3A_377, %dma_start3A_380] : memref<256x32000xf32, #tpu.memory_space<hbm>> -> memref<1x32000xf32, #tpu.memory_space<hbm>>
    %dma_start3A_382 = tpu.memref_squeeze %dma_start3A_381 : memref<1x32000xf32, #tpu.memory_space<hbm>> -> memref<32000xf32, #tpu.memory_space<hbm>>
    %dma_start3A_383 = arith.constant 0 : i32
    %dma_start3A_384 = tpu.memref_slice %arg4[%add3A_377, %dma_start3A_383] : memref<256x32000xf32, #tpu.memory_space<hbm>> -> memref<1x32000xf32, #tpu.memory_space<hbm>>
    %dma_start3A_385 = tpu.memref_squeeze %dma_start3A_384 : memref<1x32000xf32, #tpu.memory_space<hbm>> -> memref<32000xf32, #tpu.memory_space<hbm>>
    %dma_start3A_386 = arith.constant 0 : i32
    %dma_start3A_387 = tpu.memref_slice %arg6[%dma_start3A_386] : memref<32064xf32, #tpu.memory_space<vmem>> -> memref<32000xf32, #tpu.memory_space<vmem>>
    tpu.enqueue_dma source(%dma_start3A_387 : memref<32000xf32, #tpu.memory_space<vmem>>) target(%dma_start3A_385 : memref<32000xf32, #tpu.memory_space<hbm>>) target_semaphore(%arg10 : memref<!tpu.dma_semaphore, #tpu.memory_space<semaphore_mem>>)
    %dma_wait3A_388 = arith.constant 0 : i32
    %dma_wait3A_389 = tpu.memref_slice %arg5[%dma_wait3A_388] : memref<32064xf32, #tpu.memory_space<vmem>> -> memref<32000xf32, #tpu.memory_space<vmem>>
    %dma_wait3A_390 = arith.constant 0 : i32
    %dma_wait3A_391 = tpu.memref_slice %arg4[%add3A_305, %dma_wait3A_390] : memref<256x32000xf32, #tpu.memory_space<hbm>> -> memref<1x32000xf32, #tpu.memory_space<hbm>>
    %dma_wait3A_392 = tpu.memref_squeeze %dma_wait3A_391 : memref<1x32000xf32, #tpu.memory_space<hbm>> -> memref<32000xf32, #tpu.memory_space<hbm>>
    %dma_wait3A_393 = arith.constant 0 : i32
    %dma_wait3A_394 = tpu.memref_slice %arg4[%add3A_305, %dma_wait3A_393] : memref<256x32000xf32, #tpu.memory_space<hbm>> -> memref<1x32000xf32, #tpu.memory_space<hbm>>
    %dma_wait3A_395 = tpu.memref_squeeze %dma_wait3A_394 : memref<1x32000xf32, #tpu.memory_space<hbm>> -> memref<32000xf32, #tpu.memory_space<hbm>>
    %dma_wait3A_396 = arith.constant 0 : i32
    %dma_wait3A_397 = tpu.memref_slice %arg5[%dma_wait3A_396] : memref<32064xf32, #tpu.memory_space<vmem>> -> memref<32000xf32, #tpu.memory_space<vmem>>
    tpu.wait_dma2 semaphore(%arg9 : memref<!tpu.dma_semaphore, #tpu.memory_space<semaphore_mem>>) src(%dma_wait3A_397 : memref<32000xf32, #tpu.memory_space<vmem>>) dst(%dma_wait3A_395 : memref<32000xf32, #tpu.memory_space<hbm>>)
    %get3A_398 = arith.constant 4 : i32
    %get3A_399 = arith.index_cast %get3A_398 : i32 to index
    %get3A_400 = arith.constant 0 : index
    %get3A_401 = tpu.vector_load %arg7[%get3A_399, %get3A_400] {strides = array<i32>} : memref<8x64xi32, #tpu.memory_space<vmem>>, vector<16xi32>,
    tpu.vector_store_idx %arg5[%get3A_401], %broadcast_in_dim3A_1 : memref<32064xf32, #tpu.memory_space<vmem>>[vector<16xi32>], vector<16xf32>,
    %get3A_402 = arith.constant 4 : i32
    %get3A_403 = arith.index_cast %get3A_402 : i32 to index
    %get3A_404 = arith.constant 16 : index
    %get3A_405 = tpu.vector_load %arg7[%get3A_403, %get3A_404] {strides = array<i32>} : memref<8x64xi32, #tpu.memory_space<vmem>>, vector<16xi32>,
    tpu.vector_store_idx %arg5[%get3A_405], %broadcast_in_dim3A_1 : memref<32064xf32, #tpu.memory_space<vmem>>[vector<16xi32>], vector<16xf32>,
    %get3A_406 = arith.constant 4 : i32
    %get3A_407 = arith.index_cast %get3A_406 : i32 to index
    %get3A_408 = arith.constant 32 : index
    %get3A_409 = tpu.vector_load %arg7[%get3A_407, %get3A_408] {strides = array<i32>} : memref<8x64xi32, #tpu.memory_space<vmem>>, vector<16xi32>,
    tpu.vector_store_idx %arg5[%get3A_409], %broadcast_in_dim3A_1 : memref<32064xf32, #tpu.memory_space<vmem>>[vector<16xi32>], vector<16xf32>,
    %get3A_410 = arith.constant 4 : i32
    %get3A_411 = arith.index_cast %get3A_410 : i32 to index
    %get3A_412 = arith.constant 48 : index
    %get3A_413 = tpu.vector_load %arg7[%get3A_411, %get3A_412] {strides = array<i32>} : memref<8x64xi32, #tpu.memory_space<vmem>>, vector<16xi32>,
    tpu.vector_store_idx %arg5[%get3A_413], %broadcast_in_dim3A_1 : memref<32064xf32, #tpu.memory_space<vmem>>[vector<16xi32>], vector<16xf32>,
    %get3A_414 = arith.constant 6 : i32
    %get3A_415 = arith.index_cast %get3A_414 : i32 to index
    %get3A_416 = arith.constant 0 : index
    %get3A_417 = tpu.vector_load %arg7[%get3A_415, %get3A_416] {strides = array<i32>} : memref<8x64xi32, #tpu.memory_space<vmem>>, vector<16xi32>,
    %get3A_418 = arith.constant 6 : i32
    %get3A_419 = arith.index_cast %get3A_418 : i32 to index
    %get3A_420 = arith.constant 0 : index
    %get3A_421 = tpu.vector_load %arg8[%get3A_419, %get3A_420] {strides = array<i32>} : memref<8x64xf32, #tpu.memory_space<vmem>>, vector<16xf32>,
    tpu.vector_store_idx %arg5[%get3A_417], %get3A_421 {add = true} : memref<32064xf32, #tpu.memory_space<vmem>>[vector<16xi32>], vector<16xf32>,
    %get3A_422 = arith.constant 6 : i32
    %get3A_423 = arith.index_cast %get3A_422 : i32 to index
    %get3A_424 = arith.constant 16 : index
    %get3A_425 = tpu.vector_load %arg7[%get3A_423, %get3A_424] {strides = array<i32>} : memref<8x64xi32, #tpu.memory_space<vmem>>, vector<16xi32>,
    %get3A_426 = arith.constant 6 : i32
    %get3A_427 = arith.index_cast %get3A_426 : i32 to index
    %get3A_428 = arith.constant 16 : index
    %get3A_429 = tpu.vector_load %arg8[%get3A_427, %get3A_428] {strides = array<i32>} : memref<8x64xf32, #tpu.memory_space<vmem>>, vector<16xf32>,
    tpu.vector_store_idx %arg5[%get3A_425], %get3A_429 {add = true} : memref<32064xf32, #tpu.memory_space<vmem>>[vector<16xi32>], vector<16xf32>,
    %get3A_430 = arith.constant 6 : i32
    %get3A_431 = arith.index_cast %get3A_430 : i32 to index
    %get3A_432 = arith.constant 32 : index
    %get3A_433 = tpu.vector_load %arg7[%get3A_431, %get3A_432] {strides = array<i32>} : memref<8x64xi32, #tpu.memory_space<vmem>>, vector<16xi32>,
    %get3A_434 = arith.constant 6 : i32
    %get3A_435 = arith.index_cast %get3A_434 : i32 to index
    %get3A_436 = arith.constant 32 : index
    %get3A_437 = tpu.vector_load %arg8[%get3A_435, %get3A_436] {strides = array<i32>} : memref<8x64xf32, #tpu.memory_space<vmem>>, vector<16xf32>,
    tpu.vector_store_idx %arg5[%get3A_433], %get3A_437 {add = true} : memref<32064xf32, #tpu.memory_space<vmem>>[vector<16xi32>], vector<16xf32>,
    %get3A_438 = arith.constant 6 : i32
    %get3A_439 = arith.index_cast %get3A_438 : i32 to index
    %get3A_440 = arith.constant 48 : index
    %get3A_441 = tpu.vector_load %arg7[%get3A_439, %get3A_440] {strides = array<i32>} : memref<8x64xi32, #tpu.memory_space<vmem>>, vector<16xi32>,
    %get3A_442 = arith.constant 6 : i32
    %get3A_443 = arith.index_cast %get3A_442 : i32 to index
    %get3A_444 = arith.constant 48 : index
    %get3A_445 = tpu.vector_load %arg8[%get3A_443, %get3A_444] {strides = array<i32>} : memref<8x64xf32, #tpu.memory_space<vmem>>, vector<16xf32>,
    tpu.vector_store_idx %arg5[%get3A_441], %get3A_445 {add = true} : memref<32064xf32, #tpu.memory_space<vmem>>[vector<16xi32>], vector<16xf32>,
    %mul3A_446 = arith.constant 8 : i32
    %mul3A_447 = arith.muli %add3A, %mul3A_446 : i32
    %add3A_448 = arith.constant 6 : i32
    %add3A_449 = arith.addi %mul3A_447, %add3A_448 : i32
    %dma_start3A_450 = arith.constant 0 : i32
    %dma_start3A_451 = tpu.memref_slice %arg5[%dma_start3A_450] : memref<32064xf32, #tpu.memory_space<vmem>> -> memref<32000xf32, #tpu.memory_space<vmem>>
    %dma_start3A_452 = arith.constant 0 : i32
    %dma_start3A_453 = tpu.memref_slice %arg4[%add3A_449, %dma_start3A_452] : memref<256x32000xf32, #tpu.memory_space<hbm>> -> memref<1x32000xf32, #tpu.memory_space<hbm>>
    %dma_start3A_454 = tpu.memref_squeeze %dma_start3A_453 : memref<1x32000xf32, #tpu.memory_space<hbm>> -> memref<32000xf32, #tpu.memory_space<hbm>>
    %dma_start3A_455 = arith.constant 0 : i32
    %dma_start3A_456 = tpu.memref_slice %arg4[%add3A_449, %dma_start3A_455] : memref<256x32000xf32, #tpu.memory_space<hbm>> -> memref<1x32000xf32, #tpu.memory_space<hbm>>
    %dma_start3A_457 = tpu.memref_squeeze %dma_start3A_456 : memref<1x32000xf32, #tpu.memory_space<hbm>> -> memref<32000xf32, #tpu.memory_space<hbm>>
    %dma_start3A_458 = arith.constant 0 : i32
    %dma_start3A_459 = tpu.memref_slice %arg5[%dma_start3A_458] : memref<32064xf32, #tpu.memory_space<vmem>> -> memref<32000xf32, #tpu.memory_space<vmem>>
    tpu.enqueue_dma source(%dma_start3A_459 : memref<32000xf32, #tpu.memory_space<vmem>>) target(%dma_start3A_457 : memref<32000xf32, #tpu.memory_space<hbm>>) target_semaphore(%arg9 : memref<!tpu.dma_semaphore, #tpu.memory_space<semaphore_mem>>)
    %dma_wait3A_460 = arith.constant 0 : i32
    %dma_wait3A_461 = tpu.memref_slice %arg6[%dma_wait3A_460] : memref<32064xf32, #tpu.memory_space<vmem>> -> memref<32000xf32, #tpu.memory_space<vmem>>
    %dma_wait3A_462 = arith.constant 0 : i32
    %dma_wait3A_463 = tpu.memref_slice %arg4[%add3A_377, %dma_wait3A_462] : memref<256x32000xf32, #tpu.memory_space<hbm>> -> memref<1x32000xf32, #tpu.memory_space<hbm>>
    %dma_wait3A_464 = tpu.memref_squeeze %dma_wait3A_463 : memref<1x32000xf32, #tpu.memory_space<hbm>> -> memref<32000xf32, #tpu.memory_space<hbm>>
    %dma_wait3A_465 = arith.constant 0 : i32
    %dma_wait3A_466 = tpu.memref_slice %arg4[%add3A_377, %dma_wait3A_465] : memref<256x32000xf32, #tpu.memory_space<hbm>> -> memref<1x32000xf32, #tpu.memory_space<hbm>>
    %dma_wait3A_467 = tpu.memref_squeeze %dma_wait3A_466 : memref<1x32000xf32, #tpu.memory_space<hbm>> -> memref<32000xf32, #tpu.memory_space<hbm>>
    %dma_wait3A_468 = arith.constant 0 : i32
    %dma_wait3A_469 = tpu.memref_slice %arg6[%dma_wait3A_468] : memref<32064xf32, #tpu.memory_space<vmem>> -> memref<32000xf32, #tpu.memory_space<vmem>>
    tpu.wait_dma2 semaphore(%arg10 : memref<!tpu.dma_semaphore, #tpu.memory_space<semaphore_mem>>) src(%dma_wait3A_469 : memref<32000xf32, #tpu.memory_space<vmem>>) dst(%dma_wait3A_467 : memref<32000xf32, #tpu.memory_space<hbm>>)
    %get3A_470 = arith.constant 5 : i32
    %get3A_471 = arith.index_cast %get3A_470 : i32 to index
    %get3A_472 = arith.constant 0 : index
    %get3A_473 = tpu.vector_load %arg7[%get3A_471, %get3A_472] {strides = array<i32>} : memref<8x64xi32, #tpu.memory_space<vmem>>, vector<16xi32>,
    tpu.vector_store_idx %arg6[%get3A_473], %broadcast_in_dim3A_1 : memref<32064xf32, #tpu.memory_space<vmem>>[vector<16xi32>], vector<16xf32>,
    %get3A_474 = arith.constant 5 : i32
    %get3A_475 = arith.index_cast %get3A_474 : i32 to index
    %get3A_476 = arith.constant 16 : index
    %get3A_477 = tpu.vector_load %arg7[%get3A_475, %get3A_476] {strides = array<i32>} : memref<8x64xi32, #tpu.memory_space<vmem>>, vector<16xi32>,
    tpu.vector_store_idx %arg6[%get3A_477], %broadcast_in_dim3A_1 : memref<32064xf32, #tpu.memory_space<vmem>>[vector<16xi32>], vector<16xf32>,
    %get3A_478 = arith.constant 5 : i32
    %get3A_479 = arith.index_cast %get3A_478 : i32 to index
    %get3A_480 = arith.constant 32 : index
    %get3A_481 = tpu.vector_load %arg7[%get3A_479, %get3A_480] {strides = array<i32>} : memref<8x64xi32, #tpu.memory_space<vmem>>, vector<16xi32>,
    tpu.vector_store_idx %arg6[%get3A_481], %broadcast_in_dim3A_1 : memref<32064xf32, #tpu.memory_space<vmem>>[vector<16xi32>], vector<16xf32>,
    %get3A_482 = arith.constant 5 : i32
    %get3A_483 = arith.index_cast %get3A_482 : i32 to index
    %get3A_484 = arith.constant 48 : index
    %get3A_485 = tpu.vector_load %arg7[%get3A_483, %get3A_484] {strides = array<i32>} : memref<8x64xi32, #tpu.memory_space<vmem>>, vector<16xi32>,
    tpu.vector_store_idx %arg6[%get3A_485], %broadcast_in_dim3A_1 : memref<32064xf32, #tpu.memory_space<vmem>>[vector<16xi32>], vector<16xf32>,
    %get3A_486 = arith.constant 7 : i32
    %get3A_487 = arith.index_cast %get3A_486 : i32 to index
    %get3A_488 = arith.constant 0 : index
    %get3A_489 = tpu.vector_load %arg7[%get3A_487, %get3A_488] {strides = array<i32>} : memref<8x64xi32, #tpu.memory_space<vmem>>, vector<16xi32>,
    %get3A_490 = arith.constant 7 : i32
    %get3A_491 = arith.index_cast %get3A_490 : i32 to index
    %get3A_492 = arith.constant 0 : index
    %get3A_493 = tpu.vector_load %arg8[%get3A_491, %get3A_492] {strides = array<i32>} : memref<8x64xf32, #tpu.memory_space<vmem>>, vector<16xf32>,
    tpu.vector_store_idx %arg6[%get3A_489], %get3A_493 {add = true} : memref<32064xf32, #tpu.memory_space<vmem>>[vector<16xi32>], vector<16xf32>,
    %get3A_494 = arith.constant 7 : i32
    %get3A_495 = arith.index_cast %get3A_494 : i32 to index
    %get3A_496 = arith.constant 16 : index
    %get3A_497 = tpu.vector_load %arg7[%get3A_495, %get3A_496] {strides = array<i32>} : memref<8x64xi32, #tpu.memory_space<vmem>>, vector<16xi32>,
    %get3A_498 = arith.constant 7 : i32
    %get3A_499 = arith.index_cast %get3A_498 : i32 to index
    %get3A_500 = arith.constant 16 : index
    %get3A_501 = tpu.vector_load %arg8[%get3A_499, %get3A_500] {strides = array<i32>} : memref<8x64xf32, #tpu.memory_space<vmem>>, vector<16xf32>,
    tpu.vector_store_idx %arg6[%get3A_497], %get3A_501 {add = true} : memref<32064xf32, #tpu.memory_space<vmem>>[vector<16xi32>], vector<16xf32>,
    %get3A_502 = arith.constant 7 : i32
    %get3A_503 = arith.index_cast %get3A_502 : i32 to index
    %get3A_504 = arith.constant 32 : index
    %get3A_505 = tpu.vector_load %arg7[%get3A_503, %get3A_504] {strides = array<i32>} : memref<8x64xi32, #tpu.memory_space<vmem>>, vector<16xi32>,
    %get3A_506 = arith.constant 7 : i32
    %get3A_507 = arith.index_cast %get3A_506 : i32 to index
    %get3A_508 = arith.constant 32 : index
    %get3A_509 = tpu.vector_load %arg8[%get3A_507, %get3A_508] {strides = array<i32>} : memref<8x64xf32, #tpu.memory_space<vmem>>, vector<16xf32>,
    tpu.vector_store_idx %arg6[%get3A_505], %get3A_509 {add = true} : memref<32064xf32, #tpu.memory_space<vmem>>[vector<16xi32>], vector<16xf32>,
    %get3A_510 = arith.constant 7 : i32
    %get3A_511 = arith.index_cast %get3A_510 : i32 to index
    %get3A_512 = arith.constant 48 : index
    %get3A_513 = tpu.vector_load %arg7[%get3A_511, %get3A_512] {strides = array<i32>} : memref<8x64xi32, #tpu.memory_space<vmem>>, vector<16xi32>,
    %get3A_514 = arith.constant 7 : i32
    %get3A_515 = arith.index_cast %get3A_514 : i32 to index
    %get3A_516 = arith.constant 48 : index
    %get3A_517 = tpu.vector_load %arg8[%get3A_515, %get3A_516] {strides = array<i32>} : memref<8x64xf32, #tpu.memory_space<vmem>>, vector<16xf32>,
    tpu.vector_store_idx %arg6[%get3A_513], %get3A_517 {add = true} : memref<32064xf32, #tpu.memory_space<vmem>>[vector<16xi32>], vector<16xf32>,
    %mul3A_518 = arith.constant 8 : i32
    %mul3A_519 = arith.muli %add3A, %mul3A_518 : i32
    %add3A_520 = arith.constant 7 : i32
    %add3A_521 = arith.addi %mul3A_519, %add3A_520 : i32
    %dma_start3A_522 = arith.constant 0 : i32
    %dma_start3A_523 = tpu.memref_slice %arg6[%dma_start3A_522] : memref<32064xf32, #tpu.memory_space<vmem>> -> memref<32000xf32, #tpu.memory_space<vmem>>
    %dma_start3A_524 = arith.constant 0 : i32
    %dma_start3A_525 = tpu.memref_slice %arg4[%add3A_521, %dma_start3A_524] : memref<256x32000xf32, #tpu.memory_space<hbm>> -> memref<1x32000xf32, #tpu.memory_space<hbm>>
    %dma_start3A_526 = tpu.memref_squeeze %dma_start3A_525 : memref<1x32000xf32, #tpu.memory_space<hbm>> -> memref<32000xf32, #tpu.memory_space<hbm>>
    %dma_start3A_527 = arith.constant 0 : i32
    %dma_start3A_528 = tpu.memref_slice %arg4[%add3A_521, %dma_start3A_527] : memref<256x32000xf32, #tpu.memory_space<hbm>> -> memref<1x32000xf32, #tpu.memory_space<hbm>>
    %dma_start3A_529 = tpu.memref_squeeze %dma_start3A_528 : memref<1x32000xf32, #tpu.memory_space<hbm>> -> memref<32000xf32, #tpu.memory_space<hbm>>
    %dma_start3A_530 = arith.constant 0 : i32
    %dma_start3A_531 = tpu.memref_slice %arg6[%dma_start3A_530] : memref<32064xf32, #tpu.memory_space<vmem>> -> memref<32000xf32, #tpu.memory_space<vmem>>
    tpu.enqueue_dma source(%dma_start3A_531 : memref<32000xf32, #tpu.memory_space<vmem>>) target(%dma_start3A_529 : memref<32000xf32, #tpu.memory_space<hbm>>) target_semaphore(%arg10 : memref<!tpu.dma_semaphore, #tpu.memory_space<semaphore_mem>>)
    %dma_wait3A_532 = arith.constant 0 : i32
    %dma_wait3A_533 = tpu.memref_slice %arg5[%dma_wait3A_532] : memref<32064xf32, #tpu.memory_space<vmem>> -> memref<32000xf32, #tpu.memory_space<vmem>>
    %dma_wait3A_534 = arith.constant 0 : i32
    %dma_wait3A_535 = tpu.memref_slice %arg4[%add3A_449, %dma_wait3A_534] : memref<256x32000xf32, #tpu.memory_space<hbm>> -> memref<1x32000xf32, #tpu.memory_space<hbm>>
    %dma_wait3A_536 = tpu.memref_squeeze %dma_wait3A_535 : memref<1x32000xf32, #tpu.memory_space<hbm>> -> memref<32000xf32, #tpu.memory_space<hbm>>
    %dma_wait3A_537 = arith.constant 0 : i32
    %dma_wait3A_538 = tpu.memref_slice %arg4[%add3A_449, %dma_wait3A_537] : memref<256x32000xf32, #tpu.memory_space<hbm>> -> memref<1x32000xf32, #tpu.memory_space<hbm>>
    %dma_wait3A_539 = tpu.memref_squeeze %dma_wait3A_538 : memref<1x32000xf32, #tpu.memory_space<hbm>> -> memref<32000xf32, #tpu.memory_space<hbm>>
    %dma_wait3A_540 = arith.constant 0 : i32
    %dma_wait3A_541 = tpu.memref_slice %arg5[%dma_wait3A_540] : memref<32064xf32, #tpu.memory_space<vmem>> -> memref<32000xf32, #tpu.memory_space<vmem>>
    tpu.wait_dma2 semaphore(%arg9 : memref<!tpu.dma_semaphore, #tpu.memory_space<semaphore_mem>>) src(%dma_wait3A_541 : memref<32000xf32, #tpu.memory_space<vmem>>) dst(%dma_wait3A_539 : memref<32000xf32, #tpu.memory_space<hbm>>)
    %dma_wait3A_542 = arith.constant 0 : i32
    %dma_wait3A_543 = tpu.memref_slice %arg6[%dma_wait3A_542] : memref<32064xf32, #tpu.memory_space<vmem>> -> memref<32000xf32, #tpu.memory_space<vmem>>
    %dma_wait3A_544 = arith.constant 0 : i32
    %dma_wait3A_545 = tpu.memref_slice %arg4[%add3A_521, %dma_wait3A_544] : memref<256x32000xf32, #tpu.memory_space<hbm>> -> memref<1x32000xf32, #tpu.memory_space<hbm>>
    %dma_wait3A_546 = tpu.memref_squeeze %dma_wait3A_545 : memref<1x32000xf32, #tpu.memory_space<hbm>> -> memref<32000xf32, #tpu.memory_space<hbm>>
    %dma_wait3A_547 = arith.constant 0 : i32
    %dma_wait3A_548 = tpu.memref_slice %arg4[%add3A_521, %dma_wait3A_547] : memref<256x32000xf32, #tpu.memory_space<hbm>> -> memref<1x32000xf32, #tpu.memory_space<hbm>>
    %dma_wait3A_549 = tpu.memref_squeeze %dma_wait3A_548 : memref<1x32000xf32, #tpu.memory_space<hbm>> -> memref<32000xf32, #tpu.memory_space<hbm>>
    %dma_wait3A_550 = arith.constant 0 : i32
    %dma_wait3A_551 = tpu.memref_slice %arg6[%dma_wait3A_550] : memref<32064xf32, #tpu.memory_space<vmem>> -> memref<32000xf32, #tpu.memory_space<vmem>>
    tpu.wait_dma2 semaphore(%arg10 : memref<!tpu.dma_semaphore, #tpu.memory_space<semaphore_mem>>) src(%dma_wait3A_551 : memref<32000xf32, #tpu.memory_space<vmem>>) dst(%dma_wait3A_549 : memref<32000xf32, #tpu.memory_space<hbm>>)
    return
  }
}

#map = affine_map<(d0, d1) -> (0, 0)>
#map1 = affine_map<(d0, d1) -> (0)>
module attributes {stable_mosaic.version = 14 : i64} {
  func.func @_sc_prep_body(%arg0: i32, %arg1: i32, %arg2: memref<32000x128xf32, #tpu.memory_space<hbm>>, %arg3: memref<1280xi32, #tpu.memory_space<hbm>>, %arg4: memref<256x64xi32, #tpu.memory_space<hbm>>, %arg5: memref<1280x128xf32, #tpu.memory_space<hbm>>, %arg6: memref<256x256xi32, #tpu.memory_space<hbm>>, %arg7: memref<40xi32, #tpu.memory_space<vmem>>, %arg8: memref<40x128xf32, #tpu.memory_space<vmem>>, %arg9: memref<!tpu.dma_semaphore, #tpu.memory_space<semaphore_mem>>, %arg10: memref<64xi32, #tpu.memory_space<vmem>>, %arg11: memref<256xi32, #tpu.memory_space<vmem>>) attributes {dimension_semantics = [#tpu.dimension_semantics<core_parallel>, #tpu.dimension_semantics<subcore_parallel>], iteration_bounds = array<i64: 2, 16>, scalar_prefetch = 0 : i64, scratch_operands = 5 : i64, tpu.core_type = #tpu.core_type<sc_vector_subcore>, window_params = [{transform_indices = #map}, {transform_indices = #map1}, {transform_indices = #map}, {transform_indices = #map}, {transform_indices = #map}]} {
    %mul3A = arith.constant 2 : i32
    %mul3A_0 = arith.muli %arg1, %mul3A : i32
    %add3A = arith.addi %mul3A_0, %arg0 : i32
    %mul3A_1 = arith.constant 40 : i32
    %mul3A_2 = arith.muli %add3A, %mul3A_1 : i32
    "tpu.region"() ({
      %run_scoped3A = tpu.sem_alloc : memref<!tpu.dma_semaphore, #tpu.memory_space<semaphore_mem>>
      %dma_start3A_13 = tpu.memref_slice %arg3[%mul3A_2] : memref<1280xi32, #tpu.memory_space<hbm>> -> memref<40xi32, #tpu.memory_space<hbm>>
      %dma_start3A_14 = tpu.memref_slice %arg3[%mul3A_2] : memref<1280xi32, #tpu.memory_space<hbm>> -> memref<40xi32, #tpu.memory_space<hbm>>
      tpu.enqueue_dma source(%dma_start3A_14 : memref<40xi32, #tpu.memory_space<hbm>>) target(%arg7 : memref<40xi32, #tpu.memory_space<vmem>>) target_semaphore(%run_scoped3A : memref<!tpu.dma_semaphore, #tpu.memory_space<semaphore_mem>>)
      %dma_wait3A_15 = tpu.memref_slice %arg3[%mul3A_2] : memref<1280xi32, #tpu.memory_space<hbm>> -> memref<40xi32, #tpu.memory_space<hbm>>
      %dma_wait3A_16 = tpu.memref_slice %arg3[%mul3A_2] : memref<1280xi32, #tpu.memory_space<hbm>> -> memref<40xi32, #tpu.memory_space<hbm>>
      tpu.wait_dma2 semaphore(%run_scoped3A : memref<!tpu.dma_semaphore, #tpu.memory_space<semaphore_mem>>) src(%dma_wait3A_16 : memref<40xi32, #tpu.memory_space<hbm>>) dst(%arg7 : memref<40xi32, #tpu.memory_space<vmem>>)
      tpu.yield
    }) : () -> ()
    %dma_start3A = arith.constant 0 : i32
    %dma_start3A_3 = arith.constant 0 : i32
    %dma_start3A_4 = tpu.memref_slice %arg2[%dma_start3A, %dma_start3A_3] : memref<32000x128xf32, #tpu.memory_space<hbm>> -> memref<32000x128xf32, #tpu.memory_space<hbm>>
    tpu.enqueue_indirect_dma source(%dma_start3A_4 : memref<32000x128xf32, #tpu.memory_space<hbm>>) target(%arg8 : memref<40x128xf32, #tpu.memory_space<vmem>>) offsets(%arg7 : memref<40xi32, #tpu.memory_space<vmem>>) semaphore(%arg9 : memref<!tpu.dma_semaphore, #tpu.memory_space<semaphore_mem>>)
    %dma_wait3A = arith.constant 0 : i32
    %dma_wait3A_5 = arith.constant 0 : i32
    %dma_wait3A_6 = tpu.memref_slice %arg2[%dma_wait3A, %dma_wait3A_5] : memref<32000x128xf32, #tpu.memory_space<hbm>> -> memref<32000x128xf32, #tpu.memory_space<hbm>>
    tpu.wait_indirect_dma semaphore(%arg9 : memref<!tpu.dma_semaphore, #tpu.memory_space<semaphore_mem>>) src(%dma_wait3A_6 : memref<32000x128xf32, #tpu.memory_space<hbm>>) dst(%arg8 : memref<40x128xf32, #tpu.memory_space<vmem>>)
    "tpu.region"() ({
      %run_scoped3A = tpu.sem_alloc : memref<!tpu.dma_semaphore, #tpu.memory_space<semaphore_mem>>
      %dma_start3A_13 = arith.constant 0 : i32
      %dma_start3A_14 = tpu.memref_slice %arg5[%mul3A_2, %dma_start3A_13] : memref<1280x128xf32, #tpu.memory_space<hbm>> -> memref<40x128xf32, #tpu.memory_space<hbm>>
      %dma_start3A_15 = arith.constant 0 : i32
      %dma_start3A_16 = tpu.memref_slice %arg5[%mul3A_2, %dma_start3A_15] : memref<1280x128xf32, #tpu.memory_space<hbm>> -> memref<40x128xf32, #tpu.memory_space<hbm>>
      tpu.enqueue_dma source(%arg8 : memref<40x128xf32, #tpu.memory_space<vmem>>) target(%dma_start3A_16 : memref<40x128xf32, #tpu.memory_space<hbm>>) target_semaphore(%run_scoped3A : memref<!tpu.dma_semaphore, #tpu.memory_space<semaphore_mem>>)
      %dma_wait3A_17 = arith.constant 0 : i32
      %dma_wait3A_18 = tpu.memref_slice %arg5[%mul3A_2, %dma_wait3A_17] : memref<1280x128xf32, #tpu.memory_space<hbm>> -> memref<40x128xf32, #tpu.memory_space<hbm>>
      %dma_wait3A_19 = arith.constant 0 : i32
      %dma_wait3A_20 = tpu.memref_slice %arg5[%mul3A_2, %dma_wait3A_19] : memref<1280x128xf32, #tpu.memory_space<hbm>> -> memref<40x128xf32, #tpu.memory_space<hbm>>
      tpu.wait_dma2 semaphore(%run_scoped3A : memref<!tpu.dma_semaphore, #tpu.memory_space<semaphore_mem>>) src(%arg8 : memref<40x128xf32, #tpu.memory_space<vmem>>) dst(%dma_wait3A_20 : memref<40x128xf32, #tpu.memory_space<hbm>>)
      tpu.yield
    }) : () -> ()
    %broadcast_in_dim3A = arith.constant 0 : i32
    %broadcast_in_dim3A_7 = vector.broadcast %broadcast_in_dim3A : i32 to vector<16xi32>
    %iota3A = tpu.iota {dimensions = array<i32: 0>} : vector<16xi32>
    %scan3A = arith.constant 0 : i32
    %scan3A_8 = arith.constant 0 : i32
    %scan3A_9 = arith.constant 8 : i32
    %scan3A_10 = arith.addi %scan3A_8, %scan3A_9 : i32
    %scan3A_11 = arith.constant 1 : i32
    scf.for %scan3A_13 = %scan3A_8 to %scan3A_10 step %scan3A_11  : i32 {
      %mul3A_14 = arith.constant 8 : i32
      %mul3A_15 = arith.muli %add3A, %mul3A_14 : i32
      %add3A_16 = arith.addi %mul3A_15, %scan3A_13 : i32
      %swap3A = arith.constant 0 : index
      %swap3A_17 = tpu.vector_load %arg11[%swap3A] {strides = array<i32>} : memref<256xi32, #tpu.memory_space<vmem>>, vector<16xi32>,
      tpu.vector_store %arg11[%swap3A], %broadcast_in_dim3A_7 {strides = array<i32>} : memref<256xi32, #tpu.memory_space<vmem>>, vector<16xi32>,
      %swap3A_18 = arith.constant 16 : index
      %swap3A_19 = tpu.vector_load %arg11[%swap3A_18] {strides = array<i32>} : memref<256xi32, #tpu.memory_space<vmem>>, vector<16xi32>,
      tpu.vector_store %arg11[%swap3A_18], %broadcast_in_dim3A_7 {strides = array<i32>} : memref<256xi32, #tpu.memory_space<vmem>>, vector<16xi32>,
      %swap3A_20 = arith.constant 32 : index
      %swap3A_21 = tpu.vector_load %arg11[%swap3A_20] {strides = array<i32>} : memref<256xi32, #tpu.memory_space<vmem>>, vector<16xi32>,
      tpu.vector_store %arg11[%swap3A_20], %broadcast_in_dim3A_7 {strides = array<i32>} : memref<256xi32, #tpu.memory_space<vmem>>, vector<16xi32>,
      %swap3A_22 = arith.constant 48 : index
      %swap3A_23 = tpu.vector_load %arg11[%swap3A_22] {strides = array<i32>} : memref<256xi32, #tpu.memory_space<vmem>>, vector<16xi32>,
      tpu.vector_store %arg11[%swap3A_22], %broadcast_in_dim3A_7 {strides = array<i32>} : memref<256xi32, #tpu.memory_space<vmem>>, vector<16xi32>,
      %swap3A_24 = arith.constant 64 : index
      %swap3A_25 = tpu.vector_load %arg11[%swap3A_24] {strides = array<i32>} : memref<256xi32, #tpu.memory_space<vmem>>, vector<16xi32>,
      tpu.vector_store %arg11[%swap3A_24], %broadcast_in_dim3A_7 {strides = array<i32>} : memref<256xi32, #tpu.memory_space<vmem>>, vector<16xi32>,
      %swap3A_26 = arith.constant 80 : index
      %swap3A_27 = tpu.vector_load %arg11[%swap3A_26] {strides = array<i32>} : memref<256xi32, #tpu.memory_space<vmem>>, vector<16xi32>,
      tpu.vector_store %arg11[%swap3A_26], %broadcast_in_dim3A_7 {strides = array<i32>} : memref<256xi32, #tpu.memory_space<vmem>>, vector<16xi32>,
      %swap3A_28 = arith.constant 96 : index
      %swap3A_29 = tpu.vector_load %arg11[%swap3A_28] {strides = array<i32>} : memref<256xi32, #tpu.memory_space<vmem>>, vector<16xi32>,
      tpu.vector_store %arg11[%swap3A_28], %broadcast_in_dim3A_7 {strides = array<i32>} : memref<256xi32, #tpu.memory_space<vmem>>, vector<16xi32>,
      %swap3A_30 = arith.constant 112 : index
      %swap3A_31 = tpu.vector_load %arg11[%swap3A_30] {strides = array<i32>} : memref<256xi32, #tpu.memory_space<vmem>>, vector<16xi32>,
      tpu.vector_store %arg11[%swap3A_30], %broadcast_in_dim3A_7 {strides = array<i32>} : memref<256xi32, #tpu.memory_space<vmem>>, vector<16xi32>,
      %swap3A_32 = arith.constant 128 : index
      %swap3A_33 = tpu.vector_load %arg11[%swap3A_32] {strides = array<i32>} : memref<256xi32, #tpu.memory_space<vmem>>, vector<16xi32>,
      tpu.vector_store %arg11[%swap3A_32], %broadcast_in_dim3A_7 {strides = array<i32>} : memref<256xi32, #tpu.memory_space<vmem>>, vector<16xi32>,
      %swap3A_34 = arith.constant 144 : index
      %swap3A_35 = tpu.vector_load %arg11[%swap3A_34] {strides = array<i32>} : memref<256xi32, #tpu.memory_space<vmem>>, vector<16xi32>,
      tpu.vector_store %arg11[%swap3A_34], %broadcast_in_dim3A_7 {strides = array<i32>} : memref<256xi32, #tpu.memory_space<vmem>>, vector<16xi32>,
      %swap3A_36 = arith.constant 160 : index
      %swap3A_37 = tpu.vector_load %arg11[%swap3A_36] {strides = array<i32>} : memref<256xi32, #tpu.memory_space<vmem>>, vector<16xi32>,
      tpu.vector_store %arg11[%swap3A_36], %broadcast_in_dim3A_7 {strides = array<i32>} : memref<256xi32, #tpu.memory_space<vmem>>, vector<16xi32>,
      %swap3A_38 = arith.constant 176 : index
      %swap3A_39 = tpu.vector_load %arg11[%swap3A_38] {strides = array<i32>} : memref<256xi32, #tpu.memory_space<vmem>>, vector<16xi32>,
      tpu.vector_store %arg11[%swap3A_38], %broadcast_in_dim3A_7 {strides = array<i32>} : memref<256xi32, #tpu.memory_space<vmem>>, vector<16xi32>,
      %swap3A_40 = arith.constant 192 : index
      %swap3A_41 = tpu.vector_load %arg11[%swap3A_40] {strides = array<i32>} : memref<256xi32, #tpu.memory_space<vmem>>, vector<16xi32>,
      tpu.vector_store %arg11[%swap3A_40], %broadcast_in_dim3A_7 {strides = array<i32>} : memref<256xi32, #tpu.memory_space<vmem>>, vector<16xi32>,
      %swap3A_42 = arith.constant 208 : index
      %swap3A_43 = tpu.vector_load %arg11[%swap3A_42] {strides = array<i32>} : memref<256xi32, #tpu.memory_space<vmem>>, vector<16xi32>,
      tpu.vector_store %arg11[%swap3A_42], %broadcast_in_dim3A_7 {strides = array<i32>} : memref<256xi32, #tpu.memory_space<vmem>>, vector<16xi32>,
      %swap3A_44 = arith.constant 224 : index
      %swap3A_45 = tpu.vector_load %arg11[%swap3A_44] {strides = array<i32>} : memref<256xi32, #tpu.memory_space<vmem>>, vector<16xi32>,
      tpu.vector_store %arg11[%swap3A_44], %broadcast_in_dim3A_7 {strides = array<i32>} : memref<256xi32, #tpu.memory_space<vmem>>, vector<16xi32>,
      %swap3A_46 = arith.constant 240 : index
      %swap3A_47 = tpu.vector_load %arg11[%swap3A_46] {strides = array<i32>} : memref<256xi32, #tpu.memory_space<vmem>>, vector<16xi32>,
      tpu.vector_store %arg11[%swap3A_46], %broadcast_in_dim3A_7 {strides = array<i32>} : memref<256xi32, #tpu.memory_space<vmem>>, vector<16xi32>,
      "tpu.region"() ({
        %run_scoped3A = tpu.sem_alloc : memref<!tpu.dma_semaphore, #tpu.memory_space<semaphore_mem>>
        %dma_start3A_1678 = arith.constant 0 : i32
        %dma_start3A_1679 = tpu.memref_slice %arg4[%add3A_16, %dma_start3A_1678] : memref<256x64xi32, #tpu.memory_space<hbm>> -> memref<1x64xi32, #tpu.memory_space<hbm>>
        %dma_start3A_1680 = tpu.memref_squeeze %dma_start3A_1679 : memref<1x64xi32, #tpu.memory_space<hbm>> -> memref<64xi32, #tpu.memory_space<hbm>>
        %dma_start3A_1681 = arith.constant 0 : i32
        %dma_start3A_1682 = tpu.memref_slice %arg4[%add3A_16, %dma_start3A_1681] : memref<256x64xi32, #tpu.memory_space<hbm>> -> memref<1x64xi32, #tpu.memory_space<hbm>>
        %dma_start3A_1683 = tpu.memref_squeeze %dma_start3A_1682 : memref<1x64xi32, #tpu.memory_space<hbm>> -> memref<64xi32, #tpu.memory_space<hbm>>
        tpu.enqueue_dma source(%dma_start3A_1683 : memref<64xi32, #tpu.memory_space<hbm>>) target(%arg10 : memref<64xi32, #tpu.memory_space<vmem>>) target_semaphore(%run_scoped3A : memref<!tpu.dma_semaphore, #tpu.memory_space<semaphore_mem>>)
        %dma_wait3A_1684 = arith.constant 0 : i32
        %dma_wait3A_1685 = tpu.memref_slice %arg4[%add3A_16, %dma_wait3A_1684] : memref<256x64xi32, #tpu.memory_space<hbm>> -> memref<1x64xi32, #tpu.memory_space<hbm>>
        %dma_wait3A_1686 = tpu.memref_squeeze %dma_wait3A_1685 : memref<1x64xi32, #tpu.memory_space<hbm>> -> memref<64xi32, #tpu.memory_space<hbm>>
        %dma_wait3A_1687 = arith.constant 0 : i32
        %dma_wait3A_1688 = tpu.memref_slice %arg4[%add3A_16, %dma_wait3A_1687] : memref<256x64xi32, #tpu.memory_space<hbm>> -> memref<1x64xi32, #tpu.memory_space<hbm>>
        %dma_wait3A_1689 = tpu.memref_squeeze %dma_wait3A_1688 : memref<1x64xi32, #tpu.memory_space<hbm>> -> memref<64xi32, #tpu.memory_space<hbm>>
        tpu.wait_dma2 semaphore(%run_scoped3A : memref<!tpu.dma_semaphore, #tpu.memory_space<semaphore_mem>>) src(%dma_wait3A_1689 : memref<64xi32, #tpu.memory_space<hbm>>) dst(%arg10 : memref<64xi32, #tpu.memory_space<vmem>>)
        tpu.yield
      }) : () -> ()
      %get3A = arith.constant 0 : index
      %get3A_48 = tpu.vector_load %arg10[%get3A] {strides = array<i32>} : memref<64xi32, #tpu.memory_space<vmem>>, vector<16xi32>,
      %ge3A = arith.constant 10 : i32
      %ge3A_49 = vector.broadcast %ge3A : i32 to vector<16xi32>
      %ge3A_50 = arith.cmpi sge, %get3A_48, %ge3A_49 : vector<16xi32>
      %convert_element_type3A = arith.extui %ge3A_50 : vector<16xi1> to vector<16xi32>
      %add3A_51 = arith.constant 1 : i32
      %add3A_52 = vector.broadcast %add3A_51 : i32 to vector<16xi32>
      %add3A_53 = arith.addi %add3A_52, %convert_element_type3A : vector<16xi32>
      %ge3A_54 = arith.constant 100 : i32
      %ge3A_55 = vector.broadcast %ge3A_54 : i32 to vector<16xi32>
      %ge3A_56 = arith.cmpi sge, %get3A_48, %ge3A_55 : vector<16xi32>
      %convert_element_type3A_57 = arith.extui %ge3A_56 : vector<16xi1> to vector<16xi32>
      %add3A_58 = arith.addi %add3A_53, %convert_element_type3A_57 : vector<16xi32>
      %ge3A_59 = arith.constant 1000 : i32
      %ge3A_60 = vector.broadcast %ge3A_59 : i32 to vector<16xi32>
      %ge3A_61 = arith.cmpi sge, %get3A_48, %ge3A_60 : vector<16xi32>
      %convert_element_type3A_62 = arith.extui %ge3A_61 : vector<16xi1> to vector<16xi32>
      %add3A_63 = arith.addi %add3A_58, %convert_element_type3A_62 : vector<16xi32>
      %ge3A_64 = arith.constant 10000 : i32
      %ge3A_65 = vector.broadcast %ge3A_64 : i32 to vector<16xi32>
      %ge3A_66 = arith.cmpi sge, %get3A_48, %ge3A_65 : vector<16xi32>
      %convert_element_type3A_67 = arith.extui %ge3A_66 : vector<16xi1> to vector<16xi32>
      %add3A_68 = arith.addi %add3A_63, %convert_element_type3A_67 : vector<16xi32>
      %add3A_69 = arith.constant 0 : i32
      %add3A_70 = vector.broadcast %add3A_69 : i32 to vector<16xi32>
      %add3A_71 = arith.addi %iota3A, %add3A_70 : vector<16xi32>
      %lt3A = arith.constant 50 : i32
      %lt3A_72 = vector.broadcast %lt3A : i32 to vector<16xi32>
      %lt3A_73 = arith.cmpi slt, %add3A_71, %lt3A_72 : vector<16xi32>
      %jit3A = arith.constant 0 : i32
      %broadcast_in_dim3A_74 = vector.broadcast %jit3A : i32 to vector<16xi32>
      %select_n3A = arith.select %lt3A_73, %add3A_68, %broadcast_in_dim3A_74 : vector<16xi1>, vector<16xi32>
      %broadcast_in_dim3A_75 = arith.constant true
      %broadcast_in_dim3A_76 = vector.broadcast %broadcast_in_dim3A_75 : i1 to vector<16xi1>
      %masked_cumsum3A = tpu.scan <sum>, %select_n3A masked %broadcast_in_dim3A_76 : vector<16xi32>, vector<16xi1> -> vector<16xi32>
      %sub3A = arith.subi %masked_cumsum3A, %select_n3A : vector<16xi32>
      %add3A_77 = arith.constant 0 : i32
      %add3A_78 = vector.broadcast %add3A_77 : i32 to vector<16xi32>
      %add3A_79 = arith.addi %sub3A, %add3A_78 : vector<16xi32>
      %reduce_sum3A = arith.constant true
      %reduce_sum3A_80 = vector.broadcast %reduce_sum3A : i1 to vector<16xi1>
      %reduce_sum3A_81 = tpu.scan <sum>, %select_n3A masked %reduce_sum3A_80 : vector<16xi32>, vector<16xi1> -> vector<16xi32>
      %reduce_sum3A_82 = vector.extract %reduce_sum3A_81[15] : i32 from vector<16xi32>
      %add3A_83 = arith.constant 0 : i32
      %add3A_84 = arith.addi %add3A_83, %reduce_sum3A_82 : i32
      %jit3A_85 = arith.constant 10 : i32
      %eq3A = arith.constant 0 : i32
      %eq3A_86 = arith.cmpi eq, %jit3A_85, %eq3A : i32
      %jit3A_87 = arith.constant 1 : i32
      %select_n3A_88 = arith.select %eq3A_86, %jit3A_87, %jit3A_85 : i32
      %rem3A = vector.broadcast %select_n3A_88 : i32 to vector<16xi32>
      %rem3A_89 = arith.remsi %get3A_48, %rem3A : vector<16xi32>
      %ne3A = arith.constant 0 : i32
      %ne3A_90 = vector.broadcast %ne3A : i32 to vector<16xi32>
      %ne3A_91 = arith.cmpi ne, %rem3A_89, %ne3A_90 : vector<16xi32>
      %lt3A_92 = arith.constant 0 : i32
      %lt3A_93 = vector.broadcast %lt3A_92 : i32 to vector<16xi32>
      %lt3A_94 = arith.cmpi slt, %rem3A_89, %lt3A_93 : vector<16xi32>
      %lt3A_95 = arith.constant 0 : i32
      %lt3A_96 = arith.cmpi slt, %select_n3A_88, %lt3A_95 : i32
      %ne3A_97 = vector.broadcast %lt3A_96 : i1 to vector<16xi1>
      %ne3A_98 = vector.broadcast %ne3A_97 : vector<16xi1> to vector<16xi1>
      %ne3A_99 = arith.xori %lt3A_94, %ne3A_98 : vector<16xi1>
      %and3A = arith.andi %ne3A_99, %ne3A_91 : vector<16xi1>
      %add3A_100 = vector.broadcast %select_n3A_88 : i32 to vector<16xi32>
      %add3A_101 = arith.addi %rem3A_89, %add3A_100 : vector<16xi32>
      %select_n3A_102 = arith.select %and3A, %add3A_101, %rem3A_89 : vector<16xi1>, vector<16xi32>
      %jit3A_103 = arith.constant 10 : i32
      %div3A = vector.broadcast %jit3A_103 : i32 to vector<16xi32>
      %div3A_104 = arith.divsi %get3A_48, %div3A : vector<16xi32>
      %sign3A = arith.constant 0 : i32
      %sign3A_105 = vector.broadcast %sign3A : i32 to vector<16xi32>
      %sign3A_106 = arith.cmpi sgt, %get3A_48, %sign3A_105 : vector<16xi32>
      %sign3A_107 = arith.extui %sign3A_106 : vector<16xi1> to vector<16xi32>
      %sign3A_108 = arith.constant 0 : i32
      %sign3A_109 = vector.broadcast %sign3A_108 : i32 to vector<16xi32>
      %sign3A_110 = arith.cmpi slt, %get3A_48, %sign3A_109 : vector<16xi32>
      %sign3A_111 = arith.extui %sign3A_110 : vector<16xi1> to vector<16xi32>
      %sign3A_112 = arith.subi %sign3A_107, %sign3A_111 : vector<16xi32>
      %sign3A_113 = arith.constant 0 : i32
      %sign3A_114 = arith.cmpi sgt, %jit3A_103, %sign3A_113 : i32
      %sign3A_115 = arith.extui %sign3A_114 : i1 to i32
      %sign3A_116 = arith.constant 0 : i32
      %sign3A_117 = arith.cmpi slt, %jit3A_103, %sign3A_116 : i32
      %sign3A_118 = arith.extui %sign3A_117 : i1 to i32
      %sign3A_119 = arith.subi %sign3A_115, %sign3A_118 : i32
      %ne3A_120 = vector.broadcast %sign3A_119 : i32 to vector<16xi32>
      %ne3A_121 = arith.cmpi ne, %sign3A_112, %ne3A_120 : vector<16xi32>
      %rem3A_122 = vector.broadcast %jit3A_103 : i32 to vector<16xi32>
      %rem3A_123 = arith.remsi %get3A_48, %rem3A_122 : vector<16xi32>
      %ne3A_124 = arith.constant 0 : i32
      %ne3A_125 = vector.broadcast %ne3A_124 : i32 to vector<16xi32>
      %ne3A_126 = arith.cmpi ne, %rem3A_123, %ne3A_125 : vector<16xi32>
      %and3A_127 = arith.andi %ne3A_121, %ne3A_126 : vector<16xi1>
      %sub3A_128 = arith.constant 1 : i32
      %sub3A_129 = vector.broadcast %sub3A_128 : i32 to vector<16xi32>
      %sub3A_130 = arith.subi %div3A_104, %sub3A_129 : vector<16xi32>
      %select_n3A_131 = arith.select %and3A_127, %sub3A_130, %div3A_104 : vector<16xi1>, vector<16xi32>
      %jit3A_132 = arith.constant 10 : i32
      %eq3A_133 = arith.constant 0 : i32
      %eq3A_134 = arith.cmpi eq, %jit3A_132, %eq3A_133 : i32
      %jit3A_135 = arith.constant 1 : i32
      %select_n3A_136 = arith.select %eq3A_134, %jit3A_135, %jit3A_132 : i32
      %rem3A_137 = vector.broadcast %select_n3A_136 : i32 to vector<16xi32>
      %rem3A_138 = arith.remsi %select_n3A_131, %rem3A_137 : vector<16xi32>
      %ne3A_139 = arith.constant 0 : i32
      %ne3A_140 = vector.broadcast %ne3A_139 : i32 to vector<16xi32>
      %ne3A_141 = arith.cmpi ne, %rem3A_138, %ne3A_140 : vector<16xi32>
      %lt3A_142 = arith.constant 0 : i32
      %lt3A_143 = vector.broadcast %lt3A_142 : i32 to vector<16xi32>
      %lt3A_144 = arith.cmpi slt, %rem3A_138, %lt3A_143 : vector<16xi32>
      %lt3A_145 = arith.constant 0 : i32
      %lt3A_146 = arith.cmpi slt, %select_n3A_136, %lt3A_145 : i32
      %ne3A_147 = vector.broadcast %lt3A_146 : i1 to vector<16xi1>
      %ne3A_148 = vector.broadcast %ne3A_147 : vector<16xi1> to vector<16xi1>
      %ne3A_149 = arith.xori %lt3A_144, %ne3A_148 : vector<16xi1>
      %and3A_150 = arith.andi %ne3A_149, %ne3A_141 : vector<16xi1>
      %add3A_151 = vector.broadcast %select_n3A_136 : i32 to vector<16xi32>
      %add3A_152 = arith.addi %rem3A_138, %add3A_151 : vector<16xi32>
      %select_n3A_153 = arith.select %and3A_150, %add3A_152, %rem3A_138 : vector<16xi1>, vector<16xi32>
      %jit3A_154 = arith.constant 10 : i32
      %div3A_155 = vector.broadcast %jit3A_154 : i32 to vector<16xi32>
      %div3A_156 = arith.divsi %select_n3A_131, %div3A_155 : vector<16xi32>
      %sign3A_157 = arith.constant 0 : i32
      %sign3A_158 = vector.broadcast %sign3A_157 : i32 to vector<16xi32>
      %sign3A_159 = arith.cmpi sgt, %select_n3A_131, %sign3A_158 : vector<16xi32>
      %sign3A_160 = arith.extui %sign3A_159 : vector<16xi1> to vector<16xi32>
      %sign3A_161 = arith.constant 0 : i32
      %sign3A_162 = vector.broadcast %sign3A_161 : i32 to vector<16xi32>
      %sign3A_163 = arith.cmpi slt, %select_n3A_131, %sign3A_162 : vector<16xi32>
      %sign3A_164 = arith.extui %sign3A_163 : vector<16xi1> to vector<16xi32>
      %sign3A_165 = arith.subi %sign3A_160, %sign3A_164 : vector<16xi32>
      %sign3A_166 = arith.constant 0 : i32
      %sign3A_167 = arith.cmpi sgt, %jit3A_154, %sign3A_166 : i32
      %sign3A_168 = arith.extui %sign3A_167 : i1 to i32
      %sign3A_169 = arith.constant 0 : i32
      %sign3A_170 = arith.cmpi slt, %jit3A_154, %sign3A_169 : i32
      %sign3A_171 = arith.extui %sign3A_170 : i1 to i32
      %sign3A_172 = arith.subi %sign3A_168, %sign3A_171 : i32
      %ne3A_173 = vector.broadcast %sign3A_172 : i32 to vector<16xi32>
      %ne3A_174 = arith.cmpi ne, %sign3A_165, %ne3A_173 : vector<16xi32>
      %rem3A_175 = vector.broadcast %jit3A_154 : i32 to vector<16xi32>
      %rem3A_176 = arith.remsi %select_n3A_131, %rem3A_175 : vector<16xi32>
      %ne3A_177 = arith.constant 0 : i32
      %ne3A_178 = vector.broadcast %ne3A_177 : i32 to vector<16xi32>
      %ne3A_179 = arith.cmpi ne, %rem3A_176, %ne3A_178 : vector<16xi32>
      %and3A_180 = arith.andi %ne3A_174, %ne3A_179 : vector<16xi1>
      %sub3A_181 = arith.constant 1 : i32
      %sub3A_182 = vector.broadcast %sub3A_181 : i32 to vector<16xi32>
      %sub3A_183 = arith.subi %div3A_156, %sub3A_182 : vector<16xi32>
      %select_n3A_184 = arith.select %and3A_180, %sub3A_183, %div3A_156 : vector<16xi1>, vector<16xi32>
      %jit3A_185 = arith.constant 10 : i32
      %eq3A_186 = arith.constant 0 : i32
      %eq3A_187 = arith.cmpi eq, %jit3A_185, %eq3A_186 : i32
      %jit3A_188 = arith.constant 1 : i32
      %select_n3A_189 = arith.select %eq3A_187, %jit3A_188, %jit3A_185 : i32
      %rem3A_190 = vector.broadcast %select_n3A_189 : i32 to vector<16xi32>
      %rem3A_191 = arith.remsi %select_n3A_184, %rem3A_190 : vector<16xi32>
      %ne3A_192 = arith.constant 0 : i32
      %ne3A_193 = vector.broadcast %ne3A_192 : i32 to vector<16xi32>
      %ne3A_194 = arith.cmpi ne, %rem3A_191, %ne3A_193 : vector<16xi32>
      %lt3A_195 = arith.constant 0 : i32
      %lt3A_196 = vector.broadcast %lt3A_195 : i32 to vector<16xi32>
      %lt3A_197 = arith.cmpi slt, %rem3A_191, %lt3A_196 : vector<16xi32>
      %lt3A_198 = arith.constant 0 : i32
      %lt3A_199 = arith.cmpi slt, %select_n3A_189, %lt3A_198 : i32
      %ne3A_200 = vector.broadcast %lt3A_199 : i1 to vector<16xi1>
      %ne3A_201 = vector.broadcast %ne3A_200 : vector<16xi1> to vector<16xi1>
      %ne3A_202 = arith.xori %lt3A_197, %ne3A_201 : vector<16xi1>
      %and3A_203 = arith.andi %ne3A_202, %ne3A_194 : vector<16xi1>
      %add3A_204 = vector.broadcast %select_n3A_189 : i32 to vector<16xi32>
      %add3A_205 = arith.addi %rem3A_191, %add3A_204 : vector<16xi32>
      %select_n3A_206 = arith.select %and3A_203, %add3A_205, %rem3A_191 : vector<16xi1>, vector<16xi32>
      %jit3A_207 = arith.constant 10 : i32
      %div3A_208 = vector.broadcast %jit3A_207 : i32 to vector<16xi32>
      %div3A_209 = arith.divsi %select_n3A_184, %div3A_208 : vector<16xi32>
      %sign3A_210 = arith.constant 0 : i32
      %sign3A_211 = vector.broadcast %sign3A_210 : i32 to vector<16xi32>
      %sign3A_212 = arith.cmpi sgt, %select_n3A_184, %sign3A_211 : vector<16xi32>
      %sign3A_213 = arith.extui %sign3A_212 : vector<16xi1> to vector<16xi32>
      %sign3A_214 = arith.constant 0 : i32
      %sign3A_215 = vector.broadcast %sign3A_214 : i32 to vector<16xi32>
      %sign3A_216 = arith.cmpi slt, %select_n3A_184, %sign3A_215 : vector<16xi32>
      %sign3A_217 = arith.extui %sign3A_216 : vector<16xi1> to vector<16xi32>
      %sign3A_218 = arith.subi %sign3A_213, %sign3A_217 : vector<16xi32>
      %sign3A_219 = arith.constant 0 : i32
      %sign3A_220 = arith.cmpi sgt, %jit3A_207, %sign3A_219 : i32
      %sign3A_221 = arith.extui %sign3A_220 : i1 to i32
      %sign3A_222 = arith.constant 0 : i32
      %sign3A_223 = arith.cmpi slt, %jit3A_207, %sign3A_222 : i32
      %sign3A_224 = arith.extui %sign3A_223 : i1 to i32
      %sign3A_225 = arith.subi %sign3A_221, %sign3A_224 : i32
      %ne3A_226 = vector.broadcast %sign3A_225 : i32 to vector<16xi32>
      %ne3A_227 = arith.cmpi ne, %sign3A_218, %ne3A_226 : vector<16xi32>
      %rem3A_228 = vector.broadcast %jit3A_207 : i32 to vector<16xi32>
      %rem3A_229 = arith.remsi %select_n3A_184, %rem3A_228 : vector<16xi32>
      %ne3A_230 = arith.constant 0 : i32
      %ne3A_231 = vector.broadcast %ne3A_230 : i32 to vector<16xi32>
      %ne3A_232 = arith.cmpi ne, %rem3A_229, %ne3A_231 : vector<16xi32>
      %and3A_233 = arith.andi %ne3A_227, %ne3A_232 : vector<16xi1>
      %sub3A_234 = arith.constant 1 : i32
      %sub3A_235 = vector.broadcast %sub3A_234 : i32 to vector<16xi32>
      %sub3A_236 = arith.subi %div3A_209, %sub3A_235 : vector<16xi32>
      %select_n3A_237 = arith.select %and3A_233, %sub3A_236, %div3A_209 : vector<16xi1>, vector<16xi32>
      %jit3A_238 = arith.constant 10 : i32
      %eq3A_239 = arith.constant 0 : i32
      %eq3A_240 = arith.cmpi eq, %jit3A_238, %eq3A_239 : i32
      %jit3A_241 = arith.constant 1 : i32
      %select_n3A_242 = arith.select %eq3A_240, %jit3A_241, %jit3A_238 : i32
      %rem3A_243 = vector.broadcast %select_n3A_242 : i32 to vector<16xi32>
      %rem3A_244 = arith.remsi %select_n3A_237, %rem3A_243 : vector<16xi32>
      %ne3A_245 = arith.constant 0 : i32
      %ne3A_246 = vector.broadcast %ne3A_245 : i32 to vector<16xi32>
      %ne3A_247 = arith.cmpi ne, %rem3A_244, %ne3A_246 : vector<16xi32>
      %lt3A_248 = arith.constant 0 : i32
      %lt3A_249 = vector.broadcast %lt3A_248 : i32 to vector<16xi32>
      %lt3A_250 = arith.cmpi slt, %rem3A_244, %lt3A_249 : vector<16xi32>
      %lt3A_251 = arith.constant 0 : i32
      %lt3A_252 = arith.cmpi slt, %select_n3A_242, %lt3A_251 : i32
      %ne3A_253 = vector.broadcast %lt3A_252 : i1 to vector<16xi1>
      %ne3A_254 = vector.broadcast %ne3A_253 : vector<16xi1> to vector<16xi1>
      %ne3A_255 = arith.xori %lt3A_250, %ne3A_254 : vector<16xi1>
      %and3A_256 = arith.andi %ne3A_255, %ne3A_247 : vector<16xi1>
      %add3A_257 = vector.broadcast %select_n3A_242 : i32 to vector<16xi32>
      %add3A_258 = arith.addi %rem3A_244, %add3A_257 : vector<16xi32>
      %select_n3A_259 = arith.select %and3A_256, %add3A_258, %rem3A_244 : vector<16xi1>, vector<16xi32>
      %jit3A_260 = arith.constant 10 : i32
      %div3A_261 = vector.broadcast %jit3A_260 : i32 to vector<16xi32>
      %div3A_262 = arith.divsi %select_n3A_237, %div3A_261 : vector<16xi32>
      %sign3A_263 = arith.constant 0 : i32
      %sign3A_264 = vector.broadcast %sign3A_263 : i32 to vector<16xi32>
      %sign3A_265 = arith.cmpi sgt, %select_n3A_237, %sign3A_264 : vector<16xi32>
      %sign3A_266 = arith.extui %sign3A_265 : vector<16xi1> to vector<16xi32>
      %sign3A_267 = arith.constant 0 : i32
      %sign3A_268 = vector.broadcast %sign3A_267 : i32 to vector<16xi32>
      %sign3A_269 = arith.cmpi slt, %select_n3A_237, %sign3A_268 : vector<16xi32>
      %sign3A_270 = arith.extui %sign3A_269 : vector<16xi1> to vector<16xi32>
      %sign3A_271 = arith.subi %sign3A_266, %sign3A_270 : vector<16xi32>
      %sign3A_272 = arith.constant 0 : i32
      %sign3A_273 = arith.cmpi sgt, %jit3A_260, %sign3A_272 : i32
      %sign3A_274 = arith.extui %sign3A_273 : i1 to i32
      %sign3A_275 = arith.constant 0 : i32
      %sign3A_276 = arith.cmpi slt, %jit3A_260, %sign3A_275 : i32
      %sign3A_277 = arith.extui %sign3A_276 : i1 to i32
      %sign3A_278 = arith.subi %sign3A_274, %sign3A_277 : i32
      %ne3A_279 = vector.broadcast %sign3A_278 : i32 to vector<16xi32>
      %ne3A_280 = arith.cmpi ne, %sign3A_271, %ne3A_279 : vector<16xi32>
      %rem3A_281 = vector.broadcast %jit3A_260 : i32 to vector<16xi32>
      %rem3A_282 = arith.remsi %select_n3A_237, %rem3A_281 : vector<16xi32>
      %ne3A_283 = arith.constant 0 : i32
      %ne3A_284 = vector.broadcast %ne3A_283 : i32 to vector<16xi32>
      %ne3A_285 = arith.cmpi ne, %rem3A_282, %ne3A_284 : vector<16xi32>
      %and3A_286 = arith.andi %ne3A_280, %ne3A_285 : vector<16xi1>
      %sub3A_287 = arith.constant 1 : i32
      %sub3A_288 = vector.broadcast %sub3A_287 : i32 to vector<16xi32>
      %sub3A_289 = arith.subi %div3A_262, %sub3A_288 : vector<16xi32>
      %select_n3A_290 = arith.select %and3A_286, %sub3A_289, %div3A_262 : vector<16xi1>, vector<16xi32>
      %sub3A_291 = arith.constant 1 : i32
      %sub3A_292 = vector.broadcast %sub3A_291 : i32 to vector<16xi32>
      %sub3A_293 = arith.subi %select_n3A, %sub3A_292 : vector<16xi32>
      %sub3A_294 = arith.constant 0 : i32
      %sub3A_295 = vector.broadcast %sub3A_294 : i32 to vector<16xi32>
      %sub3A_296 = arith.subi %sub3A_293, %sub3A_295 : vector<16xi32>
      %eq3A_297 = arith.constant 1 : i32
      %eq3A_298 = vector.broadcast %eq3A_297 : i32 to vector<16xi32>
      %eq3A_299 = arith.cmpi eq, %sub3A_296, %eq3A_298 : vector<16xi32>
      %eq3A_300 = arith.constant 2 : i32
      %eq3A_301 = vector.broadcast %eq3A_300 : i32 to vector<16xi32>
      %eq3A_302 = arith.cmpi eq, %sub3A_296, %eq3A_301 : vector<16xi32>
      %eq3A_303 = arith.constant 3 : i32
      %eq3A_304 = vector.broadcast %eq3A_303 : i32 to vector<16xi32>
      %eq3A_305 = arith.cmpi eq, %sub3A_296, %eq3A_304 : vector<16xi32>
      %eq3A_306 = arith.constant 4 : i32
      %eq3A_307 = vector.broadcast %eq3A_306 : i32 to vector<16xi32>
      %eq3A_308 = arith.cmpi eq, %sub3A_296, %eq3A_307 : vector<16xi32>
      %select_n3A_309 = arith.select %eq3A_308, %select_n3A_290, %select_n3A_102 : vector<16xi1>, vector<16xi32>
      %select_n3A_310 = arith.select %eq3A_305, %select_n3A_259, %select_n3A_309 : vector<16xi1>, vector<16xi32>
      %select_n3A_311 = arith.select %eq3A_302, %select_n3A_206, %select_n3A_310 : vector<16xi1>, vector<16xi32>
      %select_n3A_312 = arith.select %eq3A_299, %select_n3A_153, %select_n3A_311 : vector<16xi1>, vector<16xi32>
      %gt3A = arith.constant 0 : i32
      %gt3A_313 = vector.broadcast %gt3A : i32 to vector<16xi32>
      %gt3A_314 = arith.cmpi sgt, %select_n3A, %gt3A_313 : vector<16xi32>
      %add3A_315 = arith.constant 0 : i32
      %add3A_316 = vector.broadcast %add3A_315 : i32 to vector<16xi32>
      %add3A_317 = arith.addi %add3A_79, %add3A_316 : vector<16xi32>
      %jit3A_318 = arith.constant 255 : i32
      %broadcast_in_dim3A_319 = vector.broadcast %jit3A_318 : i32 to vector<16xi32>
      %select_n3A_320 = arith.select %gt3A_314, %add3A_317, %broadcast_in_dim3A_319 : vector<16xi1>, vector<16xi32>
      tpu.vector_store_idx %arg11[%select_n3A_320], %select_n3A_312 : memref<256xi32, #tpu.memory_space<vmem>>[vector<16xi32>], vector<16xi32>,
      %sub3A_321 = arith.constant 1 : i32
      %sub3A_322 = vector.broadcast %sub3A_321 : i32 to vector<16xi32>
      %sub3A_323 = arith.subi %select_n3A, %sub3A_322 : vector<16xi32>
      %sub3A_324 = arith.constant 1 : i32
      %sub3A_325 = vector.broadcast %sub3A_324 : i32 to vector<16xi32>
      %sub3A_326 = arith.subi %sub3A_323, %sub3A_325 : vector<16xi32>
      %eq3A_327 = arith.constant 1 : i32
      %eq3A_328 = vector.broadcast %eq3A_327 : i32 to vector<16xi32>
      %eq3A_329 = arith.cmpi eq, %sub3A_326, %eq3A_328 : vector<16xi32>
      %eq3A_330 = arith.constant 2 : i32
      %eq3A_331 = vector.broadcast %eq3A_330 : i32 to vector<16xi32>
      %eq3A_332 = arith.cmpi eq, %sub3A_326, %eq3A_331 : vector<16xi32>
      %eq3A_333 = arith.constant 3 : i32
      %eq3A_334 = vector.broadcast %eq3A_333 : i32 to vector<16xi32>
      %eq3A_335 = arith.cmpi eq, %sub3A_326, %eq3A_334 : vector<16xi32>
      %eq3A_336 = arith.constant 4 : i32
      %eq3A_337 = vector.broadcast %eq3A_336 : i32 to vector<16xi32>
      %eq3A_338 = arith.cmpi eq, %sub3A_326, %eq3A_337 : vector<16xi32>
      %select_n3A_339 = arith.select %eq3A_338, %select_n3A_290, %select_n3A_102 : vector<16xi1>, vector<16xi32>
      %select_n3A_340 = arith.select %eq3A_335, %select_n3A_259, %select_n3A_339 : vector<16xi1>, vector<16xi32>
      %select_n3A_341 = arith.select %eq3A_332, %select_n3A_206, %select_n3A_340 : vector<16xi1>, vector<16xi32>
      %select_n3A_342 = arith.select %eq3A_329, %select_n3A_153, %select_n3A_341 : vector<16xi1>, vector<16xi32>
      %gt3A_343 = arith.constant 1 : i32
      %gt3A_344 = vector.broadcast %gt3A_343 : i32 to vector<16xi32>
      %gt3A_345 = arith.cmpi sgt, %select_n3A, %gt3A_344 : vector<16xi32>
      %add3A_346 = arith.constant 1 : i32
      %add3A_347 = vector.broadcast %add3A_346 : i32 to vector<16xi32>
      %add3A_348 = arith.addi %add3A_79, %add3A_347 : vector<16xi32>
      %jit3A_349 = arith.constant 255 : i32
      %broadcast_in_dim3A_350 = vector.broadcast %jit3A_349 : i32 to vector<16xi32>
      %select_n3A_351 = arith.select %gt3A_345, %add3A_348, %broadcast_in_dim3A_350 : vector<16xi1>, vector<16xi32>
      tpu.vector_store_idx %arg11[%select_n3A_351], %select_n3A_342 : memref<256xi32, #tpu.memory_space<vmem>>[vector<16xi32>], vector<16xi32>,
      %sub3A_352 = arith.constant 1 : i32
      %sub3A_353 = vector.broadcast %sub3A_352 : i32 to vector<16xi32>
      %sub3A_354 = arith.subi %select_n3A, %sub3A_353 : vector<16xi32>
      %sub3A_355 = arith.constant 2 : i32
      %sub3A_356 = vector.broadcast %sub3A_355 : i32 to vector<16xi32>
      %sub3A_357 = arith.subi %sub3A_354, %sub3A_356 : vector<16xi32>
      %eq3A_358 = arith.constant 1 : i32
      %eq3A_359 = vector.broadcast %eq3A_358 : i32 to vector<16xi32>
      %eq3A_360 = arith.cmpi eq, %sub3A_357, %eq3A_359 : vector<16xi32>
      %eq3A_361 = arith.constant 2 : i32
      %eq3A_362 = vector.broadcast %eq3A_361 : i32 to vector<16xi32>
      %eq3A_363 = arith.cmpi eq, %sub3A_357, %eq3A_362 : vector<16xi32>
      %eq3A_364 = arith.constant 3 : i32
      %eq3A_365 = vector.broadcast %eq3A_364 : i32 to vector<16xi32>
      %eq3A_366 = arith.cmpi eq, %sub3A_357, %eq3A_365 : vector<16xi32>
      %eq3A_367 = arith.constant 4 : i32
      %eq3A_368 = vector.broadcast %eq3A_367 : i32 to vector<16xi32>
      %eq3A_369 = arith.cmpi eq, %sub3A_357, %eq3A_368 : vector<16xi32>
      %select_n3A_370 = arith.select %eq3A_369, %select_n3A_290, %select_n3A_102 : vector<16xi1>, vector<16xi32>
      %select_n3A_371 = arith.select %eq3A_366, %select_n3A_259, %select_n3A_370 : vector<16xi1>, vector<16xi32>
      %select_n3A_372 = arith.select %eq3A_363, %select_n3A_206, %select_n3A_371 : vector<16xi1>, vector<16xi32>
      %select_n3A_373 = arith.select %eq3A_360, %select_n3A_153, %select_n3A_372 : vector<16xi1>, vector<16xi32>
      %gt3A_374 = arith.constant 2 : i32
      %gt3A_375 = vector.broadcast %gt3A_374 : i32 to vector<16xi32>
      %gt3A_376 = arith.cmpi sgt, %select_n3A, %gt3A_375 : vector<16xi32>
      %add3A_377 = arith.constant 2 : i32
      %add3A_378 = vector.broadcast %add3A_377 : i32 to vector<16xi32>
      %add3A_379 = arith.addi %add3A_79, %add3A_378 : vector<16xi32>
      %jit3A_380 = arith.constant 255 : i32
      %broadcast_in_dim3A_381 = vector.broadcast %jit3A_380 : i32 to vector<16xi32>
      %select_n3A_382 = arith.select %gt3A_376, %add3A_379, %broadcast_in_dim3A_381 : vector<16xi1>, vector<16xi32>
      tpu.vector_store_idx %arg11[%select_n3A_382], %select_n3A_373 : memref<256xi32, #tpu.memory_space<vmem>>[vector<16xi32>], vector<16xi32>,
      %sub3A_383 = arith.constant 1 : i32
      %sub3A_384 = vector.broadcast %sub3A_383 : i32 to vector<16xi32>
      %sub3A_385 = arith.subi %select_n3A, %sub3A_384 : vector<16xi32>
      %sub3A_386 = arith.constant 3 : i32
      %sub3A_387 = vector.broadcast %sub3A_386 : i32 to vector<16xi32>
      %sub3A_388 = arith.subi %sub3A_385, %sub3A_387 : vector<16xi32>
      %eq3A_389 = arith.constant 1 : i32
      %eq3A_390 = vector.broadcast %eq3A_389 : i32 to vector<16xi32>
      %eq3A_391 = arith.cmpi eq, %sub3A_388, %eq3A_390 : vector<16xi32>
      %eq3A_392 = arith.constant 2 : i32
      %eq3A_393 = vector.broadcast %eq3A_392 : i32 to vector<16xi32>
      %eq3A_394 = arith.cmpi eq, %sub3A_388, %eq3A_393 : vector<16xi32>
      %eq3A_395 = arith.constant 3 : i32
      %eq3A_396 = vector.broadcast %eq3A_395 : i32 to vector<16xi32>
      %eq3A_397 = arith.cmpi eq, %sub3A_388, %eq3A_396 : vector<16xi32>
      %eq3A_398 = arith.constant 4 : i32
      %eq3A_399 = vector.broadcast %eq3A_398 : i32 to vector<16xi32>
      %eq3A_400 = arith.cmpi eq, %sub3A_388, %eq3A_399 : vector<16xi32>
      %select_n3A_401 = arith.select %eq3A_400, %select_n3A_290, %select_n3A_102 : vector<16xi1>, vector<16xi32>
      %select_n3A_402 = arith.select %eq3A_397, %select_n3A_259, %select_n3A_401 : vector<16xi1>, vector<16xi32>
      %select_n3A_403 = arith.select %eq3A_394, %select_n3A_206, %select_n3A_402 : vector<16xi1>, vector<16xi32>
      %select_n3A_404 = arith.select %eq3A_391, %select_n3A_153, %select_n3A_403 : vector<16xi1>, vector<16xi32>
      %gt3A_405 = arith.constant 3 : i32
      %gt3A_406 = vector.broadcast %gt3A_405 : i32 to vector<16xi32>
      %gt3A_407 = arith.cmpi sgt, %select_n3A, %gt3A_406 : vector<16xi32>
      %add3A_408 = arith.constant 3 : i32
      %add3A_409 = vector.broadcast %add3A_408 : i32 to vector<16xi32>
      %add3A_410 = arith.addi %add3A_79, %add3A_409 : vector<16xi32>
      %jit3A_411 = arith.constant 255 : i32
      %broadcast_in_dim3A_412 = vector.broadcast %jit3A_411 : i32 to vector<16xi32>
      %select_n3A_413 = arith.select %gt3A_407, %add3A_410, %broadcast_in_dim3A_412 : vector<16xi1>, vector<16xi32>
      tpu.vector_store_idx %arg11[%select_n3A_413], %select_n3A_404 : memref<256xi32, #tpu.memory_space<vmem>>[vector<16xi32>], vector<16xi32>,
      %sub3A_414 = arith.constant 1 : i32
      %sub3A_415 = vector.broadcast %sub3A_414 : i32 to vector<16xi32>
      %sub3A_416 = arith.subi %select_n3A, %sub3A_415 : vector<16xi32>
      %sub3A_417 = arith.constant 4 : i32
      %sub3A_418 = vector.broadcast %sub3A_417 : i32 to vector<16xi32>
      %sub3A_419 = arith.subi %sub3A_416, %sub3A_418 : vector<16xi32>
      %eq3A_420 = arith.constant 1 : i32
      %eq3A_421 = vector.broadcast %eq3A_420 : i32 to vector<16xi32>
      %eq3A_422 = arith.cmpi eq, %sub3A_419, %eq3A_421 : vector<16xi32>
      %eq3A_423 = arith.constant 2 : i32
      %eq3A_424 = vector.broadcast %eq3A_423 : i32 to vector<16xi32>
      %eq3A_425 = arith.cmpi eq, %sub3A_419, %eq3A_424 : vector<16xi32>
      %eq3A_426 = arith.constant 3 : i32
      %eq3A_427 = vector.broadcast %eq3A_426 : i32 to vector<16xi32>
      %eq3A_428 = arith.cmpi eq, %sub3A_419, %eq3A_427 : vector<16xi32>
      %eq3A_429 = arith.constant 4 : i32
      %eq3A_430 = vector.broadcast %eq3A_429 : i32 to vector<16xi32>
      %eq3A_431 = arith.cmpi eq, %sub3A_419, %eq3A_430 : vector<16xi32>
      %select_n3A_432 = arith.select %eq3A_431, %select_n3A_290, %select_n3A_102 : vector<16xi1>, vector<16xi32>
      %select_n3A_433 = arith.select %eq3A_428, %select_n3A_259, %select_n3A_432 : vector<16xi1>, vector<16xi32>
      %select_n3A_434 = arith.select %eq3A_425, %select_n3A_206, %select_n3A_433 : vector<16xi1>, vector<16xi32>
      %select_n3A_435 = arith.select %eq3A_422, %select_n3A_153, %select_n3A_434 : vector<16xi1>, vector<16xi32>
      %gt3A_436 = arith.constant 4 : i32
      %gt3A_437 = vector.broadcast %gt3A_436 : i32 to vector<16xi32>
      %gt3A_438 = arith.cmpi sgt, %select_n3A, %gt3A_437 : vector<16xi32>
      %add3A_439 = arith.constant 4 : i32
      %add3A_440 = vector.broadcast %add3A_439 : i32 to vector<16xi32>
      %add3A_441 = arith.addi %add3A_79, %add3A_440 : vector<16xi32>
      %jit3A_442 = arith.constant 255 : i32
      %broadcast_in_dim3A_443 = vector.broadcast %jit3A_442 : i32 to vector<16xi32>
      %select_n3A_444 = arith.select %gt3A_438, %add3A_441, %broadcast_in_dim3A_443 : vector<16xi1>, vector<16xi32>
      tpu.vector_store_idx %arg11[%select_n3A_444], %select_n3A_435 : memref<256xi32, #tpu.memory_space<vmem>>[vector<16xi32>], vector<16xi32>,
      %get3A_445 = arith.constant 16 : index
      %get3A_446 = tpu.vector_load %arg10[%get3A_445] {strides = array<i32>} : memref<64xi32, #tpu.memory_space<vmem>>, vector<16xi32>,
      %ge3A_447 = arith.constant 10 : i32
      %ge3A_448 = vector.broadcast %ge3A_447 : i32 to vector<16xi32>
      %ge3A_449 = arith.cmpi sge, %get3A_446, %ge3A_448 : vector<16xi32>
      %convert_element_type3A_450 = arith.extui %ge3A_449 : vector<16xi1> to vector<16xi32>
      %add3A_451 = arith.constant 1 : i32
      %add3A_452 = vector.broadcast %add3A_451 : i32 to vector<16xi32>
      %add3A_453 = arith.addi %add3A_452, %convert_element_type3A_450 : vector<16xi32>
      %ge3A_454 = arith.constant 100 : i32
      %ge3A_455 = vector.broadcast %ge3A_454 : i32 to vector<16xi32>
      %ge3A_456 = arith.cmpi sge, %get3A_446, %ge3A_455 : vector<16xi32>
      %convert_element_type3A_457 = arith.extui %ge3A_456 : vector<16xi1> to vector<16xi32>
      %add3A_458 = arith.addi %add3A_453, %convert_element_type3A_457 : vector<16xi32>
      %ge3A_459 = arith.constant 1000 : i32
      %ge3A_460 = vector.broadcast %ge3A_459 : i32 to vector<16xi32>
      %ge3A_461 = arith.cmpi sge, %get3A_446, %ge3A_460 : vector<16xi32>
      %convert_element_type3A_462 = arith.extui %ge3A_461 : vector<16xi1> to vector<16xi32>
      %add3A_463 = arith.addi %add3A_458, %convert_element_type3A_462 : vector<16xi32>
      %ge3A_464 = arith.constant 10000 : i32
      %ge3A_465 = vector.broadcast %ge3A_464 : i32 to vector<16xi32>
      %ge3A_466 = arith.cmpi sge, %get3A_446, %ge3A_465 : vector<16xi32>
      %convert_element_type3A_467 = arith.extui %ge3A_466 : vector<16xi1> to vector<16xi32>
      %add3A_468 = arith.addi %add3A_463, %convert_element_type3A_467 : vector<16xi32>
      %add3A_469 = arith.constant 16 : i32
      %add3A_470 = vector.broadcast %add3A_469 : i32 to vector<16xi32>
      %add3A_471 = arith.addi %iota3A, %add3A_470 : vector<16xi32>
      %lt3A_472 = arith.constant 50 : i32
      %lt3A_473 = vector.broadcast %lt3A_472 : i32 to vector<16xi32>
      %lt3A_474 = arith.cmpi slt, %add3A_471, %lt3A_473 : vector<16xi32>
      %jit3A_475 = arith.constant 0 : i32
      %broadcast_in_dim3A_476 = vector.broadcast %jit3A_475 : i32 to vector<16xi32>
      %select_n3A_477 = arith.select %lt3A_474, %add3A_468, %broadcast_in_dim3A_476 : vector<16xi1>, vector<16xi32>
      %broadcast_in_dim3A_478 = arith.constant true
      %broadcast_in_dim3A_479 = vector.broadcast %broadcast_in_dim3A_478 : i1 to vector<16xi1>
      %masked_cumsum3A_480 = tpu.scan <sum>, %select_n3A_477 masked %broadcast_in_dim3A_479 : vector<16xi32>, vector<16xi1> -> vector<16xi32>
      %sub3A_481 = arith.subi %masked_cumsum3A_480, %select_n3A_477 : vector<16xi32>
      %add3A_482 = vector.broadcast %add3A_84 : i32 to vector<16xi32>
      %add3A_483 = arith.addi %sub3A_481, %add3A_482 : vector<16xi32>
      %reduce_sum3A_484 = arith.constant true
      %reduce_sum3A_485 = vector.broadcast %reduce_sum3A_484 : i1 to vector<16xi1>
      %reduce_sum3A_486 = tpu.scan <sum>, %select_n3A_477 masked %reduce_sum3A_485 : vector<16xi32>, vector<16xi1> -> vector<16xi32>
      %reduce_sum3A_487 = vector.extract %reduce_sum3A_486[15] : i32 from vector<16xi32>
      %add3A_488 = arith.addi %add3A_84, %reduce_sum3A_487 : i32
      %jit3A_489 = arith.constant 10 : i32
      %eq3A_490 = arith.constant 0 : i32
      %eq3A_491 = arith.cmpi eq, %jit3A_489, %eq3A_490 : i32
      %jit3A_492 = arith.constant 1 : i32
      %select_n3A_493 = arith.select %eq3A_491, %jit3A_492, %jit3A_489 : i32
      %rem3A_494 = vector.broadcast %select_n3A_493 : i32 to vector<16xi32>
      %rem3A_495 = arith.remsi %get3A_446, %rem3A_494 : vector<16xi32>
      %ne3A_496 = arith.constant 0 : i32
      %ne3A_497 = vector.broadcast %ne3A_496 : i32 to vector<16xi32>
      %ne3A_498 = arith.cmpi ne, %rem3A_495, %ne3A_497 : vector<16xi32>
      %lt3A_499 = arith.constant 0 : i32
      %lt3A_500 = vector.broadcast %lt3A_499 : i32 to vector<16xi32>
      %lt3A_501 = arith.cmpi slt, %rem3A_495, %lt3A_500 : vector<16xi32>
      %lt3A_502 = arith.constant 0 : i32
      %lt3A_503 = arith.cmpi slt, %select_n3A_493, %lt3A_502 : i32
      %ne3A_504 = vector.broadcast %lt3A_503 : i1 to vector<16xi1>
      %ne3A_505 = vector.broadcast %ne3A_504 : vector<16xi1> to vector<16xi1>
      %ne3A_506 = arith.xori %lt3A_501, %ne3A_505 : vector<16xi1>
      %and3A_507 = arith.andi %ne3A_506, %ne3A_498 : vector<16xi1>
      %add3A_508 = vector.broadcast %select_n3A_493 : i32 to vector<16xi32>
      %add3A_509 = arith.addi %rem3A_495, %add3A_508 : vector<16xi32>
      %select_n3A_510 = arith.select %and3A_507, %add3A_509, %rem3A_495 : vector<16xi1>, vector<16xi32>
      %jit3A_511 = arith.constant 10 : i32
      %div3A_512 = vector.broadcast %jit3A_511 : i32 to vector<16xi32>
      %div3A_513 = arith.divsi %get3A_446, %div3A_512 : vector<16xi32>
      %sign3A_514 = arith.constant 0 : i32
      %sign3A_515 = vector.broadcast %sign3A_514 : i32 to vector<16xi32>
      %sign3A_516 = arith.cmpi sgt, %get3A_446, %sign3A_515 : vector<16xi32>
      %sign3A_517 = arith.extui %sign3A_516 : vector<16xi1> to vector<16xi32>
      %sign3A_518 = arith.constant 0 : i32
      %sign3A_519 = vector.broadcast %sign3A_518 : i32 to vector<16xi32>
      %sign3A_520 = arith.cmpi slt, %get3A_446, %sign3A_519 : vector<16xi32>
      %sign3A_521 = arith.extui %sign3A_520 : vector<16xi1> to vector<16xi32>
      %sign3A_522 = arith.subi %sign3A_517, %sign3A_521 : vector<16xi32>
      %sign3A_523 = arith.constant 0 : i32
      %sign3A_524 = arith.cmpi sgt, %jit3A_511, %sign3A_523 : i32
      %sign3A_525 = arith.extui %sign3A_524 : i1 to i32
      %sign3A_526 = arith.constant 0 : i32
      %sign3A_527 = arith.cmpi slt, %jit3A_511, %sign3A_526 : i32
      %sign3A_528 = arith.extui %sign3A_527 : i1 to i32
      %sign3A_529 = arith.subi %sign3A_525, %sign3A_528 : i32
      %ne3A_530 = vector.broadcast %sign3A_529 : i32 to vector<16xi32>
      %ne3A_531 = arith.cmpi ne, %sign3A_522, %ne3A_530 : vector<16xi32>
      %rem3A_532 = vector.broadcast %jit3A_511 : i32 to vector<16xi32>
      %rem3A_533 = arith.remsi %get3A_446, %rem3A_532 : vector<16xi32>
      %ne3A_534 = arith.constant 0 : i32
      %ne3A_535 = vector.broadcast %ne3A_534 : i32 to vector<16xi32>
      %ne3A_536 = arith.cmpi ne, %rem3A_533, %ne3A_535 : vector<16xi32>
      %and3A_537 = arith.andi %ne3A_531, %ne3A_536 : vector<16xi1>
      %sub3A_538 = arith.constant 1 : i32
      %sub3A_539 = vector.broadcast %sub3A_538 : i32 to vector<16xi32>
      %sub3A_540 = arith.subi %div3A_513, %sub3A_539 : vector<16xi32>
      %select_n3A_541 = arith.select %and3A_537, %sub3A_540, %div3A_513 : vector<16xi1>, vector<16xi32>
      %jit3A_542 = arith.constant 10 : i32
      %eq3A_543 = arith.constant 0 : i32
      %eq3A_544 = arith.cmpi eq, %jit3A_542, %eq3A_543 : i32
      %jit3A_545 = arith.constant 1 : i32
      %select_n3A_546 = arith.select %eq3A_544, %jit3A_545, %jit3A_542 : i32
      %rem3A_547 = vector.broadcast %select_n3A_546 : i32 to vector<16xi32>
      %rem3A_548 = arith.remsi %select_n3A_541, %rem3A_547 : vector<16xi32>
      %ne3A_549 = arith.constant 0 : i32
      %ne3A_550 = vector.broadcast %ne3A_549 : i32 to vector<16xi32>
      %ne3A_551 = arith.cmpi ne, %rem3A_548, %ne3A_550 : vector<16xi32>
      %lt3A_552 = arith.constant 0 : i32
      %lt3A_553 = vector.broadcast %lt3A_552 : i32 to vector<16xi32>
      %lt3A_554 = arith.cmpi slt, %rem3A_548, %lt3A_553 : vector<16xi32>
      %lt3A_555 = arith.constant 0 : i32
      %lt3A_556 = arith.cmpi slt, %select_n3A_546, %lt3A_555 : i32
      %ne3A_557 = vector.broadcast %lt3A_556 : i1 to vector<16xi1>
      %ne3A_558 = vector.broadcast %ne3A_557 : vector<16xi1> to vector<16xi1>
      %ne3A_559 = arith.xori %lt3A_554, %ne3A_558 : vector<16xi1>
      %and3A_560 = arith.andi %ne3A_559, %ne3A_551 : vector<16xi1>
      %add3A_561 = vector.broadcast %select_n3A_546 : i32 to vector<16xi32>
      %add3A_562 = arith.addi %rem3A_548, %add3A_561 : vector<16xi32>
      %select_n3A_563 = arith.select %and3A_560, %add3A_562, %rem3A_548 : vector<16xi1>, vector<16xi32>
      %jit3A_564 = arith.constant 10 : i32
      %div3A_565 = vector.broadcast %jit3A_564 : i32 to vector<16xi32>
      %div3A_566 = arith.divsi %select_n3A_541, %div3A_565 : vector<16xi32>
      %sign3A_567 = arith.constant 0 : i32
      %sign3A_568 = vector.broadcast %sign3A_567 : i32 to vector<16xi32>
      %sign3A_569 = arith.cmpi sgt, %select_n3A_541, %sign3A_568 : vector<16xi32>
      %sign3A_570 = arith.extui %sign3A_569 : vector<16xi1> to vector<16xi32>
      %sign3A_571 = arith.constant 0 : i32
      %sign3A_572 = vector.broadcast %sign3A_571 : i32 to vector<16xi32>
      %sign3A_573 = arith.cmpi slt, %select_n3A_541, %sign3A_572 : vector<16xi32>
      %sign3A_574 = arith.extui %sign3A_573 : vector<16xi1> to vector<16xi32>
      %sign3A_575 = arith.subi %sign3A_570, %sign3A_574 : vector<16xi32>
      %sign3A_576 = arith.constant 0 : i32
      %sign3A_577 = arith.cmpi sgt, %jit3A_564, %sign3A_576 : i32
      %sign3A_578 = arith.extui %sign3A_577 : i1 to i32
      %sign3A_579 = arith.constant 0 : i32
      %sign3A_580 = arith.cmpi slt, %jit3A_564, %sign3A_579 : i32
      %sign3A_581 = arith.extui %sign3A_580 : i1 to i32
      %sign3A_582 = arith.subi %sign3A_578, %sign3A_581 : i32
      %ne3A_583 = vector.broadcast %sign3A_582 : i32 to vector<16xi32>
      %ne3A_584 = arith.cmpi ne, %sign3A_575, %ne3A_583 : vector<16xi32>
      %rem3A_585 = vector.broadcast %jit3A_564 : i32 to vector<16xi32>
      %rem3A_586 = arith.remsi %select_n3A_541, %rem3A_585 : vector<16xi32>
      %ne3A_587 = arith.constant 0 : i32
      %ne3A_588 = vector.broadcast %ne3A_587 : i32 to vector<16xi32>
      %ne3A_589 = arith.cmpi ne, %rem3A_586, %ne3A_588 : vector<16xi32>
      %and3A_590 = arith.andi %ne3A_584, %ne3A_589 : vector<16xi1>
      %sub3A_591 = arith.constant 1 : i32
      %sub3A_592 = vector.broadcast %sub3A_591 : i32 to vector<16xi32>
      %sub3A_593 = arith.subi %div3A_566, %sub3A_592 : vector<16xi32>
      %select_n3A_594 = arith.select %and3A_590, %sub3A_593, %div3A_566 : vector<16xi1>, vector<16xi32>
      %jit3A_595 = arith.constant 10 : i32
      %eq3A_596 = arith.constant 0 : i32
      %eq3A_597 = arith.cmpi eq, %jit3A_595, %eq3A_596 : i32
      %jit3A_598 = arith.constant 1 : i32
      %select_n3A_599 = arith.select %eq3A_597, %jit3A_598, %jit3A_595 : i32
      %rem3A_600 = vector.broadcast %select_n3A_599 : i32 to vector<16xi32>
      %rem3A_601 = arith.remsi %select_n3A_594, %rem3A_600 : vector<16xi32>
      %ne3A_602 = arith.constant 0 : i32
      %ne3A_603 = vector.broadcast %ne3A_602 : i32 to vector<16xi32>
      %ne3A_604 = arith.cmpi ne, %rem3A_601, %ne3A_603 : vector<16xi32>
      %lt3A_605 = arith.constant 0 : i32
      %lt3A_606 = vector.broadcast %lt3A_605 : i32 to vector<16xi32>
      %lt3A_607 = arith.cmpi slt, %rem3A_601, %lt3A_606 : vector<16xi32>
      %lt3A_608 = arith.constant 0 : i32
      %lt3A_609 = arith.cmpi slt, %select_n3A_599, %lt3A_608 : i32
      %ne3A_610 = vector.broadcast %lt3A_609 : i1 to vector<16xi1>
      %ne3A_611 = vector.broadcast %ne3A_610 : vector<16xi1> to vector<16xi1>
      %ne3A_612 = arith.xori %lt3A_607, %ne3A_611 : vector<16xi1>
      %and3A_613 = arith.andi %ne3A_612, %ne3A_604 : vector<16xi1>
      %add3A_614 = vector.broadcast %select_n3A_599 : i32 to vector<16xi32>
      %add3A_615 = arith.addi %rem3A_601, %add3A_614 : vector<16xi32>
      %select_n3A_616 = arith.select %and3A_613, %add3A_615, %rem3A_601 : vector<16xi1>, vector<16xi32>
      %jit3A_617 = arith.constant 10 : i32
      %div3A_618 = vector.broadcast %jit3A_617 : i32 to vector<16xi32>
      %div3A_619 = arith.divsi %select_n3A_594, %div3A_618 : vector<16xi32>
      %sign3A_620 = arith.constant 0 : i32
      %sign3A_621 = vector.broadcast %sign3A_620 : i32 to vector<16xi32>
      %sign3A_622 = arith.cmpi sgt, %select_n3A_594, %sign3A_621 : vector<16xi32>
      %sign3A_623 = arith.extui %sign3A_622 : vector<16xi1> to vector<16xi32>
      %sign3A_624 = arith.constant 0 : i32
      %sign3A_625 = vector.broadcast %sign3A_624 : i32 to vector<16xi32>
      %sign3A_626 = arith.cmpi slt, %select_n3A_594, %sign3A_625 : vector<16xi32>
      %sign3A_627 = arith.extui %sign3A_626 : vector<16xi1> to vector<16xi32>
      %sign3A_628 = arith.subi %sign3A_623, %sign3A_627 : vector<16xi32>
      %sign3A_629 = arith.constant 0 : i32
      %sign3A_630 = arith.cmpi sgt, %jit3A_617, %sign3A_629 : i32
      %sign3A_631 = arith.extui %sign3A_630 : i1 to i32
      %sign3A_632 = arith.constant 0 : i32
      %sign3A_633 = arith.cmpi slt, %jit3A_617, %sign3A_632 : i32
      %sign3A_634 = arith.extui %sign3A_633 : i1 to i32
      %sign3A_635 = arith.subi %sign3A_631, %sign3A_634 : i32
      %ne3A_636 = vector.broadcast %sign3A_635 : i32 to vector<16xi32>
      %ne3A_637 = arith.cmpi ne, %sign3A_628, %ne3A_636 : vector<16xi32>
      %rem3A_638 = vector.broadcast %jit3A_617 : i32 to vector<16xi32>
      %rem3A_639 = arith.remsi %select_n3A_594, %rem3A_638 : vector<16xi32>
      %ne3A_640 = arith.constant 0 : i32
      %ne3A_641 = vector.broadcast %ne3A_640 : i32 to vector<16xi32>
      %ne3A_642 = arith.cmpi ne, %rem3A_639, %ne3A_641 : vector<16xi32>
      %and3A_643 = arith.andi %ne3A_637, %ne3A_642 : vector<16xi1>
      %sub3A_644 = arith.constant 1 : i32
      %sub3A_645 = vector.broadcast %sub3A_644 : i32 to vector<16xi32>
      %sub3A_646 = arith.subi %div3A_619, %sub3A_645 : vector<16xi32>
      %select_n3A_647 = arith.select %and3A_643, %sub3A_646, %div3A_619 : vector<16xi1>, vector<16xi32>
      %jit3A_648 = arith.constant 10 : i32
      %eq3A_649 = arith.constant 0 : i32
      %eq3A_650 = arith.cmpi eq, %jit3A_648, %eq3A_649 : i32
      %jit3A_651 = arith.constant 1 : i32
      %select_n3A_652 = arith.select %eq3A_650, %jit3A_651, %jit3A_648 : i32
      %rem3A_653 = vector.broadcast %select_n3A_652 : i32 to vector<16xi32>
      %rem3A_654 = arith.remsi %select_n3A_647, %rem3A_653 : vector<16xi32>
      %ne3A_655 = arith.constant 0 : i32
      %ne3A_656 = vector.broadcast %ne3A_655 : i32 to vector<16xi32>
      %ne3A_657 = arith.cmpi ne, %rem3A_654, %ne3A_656 : vector<16xi32>
      %lt3A_658 = arith.constant 0 : i32
      %lt3A_659 = vector.broadcast %lt3A_658 : i32 to vector<16xi32>
      %lt3A_660 = arith.cmpi slt, %rem3A_654, %lt3A_659 : vector<16xi32>
      %lt3A_661 = arith.constant 0 : i32
      %lt3A_662 = arith.cmpi slt, %select_n3A_652, %lt3A_661 : i32
      %ne3A_663 = vector.broadcast %lt3A_662 : i1 to vector<16xi1>
      %ne3A_664 = vector.broadcast %ne3A_663 : vector<16xi1> to vector<16xi1>
      %ne3A_665 = arith.xori %lt3A_660, %ne3A_664 : vector<16xi1>
      %and3A_666 = arith.andi %ne3A_665, %ne3A_657 : vector<16xi1>
      %add3A_667 = vector.broadcast %select_n3A_652 : i32 to vector<16xi32>
      %add3A_668 = arith.addi %rem3A_654, %add3A_667 : vector<16xi32>
      %select_n3A_669 = arith.select %and3A_666, %add3A_668, %rem3A_654 : vector<16xi1>, vector<16xi32>
      %jit3A_670 = arith.constant 10 : i32
      %div3A_671 = vector.broadcast %jit3A_670 : i32 to vector<16xi32>
      %div3A_672 = arith.divsi %select_n3A_647, %div3A_671 : vector<16xi32>
      %sign3A_673 = arith.constant 0 : i32
      %sign3A_674 = vector.broadcast %sign3A_673 : i32 to vector<16xi32>
      %sign3A_675 = arith.cmpi sgt, %select_n3A_647, %sign3A_674 : vector<16xi32>
      %sign3A_676 = arith.extui %sign3A_675 : vector<16xi1> to vector<16xi32>
      %sign3A_677 = arith.constant 0 : i32
      %sign3A_678 = vector.broadcast %sign3A_677 : i32 to vector<16xi32>
      %sign3A_679 = arith.cmpi slt, %select_n3A_647, %sign3A_678 : vector<16xi32>
      %sign3A_680 = arith.extui %sign3A_679 : vector<16xi1> to vector<16xi32>
      %sign3A_681 = arith.subi %sign3A_676, %sign3A_680 : vector<16xi32>
      %sign3A_682 = arith.constant 0 : i32
      %sign3A_683 = arith.cmpi sgt, %jit3A_670, %sign3A_682 : i32
      %sign3A_684 = arith.extui %sign3A_683 : i1 to i32
      %sign3A_685 = arith.constant 0 : i32
      %sign3A_686 = arith.cmpi slt, %jit3A_670, %sign3A_685 : i32
      %sign3A_687 = arith.extui %sign3A_686 : i1 to i32
      %sign3A_688 = arith.subi %sign3A_684, %sign3A_687 : i32
      %ne3A_689 = vector.broadcast %sign3A_688 : i32 to vector<16xi32>
      %ne3A_690 = arith.cmpi ne, %sign3A_681, %ne3A_689 : vector<16xi32>
      %rem3A_691 = vector.broadcast %jit3A_670 : i32 to vector<16xi32>
      %rem3A_692 = arith.remsi %select_n3A_647, %rem3A_691 : vector<16xi32>
      %ne3A_693 = arith.constant 0 : i32
      %ne3A_694 = vector.broadcast %ne3A_693 : i32 to vector<16xi32>
      %ne3A_695 = arith.cmpi ne, %rem3A_692, %ne3A_694 : vector<16xi32>
      %and3A_696 = arith.andi %ne3A_690, %ne3A_695 : vector<16xi1>
      %sub3A_697 = arith.constant 1 : i32
      %sub3A_698 = vector.broadcast %sub3A_697 : i32 to vector<16xi32>
      %sub3A_699 = arith.subi %div3A_672, %sub3A_698 : vector<16xi32>
      %select_n3A_700 = arith.select %and3A_696, %sub3A_699, %div3A_672 : vector<16xi1>, vector<16xi32>
      %sub3A_701 = arith.constant 1 : i32
      %sub3A_702 = vector.broadcast %sub3A_701 : i32 to vector<16xi32>
      %sub3A_703 = arith.subi %select_n3A_477, %sub3A_702 : vector<16xi32>
      %sub3A_704 = arith.constant 0 : i32
      %sub3A_705 = vector.broadcast %sub3A_704 : i32 to vector<16xi32>
      %sub3A_706 = arith.subi %sub3A_703, %sub3A_705 : vector<16xi32>
      %eq3A_707 = arith.constant 1 : i32
      %eq3A_708 = vector.broadcast %eq3A_707 : i32 to vector<16xi32>
      %eq3A_709 = arith.cmpi eq, %sub3A_706, %eq3A_708 : vector<16xi32>
      %eq3A_710 = arith.constant 2 : i32
      %eq3A_711 = vector.broadcast %eq3A_710 : i32 to vector<16xi32>
      %eq3A_712 = arith.cmpi eq, %sub3A_706, %eq3A_711 : vector<16xi32>
      %eq3A_713 = arith.constant 3 : i32
      %eq3A_714 = vector.broadcast %eq3A_713 : i32 to vector<16xi32>
      %eq3A_715 = arith.cmpi eq, %sub3A_706, %eq3A_714 : vector<16xi32>
      %eq3A_716 = arith.constant 4 : i32
      %eq3A_717 = vector.broadcast %eq3A_716 : i32 to vector<16xi32>
      %eq3A_718 = arith.cmpi eq, %sub3A_706, %eq3A_717 : vector<16xi32>
      %select_n3A_719 = arith.select %eq3A_718, %select_n3A_700, %select_n3A_510 : vector<16xi1>, vector<16xi32>
      %select_n3A_720 = arith.select %eq3A_715, %select_n3A_669, %select_n3A_719 : vector<16xi1>, vector<16xi32>
      %select_n3A_721 = arith.select %eq3A_712, %select_n3A_616, %select_n3A_720 : vector<16xi1>, vector<16xi32>
      %select_n3A_722 = arith.select %eq3A_709, %select_n3A_563, %select_n3A_721 : vector<16xi1>, vector<16xi32>
      %gt3A_723 = arith.constant 0 : i32
      %gt3A_724 = vector.broadcast %gt3A_723 : i32 to vector<16xi32>
      %gt3A_725 = arith.cmpi sgt, %select_n3A_477, %gt3A_724 : vector<16xi32>
      %add3A_726 = arith.constant 0 : i32
      %add3A_727 = vector.broadcast %add3A_726 : i32 to vector<16xi32>
      %add3A_728 = arith.addi %add3A_483, %add3A_727 : vector<16xi32>
      %jit3A_729 = arith.constant 255 : i32
      %broadcast_in_dim3A_730 = vector.broadcast %jit3A_729 : i32 to vector<16xi32>
      %select_n3A_731 = arith.select %gt3A_725, %add3A_728, %broadcast_in_dim3A_730 : vector<16xi1>, vector<16xi32>
      tpu.vector_store_idx %arg11[%select_n3A_731], %select_n3A_722 : memref<256xi32, #tpu.memory_space<vmem>>[vector<16xi32>], vector<16xi32>,
      %sub3A_732 = arith.constant 1 : i32
      %sub3A_733 = vector.broadcast %sub3A_732 : i32 to vector<16xi32>
      %sub3A_734 = arith.subi %select_n3A_477, %sub3A_733 : vector<16xi32>
      %sub3A_735 = arith.constant 1 : i32
      %sub3A_736 = vector.broadcast %sub3A_735 : i32 to vector<16xi32>
      %sub3A_737 = arith.subi %sub3A_734, %sub3A_736 : vector<16xi32>
      %eq3A_738 = arith.constant 1 : i32
      %eq3A_739 = vector.broadcast %eq3A_738 : i32 to vector<16xi32>
      %eq3A_740 = arith.cmpi eq, %sub3A_737, %eq3A_739 : vector<16xi32>
      %eq3A_741 = arith.constant 2 : i32
      %eq3A_742 = vector.broadcast %eq3A_741 : i32 to vector<16xi32>
      %eq3A_743 = arith.cmpi eq, %sub3A_737, %eq3A_742 : vector<16xi32>
      %eq3A_744 = arith.constant 3 : i32
      %eq3A_745 = vector.broadcast %eq3A_744 : i32 to vector<16xi32>
      %eq3A_746 = arith.cmpi eq, %sub3A_737, %eq3A_745 : vector<16xi32>
      %eq3A_747 = arith.constant 4 : i32
      %eq3A_748 = vector.broadcast %eq3A_747 : i32 to vector<16xi32>
      %eq3A_749 = arith.cmpi eq, %sub3A_737, %eq3A_748 : vector<16xi32>
      %select_n3A_750 = arith.select %eq3A_749, %select_n3A_700, %select_n3A_510 : vector<16xi1>, vector<16xi32>
      %select_n3A_751 = arith.select %eq3A_746, %select_n3A_669, %select_n3A_750 : vector<16xi1>, vector<16xi32>
      %select_n3A_752 = arith.select %eq3A_743, %select_n3A_616, %select_n3A_751 : vector<16xi1>, vector<16xi32>
      %select_n3A_753 = arith.select %eq3A_740, %select_n3A_563, %select_n3A_752 : vector<16xi1>, vector<16xi32>
      %gt3A_754 = arith.constant 1 : i32
      %gt3A_755 = vector.broadcast %gt3A_754 : i32 to vector<16xi32>
      %gt3A_756 = arith.cmpi sgt, %select_n3A_477, %gt3A_755 : vector<16xi32>
      %add3A_757 = arith.constant 1 : i32
      %add3A_758 = vector.broadcast %add3A_757 : i32 to vector<16xi32>
      %add3A_759 = arith.addi %add3A_483, %add3A_758 : vector<16xi32>
      %jit3A_760 = arith.constant 255 : i32
      %broadcast_in_dim3A_761 = vector.broadcast %jit3A_760 : i32 to vector<16xi32>
      %select_n3A_762 = arith.select %gt3A_756, %add3A_759, %broadcast_in_dim3A_761 : vector<16xi1>, vector<16xi32>
      tpu.vector_store_idx %arg11[%select_n3A_762], %select_n3A_753 : memref<256xi32, #tpu.memory_space<vmem>>[vector<16xi32>], vector<16xi32>,
      %sub3A_763 = arith.constant 1 : i32
      %sub3A_764 = vector.broadcast %sub3A_763 : i32 to vector<16xi32>
      %sub3A_765 = arith.subi %select_n3A_477, %sub3A_764 : vector<16xi32>
      %sub3A_766 = arith.constant 2 : i32
      %sub3A_767 = vector.broadcast %sub3A_766 : i32 to vector<16xi32>
      %sub3A_768 = arith.subi %sub3A_765, %sub3A_767 : vector<16xi32>
      %eq3A_769 = arith.constant 1 : i32
      %eq3A_770 = vector.broadcast %eq3A_769 : i32 to vector<16xi32>
      %eq3A_771 = arith.cmpi eq, %sub3A_768, %eq3A_770 : vector<16xi32>
      %eq3A_772 = arith.constant 2 : i32
      %eq3A_773 = vector.broadcast %eq3A_772 : i32 to vector<16xi32>
      %eq3A_774 = arith.cmpi eq, %sub3A_768, %eq3A_773 : vector<16xi32>
      %eq3A_775 = arith.constant 3 : i32
      %eq3A_776 = vector.broadcast %eq3A_775 : i32 to vector<16xi32>
      %eq3A_777 = arith.cmpi eq, %sub3A_768, %eq3A_776 : vector<16xi32>
      %eq3A_778 = arith.constant 4 : i32
      %eq3A_779 = vector.broadcast %eq3A_778 : i32 to vector<16xi32>
      %eq3A_780 = arith.cmpi eq, %sub3A_768, %eq3A_779 : vector<16xi32>
      %select_n3A_781 = arith.select %eq3A_780, %select_n3A_700, %select_n3A_510 : vector<16xi1>, vector<16xi32>
      %select_n3A_782 = arith.select %eq3A_777, %select_n3A_669, %select_n3A_781 : vector<16xi1>, vector<16xi32>
      %select_n3A_783 = arith.select %eq3A_774, %select_n3A_616, %select_n3A_782 : vector<16xi1>, vector<16xi32>
      %select_n3A_784 = arith.select %eq3A_771, %select_n3A_563, %select_n3A_783 : vector<16xi1>, vector<16xi32>
      %gt3A_785 = arith.constant 2 : i32
      %gt3A_786 = vector.broadcast %gt3A_785 : i32 to vector<16xi32>
      %gt3A_787 = arith.cmpi sgt, %select_n3A_477, %gt3A_786 : vector<16xi32>
      %add3A_788 = arith.constant 2 : i32
      %add3A_789 = vector.broadcast %add3A_788 : i32 to vector<16xi32>
      %add3A_790 = arith.addi %add3A_483, %add3A_789 : vector<16xi32>
      %jit3A_791 = arith.constant 255 : i32
      %broadcast_in_dim3A_792 = vector.broadcast %jit3A_791 : i32 to vector<16xi32>
      %select_n3A_793 = arith.select %gt3A_787, %add3A_790, %broadcast_in_dim3A_792 : vector<16xi1>, vector<16xi32>
      tpu.vector_store_idx %arg11[%select_n3A_793], %select_n3A_784 : memref<256xi32, #tpu.memory_space<vmem>>[vector<16xi32>], vector<16xi32>,
      %sub3A_794 = arith.constant 1 : i32
      %sub3A_795 = vector.broadcast %sub3A_794 : i32 to vector<16xi32>
      %sub3A_796 = arith.subi %select_n3A_477, %sub3A_795 : vector<16xi32>
      %sub3A_797 = arith.constant 3 : i32
      %sub3A_798 = vector.broadcast %sub3A_797 : i32 to vector<16xi32>
      %sub3A_799 = arith.subi %sub3A_796, %sub3A_798 : vector<16xi32>
      %eq3A_800 = arith.constant 1 : i32
      %eq3A_801 = vector.broadcast %eq3A_800 : i32 to vector<16xi32>
      %eq3A_802 = arith.cmpi eq, %sub3A_799, %eq3A_801 : vector<16xi32>
      %eq3A_803 = arith.constant 2 : i32
      %eq3A_804 = vector.broadcast %eq3A_803 : i32 to vector<16xi32>
      %eq3A_805 = arith.cmpi eq, %sub3A_799, %eq3A_804 : vector<16xi32>
      %eq3A_806 = arith.constant 3 : i32
      %eq3A_807 = vector.broadcast %eq3A_806 : i32 to vector<16xi32>
      %eq3A_808 = arith.cmpi eq, %sub3A_799, %eq3A_807 : vector<16xi32>
      %eq3A_809 = arith.constant 4 : i32
      %eq3A_810 = vector.broadcast %eq3A_809 : i32 to vector<16xi32>
      %eq3A_811 = arith.cmpi eq, %sub3A_799, %eq3A_810 : vector<16xi32>
      %select_n3A_812 = arith.select %eq3A_811, %select_n3A_700, %select_n3A_510 : vector<16xi1>, vector<16xi32>
      %select_n3A_813 = arith.select %eq3A_808, %select_n3A_669, %select_n3A_812 : vector<16xi1>, vector<16xi32>
      %select_n3A_814 = arith.select %eq3A_805, %select_n3A_616, %select_n3A_813 : vector<16xi1>, vector<16xi32>
      %select_n3A_815 = arith.select %eq3A_802, %select_n3A_563, %select_n3A_814 : vector<16xi1>, vector<16xi32>
      %gt3A_816 = arith.constant 3 : i32
      %gt3A_817 = vector.broadcast %gt3A_816 : i32 to vector<16xi32>
      %gt3A_818 = arith.cmpi sgt, %select_n3A_477, %gt3A_817 : vector<16xi32>
      %add3A_819 = arith.constant 3 : i32
      %add3A_820 = vector.broadcast %add3A_819 : i32 to vector<16xi32>
      %add3A_821 = arith.addi %add3A_483, %add3A_820 : vector<16xi32>
      %jit3A_822 = arith.constant 255 : i32
      %broadcast_in_dim3A_823 = vector.broadcast %jit3A_822 : i32 to vector<16xi32>
      %select_n3A_824 = arith.select %gt3A_818, %add3A_821, %broadcast_in_dim3A_823 : vector<16xi1>, vector<16xi32>
      tpu.vector_store_idx %arg11[%select_n3A_824], %select_n3A_815 : memref<256xi32, #tpu.memory_space<vmem>>[vector<16xi32>], vector<16xi32>,
      %sub3A_825 = arith.constant 1 : i32
      %sub3A_826 = vector.broadcast %sub3A_825 : i32 to vector<16xi32>
      %sub3A_827 = arith.subi %select_n3A_477, %sub3A_826 : vector<16xi32>
      %sub3A_828 = arith.constant 4 : i32
      %sub3A_829 = vector.broadcast %sub3A_828 : i32 to vector<16xi32>
      %sub3A_830 = arith.subi %sub3A_827, %sub3A_829 : vector<16xi32>
      %eq3A_831 = arith.constant 1 : i32
      %eq3A_832 = vector.broadcast %eq3A_831 : i32 to vector<16xi32>
      %eq3A_833 = arith.cmpi eq, %sub3A_830, %eq3A_832 : vector<16xi32>
      %eq3A_834 = arith.constant 2 : i32
      %eq3A_835 = vector.broadcast %eq3A_834 : i32 to vector<16xi32>
      %eq3A_836 = arith.cmpi eq, %sub3A_830, %eq3A_835 : vector<16xi32>
      %eq3A_837 = arith.constant 3 : i32
      %eq3A_838 = vector.broadcast %eq3A_837 : i32 to vector<16xi32>
      %eq3A_839 = arith.cmpi eq, %sub3A_830, %eq3A_838 : vector<16xi32>
      %eq3A_840 = arith.constant 4 : i32
      %eq3A_841 = vector.broadcast %eq3A_840 : i32 to vector<16xi32>
      %eq3A_842 = arith.cmpi eq, %sub3A_830, %eq3A_841 : vector<16xi32>
      %select_n3A_843 = arith.select %eq3A_842, %select_n3A_700, %select_n3A_510 : vector<16xi1>, vector<16xi32>
      %select_n3A_844 = arith.select %eq3A_839, %select_n3A_669, %select_n3A_843 : vector<16xi1>, vector<16xi32>
      %select_n3A_845 = arith.select %eq3A_836, %select_n3A_616, %select_n3A_844 : vector<16xi1>, vector<16xi32>
      %select_n3A_846 = arith.select %eq3A_833, %select_n3A_563, %select_n3A_845 : vector<16xi1>, vector<16xi32>
      %gt3A_847 = arith.constant 4 : i32
      %gt3A_848 = vector.broadcast %gt3A_847 : i32 to vector<16xi32>
      %gt3A_849 = arith.cmpi sgt, %select_n3A_477, %gt3A_848 : vector<16xi32>
      %add3A_850 = arith.constant 4 : i32
      %add3A_851 = vector.broadcast %add3A_850 : i32 to vector<16xi32>
      %add3A_852 = arith.addi %add3A_483, %add3A_851 : vector<16xi32>
      %jit3A_853 = arith.constant 255 : i32
      %broadcast_in_dim3A_854 = vector.broadcast %jit3A_853 : i32 to vector<16xi32>
      %select_n3A_855 = arith.select %gt3A_849, %add3A_852, %broadcast_in_dim3A_854 : vector<16xi1>, vector<16xi32>
      tpu.vector_store_idx %arg11[%select_n3A_855], %select_n3A_846 : memref<256xi32, #tpu.memory_space<vmem>>[vector<16xi32>], vector<16xi32>,
      %get3A_856 = arith.constant 32 : index
      %get3A_857 = tpu.vector_load %arg10[%get3A_856] {strides = array<i32>} : memref<64xi32, #tpu.memory_space<vmem>>, vector<16xi32>,
      %ge3A_858 = arith.constant 10 : i32
      %ge3A_859 = vector.broadcast %ge3A_858 : i32 to vector<16xi32>
      %ge3A_860 = arith.cmpi sge, %get3A_857, %ge3A_859 : vector<16xi32>
      %convert_element_type3A_861 = arith.extui %ge3A_860 : vector<16xi1> to vector<16xi32>
      %add3A_862 = arith.constant 1 : i32
      %add3A_863 = vector.broadcast %add3A_862 : i32 to vector<16xi32>
      %add3A_864 = arith.addi %add3A_863, %convert_element_type3A_861 : vector<16xi32>
      %ge3A_865 = arith.constant 100 : i32
      %ge3A_866 = vector.broadcast %ge3A_865 : i32 to vector<16xi32>
      %ge3A_867 = arith.cmpi sge, %get3A_857, %ge3A_866 : vector<16xi32>
      %convert_element_type3A_868 = arith.extui %ge3A_867 : vector<16xi1> to vector<16xi32>
      %add3A_869 = arith.addi %add3A_864, %convert_element_type3A_868 : vector<16xi32>
      %ge3A_870 = arith.constant 1000 : i32
      %ge3A_871 = vector.broadcast %ge3A_870 : i32 to vector<16xi32>
      %ge3A_872 = arith.cmpi sge, %get3A_857, %ge3A_871 : vector<16xi32>
      %convert_element_type3A_873 = arith.extui %ge3A_872 : vector<16xi1> to vector<16xi32>
      %add3A_874 = arith.addi %add3A_869, %convert_element_type3A_873 : vector<16xi32>
      %ge3A_875 = arith.constant 10000 : i32
      %ge3A_876 = vector.broadcast %ge3A_875 : i32 to vector<16xi32>
      %ge3A_877 = arith.cmpi sge, %get3A_857, %ge3A_876 : vector<16xi32>
      %convert_element_type3A_878 = arith.extui %ge3A_877 : vector<16xi1> to vector<16xi32>
      %add3A_879 = arith.addi %add3A_874, %convert_element_type3A_878 : vector<16xi32>
      %add3A_880 = arith.constant 32 : i32
      %add3A_881 = vector.broadcast %add3A_880 : i32 to vector<16xi32>
      %add3A_882 = arith.addi %iota3A, %add3A_881 : vector<16xi32>
      %lt3A_883 = arith.constant 50 : i32
      %lt3A_884 = vector.broadcast %lt3A_883 : i32 to vector<16xi32>
      %lt3A_885 = arith.cmpi slt, %add3A_882, %lt3A_884 : vector<16xi32>
      %jit3A_886 = arith.constant 0 : i32
      %broadcast_in_dim3A_887 = vector.broadcast %jit3A_886 : i32 to vector<16xi32>
      %select_n3A_888 = arith.select %lt3A_885, %add3A_879, %broadcast_in_dim3A_887 : vector<16xi1>, vector<16xi32>
      %broadcast_in_dim3A_889 = arith.constant true
      %broadcast_in_dim3A_890 = vector.broadcast %broadcast_in_dim3A_889 : i1 to vector<16xi1>
      %masked_cumsum3A_891 = tpu.scan <sum>, %select_n3A_888 masked %broadcast_in_dim3A_890 : vector<16xi32>, vector<16xi1> -> vector<16xi32>
      %sub3A_892 = arith.subi %masked_cumsum3A_891, %select_n3A_888 : vector<16xi32>
      %add3A_893 = vector.broadcast %add3A_488 : i32 to vector<16xi32>
      %add3A_894 = arith.addi %sub3A_892, %add3A_893 : vector<16xi32>
      %reduce_sum3A_895 = arith.constant true
      %reduce_sum3A_896 = vector.broadcast %reduce_sum3A_895 : i1 to vector<16xi1>
      %reduce_sum3A_897 = tpu.scan <sum>, %select_n3A_888 masked %reduce_sum3A_896 : vector<16xi32>, vector<16xi1> -> vector<16xi32>
      %reduce_sum3A_898 = vector.extract %reduce_sum3A_897[15] : i32 from vector<16xi32>
      %add3A_899 = arith.addi %add3A_488, %reduce_sum3A_898 : i32
      %jit3A_900 = arith.constant 10 : i32
      %eq3A_901 = arith.constant 0 : i32
      %eq3A_902 = arith.cmpi eq, %jit3A_900, %eq3A_901 : i32
      %jit3A_903 = arith.constant 1 : i32
      %select_n3A_904 = arith.select %eq3A_902, %jit3A_903, %jit3A_900 : i32
      %rem3A_905 = vector.broadcast %select_n3A_904 : i32 to vector<16xi32>
      %rem3A_906 = arith.remsi %get3A_857, %rem3A_905 : vector<16xi32>
      %ne3A_907 = arith.constant 0 : i32
      %ne3A_908 = vector.broadcast %ne3A_907 : i32 to vector<16xi32>
      %ne3A_909 = arith.cmpi ne, %rem3A_906, %ne3A_908 : vector<16xi32>
      %lt3A_910 = arith.constant 0 : i32
      %lt3A_911 = vector.broadcast %lt3A_910 : i32 to vector<16xi32>
      %lt3A_912 = arith.cmpi slt, %rem3A_906, %lt3A_911 : vector<16xi32>
      %lt3A_913 = arith.constant 0 : i32
      %lt3A_914 = arith.cmpi slt, %select_n3A_904, %lt3A_913 : i32
      %ne3A_915 = vector.broadcast %lt3A_914 : i1 to vector<16xi1>
      %ne3A_916 = vector.broadcast %ne3A_915 : vector<16xi1> to vector<16xi1>
      %ne3A_917 = arith.xori %lt3A_912, %ne3A_916 : vector<16xi1>
      %and3A_918 = arith.andi %ne3A_917, %ne3A_909 : vector<16xi1>
      %add3A_919 = vector.broadcast %select_n3A_904 : i32 to vector<16xi32>
      %add3A_920 = arith.addi %rem3A_906, %add3A_919 : vector<16xi32>
      %select_n3A_921 = arith.select %and3A_918, %add3A_920, %rem3A_906 : vector<16xi1>, vector<16xi32>
      %jit3A_922 = arith.constant 10 : i32
      %div3A_923 = vector.broadcast %jit3A_922 : i32 to vector<16xi32>
      %div3A_924 = arith.divsi %get3A_857, %div3A_923 : vector<16xi32>
      %sign3A_925 = arith.constant 0 : i32
      %sign3A_926 = vector.broadcast %sign3A_925 : i32 to vector<16xi32>
      %sign3A_927 = arith.cmpi sgt, %get3A_857, %sign3A_926 : vector<16xi32>
      %sign3A_928 = arith.extui %sign3A_927 : vector<16xi1> to vector<16xi32>
      %sign3A_929 = arith.constant 0 : i32
      %sign3A_930 = vector.broadcast %sign3A_929 : i32 to vector<16xi32>
      %sign3A_931 = arith.cmpi slt, %get3A_857, %sign3A_930 : vector<16xi32>
      %sign3A_932 = arith.extui %sign3A_931 : vector<16xi1> to vector<16xi32>
      %sign3A_933 = arith.subi %sign3A_928, %sign3A_932 : vector<16xi32>
      %sign3A_934 = arith.constant 0 : i32
      %sign3A_935 = arith.cmpi sgt, %jit3A_922, %sign3A_934 : i32
      %sign3A_936 = arith.extui %sign3A_935 : i1 to i32
      %sign3A_937 = arith.constant 0 : i32
      %sign3A_938 = arith.cmpi slt, %jit3A_922, %sign3A_937 : i32
      %sign3A_939 = arith.extui %sign3A_938 : i1 to i32
      %sign3A_940 = arith.subi %sign3A_936, %sign3A_939 : i32
      %ne3A_941 = vector.broadcast %sign3A_940 : i32 to vector<16xi32>
      %ne3A_942 = arith.cmpi ne, %sign3A_933, %ne3A_941 : vector<16xi32>
      %rem3A_943 = vector.broadcast %jit3A_922 : i32 to vector<16xi32>
      %rem3A_944 = arith.remsi %get3A_857, %rem3A_943 : vector<16xi32>
      %ne3A_945 = arith.constant 0 : i32
      %ne3A_946 = vector.broadcast %ne3A_945 : i32 to vector<16xi32>
      %ne3A_947 = arith.cmpi ne, %rem3A_944, %ne3A_946 : vector<16xi32>
      %and3A_948 = arith.andi %ne3A_942, %ne3A_947 : vector<16xi1>
      %sub3A_949 = arith.constant 1 : i32
      %sub3A_950 = vector.broadcast %sub3A_949 : i32 to vector<16xi32>
      %sub3A_951 = arith.subi %div3A_924, %sub3A_950 : vector<16xi32>
      %select_n3A_952 = arith.select %and3A_948, %sub3A_951, %div3A_924 : vector<16xi1>, vector<16xi32>
      %jit3A_953 = arith.constant 10 : i32
      %eq3A_954 = arith.constant 0 : i32
      %eq3A_955 = arith.cmpi eq, %jit3A_953, %eq3A_954 : i32
      %jit3A_956 = arith.constant 1 : i32
      %select_n3A_957 = arith.select %eq3A_955, %jit3A_956, %jit3A_953 : i32
      %rem3A_958 = vector.broadcast %select_n3A_957 : i32 to vector<16xi32>
      %rem3A_959 = arith.remsi %select_n3A_952, %rem3A_958 : vector<16xi32>
      %ne3A_960 = arith.constant 0 : i32
      %ne3A_961 = vector.broadcast %ne3A_960 : i32 to vector<16xi32>
      %ne3A_962 = arith.cmpi ne, %rem3A_959, %ne3A_961 : vector<16xi32>
      %lt3A_963 = arith.constant 0 : i32
      %lt3A_964 = vector.broadcast %lt3A_963 : i32 to vector<16xi32>
      %lt3A_965 = arith.cmpi slt, %rem3A_959, %lt3A_964 : vector<16xi32>
      %lt3A_966 = arith.constant 0 : i32
      %lt3A_967 = arith.cmpi slt, %select_n3A_957, %lt3A_966 : i32
      %ne3A_968 = vector.broadcast %lt3A_967 : i1 to vector<16xi1>
      %ne3A_969 = vector.broadcast %ne3A_968 : vector<16xi1> to vector<16xi1>
      %ne3A_970 = arith.xori %lt3A_965, %ne3A_969 : vector<16xi1>
      %and3A_971 = arith.andi %ne3A_970, %ne3A_962 : vector<16xi1>
      %add3A_972 = vector.broadcast %select_n3A_957 : i32 to vector<16xi32>
      %add3A_973 = arith.addi %rem3A_959, %add3A_972 : vector<16xi32>
      %select_n3A_974 = arith.select %and3A_971, %add3A_973, %rem3A_959 : vector<16xi1>, vector<16xi32>
      %jit3A_975 = arith.constant 10 : i32
      %div3A_976 = vector.broadcast %jit3A_975 : i32 to vector<16xi32>
      %div3A_977 = arith.divsi %select_n3A_952, %div3A_976 : vector<16xi32>
      %sign3A_978 = arith.constant 0 : i32
      %sign3A_979 = vector.broadcast %sign3A_978 : i32 to vector<16xi32>
      %sign3A_980 = arith.cmpi sgt, %select_n3A_952, %sign3A_979 : vector<16xi32>
      %sign3A_981 = arith.extui %sign3A_980 : vector<16xi1> to vector<16xi32>
      %sign3A_982 = arith.constant 0 : i32
      %sign3A_983 = vector.broadcast %sign3A_982 : i32 to vector<16xi32>
      %sign3A_984 = arith.cmpi slt, %select_n3A_952, %sign3A_983 : vector<16xi32>
      %sign3A_985 = arith.extui %sign3A_984 : vector<16xi1> to vector<16xi32>
      %sign3A_986 = arith.subi %sign3A_981, %sign3A_985 : vector<16xi32>
      %sign3A_987 = arith.constant 0 : i32
      %sign3A_988 = arith.cmpi sgt, %jit3A_975, %sign3A_987 : i32
      %sign3A_989 = arith.extui %sign3A_988 : i1 to i32
      %sign3A_990 = arith.constant 0 : i32
      %sign3A_991 = arith.cmpi slt, %jit3A_975, %sign3A_990 : i32
      %sign3A_992 = arith.extui %sign3A_991 : i1 to i32
      %sign3A_993 = arith.subi %sign3A_989, %sign3A_992 : i32
      %ne3A_994 = vector.broadcast %sign3A_993 : i32 to vector<16xi32>
      %ne3A_995 = arith.cmpi ne, %sign3A_986, %ne3A_994 : vector<16xi32>
      %rem3A_996 = vector.broadcast %jit3A_975 : i32 to vector<16xi32>
      %rem3A_997 = arith.remsi %select_n3A_952, %rem3A_996 : vector<16xi32>
      %ne3A_998 = arith.constant 0 : i32
      %ne3A_999 = vector.broadcast %ne3A_998 : i32 to vector<16xi32>
      %ne3A_1000 = arith.cmpi ne, %rem3A_997, %ne3A_999 : vector<16xi32>
      %and3A_1001 = arith.andi %ne3A_995, %ne3A_1000 : vector<16xi1>
      %sub3A_1002 = arith.constant 1 : i32
      %sub3A_1003 = vector.broadcast %sub3A_1002 : i32 to vector<16xi32>
      %sub3A_1004 = arith.subi %div3A_977, %sub3A_1003 : vector<16xi32>
      %select_n3A_1005 = arith.select %and3A_1001, %sub3A_1004, %div3A_977 : vector<16xi1>, vector<16xi32>
      %jit3A_1006 = arith.constant 10 : i32
      %eq3A_1007 = arith.constant 0 : i32
      %eq3A_1008 = arith.cmpi eq, %jit3A_1006, %eq3A_1007 : i32
      %jit3A_1009 = arith.constant 1 : i32
      %select_n3A_1010 = arith.select %eq3A_1008, %jit3A_1009, %jit3A_1006 : i32
      %rem3A_1011 = vector.broadcast %select_n3A_1010 : i32 to vector<16xi32>
      %rem3A_1012 = arith.remsi %select_n3A_1005, %rem3A_1011 : vector<16xi32>
      %ne3A_1013 = arith.constant 0 : i32
      %ne3A_1014 = vector.broadcast %ne3A_1013 : i32 to vector<16xi32>
      %ne3A_1015 = arith.cmpi ne, %rem3A_1012, %ne3A_1014 : vector<16xi32>
      %lt3A_1016 = arith.constant 0 : i32
      %lt3A_1017 = vector.broadcast %lt3A_1016 : i32 to vector<16xi32>
      %lt3A_1018 = arith.cmpi slt, %rem3A_1012, %lt3A_1017 : vector<16xi32>
      %lt3A_1019 = arith.constant 0 : i32
      %lt3A_1020 = arith.cmpi slt, %select_n3A_1010, %lt3A_1019 : i32
      %ne3A_1021 = vector.broadcast %lt3A_1020 : i1 to vector<16xi1>
      %ne3A_1022 = vector.broadcast %ne3A_1021 : vector<16xi1> to vector<16xi1>
      %ne3A_1023 = arith.xori %lt3A_1018, %ne3A_1022 : vector<16xi1>
      %and3A_1024 = arith.andi %ne3A_1023, %ne3A_1015 : vector<16xi1>
      %add3A_1025 = vector.broadcast %select_n3A_1010 : i32 to vector<16xi32>
      %add3A_1026 = arith.addi %rem3A_1012, %add3A_1025 : vector<16xi32>
      %select_n3A_1027 = arith.select %and3A_1024, %add3A_1026, %rem3A_1012 : vector<16xi1>, vector<16xi32>
      %jit3A_1028 = arith.constant 10 : i32
      %div3A_1029 = vector.broadcast %jit3A_1028 : i32 to vector<16xi32>
      %div3A_1030 = arith.divsi %select_n3A_1005, %div3A_1029 : vector<16xi32>
      %sign3A_1031 = arith.constant 0 : i32
      %sign3A_1032 = vector.broadcast %sign3A_1031 : i32 to vector<16xi32>
      %sign3A_1033 = arith.cmpi sgt, %select_n3A_1005, %sign3A_1032 : vector<16xi32>
      %sign3A_1034 = arith.extui %sign3A_1033 : vector<16xi1> to vector<16xi32>
      %sign3A_1035 = arith.constant 0 : i32
      %sign3A_1036 = vector.broadcast %sign3A_1035 : i32 to vector<16xi32>
      %sign3A_1037 = arith.cmpi slt, %select_n3A_1005, %sign3A_1036 : vector<16xi32>
      %sign3A_1038 = arith.extui %sign3A_1037 : vector<16xi1> to vector<16xi32>
      %sign3A_1039 = arith.subi %sign3A_1034, %sign3A_1038 : vector<16xi32>
      %sign3A_1040 = arith.constant 0 : i32
      %sign3A_1041 = arith.cmpi sgt, %jit3A_1028, %sign3A_1040 : i32
      %sign3A_1042 = arith.extui %sign3A_1041 : i1 to i32
      %sign3A_1043 = arith.constant 0 : i32
      %sign3A_1044 = arith.cmpi slt, %jit3A_1028, %sign3A_1043 : i32
      %sign3A_1045 = arith.extui %sign3A_1044 : i1 to i32
      %sign3A_1046 = arith.subi %sign3A_1042, %sign3A_1045 : i32
      %ne3A_1047 = vector.broadcast %sign3A_1046 : i32 to vector<16xi32>
      %ne3A_1048 = arith.cmpi ne, %sign3A_1039, %ne3A_1047 : vector<16xi32>
      %rem3A_1049 = vector.broadcast %jit3A_1028 : i32 to vector<16xi32>
      %rem3A_1050 = arith.remsi %select_n3A_1005, %rem3A_1049 : vector<16xi32>
      %ne3A_1051 = arith.constant 0 : i32
      %ne3A_1052 = vector.broadcast %ne3A_1051 : i32 to vector<16xi32>
      %ne3A_1053 = arith.cmpi ne, %rem3A_1050, %ne3A_1052 : vector<16xi32>
      %and3A_1054 = arith.andi %ne3A_1048, %ne3A_1053 : vector<16xi1>
      %sub3A_1055 = arith.constant 1 : i32
      %sub3A_1056 = vector.broadcast %sub3A_1055 : i32 to vector<16xi32>
      %sub3A_1057 = arith.subi %div3A_1030, %sub3A_1056 : vector<16xi32>
      %select_n3A_1058 = arith.select %and3A_1054, %sub3A_1057, %div3A_1030 : vector<16xi1>, vector<16xi32>
      %jit3A_1059 = arith.constant 10 : i32
      %eq3A_1060 = arith.constant 0 : i32
      %eq3A_1061 = arith.cmpi eq, %jit3A_1059, %eq3A_1060 : i32
      %jit3A_1062 = arith.constant 1 : i32
      %select_n3A_1063 = arith.select %eq3A_1061, %jit3A_1062, %jit3A_1059 : i32
      %rem3A_1064 = vector.broadcast %select_n3A_1063 : i32 to vector<16xi32>
      %rem3A_1065 = arith.remsi %select_n3A_1058, %rem3A_1064 : vector<16xi32>
      %ne3A_1066 = arith.constant 0 : i32
      %ne3A_1067 = vector.broadcast %ne3A_1066 : i32 to vector<16xi32>
      %ne3A_1068 = arith.cmpi ne, %rem3A_1065, %ne3A_1067 : vector<16xi32>
      %lt3A_1069 = arith.constant 0 : i32
      %lt3A_1070 = vector.broadcast %lt3A_1069 : i32 to vector<16xi32>
      %lt3A_1071 = arith.cmpi slt, %rem3A_1065, %lt3A_1070 : vector<16xi32>
      %lt3A_1072 = arith.constant 0 : i32
      %lt3A_1073 = arith.cmpi slt, %select_n3A_1063, %lt3A_1072 : i32
      %ne3A_1074 = vector.broadcast %lt3A_1073 : i1 to vector<16xi1>
      %ne3A_1075 = vector.broadcast %ne3A_1074 : vector<16xi1> to vector<16xi1>
      %ne3A_1076 = arith.xori %lt3A_1071, %ne3A_1075 : vector<16xi1>
      %and3A_1077 = arith.andi %ne3A_1076, %ne3A_1068 : vector<16xi1>
      %add3A_1078 = vector.broadcast %select_n3A_1063 : i32 to vector<16xi32>
      %add3A_1079 = arith.addi %rem3A_1065, %add3A_1078 : vector<16xi32>
      %select_n3A_1080 = arith.select %and3A_1077, %add3A_1079, %rem3A_1065 : vector<16xi1>, vector<16xi32>
      %jit3A_1081 = arith.constant 10 : i32
      %div3A_1082 = vector.broadcast %jit3A_1081 : i32 to vector<16xi32>
      %div3A_1083 = arith.divsi %select_n3A_1058, %div3A_1082 : vector<16xi32>
      %sign3A_1084 = arith.constant 0 : i32
      %sign3A_1085 = vector.broadcast %sign3A_1084 : i32 to vector<16xi32>
      %sign3A_1086 = arith.cmpi sgt, %select_n3A_1058, %sign3A_1085 : vector<16xi32>
      %sign3A_1087 = arith.extui %sign3A_1086 : vector<16xi1> to vector<16xi32>
      %sign3A_1088 = arith.constant 0 : i32
      %sign3A_1089 = vector.broadcast %sign3A_1088 : i32 to vector<16xi32>
      %sign3A_1090 = arith.cmpi slt, %select_n3A_1058, %sign3A_1089 : vector<16xi32>
      %sign3A_1091 = arith.extui %sign3A_1090 : vector<16xi1> to vector<16xi32>
      %sign3A_1092 = arith.subi %sign3A_1087, %sign3A_1091 : vector<16xi32>
      %sign3A_1093 = arith.constant 0 : i32
      %sign3A_1094 = arith.cmpi sgt, %jit3A_1081, %sign3A_1093 : i32
      %sign3A_1095 = arith.extui %sign3A_1094 : i1 to i32
      %sign3A_1096 = arith.constant 0 : i32
      %sign3A_1097 = arith.cmpi slt, %jit3A_1081, %sign3A_1096 : i32
      %sign3A_1098 = arith.extui %sign3A_1097 : i1 to i32
      %sign3A_1099 = arith.subi %sign3A_1095, %sign3A_1098 : i32
      %ne3A_1100 = vector.broadcast %sign3A_1099 : i32 to vector<16xi32>
      %ne3A_1101 = arith.cmpi ne, %sign3A_1092, %ne3A_1100 : vector<16xi32>
      %rem3A_1102 = vector.broadcast %jit3A_1081 : i32 to vector<16xi32>
      %rem3A_1103 = arith.remsi %select_n3A_1058, %rem3A_1102 : vector<16xi32>
      %ne3A_1104 = arith.constant 0 : i32
      %ne3A_1105 = vector.broadcast %ne3A_1104 : i32 to vector<16xi32>
      %ne3A_1106 = arith.cmpi ne, %rem3A_1103, %ne3A_1105 : vector<16xi32>
      %and3A_1107 = arith.andi %ne3A_1101, %ne3A_1106 : vector<16xi1>
      %sub3A_1108 = arith.constant 1 : i32
      %sub3A_1109 = vector.broadcast %sub3A_1108 : i32 to vector<16xi32>
      %sub3A_1110 = arith.subi %div3A_1083, %sub3A_1109 : vector<16xi32>
      %select_n3A_1111 = arith.select %and3A_1107, %sub3A_1110, %div3A_1083 : vector<16xi1>, vector<16xi32>
      %sub3A_1112 = arith.constant 1 : i32
      %sub3A_1113 = vector.broadcast %sub3A_1112 : i32 to vector<16xi32>
      %sub3A_1114 = arith.subi %select_n3A_888, %sub3A_1113 : vector<16xi32>
      %sub3A_1115 = arith.constant 0 : i32
      %sub3A_1116 = vector.broadcast %sub3A_1115 : i32 to vector<16xi32>
      %sub3A_1117 = arith.subi %sub3A_1114, %sub3A_1116 : vector<16xi32>
      %eq3A_1118 = arith.constant 1 : i32
      %eq3A_1119 = vector.broadcast %eq3A_1118 : i32 to vector<16xi32>
      %eq3A_1120 = arith.cmpi eq, %sub3A_1117, %eq3A_1119 : vector<16xi32>
      %eq3A_1121 = arith.constant 2 : i32
      %eq3A_1122 = vector.broadcast %eq3A_1121 : i32 to vector<16xi32>
      %eq3A_1123 = arith.cmpi eq, %sub3A_1117, %eq3A_1122 : vector<16xi32>
      %eq3A_1124 = arith.constant 3 : i32
      %eq3A_1125 = vector.broadcast %eq3A_1124 : i32 to vector<16xi32>
      %eq3A_1126 = arith.cmpi eq, %sub3A_1117, %eq3A_1125 : vector<16xi32>
      %eq3A_1127 = arith.constant 4 : i32
      %eq3A_1128 = vector.broadcast %eq3A_1127 : i32 to vector<16xi32>
      %eq3A_1129 = arith.cmpi eq, %sub3A_1117, %eq3A_1128 : vector<16xi32>
      %select_n3A_1130 = arith.select %eq3A_1129, %select_n3A_1111, %select_n3A_921 : vector<16xi1>, vector<16xi32>
      %select_n3A_1131 = arith.select %eq3A_1126, %select_n3A_1080, %select_n3A_1130 : vector<16xi1>, vector<16xi32>
      %select_n3A_1132 = arith.select %eq3A_1123, %select_n3A_1027, %select_n3A_1131 : vector<16xi1>, vector<16xi32>
      %select_n3A_1133 = arith.select %eq3A_1120, %select_n3A_974, %select_n3A_1132 : vector<16xi1>, vector<16xi32>
      %gt3A_1134 = arith.constant 0 : i32
      %gt3A_1135 = vector.broadcast %gt3A_1134 : i32 to vector<16xi32>
      %gt3A_1136 = arith.cmpi sgt, %select_n3A_888, %gt3A_1135 : vector<16xi32>
      %add3A_1137 = arith.constant 0 : i32
      %add3A_1138 = vector.broadcast %add3A_1137 : i32 to vector<16xi32>
      %add3A_1139 = arith.addi %add3A_894, %add3A_1138 : vector<16xi32>
      %jit3A_1140 = arith.constant 255 : i32
      %broadcast_in_dim3A_1141 = vector.broadcast %jit3A_1140 : i32 to vector<16xi32>
      %select_n3A_1142 = arith.select %gt3A_1136, %add3A_1139, %broadcast_in_dim3A_1141 : vector<16xi1>, vector<16xi32>
      tpu.vector_store_idx %arg11[%select_n3A_1142], %select_n3A_1133 : memref<256xi32, #tpu.memory_space<vmem>>[vector<16xi32>], vector<16xi32>,
      %sub3A_1143 = arith.constant 1 : i32
      %sub3A_1144 = vector.broadcast %sub3A_1143 : i32 to vector<16xi32>
      %sub3A_1145 = arith.subi %select_n3A_888, %sub3A_1144 : vector<16xi32>
      %sub3A_1146 = arith.constant 1 : i32
      %sub3A_1147 = vector.broadcast %sub3A_1146 : i32 to vector<16xi32>
      %sub3A_1148 = arith.subi %sub3A_1145, %sub3A_1147 : vector<16xi32>
      %eq3A_1149 = arith.constant 1 : i32
      %eq3A_1150 = vector.broadcast %eq3A_1149 : i32 to vector<16xi32>
      %eq3A_1151 = arith.cmpi eq, %sub3A_1148, %eq3A_1150 : vector<16xi32>
      %eq3A_1152 = arith.constant 2 : i32
      %eq3A_1153 = vector.broadcast %eq3A_1152 : i32 to vector<16xi32>
      %eq3A_1154 = arith.cmpi eq, %sub3A_1148, %eq3A_1153 : vector<16xi32>
      %eq3A_1155 = arith.constant 3 : i32
      %eq3A_1156 = vector.broadcast %eq3A_1155 : i32 to vector<16xi32>
      %eq3A_1157 = arith.cmpi eq, %sub3A_1148, %eq3A_1156 : vector<16xi32>
      %eq3A_1158 = arith.constant 4 : i32
      %eq3A_1159 = vector.broadcast %eq3A_1158 : i32 to vector<16xi32>
      %eq3A_1160 = arith.cmpi eq, %sub3A_1148, %eq3A_1159 : vector<16xi32>
      %select_n3A_1161 = arith.select %eq3A_1160, %select_n3A_1111, %select_n3A_921 : vector<16xi1>, vector<16xi32>
      %select_n3A_1162 = arith.select %eq3A_1157, %select_n3A_1080, %select_n3A_1161 : vector<16xi1>, vector<16xi32>
      %select_n3A_1163 = arith.select %eq3A_1154, %select_n3A_1027, %select_n3A_1162 : vector<16xi1>, vector<16xi32>
      %select_n3A_1164 = arith.select %eq3A_1151, %select_n3A_974, %select_n3A_1163 : vector<16xi1>, vector<16xi32>
      %gt3A_1165 = arith.constant 1 : i32
      %gt3A_1166 = vector.broadcast %gt3A_1165 : i32 to vector<16xi32>
      %gt3A_1167 = arith.cmpi sgt, %select_n3A_888, %gt3A_1166 : vector<16xi32>
      %add3A_1168 = arith.constant 1 : i32
      %add3A_1169 = vector.broadcast %add3A_1168 : i32 to vector<16xi32>
      %add3A_1170 = arith.addi %add3A_894, %add3A_1169 : vector<16xi32>
      %jit3A_1171 = arith.constant 255 : i32
      %broadcast_in_dim3A_1172 = vector.broadcast %jit3A_1171 : i32 to vector<16xi32>
      %select_n3A_1173 = arith.select %gt3A_1167, %add3A_1170, %broadcast_in_dim3A_1172 : vector<16xi1>, vector<16xi32>
      tpu.vector_store_idx %arg11[%select_n3A_1173], %select_n3A_1164 : memref<256xi32, #tpu.memory_space<vmem>>[vector<16xi32>], vector<16xi32>,
      %sub3A_1174 = arith.constant 1 : i32
      %sub3A_1175 = vector.broadcast %sub3A_1174 : i32 to vector<16xi32>
      %sub3A_1176 = arith.subi %select_n3A_888, %sub3A_1175 : vector<16xi32>
      %sub3A_1177 = arith.constant 2 : i32
      %sub3A_1178 = vector.broadcast %sub3A_1177 : i32 to vector<16xi32>
      %sub3A_1179 = arith.subi %sub3A_1176, %sub3A_1178 : vector<16xi32>
      %eq3A_1180 = arith.constant 1 : i32
      %eq3A_1181 = vector.broadcast %eq3A_1180 : i32 to vector<16xi32>
      %eq3A_1182 = arith.cmpi eq, %sub3A_1179, %eq3A_1181 : vector<16xi32>
      %eq3A_1183 = arith.constant 2 : i32
      %eq3A_1184 = vector.broadcast %eq3A_1183 : i32 to vector<16xi32>
      %eq3A_1185 = arith.cmpi eq, %sub3A_1179, %eq3A_1184 : vector<16xi32>
      %eq3A_1186 = arith.constant 3 : i32
      %eq3A_1187 = vector.broadcast %eq3A_1186 : i32 to vector<16xi32>
      %eq3A_1188 = arith.cmpi eq, %sub3A_1179, %eq3A_1187 : vector<16xi32>
      %eq3A_1189 = arith.constant 4 : i32
      %eq3A_1190 = vector.broadcast %eq3A_1189 : i32 to vector<16xi32>
      %eq3A_1191 = arith.cmpi eq, %sub3A_1179, %eq3A_1190 : vector<16xi32>
      %select_n3A_1192 = arith.select %eq3A_1191, %select_n3A_1111, %select_n3A_921 : vector<16xi1>, vector<16xi32>
      %select_n3A_1193 = arith.select %eq3A_1188, %select_n3A_1080, %select_n3A_1192 : vector<16xi1>, vector<16xi32>
      %select_n3A_1194 = arith.select %eq3A_1185, %select_n3A_1027, %select_n3A_1193 : vector<16xi1>, vector<16xi32>
      %select_n3A_1195 = arith.select %eq3A_1182, %select_n3A_974, %select_n3A_1194 : vector<16xi1>, vector<16xi32>
      %gt3A_1196 = arith.constant 2 : i32
      %gt3A_1197 = vector.broadcast %gt3A_1196 : i32 to vector<16xi32>
      %gt3A_1198 = arith.cmpi sgt, %select_n3A_888, %gt3A_1197 : vector<16xi32>
      %add3A_1199 = arith.constant 2 : i32
      %add3A_1200 = vector.broadcast %add3A_1199 : i32 to vector<16xi32>
      %add3A_1201 = arith.addi %add3A_894, %add3A_1200 : vector<16xi32>
      %jit3A_1202 = arith.constant 255 : i32
      %broadcast_in_dim3A_1203 = vector.broadcast %jit3A_1202 : i32 to vector<16xi32>
      %select_n3A_1204 = arith.select %gt3A_1198, %add3A_1201, %broadcast_in_dim3A_1203 : vector<16xi1>, vector<16xi32>
      tpu.vector_store_idx %arg11[%select_n3A_1204], %select_n3A_1195 : memref<256xi32, #tpu.memory_space<vmem>>[vector<16xi32>], vector<16xi32>,
      %sub3A_1205 = arith.constant 1 : i32
      %sub3A_1206 = vector.broadcast %sub3A_1205 : i32 to vector<16xi32>
      %sub3A_1207 = arith.subi %select_n3A_888, %sub3A_1206 : vector<16xi32>
      %sub3A_1208 = arith.constant 3 : i32
      %sub3A_1209 = vector.broadcast %sub3A_1208 : i32 to vector<16xi32>
      %sub3A_1210 = arith.subi %sub3A_1207, %sub3A_1209 : vector<16xi32>
      %eq3A_1211 = arith.constant 1 : i32
      %eq3A_1212 = vector.broadcast %eq3A_1211 : i32 to vector<16xi32>
      %eq3A_1213 = arith.cmpi eq, %sub3A_1210, %eq3A_1212 : vector<16xi32>
      %eq3A_1214 = arith.constant 2 : i32
      %eq3A_1215 = vector.broadcast %eq3A_1214 : i32 to vector<16xi32>
      %eq3A_1216 = arith.cmpi eq, %sub3A_1210, %eq3A_1215 : vector<16xi32>
      %eq3A_1217 = arith.constant 3 : i32
      %eq3A_1218 = vector.broadcast %eq3A_1217 : i32 to vector<16xi32>
      %eq3A_1219 = arith.cmpi eq, %sub3A_1210, %eq3A_1218 : vector<16xi32>
      %eq3A_1220 = arith.constant 4 : i32
      %eq3A_1221 = vector.broadcast %eq3A_1220 : i32 to vector<16xi32>
      %eq3A_1222 = arith.cmpi eq, %sub3A_1210, %eq3A_1221 : vector<16xi32>
      %select_n3A_1223 = arith.select %eq3A_1222, %select_n3A_1111, %select_n3A_921 : vector<16xi1>, vector<16xi32>
      %select_n3A_1224 = arith.select %eq3A_1219, %select_n3A_1080, %select_n3A_1223 : vector<16xi1>, vector<16xi32>
      %select_n3A_1225 = arith.select %eq3A_1216, %select_n3A_1027, %select_n3A_1224 : vector<16xi1>, vector<16xi32>
      %select_n3A_1226 = arith.select %eq3A_1213, %select_n3A_974, %select_n3A_1225 : vector<16xi1>, vector<16xi32>
      %gt3A_1227 = arith.constant 3 : i32
      %gt3A_1228 = vector.broadcast %gt3A_1227 : i32 to vector<16xi32>
      %gt3A_1229 = arith.cmpi sgt, %select_n3A_888, %gt3A_1228 : vector<16xi32>
      %add3A_1230 = arith.constant 3 : i32
      %add3A_1231 = vector.broadcast %add3A_1230 : i32 to vector<16xi32>
      %add3A_1232 = arith.addi %add3A_894, %add3A_1231 : vector<16xi32>
      %jit3A_1233 = arith.constant 255 : i32
      %broadcast_in_dim3A_1234 = vector.broadcast %jit3A_1233 : i32 to vector<16xi32>
      %select_n3A_1235 = arith.select %gt3A_1229, %add3A_1232, %broadcast_in_dim3A_1234 : vector<16xi1>, vector<16xi32>
      tpu.vector_store_idx %arg11[%select_n3A_1235], %select_n3A_1226 : memref<256xi32, #tpu.memory_space<vmem>>[vector<16xi32>], vector<16xi32>,
      %sub3A_1236 = arith.constant 1 : i32
      %sub3A_1237 = vector.broadcast %sub3A_1236 : i32 to vector<16xi32>
      %sub3A_1238 = arith.subi %select_n3A_888, %sub3A_1237 : vector<16xi32>
      %sub3A_1239 = arith.constant 4 : i32
      %sub3A_1240 = vector.broadcast %sub3A_1239 : i32 to vector<16xi32>
      %sub3A_1241 = arith.subi %sub3A_1238, %sub3A_1240 : vector<16xi32>
      %eq3A_1242 = arith.constant 1 : i32
      %eq3A_1243 = vector.broadcast %eq3A_1242 : i32 to vector<16xi32>
      %eq3A_1244 = arith.cmpi eq, %sub3A_1241, %eq3A_1243 : vector<16xi32>
      %eq3A_1245 = arith.constant 2 : i32
      %eq3A_1246 = vector.broadcast %eq3A_1245 : i32 to vector<16xi32>
      %eq3A_1247 = arith.cmpi eq, %sub3A_1241, %eq3A_1246 : vector<16xi32>
      %eq3A_1248 = arith.constant 3 : i32
      %eq3A_1249 = vector.broadcast %eq3A_1248 : i32 to vector<16xi32>
      %eq3A_1250 = arith.cmpi eq, %sub3A_1241, %eq3A_1249 : vector<16xi32>
      %eq3A_1251 = arith.constant 4 : i32
      %eq3A_1252 = vector.broadcast %eq3A_1251 : i32 to vector<16xi32>
      %eq3A_1253 = arith.cmpi eq, %sub3A_1241, %eq3A_1252 : vector<16xi32>
      %select_n3A_1254 = arith.select %eq3A_1253, %select_n3A_1111, %select_n3A_921 : vector<16xi1>, vector<16xi32>
      %select_n3A_1255 = arith.select %eq3A_1250, %select_n3A_1080, %select_n3A_1254 : vector<16xi1>, vector<16xi32>
      %select_n3A_1256 = arith.select %eq3A_1247, %select_n3A_1027, %select_n3A_1255 : vector<16xi1>, vector<16xi32>
      %select_n3A_1257 = arith.select %eq3A_1244, %select_n3A_974, %select_n3A_1256 : vector<16xi1>, vector<16xi32>
      %gt3A_1258 = arith.constant 4 : i32
      %gt3A_1259 = vector.broadcast %gt3A_1258 : i32 to vector<16xi32>
      %gt3A_1260 = arith.cmpi sgt, %select_n3A_888, %gt3A_1259 : vector<16xi32>
      %add3A_1261 = arith.constant 4 : i32
      %add3A_1262 = vector.broadcast %add3A_1261 : i32 to vector<16xi32>
      %add3A_1263 = arith.addi %add3A_894, %add3A_1262 : vector<16xi32>
      %jit3A_1264 = arith.constant 255 : i32
      %broadcast_in_dim3A_1265 = vector.broadcast %jit3A_1264 : i32 to vector<16xi32>
      %select_n3A_1266 = arith.select %gt3A_1260, %add3A_1263, %broadcast_in_dim3A_1265 : vector<16xi1>, vector<16xi32>
      tpu.vector_store_idx %arg11[%select_n3A_1266], %select_n3A_1257 : memref<256xi32, #tpu.memory_space<vmem>>[vector<16xi32>], vector<16xi32>,
      %get3A_1267 = arith.constant 48 : index
      %get3A_1268 = tpu.vector_load %arg10[%get3A_1267] {strides = array<i32>} : memref<64xi32, #tpu.memory_space<vmem>>, vector<16xi32>,
      %ge3A_1269 = arith.constant 10 : i32
      %ge3A_1270 = vector.broadcast %ge3A_1269 : i32 to vector<16xi32>
      %ge3A_1271 = arith.cmpi sge, %get3A_1268, %ge3A_1270 : vector<16xi32>
      %convert_element_type3A_1272 = arith.extui %ge3A_1271 : vector<16xi1> to vector<16xi32>
      %add3A_1273 = arith.constant 1 : i32
      %add3A_1274 = vector.broadcast %add3A_1273 : i32 to vector<16xi32>
      %add3A_1275 = arith.addi %add3A_1274, %convert_element_type3A_1272 : vector<16xi32>
      %ge3A_1276 = arith.constant 100 : i32
      %ge3A_1277 = vector.broadcast %ge3A_1276 : i32 to vector<16xi32>
      %ge3A_1278 = arith.cmpi sge, %get3A_1268, %ge3A_1277 : vector<16xi32>
      %convert_element_type3A_1279 = arith.extui %ge3A_1278 : vector<16xi1> to vector<16xi32>
      %add3A_1280 = arith.addi %add3A_1275, %convert_element_type3A_1279 : vector<16xi32>
      %ge3A_1281 = arith.constant 1000 : i32
      %ge3A_1282 = vector.broadcast %ge3A_1281 : i32 to vector<16xi32>
      %ge3A_1283 = arith.cmpi sge, %get3A_1268, %ge3A_1282 : vector<16xi32>
      %convert_element_type3A_1284 = arith.extui %ge3A_1283 : vector<16xi1> to vector<16xi32>
      %add3A_1285 = arith.addi %add3A_1280, %convert_element_type3A_1284 : vector<16xi32>
      %ge3A_1286 = arith.constant 10000 : i32
      %ge3A_1287 = vector.broadcast %ge3A_1286 : i32 to vector<16xi32>
      %ge3A_1288 = arith.cmpi sge, %get3A_1268, %ge3A_1287 : vector<16xi32>
      %convert_element_type3A_1289 = arith.extui %ge3A_1288 : vector<16xi1> to vector<16xi32>
      %add3A_1290 = arith.addi %add3A_1285, %convert_element_type3A_1289 : vector<16xi32>
      %add3A_1291 = arith.constant 48 : i32
      %add3A_1292 = vector.broadcast %add3A_1291 : i32 to vector<16xi32>
      %add3A_1293 = arith.addi %iota3A, %add3A_1292 : vector<16xi32>
      %lt3A_1294 = arith.constant 50 : i32
      %lt3A_1295 = vector.broadcast %lt3A_1294 : i32 to vector<16xi32>
      %lt3A_1296 = arith.cmpi slt, %add3A_1293, %lt3A_1295 : vector<16xi32>
      %jit3A_1297 = arith.constant 0 : i32
      %broadcast_in_dim3A_1298 = vector.broadcast %jit3A_1297 : i32 to vector<16xi32>
      %select_n3A_1299 = arith.select %lt3A_1296, %add3A_1290, %broadcast_in_dim3A_1298 : vector<16xi1>, vector<16xi32>
      %broadcast_in_dim3A_1300 = arith.constant true
      %broadcast_in_dim3A_1301 = vector.broadcast %broadcast_in_dim3A_1300 : i1 to vector<16xi1>
      %masked_cumsum3A_1302 = tpu.scan <sum>, %select_n3A_1299 masked %broadcast_in_dim3A_1301 : vector<16xi32>, vector<16xi1> -> vector<16xi32>
      %sub3A_1303 = arith.subi %masked_cumsum3A_1302, %select_n3A_1299 : vector<16xi32>
      %add3A_1304 = vector.broadcast %add3A_899 : i32 to vector<16xi32>
      %add3A_1305 = arith.addi %sub3A_1303, %add3A_1304 : vector<16xi32>
      %reduce_sum3A_1306 = arith.constant true
      %reduce_sum3A_1307 = vector.broadcast %reduce_sum3A_1306 : i1 to vector<16xi1>
      %reduce_sum3A_1308 = tpu.scan <sum>, %select_n3A_1299 masked %reduce_sum3A_1307 : vector<16xi32>, vector<16xi1> -> vector<16xi32>
      %reduce_sum3A_1309 = vector.extract %reduce_sum3A_1308[15] : i32 from vector<16xi32>
      %add3A_1310 = arith.addi %add3A_899, %reduce_sum3A_1309 : i32
      %jit3A_1311 = arith.constant 10 : i32
      %eq3A_1312 = arith.constant 0 : i32
      %eq3A_1313 = arith.cmpi eq, %jit3A_1311, %eq3A_1312 : i32
      %jit3A_1314 = arith.constant 1 : i32
      %select_n3A_1315 = arith.select %eq3A_1313, %jit3A_1314, %jit3A_1311 : i32
      %rem3A_1316 = vector.broadcast %select_n3A_1315 : i32 to vector<16xi32>
      %rem3A_1317 = arith.remsi %get3A_1268, %rem3A_1316 : vector<16xi32>
      %ne3A_1318 = arith.constant 0 : i32
      %ne3A_1319 = vector.broadcast %ne3A_1318 : i32 to vector<16xi32>
      %ne3A_1320 = arith.cmpi ne, %rem3A_1317, %ne3A_1319 : vector<16xi32>
      %lt3A_1321 = arith.constant 0 : i32
      %lt3A_1322 = vector.broadcast %lt3A_1321 : i32 to vector<16xi32>
      %lt3A_1323 = arith.cmpi slt, %rem3A_1317, %lt3A_1322 : vector<16xi32>
      %lt3A_1324 = arith.constant 0 : i32
      %lt3A_1325 = arith.cmpi slt, %select_n3A_1315, %lt3A_1324 : i32
      %ne3A_1326 = vector.broadcast %lt3A_1325 : i1 to vector<16xi1>
      %ne3A_1327 = vector.broadcast %ne3A_1326 : vector<16xi1> to vector<16xi1>
      %ne3A_1328 = arith.xori %lt3A_1323, %ne3A_1327 : vector<16xi1>
      %and3A_1329 = arith.andi %ne3A_1328, %ne3A_1320 : vector<16xi1>
      %add3A_1330 = vector.broadcast %select_n3A_1315 : i32 to vector<16xi32>
      %add3A_1331 = arith.addi %rem3A_1317, %add3A_1330 : vector<16xi32>
      %select_n3A_1332 = arith.select %and3A_1329, %add3A_1331, %rem3A_1317 : vector<16xi1>, vector<16xi32>
      %jit3A_1333 = arith.constant 10 : i32
      %div3A_1334 = vector.broadcast %jit3A_1333 : i32 to vector<16xi32>
      %div3A_1335 = arith.divsi %get3A_1268, %div3A_1334 : vector<16xi32>
      %sign3A_1336 = arith.constant 0 : i32
      %sign3A_1337 = vector.broadcast %sign3A_1336 : i32 to vector<16xi32>
      %sign3A_1338 = arith.cmpi sgt, %get3A_1268, %sign3A_1337 : vector<16xi32>
      %sign3A_1339 = arith.extui %sign3A_1338 : vector<16xi1> to vector<16xi32>
      %sign3A_1340 = arith.constant 0 : i32
      %sign3A_1341 = vector.broadcast %sign3A_1340 : i32 to vector<16xi32>
      %sign3A_1342 = arith.cmpi slt, %get3A_1268, %sign3A_1341 : vector<16xi32>
      %sign3A_1343 = arith.extui %sign3A_1342 : vector<16xi1> to vector<16xi32>
      %sign3A_1344 = arith.subi %sign3A_1339, %sign3A_1343 : vector<16xi32>
      %sign3A_1345 = arith.constant 0 : i32
      %sign3A_1346 = arith.cmpi sgt, %jit3A_1333, %sign3A_1345 : i32
      %sign3A_1347 = arith.extui %sign3A_1346 : i1 to i32
      %sign3A_1348 = arith.constant 0 : i32
      %sign3A_1349 = arith.cmpi slt, %jit3A_1333, %sign3A_1348 : i32
      %sign3A_1350 = arith.extui %sign3A_1349 : i1 to i32
      %sign3A_1351 = arith.subi %sign3A_1347, %sign3A_1350 : i32
      %ne3A_1352 = vector.broadcast %sign3A_1351 : i32 to vector<16xi32>
      %ne3A_1353 = arith.cmpi ne, %sign3A_1344, %ne3A_1352 : vector<16xi32>
      %rem3A_1354 = vector.broadcast %jit3A_1333 : i32 to vector<16xi32>
      %rem3A_1355 = arith.remsi %get3A_1268, %rem3A_1354 : vector<16xi32>
      %ne3A_1356 = arith.constant 0 : i32
      %ne3A_1357 = vector.broadcast %ne3A_1356 : i32 to vector<16xi32>
      %ne3A_1358 = arith.cmpi ne, %rem3A_1355, %ne3A_1357 : vector<16xi32>
      %and3A_1359 = arith.andi %ne3A_1353, %ne3A_1358 : vector<16xi1>
      %sub3A_1360 = arith.constant 1 : i32
      %sub3A_1361 = vector.broadcast %sub3A_1360 : i32 to vector<16xi32>
      %sub3A_1362 = arith.subi %div3A_1335, %sub3A_1361 : vector<16xi32>
      %select_n3A_1363 = arith.select %and3A_1359, %sub3A_1362, %div3A_1335 : vector<16xi1>, vector<16xi32>
      %jit3A_1364 = arith.constant 10 : i32
      %eq3A_1365 = arith.constant 0 : i32
      %eq3A_1366 = arith.cmpi eq, %jit3A_1364, %eq3A_1365 : i32
      %jit3A_1367 = arith.constant 1 : i32
      %select_n3A_1368 = arith.select %eq3A_1366, %jit3A_1367, %jit3A_1364 : i32
      %rem3A_1369 = vector.broadcast %select_n3A_1368 : i32 to vector<16xi32>
      %rem3A_1370 = arith.remsi %select_n3A_1363, %rem3A_1369 : vector<16xi32>
      %ne3A_1371 = arith.constant 0 : i32
      %ne3A_1372 = vector.broadcast %ne3A_1371 : i32 to vector<16xi32>
      %ne3A_1373 = arith.cmpi ne, %rem3A_1370, %ne3A_1372 : vector<16xi32>
      %lt3A_1374 = arith.constant 0 : i32
      %lt3A_1375 = vector.broadcast %lt3A_1374 : i32 to vector<16xi32>
      %lt3A_1376 = arith.cmpi slt, %rem3A_1370, %lt3A_1375 : vector<16xi32>
      %lt3A_1377 = arith.constant 0 : i32
      %lt3A_1378 = arith.cmpi slt, %select_n3A_1368, %lt3A_1377 : i32
      %ne3A_1379 = vector.broadcast %lt3A_1378 : i1 to vector<16xi1>
      %ne3A_1380 = vector.broadcast %ne3A_1379 : vector<16xi1> to vector<16xi1>
      %ne3A_1381 = arith.xori %lt3A_1376, %ne3A_1380 : vector<16xi1>
      %and3A_1382 = arith.andi %ne3A_1381, %ne3A_1373 : vector<16xi1>
      %add3A_1383 = vector.broadcast %select_n3A_1368 : i32 to vector<16xi32>
      %add3A_1384 = arith.addi %rem3A_1370, %add3A_1383 : vector<16xi32>
      %select_n3A_1385 = arith.select %and3A_1382, %add3A_1384, %rem3A_1370 : vector<16xi1>, vector<16xi32>
      %jit3A_1386 = arith.constant 10 : i32
      %div3A_1387 = vector.broadcast %jit3A_1386 : i32 to vector<16xi32>
      %div3A_1388 = arith.divsi %select_n3A_1363, %div3A_1387 : vector<16xi32>
      %sign3A_1389 = arith.constant 0 : i32
      %sign3A_1390 = vector.broadcast %sign3A_1389 : i32 to vector<16xi32>
      %sign3A_1391 = arith.cmpi sgt, %select_n3A_1363, %sign3A_1390 : vector<16xi32>
      %sign3A_1392 = arith.extui %sign3A_1391 : vector<16xi1> to vector<16xi32>
      %sign3A_1393 = arith.constant 0 : i32
      %sign3A_1394 = vector.broadcast %sign3A_1393 : i32 to vector<16xi32>
      %sign3A_1395 = arith.cmpi slt, %select_n3A_1363, %sign3A_1394 : vector<16xi32>
      %sign3A_1396 = arith.extui %sign3A_1395 : vector<16xi1> to vector<16xi32>
      %sign3A_1397 = arith.subi %sign3A_1392, %sign3A_1396 : vector<16xi32>
      %sign3A_1398 = arith.constant 0 : i32
      %sign3A_1399 = arith.cmpi sgt, %jit3A_1386, %sign3A_1398 : i32
      %sign3A_1400 = arith.extui %sign3A_1399 : i1 to i32
      %sign3A_1401 = arith.constant 0 : i32
      %sign3A_1402 = arith.cmpi slt, %jit3A_1386, %sign3A_1401 : i32
      %sign3A_1403 = arith.extui %sign3A_1402 : i1 to i32
      %sign3A_1404 = arith.subi %sign3A_1400, %sign3A_1403 : i32
      %ne3A_1405 = vector.broadcast %sign3A_1404 : i32 to vector<16xi32>
      %ne3A_1406 = arith.cmpi ne, %sign3A_1397, %ne3A_1405 : vector<16xi32>
      %rem3A_1407 = vector.broadcast %jit3A_1386 : i32 to vector<16xi32>
      %rem3A_1408 = arith.remsi %select_n3A_1363, %rem3A_1407 : vector<16xi32>
      %ne3A_1409 = arith.constant 0 : i32
      %ne3A_1410 = vector.broadcast %ne3A_1409 : i32 to vector<16xi32>
      %ne3A_1411 = arith.cmpi ne, %rem3A_1408, %ne3A_1410 : vector<16xi32>
      %and3A_1412 = arith.andi %ne3A_1406, %ne3A_1411 : vector<16xi1>
      %sub3A_1413 = arith.constant 1 : i32
      %sub3A_1414 = vector.broadcast %sub3A_1413 : i32 to vector<16xi32>
      %sub3A_1415 = arith.subi %div3A_1388, %sub3A_1414 : vector<16xi32>
      %select_n3A_1416 = arith.select %and3A_1412, %sub3A_1415, %div3A_1388 : vector<16xi1>, vector<16xi32>
      %jit3A_1417 = arith.constant 10 : i32
      %eq3A_1418 = arith.constant 0 : i32
      %eq3A_1419 = arith.cmpi eq, %jit3A_1417, %eq3A_1418 : i32
      %jit3A_1420 = arith.constant 1 : i32
      %select_n3A_1421 = arith.select %eq3A_1419, %jit3A_1420, %jit3A_1417 : i32
      %rem3A_1422 = vector.broadcast %select_n3A_1421 : i32 to vector<16xi32>
      %rem3A_1423 = arith.remsi %select_n3A_1416, %rem3A_1422 : vector<16xi32>
      %ne3A_1424 = arith.constant 0 : i32
      %ne3A_1425 = vector.broadcast %ne3A_1424 : i32 to vector<16xi32>
      %ne3A_1426 = arith.cmpi ne, %rem3A_1423, %ne3A_1425 : vector<16xi32>
      %lt3A_1427 = arith.constant 0 : i32
      %lt3A_1428 = vector.broadcast %lt3A_1427 : i32 to vector<16xi32>
      %lt3A_1429 = arith.cmpi slt, %rem3A_1423, %lt3A_1428 : vector<16xi32>
      %lt3A_1430 = arith.constant 0 : i32
      %lt3A_1431 = arith.cmpi slt, %select_n3A_1421, %lt3A_1430 : i32
      %ne3A_1432 = vector.broadcast %lt3A_1431 : i1 to vector<16xi1>
      %ne3A_1433 = vector.broadcast %ne3A_1432 : vector<16xi1> to vector<16xi1>
      %ne3A_1434 = arith.xori %lt3A_1429, %ne3A_1433 : vector<16xi1>
      %and3A_1435 = arith.andi %ne3A_1434, %ne3A_1426 : vector<16xi1>
      %add3A_1436 = vector.broadcast %select_n3A_1421 : i32 to vector<16xi32>
      %add3A_1437 = arith.addi %rem3A_1423, %add3A_1436 : vector<16xi32>
      %select_n3A_1438 = arith.select %and3A_1435, %add3A_1437, %rem3A_1423 : vector<16xi1>, vector<16xi32>
      %jit3A_1439 = arith.constant 10 : i32
      %div3A_1440 = vector.broadcast %jit3A_1439 : i32 to vector<16xi32>
      %div3A_1441 = arith.divsi %select_n3A_1416, %div3A_1440 : vector<16xi32>
      %sign3A_1442 = arith.constant 0 : i32
      %sign3A_1443 = vector.broadcast %sign3A_1442 : i32 to vector<16xi32>
      %sign3A_1444 = arith.cmpi sgt, %select_n3A_1416, %sign3A_1443 : vector<16xi32>
      %sign3A_1445 = arith.extui %sign3A_1444 : vector<16xi1> to vector<16xi32>
      %sign3A_1446 = arith.constant 0 : i32
      %sign3A_1447 = vector.broadcast %sign3A_1446 : i32 to vector<16xi32>
      %sign3A_1448 = arith.cmpi slt, %select_n3A_1416, %sign3A_1447 : vector<16xi32>
      %sign3A_1449 = arith.extui %sign3A_1448 : vector<16xi1> to vector<16xi32>
      %sign3A_1450 = arith.subi %sign3A_1445, %sign3A_1449 : vector<16xi32>
      %sign3A_1451 = arith.constant 0 : i32
      %sign3A_1452 = arith.cmpi sgt, %jit3A_1439, %sign3A_1451 : i32
      %sign3A_1453 = arith.extui %sign3A_1452 : i1 to i32
      %sign3A_1454 = arith.constant 0 : i32
      %sign3A_1455 = arith.cmpi slt, %jit3A_1439, %sign3A_1454 : i32
      %sign3A_1456 = arith.extui %sign3A_1455 : i1 to i32
      %sign3A_1457 = arith.subi %sign3A_1453, %sign3A_1456 : i32
      %ne3A_1458 = vector.broadcast %sign3A_1457 : i32 to vector<16xi32>
      %ne3A_1459 = arith.cmpi ne, %sign3A_1450, %ne3A_1458 : vector<16xi32>
      %rem3A_1460 = vector.broadcast %jit3A_1439 : i32 to vector<16xi32>
      %rem3A_1461 = arith.remsi %select_n3A_1416, %rem3A_1460 : vector<16xi32>
      %ne3A_1462 = arith.constant 0 : i32
      %ne3A_1463 = vector.broadcast %ne3A_1462 : i32 to vector<16xi32>
      %ne3A_1464 = arith.cmpi ne, %rem3A_1461, %ne3A_1463 : vector<16xi32>
      %and3A_1465 = arith.andi %ne3A_1459, %ne3A_1464 : vector<16xi1>
      %sub3A_1466 = arith.constant 1 : i32
      %sub3A_1467 = vector.broadcast %sub3A_1466 : i32 to vector<16xi32>
      %sub3A_1468 = arith.subi %div3A_1441, %sub3A_1467 : vector<16xi32>
      %select_n3A_1469 = arith.select %and3A_1465, %sub3A_1468, %div3A_1441 : vector<16xi1>, vector<16xi32>
      %jit3A_1470 = arith.constant 10 : i32
      %eq3A_1471 = arith.constant 0 : i32
      %eq3A_1472 = arith.cmpi eq, %jit3A_1470, %eq3A_1471 : i32
      %jit3A_1473 = arith.constant 1 : i32
      %select_n3A_1474 = arith.select %eq3A_1472, %jit3A_1473, %jit3A_1470 : i32
      %rem3A_1475 = vector.broadcast %select_n3A_1474 : i32 to vector<16xi32>
      %rem3A_1476 = arith.remsi %select_n3A_1469, %rem3A_1475 : vector<16xi32>
      %ne3A_1477 = arith.constant 0 : i32
      %ne3A_1478 = vector.broadcast %ne3A_1477 : i32 to vector<16xi32>
      %ne3A_1479 = arith.cmpi ne, %rem3A_1476, %ne3A_1478 : vector<16xi32>
      %lt3A_1480 = arith.constant 0 : i32
      %lt3A_1481 = vector.broadcast %lt3A_1480 : i32 to vector<16xi32>
      %lt3A_1482 = arith.cmpi slt, %rem3A_1476, %lt3A_1481 : vector<16xi32>
      %lt3A_1483 = arith.constant 0 : i32
      %lt3A_1484 = arith.cmpi slt, %select_n3A_1474, %lt3A_1483 : i32
      %ne3A_1485 = vector.broadcast %lt3A_1484 : i1 to vector<16xi1>
      %ne3A_1486 = vector.broadcast %ne3A_1485 : vector<16xi1> to vector<16xi1>
      %ne3A_1487 = arith.xori %lt3A_1482, %ne3A_1486 : vector<16xi1>
      %and3A_1488 = arith.andi %ne3A_1487, %ne3A_1479 : vector<16xi1>
      %add3A_1489 = vector.broadcast %select_n3A_1474 : i32 to vector<16xi32>
      %add3A_1490 = arith.addi %rem3A_1476, %add3A_1489 : vector<16xi32>
      %select_n3A_1491 = arith.select %and3A_1488, %add3A_1490, %rem3A_1476 : vector<16xi1>, vector<16xi32>
      %jit3A_1492 = arith.constant 10 : i32
      %div3A_1493 = vector.broadcast %jit3A_1492 : i32 to vector<16xi32>
      %div3A_1494 = arith.divsi %select_n3A_1469, %div3A_1493 : vector<16xi32>
      %sign3A_1495 = arith.constant 0 : i32
      %sign3A_1496 = vector.broadcast %sign3A_1495 : i32 to vector<16xi32>
      %sign3A_1497 = arith.cmpi sgt, %select_n3A_1469, %sign3A_1496 : vector<16xi32>
      %sign3A_1498 = arith.extui %sign3A_1497 : vector<16xi1> to vector<16xi32>
      %sign3A_1499 = arith.constant 0 : i32
      %sign3A_1500 = vector.broadcast %sign3A_1499 : i32 to vector<16xi32>
      %sign3A_1501 = arith.cmpi slt, %select_n3A_1469, %sign3A_1500 : vector<16xi32>
      %sign3A_1502 = arith.extui %sign3A_1501 : vector<16xi1> to vector<16xi32>
      %sign3A_1503 = arith.subi %sign3A_1498, %sign3A_1502 : vector<16xi32>
      %sign3A_1504 = arith.constant 0 : i32
      %sign3A_1505 = arith.cmpi sgt, %jit3A_1492, %sign3A_1504 : i32
      %sign3A_1506 = arith.extui %sign3A_1505 : i1 to i32
      %sign3A_1507 = arith.constant 0 : i32
      %sign3A_1508 = arith.cmpi slt, %jit3A_1492, %sign3A_1507 : i32
      %sign3A_1509 = arith.extui %sign3A_1508 : i1 to i32
      %sign3A_1510 = arith.subi %sign3A_1506, %sign3A_1509 : i32
      %ne3A_1511 = vector.broadcast %sign3A_1510 : i32 to vector<16xi32>
      %ne3A_1512 = arith.cmpi ne, %sign3A_1503, %ne3A_1511 : vector<16xi32>
      %rem3A_1513 = vector.broadcast %jit3A_1492 : i32 to vector<16xi32>
      %rem3A_1514 = arith.remsi %select_n3A_1469, %rem3A_1513 : vector<16xi32>
      %ne3A_1515 = arith.constant 0 : i32
      %ne3A_1516 = vector.broadcast %ne3A_1515 : i32 to vector<16xi32>
      %ne3A_1517 = arith.cmpi ne, %rem3A_1514, %ne3A_1516 : vector<16xi32>
      %and3A_1518 = arith.andi %ne3A_1512, %ne3A_1517 : vector<16xi1>
      %sub3A_1519 = arith.constant 1 : i32
      %sub3A_1520 = vector.broadcast %sub3A_1519 : i32 to vector<16xi32>
      %sub3A_1521 = arith.subi %div3A_1494, %sub3A_1520 : vector<16xi32>
      %select_n3A_1522 = arith.select %and3A_1518, %sub3A_1521, %div3A_1494 : vector<16xi1>, vector<16xi32>
      %sub3A_1523 = arith.constant 1 : i32
      %sub3A_1524 = vector.broadcast %sub3A_1523 : i32 to vector<16xi32>
      %sub3A_1525 = arith.subi %select_n3A_1299, %sub3A_1524 : vector<16xi32>
      %sub3A_1526 = arith.constant 0 : i32
      %sub3A_1527 = vector.broadcast %sub3A_1526 : i32 to vector<16xi32>
      %sub3A_1528 = arith.subi %sub3A_1525, %sub3A_1527 : vector<16xi32>
      %eq3A_1529 = arith.constant 1 : i32
      %eq3A_1530 = vector.broadcast %eq3A_1529 : i32 to vector<16xi32>
      %eq3A_1531 = arith.cmpi eq, %sub3A_1528, %eq3A_1530 : vector<16xi32>
      %eq3A_1532 = arith.constant 2 : i32
      %eq3A_1533 = vector.broadcast %eq3A_1532 : i32 to vector<16xi32>
      %eq3A_1534 = arith.cmpi eq, %sub3A_1528, %eq3A_1533 : vector<16xi32>
      %eq3A_1535 = arith.constant 3 : i32
      %eq3A_1536 = vector.broadcast %eq3A_1535 : i32 to vector<16xi32>
      %eq3A_1537 = arith.cmpi eq, %sub3A_1528, %eq3A_1536 : vector<16xi32>
      %eq3A_1538 = arith.constant 4 : i32
      %eq3A_1539 = vector.broadcast %eq3A_1538 : i32 to vector<16xi32>
      %eq3A_1540 = arith.cmpi eq, %sub3A_1528, %eq3A_1539 : vector<16xi32>
      %select_n3A_1541 = arith.select %eq3A_1540, %select_n3A_1522, %select_n3A_1332 : vector<16xi1>, vector<16xi32>
      %select_n3A_1542 = arith.select %eq3A_1537, %select_n3A_1491, %select_n3A_1541 : vector<16xi1>, vector<16xi32>
      %select_n3A_1543 = arith.select %eq3A_1534, %select_n3A_1438, %select_n3A_1542 : vector<16xi1>, vector<16xi32>
      %select_n3A_1544 = arith.select %eq3A_1531, %select_n3A_1385, %select_n3A_1543 : vector<16xi1>, vector<16xi32>
      %gt3A_1545 = arith.constant 0 : i32
      %gt3A_1546 = vector.broadcast %gt3A_1545 : i32 to vector<16xi32>
      %gt3A_1547 = arith.cmpi sgt, %select_n3A_1299, %gt3A_1546 : vector<16xi32>
      %add3A_1548 = arith.constant 0 : i32
      %add3A_1549 = vector.broadcast %add3A_1548 : i32 to vector<16xi32>
      %add3A_1550 = arith.addi %add3A_1305, %add3A_1549 : vector<16xi32>
      %jit3A_1551 = arith.constant 255 : i32
      %broadcast_in_dim3A_1552 = vector.broadcast %jit3A_1551 : i32 to vector<16xi32>
      %select_n3A_1553 = arith.select %gt3A_1547, %add3A_1550, %broadcast_in_dim3A_1552 : vector<16xi1>, vector<16xi32>
      tpu.vector_store_idx %arg11[%select_n3A_1553], %select_n3A_1544 : memref<256xi32, #tpu.memory_space<vmem>>[vector<16xi32>], vector<16xi32>,
      %sub3A_1554 = arith.constant 1 : i32
      %sub3A_1555 = vector.broadcast %sub3A_1554 : i32 to vector<16xi32>
      %sub3A_1556 = arith.subi %select_n3A_1299, %sub3A_1555 : vector<16xi32>
      %sub3A_1557 = arith.constant 1 : i32
      %sub3A_1558 = vector.broadcast %sub3A_1557 : i32 to vector<16xi32>
      %sub3A_1559 = arith.subi %sub3A_1556, %sub3A_1558 : vector<16xi32>
      %eq3A_1560 = arith.constant 1 : i32
      %eq3A_1561 = vector.broadcast %eq3A_1560 : i32 to vector<16xi32>
      %eq3A_1562 = arith.cmpi eq, %sub3A_1559, %eq3A_1561 : vector<16xi32>
      %eq3A_1563 = arith.constant 2 : i32
      %eq3A_1564 = vector.broadcast %eq3A_1563 : i32 to vector<16xi32>
      %eq3A_1565 = arith.cmpi eq, %sub3A_1559, %eq3A_1564 : vector<16xi32>
      %eq3A_1566 = arith.constant 3 : i32
      %eq3A_1567 = vector.broadcast %eq3A_1566 : i32 to vector<16xi32>
      %eq3A_1568 = arith.cmpi eq, %sub3A_1559, %eq3A_1567 : vector<16xi32>
      %eq3A_1569 = arith.constant 4 : i32
      %eq3A_1570 = vector.broadcast %eq3A_1569 : i32 to vector<16xi32>
      %eq3A_1571 = arith.cmpi eq, %sub3A_1559, %eq3A_1570 : vector<16xi32>
      %select_n3A_1572 = arith.select %eq3A_1571, %select_n3A_1522, %select_n3A_1332 : vector<16xi1>, vector<16xi32>
      %select_n3A_1573 = arith.select %eq3A_1568, %select_n3A_1491, %select_n3A_1572 : vector<16xi1>, vector<16xi32>
      %select_n3A_1574 = arith.select %eq3A_1565, %select_n3A_1438, %select_n3A_1573 : vector<16xi1>, vector<16xi32>
      %select_n3A_1575 = arith.select %eq3A_1562, %select_n3A_1385, %select_n3A_1574 : vector<16xi1>, vector<16xi32>
      %gt3A_1576 = arith.constant 1 : i32
      %gt3A_1577 = vector.broadcast %gt3A_1576 : i32 to vector<16xi32>
      %gt3A_1578 = arith.cmpi sgt, %select_n3A_1299, %gt3A_1577 : vector<16xi32>
      %add3A_1579 = arith.constant 1 : i32
      %add3A_1580 = vector.broadcast %add3A_1579 : i32 to vector<16xi32>
      %add3A_1581 = arith.addi %add3A_1305, %add3A_1580 : vector<16xi32>
      %jit3A_1582 = arith.constant 255 : i32
      %broadcast_in_dim3A_1583 = vector.broadcast %jit3A_1582 : i32 to vector<16xi32>
      %select_n3A_1584 = arith.select %gt3A_1578, %add3A_1581, %broadcast_in_dim3A_1583 : vector<16xi1>, vector<16xi32>
      tpu.vector_store_idx %arg11[%select_n3A_1584], %select_n3A_1575 : memref<256xi32, #tpu.memory_space<vmem>>[vector<16xi32>], vector<16xi32>,
      %sub3A_1585 = arith.constant 1 : i32
      %sub3A_1586 = vector.broadcast %sub3A_1585 : i32 to vector<16xi32>
      %sub3A_1587 = arith.subi %select_n3A_1299, %sub3A_1586 : vector<16xi32>
      %sub3A_1588 = arith.constant 2 : i32
      %sub3A_1589 = vector.broadcast %sub3A_1588 : i32 to vector<16xi32>
      %sub3A_1590 = arith.subi %sub3A_1587, %sub3A_1589 : vector<16xi32>
      %eq3A_1591 = arith.constant 1 : i32
      %eq3A_1592 = vector.broadcast %eq3A_1591 : i32 to vector<16xi32>
      %eq3A_1593 = arith.cmpi eq, %sub3A_1590, %eq3A_1592 : vector<16xi32>
      %eq3A_1594 = arith.constant 2 : i32
      %eq3A_1595 = vector.broadcast %eq3A_1594 : i32 to vector<16xi32>
      %eq3A_1596 = arith.cmpi eq, %sub3A_1590, %eq3A_1595 : vector<16xi32>
      %eq3A_1597 = arith.constant 3 : i32
      %eq3A_1598 = vector.broadcast %eq3A_1597 : i32 to vector<16xi32>
      %eq3A_1599 = arith.cmpi eq, %sub3A_1590, %eq3A_1598 : vector<16xi32>
      %eq3A_1600 = arith.constant 4 : i32
      %eq3A_1601 = vector.broadcast %eq3A_1600 : i32 to vector<16xi32>
      %eq3A_1602 = arith.cmpi eq, %sub3A_1590, %eq3A_1601 : vector<16xi32>
      %select_n3A_1603 = arith.select %eq3A_1602, %select_n3A_1522, %select_n3A_1332 : vector<16xi1>, vector<16xi32>
      %select_n3A_1604 = arith.select %eq3A_1599, %select_n3A_1491, %select_n3A_1603 : vector<16xi1>, vector<16xi32>
      %select_n3A_1605 = arith.select %eq3A_1596, %select_n3A_1438, %select_n3A_1604 : vector<16xi1>, vector<16xi32>
      %select_n3A_1606 = arith.select %eq3A_1593, %select_n3A_1385, %select_n3A_1605 : vector<16xi1>, vector<16xi32>
      %gt3A_1607 = arith.constant 2 : i32
      %gt3A_1608 = vector.broadcast %gt3A_1607 : i32 to vector<16xi32>
      %gt3A_1609 = arith.cmpi sgt, %select_n3A_1299, %gt3A_1608 : vector<16xi32>
      %add3A_1610 = arith.constant 2 : i32
      %add3A_1611 = vector.broadcast %add3A_1610 : i32 to vector<16xi32>
      %add3A_1612 = arith.addi %add3A_1305, %add3A_1611 : vector<16xi32>
      %jit3A_1613 = arith.constant 255 : i32
      %broadcast_in_dim3A_1614 = vector.broadcast %jit3A_1613 : i32 to vector<16xi32>
      %select_n3A_1615 = arith.select %gt3A_1609, %add3A_1612, %broadcast_in_dim3A_1614 : vector<16xi1>, vector<16xi32>
      tpu.vector_store_idx %arg11[%select_n3A_1615], %select_n3A_1606 : memref<256xi32, #tpu.memory_space<vmem>>[vector<16xi32>], vector<16xi32>,
      %sub3A_1616 = arith.constant 1 : i32
      %sub3A_1617 = vector.broadcast %sub3A_1616 : i32 to vector<16xi32>
      %sub3A_1618 = arith.subi %select_n3A_1299, %sub3A_1617 : vector<16xi32>
      %sub3A_1619 = arith.constant 3 : i32
      %sub3A_1620 = vector.broadcast %sub3A_1619 : i32 to vector<16xi32>
      %sub3A_1621 = arith.subi %sub3A_1618, %sub3A_1620 : vector<16xi32>
      %eq3A_1622 = arith.constant 1 : i32
      %eq3A_1623 = vector.broadcast %eq3A_1622 : i32 to vector<16xi32>
      %eq3A_1624 = arith.cmpi eq, %sub3A_1621, %eq3A_1623 : vector<16xi32>
      %eq3A_1625 = arith.constant 2 : i32
      %eq3A_1626 = vector.broadcast %eq3A_1625 : i32 to vector<16xi32>
      %eq3A_1627 = arith.cmpi eq, %sub3A_1621, %eq3A_1626 : vector<16xi32>
      %eq3A_1628 = arith.constant 3 : i32
      %eq3A_1629 = vector.broadcast %eq3A_1628 : i32 to vector<16xi32>
      %eq3A_1630 = arith.cmpi eq, %sub3A_1621, %eq3A_1629 : vector<16xi32>
      %eq3A_1631 = arith.constant 4 : i32
      %eq3A_1632 = vector.broadcast %eq3A_1631 : i32 to vector<16xi32>
      %eq3A_1633 = arith.cmpi eq, %sub3A_1621, %eq3A_1632 : vector<16xi32>
      %select_n3A_1634 = arith.select %eq3A_1633, %select_n3A_1522, %select_n3A_1332 : vector<16xi1>, vector<16xi32>
      %select_n3A_1635 = arith.select %eq3A_1630, %select_n3A_1491, %select_n3A_1634 : vector<16xi1>, vector<16xi32>
      %select_n3A_1636 = arith.select %eq3A_1627, %select_n3A_1438, %select_n3A_1635 : vector<16xi1>, vector<16xi32>
      %select_n3A_1637 = arith.select %eq3A_1624, %select_n3A_1385, %select_n3A_1636 : vector<16xi1>, vector<16xi32>
      %gt3A_1638 = arith.constant 3 : i32
      %gt3A_1639 = vector.broadcast %gt3A_1638 : i32 to vector<16xi32>
      %gt3A_1640 = arith.cmpi sgt, %select_n3A_1299, %gt3A_1639 : vector<16xi32>
      %add3A_1641 = arith.constant 3 : i32
      %add3A_1642 = vector.broadcast %add3A_1641 : i32 to vector<16xi32>
      %add3A_1643 = arith.addi %add3A_1305, %add3A_1642 : vector<16xi32>
      %jit3A_1644 = arith.constant 255 : i32
      %broadcast_in_dim3A_1645 = vector.broadcast %jit3A_1644 : i32 to vector<16xi32>
      %select_n3A_1646 = arith.select %gt3A_1640, %add3A_1643, %broadcast_in_dim3A_1645 : vector<16xi1>, vector<16xi32>
      tpu.vector_store_idx %arg11[%select_n3A_1646], %select_n3A_1637 : memref<256xi32, #tpu.memory_space<vmem>>[vector<16xi32>], vector<16xi32>,
      %sub3A_1647 = arith.constant 1 : i32
      %sub3A_1648 = vector.broadcast %sub3A_1647 : i32 to vector<16xi32>
      %sub3A_1649 = arith.subi %select_n3A_1299, %sub3A_1648 : vector<16xi32>
      %sub3A_1650 = arith.constant 4 : i32
      %sub3A_1651 = vector.broadcast %sub3A_1650 : i32 to vector<16xi32>
      %sub3A_1652 = arith.subi %sub3A_1649, %sub3A_1651 : vector<16xi32>
      %eq3A_1653 = arith.constant 1 : i32
      %eq3A_1654 = vector.broadcast %eq3A_1653 : i32 to vector<16xi32>
      %eq3A_1655 = arith.cmpi eq, %sub3A_1652, %eq3A_1654 : vector<16xi32>
      %eq3A_1656 = arith.constant 2 : i32
      %eq3A_1657 = vector.broadcast %eq3A_1656 : i32 to vector<16xi32>
      %eq3A_1658 = arith.cmpi eq, %sub3A_1652, %eq3A_1657 : vector<16xi32>
      %eq3A_1659 = arith.constant 3 : i32
      %eq3A_1660 = vector.broadcast %eq3A_1659 : i32 to vector<16xi32>
      %eq3A_1661 = arith.cmpi eq, %sub3A_1652, %eq3A_1660 : vector<16xi32>
      %eq3A_1662 = arith.constant 4 : i32
      %eq3A_1663 = vector.broadcast %eq3A_1662 : i32 to vector<16xi32>
      %eq3A_1664 = arith.cmpi eq, %sub3A_1652, %eq3A_1663 : vector<16xi32>
      %select_n3A_1665 = arith.select %eq3A_1664, %select_n3A_1522, %select_n3A_1332 : vector<16xi1>, vector<16xi32>
      %select_n3A_1666 = arith.select %eq3A_1661, %select_n3A_1491, %select_n3A_1665 : vector<16xi1>, vector<16xi32>
      %select_n3A_1667 = arith.select %eq3A_1658, %select_n3A_1438, %select_n3A_1666 : vector<16xi1>, vector<16xi32>
      %select_n3A_1668 = arith.select %eq3A_1655, %select_n3A_1385, %select_n3A_1667 : vector<16xi1>, vector<16xi32>
      %gt3A_1669 = arith.constant 4 : i32
      %gt3A_1670 = vector.broadcast %gt3A_1669 : i32 to vector<16xi32>
      %gt3A_1671 = arith.cmpi sgt, %select_n3A_1299, %gt3A_1670 : vector<16xi32>
      %add3A_1672 = arith.constant 4 : i32
      %add3A_1673 = vector.broadcast %add3A_1672 : i32 to vector<16xi32>
      %add3A_1674 = arith.addi %add3A_1305, %add3A_1673 : vector<16xi32>
      %jit3A_1675 = arith.constant 255 : i32
      %broadcast_in_dim3A_1676 = vector.broadcast %jit3A_1675 : i32 to vector<16xi32>
      %select_n3A_1677 = arith.select %gt3A_1671, %add3A_1674, %broadcast_in_dim3A_1676 : vector<16xi1>, vector<16xi32>
      tpu.vector_store_idx %arg11[%select_n3A_1677], %select_n3A_1668 : memref<256xi32, #tpu.memory_space<vmem>>[vector<16xi32>], vector<16xi32>,
      "tpu.region"() ({
        %run_scoped3A = tpu.sem_alloc : memref<!tpu.dma_semaphore, #tpu.memory_space<semaphore_mem>>
        %dma_start3A_1678 = arith.constant 0 : i32
        %dma_start3A_1679 = tpu.memref_slice %arg6[%add3A_16, %dma_start3A_1678] : memref<256x256xi32, #tpu.memory_space<hbm>> -> memref<1x256xi32, #tpu.memory_space<hbm>>
        %dma_start3A_1680 = tpu.memref_squeeze %dma_start3A_1679 : memref<1x256xi32, #tpu.memory_space<hbm>> -> memref<256xi32, #tpu.memory_space<hbm>>
        %dma_start3A_1681 = arith.constant 0 : i32
        %dma_start3A_1682 = tpu.memref_slice %arg6[%add3A_16, %dma_start3A_1681] : memref<256x256xi32, #tpu.memory_space<hbm>> -> memref<1x256xi32, #tpu.memory_space<hbm>>
        %dma_start3A_1683 = tpu.memref_squeeze %dma_start3A_1682 : memref<1x256xi32, #tpu.memory_space<hbm>> -> memref<256xi32, #tpu.memory_space<hbm>>
        tpu.enqueue_dma source(%arg11 : memref<256xi32, #tpu.memory_space<vmem>>) target(%dma_start3A_1683 : memref<256xi32, #tpu.memory_space<hbm>>) target_semaphore(%run_scoped3A : memref<!tpu.dma_semaphore, #tpu.memory_space<semaphore_mem>>)
        %dma_wait3A_1684 = arith.constant 0 : i32
        %dma_wait3A_1685 = tpu.memref_slice %arg6[%add3A_16, %dma_wait3A_1684] : memref<256x256xi32, #tpu.memory_space<hbm>> -> memref<1x256xi32, #tpu.memory_space<hbm>>
        %dma_wait3A_1686 = tpu.memref_squeeze %dma_wait3A_1685 : memref<1x256xi32, #tpu.memory_space<hbm>> -> memref<256xi32, #tpu.memory_space<hbm>>
        %dma_wait3A_1687 = arith.constant 0 : i32
        %dma_wait3A_1688 = tpu.memref_slice %arg6[%add3A_16, %dma_wait3A_1687] : memref<256x256xi32, #tpu.memory_space<hbm>> -> memref<1x256xi32, #tpu.memory_space<hbm>>
        %dma_wait3A_1689 = tpu.memref_squeeze %dma_wait3A_1688 : memref<1x256xi32, #tpu.memory_space<hbm>> -> memref<256xi32, #tpu.memory_space<hbm>>
        tpu.wait_dma2 semaphore(%run_scoped3A : memref<!tpu.dma_semaphore, #tpu.memory_space<semaphore_mem>>) src(%arg11 : memref<256xi32, #tpu.memory_space<vmem>>) dst(%dma_wait3A_1689 : memref<256xi32, #tpu.memory_space<hbm>>)
        tpu.yield
      }) : () -> ()
    }
    %scan3A_12 = arith.constant 8 : i32
    return
  }
}

module attributes {stable_mosaic.version = 14 : i64} {
  func.func @_matmul_body(%arg0: i32, %arg1: memref<256x640xf32, #tpu.memory_space<vmem>>, %arg2: memref<1024x640xf32, #tpu.memory_space<vmem>>, %arg3: memref<1x1024xf32, #tpu.memory_space<vmem>>, %arg4: memref<256x1024xf32, #tpu.memory_space<vmem>>, %arg5: memref<1280x1024xf32, #tpu.memory_space<vmem>>, %arg6: memref<1x1x1280xf32, #tpu.memory_space<vmem>>, %arg7: memref<1280x1024xf32, #tpu.memory_space<vmem>>, %arg8: memref<1x1x1280xf32, #tpu.memory_space<vmem>>, %arg9: memref<256x1280xf32, #tpu.memory_space<vmem>>, %arg10: memref<256x1024xbf16, #tpu.memory_space<vmem>>, %arg11: memref<256x1024xbf16, #tpu.memory_space<vmem>>) attributes {dimension_semantics = [#tpu.dimension_semantics<arbitrary>], iteration_bounds = array<i64: 25>, scalar_prefetch = 0 : i64, scratch_operands = 2 : i64, tpu.core_type = #tpu.core_type<tc>, window_params = [{pipeline_mode = #tpu.pipeline_mode<synchronous>, transform_indices = @transform_0, window_bounds = array<i64: 256, 640>}, {pipeline_mode = #tpu.pipeline_mode<synchronous>, transform_indices = @transform_1, window_bounds = array<i64: 1024, 640>}, {pipeline_mode = #tpu.pipeline_mode<synchronous>, transform_indices = @transform_2, window_bounds = array<i64: 1, 1024>}, {pipeline_mode = #tpu.pipeline_mode<synchronous>, transform_indices = @transform_3, window_bounds = array<i64: 256, 1024>}, {transform_indices = @transform_4, window_bounds = array<i64: 1280, 1024>}, {transform_indices = @transform_5, window_bounds = array<i64: 1, 1, 1280>}, {transform_indices = @transform_6, window_bounds = array<i64: 1280, 1024>}, {transform_indices = @transform_7, window_bounds = array<i64: 1, 1, 1280>}, {transform_indices = @transform_8, window_bounds = array<i64: 256, 1280>}]} {
    %eq3A = arith.constant 0 : i32
    %eq3A_0 = arith.cmpi eq, %arg0, %eq3A : i32
    %convert_element_type3A = arith.extui %eq3A_0 : i1 to i32
    %cond3A = arith.constant 0 : i32
    %cond3A_1 = arith.cmpi ne, %convert_element_type3A, %cond3A : i32
    scf.if %cond3A_1 {
      %get3A_34 = arith.constant 0 : index
      %get3A_35 = arith.constant 0 : index
      %get3A_36 = vector.load %arg1[%get3A_34, %get3A_35] : memref<256x640xf32, #tpu.memory_space<vmem>>, vector<256x640xf32>
      %get3A_37 = arith.constant 0 : index
      %get3A_38 = arith.constant 0 : index
      %get3A_39 = vector.load %arg2[%get3A_37, %get3A_38] : memref<1024x640xf32, #tpu.memory_space<vmem>>, vector<1024x640xf32>
      %dot_general3A_40 = arith.constant dense<0.000000e+00> : vector<256x1024xf32>
      %dot_general3A_41 = tpu.matmul %get3A_36, %get3A_39, %dot_general3A_40 {dimension_numbers = #tpu.dot_dimension_numbers<[1], [1], [0], [0], [0, 0, 1, 0], [], []>, transpose_lhs_hint = false} : vector<256x640xf32>, vector<1024x640xf32>, vector<256x1024xf32> -> vector<256x1024xf32>
      %get3A_42 = arith.constant 0 : index
      %get3A_43 = arith.constant 0 : index
      %get3A_44 = vector.load %arg3[%get3A_42, %get3A_43] : memref<1x1024xf32, #tpu.memory_space<vmem>>, vector<1x1024xf32>
      %add3A_45 = vector.broadcast %get3A_44 : vector<1x1024xf32> to vector<256x1024xf32>
      %add3A_46 = arith.addf %dot_general3A_41, %add3A_45 : vector<256x1024xf32>
      %tanh3A = math.tanh %add3A_46 : vector<256x1024xf32>
      %convert_element_type3A_47 = arith.truncf %tanh3A : vector<256x1024xf32> to vector<256x1024xbf16>
      %swap3A_48 = arith.constant 0 : index
      %swap3A_49 = arith.constant 0 : index
      %swap3A_50 = vector.load %arg10[%swap3A_48, %swap3A_49] : memref<256x1024xbf16, #tpu.memory_space<vmem>>, vector<256x1024xbf16>
      tpu.vector_store %arg10[%swap3A_48, %swap3A_49], %convert_element_type3A_47 {strides = array<i32>} : memref<256x1024xbf16, #tpu.memory_space<vmem>>, vector<256x1024xbf16>,
      %get3A_51 = arith.constant 0 : index
      %get3A_52 = arith.constant 0 : index
      %get3A_53 = vector.load %arg4[%get3A_51, %get3A_52] : memref<256x1024xf32, #tpu.memory_space<vmem>>, vector<256x1024xf32>
      %convert_element_type3A_54 = arith.truncf %get3A_53 : vector<256x1024xf32> to vector<256x1024xbf16>
      %swap3A_55 = arith.constant 0 : index
      %swap3A_56 = arith.constant 0 : index
      %swap3A_57 = vector.load %arg11[%swap3A_55, %swap3A_56] : memref<256x1024xbf16, #tpu.memory_space<vmem>>, vector<256x1024xbf16>
      tpu.vector_store %arg11[%swap3A_55, %swap3A_56], %convert_element_type3A_54 {strides = array<i32>} : memref<256x1024xbf16, #tpu.memory_space<vmem>>, vector<256x1024xbf16>,
    } else {
    }
    %get3A = arith.constant 0 : index
    %get3A_2 = arith.constant 0 : index
    %get3A_3 = vector.load %arg10[%get3A, %get3A_2] : memref<256x1024xbf16, #tpu.memory_space<vmem>>, vector<256x1024xbf16>
    %get3A_4 = arith.constant 0 : index
    %get3A_5 = arith.constant 0 : index
    %get3A_6 = vector.load %arg5[%get3A_4, %get3A_5] : memref<1280x1024xf32, #tpu.memory_space<vmem>>, vector<1280x1024xf32>
    %convert_element_type3A_7 = arith.truncf %get3A_6 : vector<1280x1024xf32> to vector<1280x1024xbf16>
    %dot_general3A = arith.constant dense<0.000000e+00> : vector<256x1280xf32>
    %dot_general3A_8 = tpu.matmul %get3A_3, %convert_element_type3A_7, %dot_general3A {dimension_numbers = #tpu.dot_dimension_numbers<[1], [1], [0], [0], [0, 0, 1, 0], [], []>, transpose_lhs_hint = false} : vector<256x1024xbf16>, vector<1280x1024xbf16>, vector<256x1280xf32> -> vector<256x1280xf32>
    %get3A_9 = arith.constant 0 : index
    %get3A_10 = arith.constant 0 : index
    %get3A_11 = vector.load %arg11[%get3A_9, %get3A_10] : memref<256x1024xbf16, #tpu.memory_space<vmem>>, vector<256x1024xbf16>
    %get3A_12 = arith.constant 0 : index
    %get3A_13 = arith.constant 0 : index
    %get3A_14 = vector.load %arg7[%get3A_12, %get3A_13] : memref<1280x1024xf32, #tpu.memory_space<vmem>>, vector<1280x1024xf32>
    %convert_element_type3A_15 = arith.truncf %get3A_14 : vector<1280x1024xf32> to vector<1280x1024xbf16>
    %dot_general3A_16 = arith.constant dense<0.000000e+00> : vector<256x1280xf32>
    %dot_general3A_17 = tpu.matmul %get3A_11, %convert_element_type3A_15, %dot_general3A_16 {dimension_numbers = #tpu.dot_dimension_numbers<[1], [1], [0], [0], [0, 0, 1, 0], [], []>, transpose_lhs_hint = false} : vector<256x1024xbf16>, vector<1280x1024xbf16>, vector<256x1280xf32> -> vector<256x1280xf32>
    %add3A = arith.addf %dot_general3A_8, %dot_general3A_17 : vector<256x1280xf32>
    %get3A_18 = arith.constant 0 : index
    %get3A_19 = arith.constant 0 : index
    %get3A_20 = arith.constant 0 : index
    %get3A_21 = vector.load %arg6[%get3A_18, %get3A_19, %get3A_20] : memref<1x1x1280xf32, #tpu.memory_space<vmem>>, vector<1x1x1280xf32>
    %get3A_22 = vector.shape_cast %get3A_21 : vector<1x1x1280xf32> to vector<1x1280xf32>
    %add3A_23 = vector.broadcast %get3A_22 : vector<1x1280xf32> to vector<256x1280xf32>
    %add3A_24 = arith.addf %add3A, %add3A_23 : vector<256x1280xf32>
    %get3A_25 = arith.constant 0 : index
    %get3A_26 = arith.constant 0 : index
    %get3A_27 = arith.constant 0 : index
    %get3A_28 = vector.load %arg8[%get3A_25, %get3A_26, %get3A_27] : memref<1x1x1280xf32, #tpu.memory_space<vmem>>, vector<1x1x1280xf32>
    %get3A_29 = vector.shape_cast %get3A_28 : vector<1x1x1280xf32> to vector<1x1280xf32>
    %add3A_30 = vector.broadcast %get3A_29 : vector<1x1280xf32> to vector<256x1280xf32>
    %add3A_31 = arith.addf %add3A_24, %add3A_30 : vector<256x1280xf32>
    %swap3A = arith.constant 0 : index
    %swap3A_32 = arith.constant 0 : index
    %swap3A_33 = vector.load %arg9[%swap3A, %swap3A_32] : memref<256x1280xf32, #tpu.memory_space<vmem>>, vector<256x1280xf32>
    tpu.vector_store %arg9[%swap3A, %swap3A_32], %add3A_31 {strides = array<i32>} : memref<256x1280xf32, #tpu.memory_space<vmem>>, vector<256x1280xf32>,
    return
  }
  func.func @transform_0(%arg0: i32) -> (i32, i32) {
    %c0_i32 = arith.constant 0 : i32
    %c0_i32_0 = arith.constant 0 : i32
    %c0_i32_1 = arith.constant 0 : i32
    return %c0_i32, %c0_i32_0 : i32, i32
  }
  func.func @transform_1(%arg0: i32) -> (i32, i32) {
    %c0_i32 = arith.constant 0 : i32
    %c0_i32_0 = arith.constant 0 : i32
    %c0_i32_1 = arith.constant 0 : i32
    return %c0_i32, %c0_i32_0 : i32, i32
  }
  func.func @transform_2(%arg0: i32) -> (i32, i32) {
    %c0_i32 = arith.constant 0 : i32
    %c0_i32_0 = arith.constant 0 : i32
    %c0_i32_1 = arith.constant 0 : i32
    return %c0_i32, %c0_i32_0 : i32, i32
  }
  func.func @transform_3(%arg0: i32) -> (i32, i32) {
    %c0_i32 = arith.constant 0 : i32
    %c0_i32_0 = arith.constant 0 : i32
    %c0_i32_1 = arith.constant 0 : i32
    return %c0_i32, %c0_i32_0 : i32, i32
  }
  func.func @transform_4(%arg0: i32) -> (i32, i32) {
    %c0_i32 = arith.constant 0 : i32
    %c0_i32_0 = arith.constant 0 : i32
    return %arg0, %c0_i32 : i32, i32
  }
  func.func @transform_5(%arg0: i32) -> (i32, i32, i32) {
    %c0_i32 = arith.constant 0 : i32
    %c0_i32_0 = arith.constant 0 : i32
    %c0_i32_1 = arith.constant 0 : i32
    return %arg0, %c0_i32, %c0_i32_0 : i32, i32, i32
  }
  func.func @transform_6(%arg0: i32) -> (i32, i32) {
    %c0_i32 = arith.constant 0 : i32
    %c0_i32_0 = arith.constant 0 : i32
    return %arg0, %c0_i32 : i32, i32
  }
  func.func @transform_7(%arg0: i32) -> (i32, i32, i32) {
    %c0_i32 = arith.constant 0 : i32
    %c0_i32_0 = arith.constant 0 : i32
    %c0_i32_1 = arith.constant 0 : i32
    return %arg0, %c0_i32, %c0_i32_0 : i32, i32, i32
  }
  func.func @transform_8(%arg0: i32) -> (i32, i32) {
    %c0_i32 = arith.constant 0 : i32
    %c0_i32_0 = arith.constant 0 : i32
    return %c0_i32, %arg0 : i32, i32
  }
}

module attributes {stable_mosaic.version = 14 : i64} {
  func.func @_features_body(%arg0: i32, %arg1: memref<128x20xi32, #tpu.memory_space<vmem>>, %arg2: memref<128x50xi32, #tpu.memory_space<vmem>>, %arg3: memref<128x1xi32, #tpu.memory_space<vmem>>, %arg4: memref<128x256xi32, #tpu.memory_space<vmem>>, %arg5: memref<128x64xf32, #tpu.memory_space<vmem>>, %arg6: memref<128x64xi32, #tpu.memory_space<vmem>>) attributes {dimension_semantics = [#tpu.dimension_semantics<arbitrary>], iteration_bounds = array<i64: 2>, scalar_prefetch = 0 : i64, scratch_operands = 0 : i64, tpu.core_type = #tpu.core_type<tc>, window_params = [{transform_indices = @transform_0, window_bounds = array<i64: 128, 20>}, {transform_indices = @transform_1, window_bounds = array<i64: 128, 50>}, {transform_indices = @transform_2, window_bounds = array<i64: 128, 1>}, {transform_indices = @transform_3, window_bounds = array<i64: 128, 256>}, {transform_indices = @transform_4, window_bounds = array<i64: 128, 64>}, {transform_indices = @transform_5, window_bounds = array<i64: 128, 64>}]} {
    %get3A = arith.constant 0 : index
    %get3A_0 = arith.constant 0 : index
    %get3A_1 = vector.load %arg2[%get3A, %get3A_0] : memref<128x50xi32, #tpu.memory_space<vmem>>, vector<128x50xi32>
    %get3A_2 = arith.constant 0 : index
    %get3A_3 = arith.constant 0 : index
    %get3A_4 = vector.load %arg1[%get3A_2, %get3A_3] : memref<128x20xi32, #tpu.memory_space<vmem>>, vector<128x20xi32>
    %get3A_5 = arith.constant 0 : index
    %get3A_6 = arith.constant 0 : index
    %get3A_7 = vector.load %arg3[%get3A_5, %get3A_6] : memref<128x1xi32, #tpu.memory_space<vmem>>, vector<128x1xi32>
    %get3A_8 = arith.constant 0 : index
    %get3A_9 = arith.constant 0 : index
    %get3A_10 = vector.load %arg4[%get3A_8, %get3A_9] : memref<128x256xi32, #tpu.memory_space<vmem>>, vector<128x256xi32>
    %ge3A = arith.constant 10 : i32
    %ge3A_11 = vector.broadcast %ge3A : i32 to vector<128x50xi32>
    %ge3A_12 = arith.cmpi sge, %get3A_1, %ge3A_11 : vector<128x50xi32>
    %convert_element_type3A = arith.extui %ge3A_12 : vector<128x50xi1> to vector<128x50xi32>
    %add3A = arith.constant 1 : i32
    %add3A_13 = vector.broadcast %add3A : i32 to vector<128x50xi32>
    %add3A_14 = arith.addi %add3A_13, %convert_element_type3A : vector<128x50xi32>
    %ge3A_15 = arith.constant 100 : i32
    %ge3A_16 = vector.broadcast %ge3A_15 : i32 to vector<128x50xi32>
    %ge3A_17 = arith.cmpi sge, %get3A_1, %ge3A_16 : vector<128x50xi32>
    %convert_element_type3A_18 = arith.extui %ge3A_17 : vector<128x50xi1> to vector<128x50xi32>
    %add3A_19 = arith.addi %add3A_14, %convert_element_type3A_18 : vector<128x50xi32>
    %ge3A_20 = arith.constant 1000 : i32
    %ge3A_21 = vector.broadcast %ge3A_20 : i32 to vector<128x50xi32>
    %ge3A_22 = arith.cmpi sge, %get3A_1, %ge3A_21 : vector<128x50xi32>
    %convert_element_type3A_23 = arith.extui %ge3A_22 : vector<128x50xi1> to vector<128x50xi32>
    %add3A_24 = arith.addi %add3A_19, %convert_element_type3A_23 : vector<128x50xi32>
    %ge3A_25 = arith.constant 10000 : i32
    %ge3A_26 = vector.broadcast %ge3A_25 : i32 to vector<128x50xi32>
    %ge3A_27 = arith.cmpi sge, %get3A_1, %ge3A_26 : vector<128x50xi32>
    %convert_element_type3A_28 = arith.extui %ge3A_27 : vector<128x50xi1> to vector<128x50xi32>
    %add3A_29 = arith.addi %add3A_24, %convert_element_type3A_28 : vector<128x50xi32>
    %reduce_sum3A = arith.constant dense<0> : vector<128xi32>
    %reduce_sum3A_30 = vector.multi_reduction <add>, %add3A_29, %reduce_sum3A [1] : vector<128x50xi32> to vector<128xi32>
    %broadcast_in_dim3A = vector.shape_cast %reduce_sum3A_30 : vector<128xi32> to vector<128x1xi32>
    %slice3A = vector.extract_strided_slice %get3A_10 {offsets = [0, 0], sizes = [128, 250], strides = [1, 1]} : vector<128x256xi32> to vector<128x250xi32>
    %mul3A = arith.constant 10000 : i32
    %mul3A_31 = vector.broadcast %mul3A : i32 to vector<128x250xi32>
    %mul3A_32 = arith.muli %mul3A_31, %slice3A : vector<128x250xi32>
    %slice3A_33 = vector.extract_strided_slice %get3A_10 {offsets = [0, 1], sizes = [128, 250], strides = [1, 1]} : vector<128x256xi32> to vector<128x250xi32>
    %mul3A_34 = arith.constant 1000 : i32
    %mul3A_35 = vector.broadcast %mul3A_34 : i32 to vector<128x250xi32>
    %mul3A_36 = arith.muli %mul3A_35, %slice3A_33 : vector<128x250xi32>
    %add3A_37 = arith.addi %mul3A_32, %mul3A_36 : vector<128x250xi32>
    %slice3A_38 = vector.extract_strided_slice %get3A_10 {offsets = [0, 2], sizes = [128, 250], strides = [1, 1]} : vector<128x256xi32> to vector<128x250xi32>
    %mul3A_39 = arith.constant 100 : i32
    %mul3A_40 = vector.broadcast %mul3A_39 : i32 to vector<128x250xi32>
    %mul3A_41 = arith.muli %mul3A_40, %slice3A_38 : vector<128x250xi32>
    %add3A_42 = arith.addi %add3A_37, %mul3A_41 : vector<128x250xi32>
    %slice3A_43 = vector.extract_strided_slice %get3A_10 {offsets = [0, 3], sizes = [128, 250], strides = [1, 1]} : vector<128x256xi32> to vector<128x250xi32>
    %mul3A_44 = arith.constant 10 : i32
    %mul3A_45 = vector.broadcast %mul3A_44 : i32 to vector<128x250xi32>
    %mul3A_46 = arith.muli %mul3A_45, %slice3A_43 : vector<128x250xi32>
    %add3A_47 = arith.addi %add3A_42, %mul3A_46 : vector<128x250xi32>
    %slice3A_48 = vector.extract_strided_slice %get3A_10 {offsets = [0, 4], sizes = [128, 250], strides = [1, 1]} : vector<128x256xi32> to vector<128x250xi32>
    %add3A_49 = arith.addi %add3A_47, %slice3A_48 : vector<128x250xi32>
    %iota3A = tpu.iota {dimensions = array<i32: 2>} : vector<1x1x250xi32>
    %eq3A = arith.constant 1 : i32
    %eq3A_50 = vector.broadcast %eq3A : i32 to vector<128x50xi32>
    %eq3A_51 = arith.cmpi eq, %add3A_29, %eq3A_50 : vector<128x50xi32>
    %eq3A_52 = arith.constant 2 : i32
    %eq3A_53 = vector.broadcast %eq3A_52 : i32 to vector<128x50xi32>
    %eq3A_54 = arith.cmpi eq, %add3A_29, %eq3A_53 : vector<128x50xi32>
    %eq3A_55 = arith.constant 3 : i32
    %eq3A_56 = vector.broadcast %eq3A_55 : i32 to vector<128x50xi32>
    %eq3A_57 = arith.cmpi eq, %add3A_29, %eq3A_56 : vector<128x50xi32>
    %eq3A_58 = arith.constant 4 : i32
    %eq3A_59 = vector.broadcast %eq3A_58 : i32 to vector<128x50xi32>
    %eq3A_60 = arith.cmpi eq, %add3A_29, %eq3A_59 : vector<128x50xi32>
    %jit3A = arith.constant 10 : i32
    %jit3A_61 = arith.constant 1 : i32
    %broadcast_in_dim3A_62 = vector.broadcast %jit3A : i32 to vector<128x50xi32>
    %broadcast_in_dim3A_63 = vector.broadcast %jit3A_61 : i32 to vector<128x50xi32>
    %select_n3A = arith.select %eq3A_60, %broadcast_in_dim3A_62, %broadcast_in_dim3A_63 : vector<128x50xi1>, vector<128x50xi32>
    %jit3A_64 = arith.constant 100 : i32
    %broadcast_in_dim3A_65 = vector.broadcast %jit3A_64 : i32 to vector<128x50xi32>
    %select_n3A_66 = arith.select %eq3A_57, %broadcast_in_dim3A_65, %select_n3A : vector<128x50xi1>, vector<128x50xi32>
    %jit3A_67 = arith.constant 1000 : i32
    %broadcast_in_dim3A_68 = vector.broadcast %jit3A_67 : i32 to vector<128x50xi32>
    %select_n3A_69 = arith.select %eq3A_54, %broadcast_in_dim3A_68, %select_n3A_66 : vector<128x50xi1>, vector<128x50xi32>
    %jit3A_70 = arith.constant 10000 : i32
    %broadcast_in_dim3A_71 = vector.broadcast %jit3A_70 : i32 to vector<128x50xi32>
    %select_n3A_72 = arith.select %eq3A_51, %broadcast_in_dim3A_71, %select_n3A_69 : vector<128x50xi1>, vector<128x50xi32>
    %mul3A_73 = arith.muli %get3A_1, %select_n3A_72 : vector<128x50xi32>
    %broadcast_in_dim3A_74 = vector.shape_cast %add3A_49 : vector<128x250xi32> to vector<128x1x250xi32>
    %broadcast_in_dim3A_75 = vector.shape_cast %mul3A_73 : vector<128x50xi32> to vector<128x50x1xi32>
    %sub3A = vector.broadcast %broadcast_in_dim3A_74 : vector<128x1x250xi32> to vector<128x50x250xi32>
    %sub3A_76 = vector.broadcast %broadcast_in_dim3A_75 : vector<128x50x1xi32> to vector<128x50x250xi32>
    %sub3A_77 = arith.subi %sub3A, %sub3A_76 : vector<128x50x250xi32>
    %bitcast_convert_type3A = tpu.bitcast %sub3A_77 : vector<128x50x250xi32> -> vector<128x50x250xi32>
    %broadcast_in_dim3A_78 = vector.shape_cast %select_n3A_72 : vector<128x50xi32> to vector<128x50x1xi32>
    %broadcast_in_dim3A_79 = vector.shape_cast %broadcast_in_dim3A_78 : vector<128x50x1xi32> to vector<128x50x1xi32>
    %broadcast_in_dim3A_80 = vector.broadcast %broadcast_in_dim3A_79 : vector<128x50x1xi32> to vector<128x50x250xi32>
    %sub3A_81 = vector.broadcast %broadcast_in_dim3A : vector<128x1xi32> to vector<128x50xi32>
    %sub3A_82 = arith.subi %add3A_29, %sub3A_81 : vector<128x50xi32>
    %broadcast_in_dim3A_83 = vector.shape_cast %sub3A_82 : vector<128x50xi32> to vector<128x50x1xi32>
    %broadcast_in_dim3A_84 = vector.shape_cast %broadcast_in_dim3A_83 : vector<128x50x1xi32> to vector<128x50x1xi32>
    %broadcast_in_dim3A_85 = vector.broadcast %broadcast_in_dim3A_84 : vector<128x50x1xi32> to vector<128x50x250xi32>
    %lt3A = arith.cmpi ult, %bitcast_convert_type3A, %broadcast_in_dim3A_80 : vector<128x50x250xi32>
    %neg3A = arith.constant 0 : i32
    %neg3A_86 = vector.broadcast %neg3A : i32 to vector<128x50x250xi32>
    %neg3A_87 = arith.subi %neg3A_86, %broadcast_in_dim3A_85 : vector<128x50x250xi32>
    %le3A = vector.broadcast %iota3A : vector<1x1x250xi32> to vector<128x50x250xi32>
    %le3A_88 = arith.cmpi sle, %le3A, %neg3A_87 : vector<128x50x250xi32>
    %and3A = arith.andi %lt3A, %le3A_88 : vector<128x50x250xi1>
    %convert_element_type3A_89 = arith.extui %and3A : vector<128x50x250xi1> to vector<128x50x250xi32>
    %slice3A_90 = vector.extract_strided_slice %get3A_4 {offsets = [0, 19], sizes = [128, 1], strides = [1, 1]} : vector<128x20xi32> to vector<128x1xi32>
    %slice3A_91 = vector.extract_strided_slice %get3A_4 {offsets = [0, 18], sizes = [128, 1], strides = [1, 1]} : vector<128x20xi32> to vector<128x1xi32>
    %ge3A_92 = arith.constant 10 : i32
    %ge3A_93 = vector.broadcast %ge3A_92 : i32 to vector<128x1xi32>
    %ge3A_94 = arith.cmpi sge, %slice3A_90, %ge3A_93 : vector<128x1xi32>
    %convert_element_type3A_95 = arith.extui %ge3A_94 : vector<128x1xi1> to vector<128x1xi32>
    %add3A_96 = arith.constant 1 : i32
    %add3A_97 = vector.broadcast %add3A_96 : i32 to vector<128x1xi32>
    %add3A_98 = arith.addi %add3A_97, %convert_element_type3A_95 : vector<128x1xi32>
    %ge3A_99 = arith.constant 100 : i32
    %ge3A_100 = vector.broadcast %ge3A_99 : i32 to vector<128x1xi32>
    %ge3A_101 = arith.cmpi sge, %slice3A_90, %ge3A_100 : vector<128x1xi32>
    %convert_element_type3A_102 = arith.extui %ge3A_101 : vector<128x1xi1> to vector<128x1xi32>
    %add3A_103 = arith.addi %add3A_98, %convert_element_type3A_102 : vector<128x1xi32>
    %ge3A_104 = arith.constant 1000 : i32
    %ge3A_105 = vector.broadcast %ge3A_104 : i32 to vector<128x1xi32>
    %ge3A_106 = arith.cmpi sge, %slice3A_90, %ge3A_105 : vector<128x1xi32>
    %convert_element_type3A_107 = arith.extui %ge3A_106 : vector<128x1xi1> to vector<128x1xi32>
    %add3A_108 = arith.addi %add3A_103, %convert_element_type3A_107 : vector<128x1xi32>
    %ge3A_109 = arith.constant 10000 : i32
    %ge3A_110 = vector.broadcast %ge3A_109 : i32 to vector<128x1xi32>
    %ge3A_111 = arith.cmpi sge, %slice3A_90, %ge3A_110 : vector<128x1xi32>
    %convert_element_type3A_112 = arith.extui %ge3A_111 : vector<128x1xi1> to vector<128x1xi32>
    %add3A_113 = arith.addi %add3A_108, %convert_element_type3A_112 : vector<128x1xi32>
    %eq3A_114 = arith.constant 1 : i32
    %eq3A_115 = vector.broadcast %eq3A_114 : i32 to vector<128x1xi32>
    %eq3A_116 = arith.cmpi eq, %add3A_113, %eq3A_115 : vector<128x1xi32>
    %eq3A_117 = arith.constant 2 : i32
    %eq3A_118 = vector.broadcast %eq3A_117 : i32 to vector<128x1xi32>
    %eq3A_119 = arith.cmpi eq, %add3A_113, %eq3A_118 : vector<128x1xi32>
    %eq3A_120 = arith.constant 3 : i32
    %eq3A_121 = vector.broadcast %eq3A_120 : i32 to vector<128x1xi32>
    %eq3A_122 = arith.cmpi eq, %add3A_113, %eq3A_121 : vector<128x1xi32>
    %eq3A_123 = arith.constant 4 : i32
    %eq3A_124 = vector.broadcast %eq3A_123 : i32 to vector<128x1xi32>
    %eq3A_125 = arith.cmpi eq, %add3A_113, %eq3A_124 : vector<128x1xi32>
    %jit3A_126 = arith.constant 10 : i32
    %jit3A_127 = arith.constant 1 : i32
    %broadcast_in_dim3A_128 = vector.broadcast %jit3A_126 : i32 to vector<128x1xi32>
    %broadcast_in_dim3A_129 = vector.broadcast %jit3A_127 : i32 to vector<128x1xi32>
    %select_n3A_130 = arith.select %eq3A_125, %broadcast_in_dim3A_128, %broadcast_in_dim3A_129 : vector<128x1xi1>, vector<128x1xi32>
    %jit3A_131 = arith.constant 100 : i32
    %broadcast_in_dim3A_132 = vector.broadcast %jit3A_131 : i32 to vector<128x1xi32>
    %select_n3A_133 = arith.select %eq3A_122, %broadcast_in_dim3A_132, %select_n3A_130 : vector<128x1xi1>, vector<128x1xi32>
    %jit3A_134 = arith.constant 1000 : i32
    %broadcast_in_dim3A_135 = vector.broadcast %jit3A_134 : i32 to vector<128x1xi32>
    %select_n3A_136 = arith.select %eq3A_119, %broadcast_in_dim3A_135, %select_n3A_133 : vector<128x1xi1>, vector<128x1xi32>
    %jit3A_137 = arith.constant 10000 : i32
    %broadcast_in_dim3A_138 = vector.broadcast %jit3A_137 : i32 to vector<128x1xi32>
    %select_n3A_139 = arith.select %eq3A_116, %broadcast_in_dim3A_138, %select_n3A_136 : vector<128x1xi1>, vector<128x1xi32>
    %broadcast_in_dim3A_140 = vector.shape_cast %select_n3A_139 : vector<128x1xi32> to vector<128x1xi32>
    %broadcast_in_dim3A_141 = vector.broadcast %broadcast_in_dim3A_140 : vector<128x1xi32> to vector<128x250xi32>
    %eq3A_142 = arith.constant 1 : i32
    %eq3A_143 = vector.broadcast %eq3A_142 : i32 to vector<128x1xi32>
    %eq3A_144 = arith.cmpi eq, %add3A_113, %eq3A_143 : vector<128x1xi32>
    %eq3A_145 = arith.constant 2 : i32
    %eq3A_146 = vector.broadcast %eq3A_145 : i32 to vector<128x1xi32>
    %eq3A_147 = arith.cmpi eq, %add3A_113, %eq3A_146 : vector<128x1xi32>
    %eq3A_148 = arith.constant 3 : i32
    %eq3A_149 = vector.broadcast %eq3A_148 : i32 to vector<128x1xi32>
    %eq3A_150 = arith.cmpi eq, %add3A_113, %eq3A_149 : vector<128x1xi32>
    %eq3A_151 = arith.constant 4 : i32
    %eq3A_152 = vector.broadcast %eq3A_151 : i32 to vector<128x1xi32>
    %eq3A_153 = arith.cmpi eq, %add3A_113, %eq3A_152 : vector<128x1xi32>
    %jit3A_154 = arith.constant 10 : i32
    %jit3A_155 = arith.constant 1 : i32
    %broadcast_in_dim3A_156 = vector.broadcast %jit3A_154 : i32 to vector<128x1xi32>
    %broadcast_in_dim3A_157 = vector.broadcast %jit3A_155 : i32 to vector<128x1xi32>
    %select_n3A_158 = arith.select %eq3A_153, %broadcast_in_dim3A_156, %broadcast_in_dim3A_157 : vector<128x1xi1>, vector<128x1xi32>
    %jit3A_159 = arith.constant 100 : i32
    %broadcast_in_dim3A_160 = vector.broadcast %jit3A_159 : i32 to vector<128x1xi32>
    %select_n3A_161 = arith.select %eq3A_150, %broadcast_in_dim3A_160, %select_n3A_158 : vector<128x1xi1>, vector<128x1xi32>
    %jit3A_162 = arith.constant 1000 : i32
    %broadcast_in_dim3A_163 = vector.broadcast %jit3A_162 : i32 to vector<128x1xi32>
    %select_n3A_164 = arith.select %eq3A_147, %broadcast_in_dim3A_163, %select_n3A_161 : vector<128x1xi1>, vector<128x1xi32>
    %jit3A_165 = arith.constant 10000 : i32
    %broadcast_in_dim3A_166 = vector.broadcast %jit3A_165 : i32 to vector<128x1xi32>
    %select_n3A_167 = arith.select %eq3A_144, %broadcast_in_dim3A_166, %select_n3A_164 : vector<128x1xi1>, vector<128x1xi32>
    %mul3A_168 = arith.muli %slice3A_90, %select_n3A_167 : vector<128x1xi32>
    %broadcast_in_dim3A_169 = vector.shape_cast %mul3A_168 : vector<128x1xi32> to vector<128x1xi32>
    %broadcast_in_dim3A_170 = vector.broadcast %broadcast_in_dim3A_169 : vector<128x1xi32> to vector<128x250xi32>
    %sub3A_171 = arith.subi %add3A_49, %broadcast_in_dim3A_170 : vector<128x250xi32>
    %iota3A_172 = tpu.iota {dimensions = array<i32: 1>} : vector<1x250xi32>
    %sub3A_173 = arith.subi %broadcast_in_dim3A, %add3A_113 : vector<128x1xi32>
    %broadcast_in_dim3A_174 = vector.shape_cast %sub3A_173 : vector<128x1xi32> to vector<128x1xi32>
    %broadcast_in_dim3A_175 = vector.broadcast %broadcast_in_dim3A_174 : vector<128x1xi32> to vector<128x250xi32>
    %ge3A_176 = arith.constant 0 : i32
    %ge3A_177 = vector.broadcast %ge3A_176 : i32 to vector<128x250xi32>
    %ge3A_178 = arith.cmpi sge, %sub3A_171, %ge3A_177 : vector<128x250xi32>
    %lt3A_179 = arith.cmpi slt, %sub3A_171, %broadcast_in_dim3A_141 : vector<128x250xi32>
    %and3A_180 = arith.andi %ge3A_178, %lt3A_179 : vector<128x250xi1>
    %le3A_181 = vector.broadcast %iota3A_172 : vector<1x250xi32> to vector<128x250xi32>
    %le3A_182 = arith.cmpi sle, %le3A_181, %broadcast_in_dim3A_175 : vector<128x250xi32>
    %and3A_183 = arith.andi %and3A_180, %le3A_182 : vector<128x250xi1>
    %convert_element_type3A_184 = arith.extui %and3A_183 : vector<128x250xi1> to vector<128x250xi32>
    %ge3A_185 = arith.constant 10 : i32
    %ge3A_186 = vector.broadcast %ge3A_185 : i32 to vector<128x1xi32>
    %ge3A_187 = arith.cmpi sge, %slice3A_91, %ge3A_186 : vector<128x1xi32>
    %convert_element_type3A_188 = arith.extui %ge3A_187 : vector<128x1xi1> to vector<128x1xi32>
    %add3A_189 = arith.constant 1 : i32
    %add3A_190 = vector.broadcast %add3A_189 : i32 to vector<128x1xi32>
    %add3A_191 = arith.addi %add3A_190, %convert_element_type3A_188 : vector<128x1xi32>
    %ge3A_192 = arith.constant 100 : i32
    %ge3A_193 = vector.broadcast %ge3A_192 : i32 to vector<128x1xi32>
    %ge3A_194 = arith.cmpi sge, %slice3A_91, %ge3A_193 : vector<128x1xi32>
    %convert_element_type3A_195 = arith.extui %ge3A_194 : vector<128x1xi1> to vector<128x1xi32>
    %add3A_196 = arith.addi %add3A_191, %convert_element_type3A_195 : vector<128x1xi32>
    %ge3A_197 = arith.constant 1000 : i32
    %ge3A_198 = vector.broadcast %ge3A_197 : i32 to vector<128x1xi32>
    %ge3A_199 = arith.cmpi sge, %slice3A_91, %ge3A_198 : vector<128x1xi32>
    %convert_element_type3A_200 = arith.extui %ge3A_199 : vector<128x1xi1> to vector<128x1xi32>
    %add3A_201 = arith.addi %add3A_196, %convert_element_type3A_200 : vector<128x1xi32>
    %ge3A_202 = arith.constant 10000 : i32
    %ge3A_203 = vector.broadcast %ge3A_202 : i32 to vector<128x1xi32>
    %ge3A_204 = arith.cmpi sge, %slice3A_91, %ge3A_203 : vector<128x1xi32>
    %convert_element_type3A_205 = arith.extui %ge3A_204 : vector<128x1xi1> to vector<128x1xi32>
    %add3A_206 = arith.addi %add3A_201, %convert_element_type3A_205 : vector<128x1xi32>
    %eq3A_207 = arith.constant 1 : i32
    %eq3A_208 = vector.broadcast %eq3A_207 : i32 to vector<128x1xi32>
    %eq3A_209 = arith.cmpi eq, %add3A_206, %eq3A_208 : vector<128x1xi32>
    %eq3A_210 = arith.constant 2 : i32
    %eq3A_211 = vector.broadcast %eq3A_210 : i32 to vector<128x1xi32>
    %eq3A_212 = arith.cmpi eq, %add3A_206, %eq3A_211 : vector<128x1xi32>
    %eq3A_213 = arith.constant 3 : i32
    %eq3A_214 = vector.broadcast %eq3A_213 : i32 to vector<128x1xi32>
    %eq3A_215 = arith.cmpi eq, %add3A_206, %eq3A_214 : vector<128x1xi32>
    %eq3A_216 = arith.constant 4 : i32
    %eq3A_217 = vector.broadcast %eq3A_216 : i32 to vector<128x1xi32>
    %eq3A_218 = arith.cmpi eq, %add3A_206, %eq3A_217 : vector<128x1xi32>
    %jit3A_219 = arith.constant 10 : i32
    %jit3A_220 = arith.constant 1 : i32
    %broadcast_in_dim3A_221 = vector.broadcast %jit3A_219 : i32 to vector<128x1xi32>
    %broadcast_in_dim3A_222 = vector.broadcast %jit3A_220 : i32 to vector<128x1xi32>
    %select_n3A_223 = arith.select %eq3A_218, %broadcast_in_dim3A_221, %broadcast_in_dim3A_222 : vector<128x1xi1>, vector<128x1xi32>
    %jit3A_224 = arith.constant 100 : i32
    %broadcast_in_dim3A_225 = vector.broadcast %jit3A_224 : i32 to vector<128x1xi32>
    %select_n3A_226 = arith.select %eq3A_215, %broadcast_in_dim3A_225, %select_n3A_223 : vector<128x1xi1>, vector<128x1xi32>
    %jit3A_227 = arith.constant 1000 : i32
    %broadcast_in_dim3A_228 = vector.broadcast %jit3A_227 : i32 to vector<128x1xi32>
    %select_n3A_229 = arith.select %eq3A_212, %broadcast_in_dim3A_228, %select_n3A_226 : vector<128x1xi1>, vector<128x1xi32>
    %jit3A_230 = arith.constant 10000 : i32
    %broadcast_in_dim3A_231 = vector.broadcast %jit3A_230 : i32 to vector<128x1xi32>
    %select_n3A_232 = arith.select %eq3A_209, %broadcast_in_dim3A_231, %select_n3A_229 : vector<128x1xi1>, vector<128x1xi32>
    %broadcast_in_dim3A_233 = vector.shape_cast %select_n3A_232 : vector<128x1xi32> to vector<128x1xi32>
    %broadcast_in_dim3A_234 = vector.broadcast %broadcast_in_dim3A_233 : vector<128x1xi32> to vector<128x250xi32>
    %eq3A_235 = arith.constant 1 : i32
    %eq3A_236 = vector.broadcast %eq3A_235 : i32 to vector<128x1xi32>
    %eq3A_237 = arith.cmpi eq, %add3A_206, %eq3A_236 : vector<128x1xi32>
    %eq3A_238 = arith.constant 2 : i32
    %eq3A_239 = vector.broadcast %eq3A_238 : i32 to vector<128x1xi32>
    %eq3A_240 = arith.cmpi eq, %add3A_206, %eq3A_239 : vector<128x1xi32>
    %eq3A_241 = arith.constant 3 : i32
    %eq3A_242 = vector.broadcast %eq3A_241 : i32 to vector<128x1xi32>
    %eq3A_243 = arith.cmpi eq, %add3A_206, %eq3A_242 : vector<128x1xi32>
    %eq3A_244 = arith.constant 4 : i32
    %eq3A_245 = vector.broadcast %eq3A_244 : i32 to vector<128x1xi32>
    %eq3A_246 = arith.cmpi eq, %add3A_206, %eq3A_245 : vector<128x1xi32>
    %jit3A_247 = arith.constant 10 : i32
    %jit3A_248 = arith.constant 1 : i32
    %broadcast_in_dim3A_249 = vector.broadcast %jit3A_247 : i32 to vector<128x1xi32>
    %broadcast_in_dim3A_250 = vector.broadcast %jit3A_248 : i32 to vector<128x1xi32>
    %select_n3A_251 = arith.select %eq3A_246, %broadcast_in_dim3A_249, %broadcast_in_dim3A_250 : vector<128x1xi1>, vector<128x1xi32>
    %jit3A_252 = arith.constant 100 : i32
    %broadcast_in_dim3A_253 = vector.broadcast %jit3A_252 : i32 to vector<128x1xi32>
    %select_n3A_254 = arith.select %eq3A_243, %broadcast_in_dim3A_253, %select_n3A_251 : vector<128x1xi1>, vector<128x1xi32>
    %jit3A_255 = arith.constant 1000 : i32
    %broadcast_in_dim3A_256 = vector.broadcast %jit3A_255 : i32 to vector<128x1xi32>
    %select_n3A_257 = arith.select %eq3A_240, %broadcast_in_dim3A_256, %select_n3A_254 : vector<128x1xi1>, vector<128x1xi32>
    %jit3A_258 = arith.constant 10000 : i32
    %broadcast_in_dim3A_259 = vector.broadcast %jit3A_258 : i32 to vector<128x1xi32>
    %select_n3A_260 = arith.select %eq3A_237, %broadcast_in_dim3A_259, %select_n3A_257 : vector<128x1xi1>, vector<128x1xi32>
    %mul3A_261 = arith.muli %slice3A_91, %select_n3A_260 : vector<128x1xi32>
    %broadcast_in_dim3A_262 = vector.shape_cast %mul3A_261 : vector<128x1xi32> to vector<128x1xi32>
    %broadcast_in_dim3A_263 = vector.broadcast %broadcast_in_dim3A_262 : vector<128x1xi32> to vector<128x250xi32>
    %sub3A_264 = arith.subi %add3A_49, %broadcast_in_dim3A_263 : vector<128x250xi32>
    %iota3A_265 = tpu.iota {dimensions = array<i32: 1>} : vector<1x250xi32>
    %sub3A_266 = arith.subi %broadcast_in_dim3A, %add3A_206 : vector<128x1xi32>
    %broadcast_in_dim3A_267 = vector.shape_cast %sub3A_266 : vector<128x1xi32> to vector<128x1xi32>
    %broadcast_in_dim3A_268 = vector.broadcast %broadcast_in_dim3A_267 : vector<128x1xi32> to vector<128x250xi32>
    %ge3A_269 = arith.constant 0 : i32
    %ge3A_270 = vector.broadcast %ge3A_269 : i32 to vector<128x250xi32>
    %ge3A_271 = arith.cmpi sge, %sub3A_264, %ge3A_270 : vector<128x250xi32>
    %lt3A_272 = arith.cmpi slt, %sub3A_264, %broadcast_in_dim3A_234 : vector<128x250xi32>
    %and3A_273 = arith.andi %ge3A_271, %lt3A_272 : vector<128x250xi1>
    %le3A_274 = vector.broadcast %iota3A_265 : vector<1x250xi32> to vector<128x250xi32>
    %le3A_275 = arith.cmpi sle, %le3A_274, %broadcast_in_dim3A_268 : vector<128x250xi32>
    %and3A_276 = arith.andi %and3A_273, %le3A_275 : vector<128x250xi1>
    %convert_element_type3A_277 = arith.extui %and3A_276 : vector<128x250xi1> to vector<128x250xi32>
    %broadcast_in_dim3A_278 = arith.constant 0 : i32
    %broadcast_in_dim3A_279 = vector.broadcast %broadcast_in_dim3A_278 : i32 to vector<128x250xi32>
    %broadcast_in_dim3A_280 = vector.shape_cast %add3A_113 : vector<128x1xi32> to vector<128x1xi32>
    %broadcast_in_dim3A_281 = vector.broadcast %broadcast_in_dim3A_280 : vector<128x1xi32> to vector<128x250xi32>
    %broadcast_in_dim3A_282 = arith.constant 0 : i32
    %broadcast_in_dim3A_283 = vector.broadcast %broadcast_in_dim3A_282 : i32 to vector<128x1xi32>
    %slice3A_284 = vector.extract_strided_slice %convert_element_type3A_184 {offsets = [0, 0], sizes = [128, 249], strides = [1, 1]} : vector<128x250xi32> to vector<128x249xi32>
    %concatenate3A = tpu.concatenate %broadcast_in_dim3A_283, %slice3A_284 in 1 : vector<128x1xi32>, vector<128x249xi32> -> vector<128x250xi32>
    %eq3A_285 = arith.constant 1 : i32
    %eq3A_286 = vector.broadcast %eq3A_285 : i32 to vector<128x250xi32>
    %eq3A_287 = arith.cmpi eq, %broadcast_in_dim3A_281, %eq3A_286 : vector<128x250xi32>
    %select_n3A_288 = arith.select %eq3A_287, %concatenate3A, %broadcast_in_dim3A_279 : vector<128x250xi1>, vector<128x250xi32>
    %broadcast_in_dim3A_289 = arith.constant 0 : i32
    %broadcast_in_dim3A_290 = vector.broadcast %broadcast_in_dim3A_289 : i32 to vector<128x2xi32>
    %slice3A_291 = vector.extract_strided_slice %convert_element_type3A_184 {offsets = [0, 0], sizes = [128, 248], strides = [1, 1]} : vector<128x250xi32> to vector<128x248xi32>
    %concatenate3A_292 = tpu.concatenate %broadcast_in_dim3A_290, %slice3A_291 in 1 : vector<128x2xi32>, vector<128x248xi32> -> vector<128x250xi32>
    %eq3A_293 = arith.constant 2 : i32
    %eq3A_294 = vector.broadcast %eq3A_293 : i32 to vector<128x250xi32>
    %eq3A_295 = arith.cmpi eq, %broadcast_in_dim3A_281, %eq3A_294 : vector<128x250xi32>
    %select_n3A_296 = arith.select %eq3A_295, %concatenate3A_292, %select_n3A_288 : vector<128x250xi1>, vector<128x250xi32>
    %broadcast_in_dim3A_297 = arith.constant 0 : i32
    %broadcast_in_dim3A_298 = vector.broadcast %broadcast_in_dim3A_297 : i32 to vector<128x3xi32>
    %slice3A_299 = vector.extract_strided_slice %convert_element_type3A_184 {offsets = [0, 0], sizes = [128, 247], strides = [1, 1]} : vector<128x250xi32> to vector<128x247xi32>
    %concatenate3A_300 = tpu.concatenate %broadcast_in_dim3A_298, %slice3A_299 in 1 : vector<128x3xi32>, vector<128x247xi32> -> vector<128x250xi32>
    %eq3A_301 = arith.constant 3 : i32
    %eq3A_302 = vector.broadcast %eq3A_301 : i32 to vector<128x250xi32>
    %eq3A_303 = arith.cmpi eq, %broadcast_in_dim3A_281, %eq3A_302 : vector<128x250xi32>
    %select_n3A_304 = arith.select %eq3A_303, %concatenate3A_300, %select_n3A_296 : vector<128x250xi1>, vector<128x250xi32>
    %broadcast_in_dim3A_305 = arith.constant 0 : i32
    %broadcast_in_dim3A_306 = vector.broadcast %broadcast_in_dim3A_305 : i32 to vector<128x4xi32>
    %slice3A_307 = vector.extract_strided_slice %convert_element_type3A_184 {offsets = [0, 0], sizes = [128, 246], strides = [1, 1]} : vector<128x250xi32> to vector<128x246xi32>
    %concatenate3A_308 = tpu.concatenate %broadcast_in_dim3A_306, %slice3A_307 in 1 : vector<128x4xi32>, vector<128x246xi32> -> vector<128x250xi32>
    %eq3A_309 = arith.constant 4 : i32
    %eq3A_310 = vector.broadcast %eq3A_309 : i32 to vector<128x250xi32>
    %eq3A_311 = arith.cmpi eq, %broadcast_in_dim3A_281, %eq3A_310 : vector<128x250xi32>
    %select_n3A_312 = arith.select %eq3A_311, %concatenate3A_308, %select_n3A_304 : vector<128x250xi1>, vector<128x250xi32>
    %broadcast_in_dim3A_313 = arith.constant 0 : i32
    %broadcast_in_dim3A_314 = vector.broadcast %broadcast_in_dim3A_313 : i32 to vector<128x5xi32>
    %slice3A_315 = vector.extract_strided_slice %convert_element_type3A_184 {offsets = [0, 0], sizes = [128, 245], strides = [1, 1]} : vector<128x250xi32> to vector<128x245xi32>
    %concatenate3A_316 = tpu.concatenate %broadcast_in_dim3A_314, %slice3A_315 in 1 : vector<128x5xi32>, vector<128x245xi32> -> vector<128x250xi32>
    %eq3A_317 = arith.constant 5 : i32
    %eq3A_318 = vector.broadcast %eq3A_317 : i32 to vector<128x250xi32>
    %eq3A_319 = arith.cmpi eq, %broadcast_in_dim3A_281, %eq3A_318 : vector<128x250xi32>
    %select_n3A_320 = arith.select %eq3A_319, %concatenate3A_316, %select_n3A_312 : vector<128x250xi1>, vector<128x250xi32>
    %broadcast_in_dim3A_321 = vector.shape_cast %select_n3A_320 : vector<128x250xi32> to vector<128x1x250xi32>
    %broadcast_in_dim3A_322 = vector.shape_cast %broadcast_in_dim3A_321 : vector<128x1x250xi32> to vector<128x1x250xi32>
    %broadcast_in_dim3A_323 = vector.broadcast %broadcast_in_dim3A_322 : vector<128x1x250xi32> to vector<128x50x250xi32>
    %mul3A_324 = arith.muli %broadcast_in_dim3A_323, %convert_element_type3A_89 : vector<128x50x250xi32>
    %reduce_max3A = arith.constant dense<-2147483648> : vector<128x50xi32>
    %reduce_max3A_325 = vector.multi_reduction <maxsi>, %mul3A_324, %reduce_max3A [2] : vector<128x50x250xi32> to vector<128x50xi32>
    %add3A_326 = arith.addi %add3A_206, %add3A_113 : vector<128x1xi32>
    %broadcast_in_dim3A_327 = arith.constant 0 : i32
    %broadcast_in_dim3A_328 = vector.broadcast %broadcast_in_dim3A_327 : i32 to vector<128x250xi32>
    %broadcast_in_dim3A_329 = vector.shape_cast %add3A_326 : vector<128x1xi32> to vector<128x1xi32>
    %broadcast_in_dim3A_330 = vector.broadcast %broadcast_in_dim3A_329 : vector<128x1xi32> to vector<128x250xi32>
    %broadcast_in_dim3A_331 = arith.constant 0 : i32
    %broadcast_in_dim3A_332 = vector.broadcast %broadcast_in_dim3A_331 : i32 to vector<128x2xi32>
    %slice3A_333 = vector.extract_strided_slice %convert_element_type3A_277 {offsets = [0, 0], sizes = [128, 248], strides = [1, 1]} : vector<128x250xi32> to vector<128x248xi32>
    %concatenate3A_334 = tpu.concatenate %broadcast_in_dim3A_332, %slice3A_333 in 1 : vector<128x2xi32>, vector<128x248xi32> -> vector<128x250xi32>
    %eq3A_335 = arith.constant 2 : i32
    %eq3A_336 = vector.broadcast %eq3A_335 : i32 to vector<128x250xi32>
    %eq3A_337 = arith.cmpi eq, %broadcast_in_dim3A_330, %eq3A_336 : vector<128x250xi32>
    %select_n3A_338 = arith.select %eq3A_337, %concatenate3A_334, %broadcast_in_dim3A_328 : vector<128x250xi1>, vector<128x250xi32>
    %broadcast_in_dim3A_339 = arith.constant 0 : i32
    %broadcast_in_dim3A_340 = vector.broadcast %broadcast_in_dim3A_339 : i32 to vector<128x3xi32>
    %slice3A_341 = vector.extract_strided_slice %convert_element_type3A_277 {offsets = [0, 0], sizes = [128, 247], strides = [1, 1]} : vector<128x250xi32> to vector<128x247xi32>
    %concatenate3A_342 = tpu.concatenate %broadcast_in_dim3A_340, %slice3A_341 in 1 : vector<128x3xi32>, vector<128x247xi32> -> vector<128x250xi32>
    %eq3A_343 = arith.constant 3 : i32
    %eq3A_344 = vector.broadcast %eq3A_343 : i32 to vector<128x250xi32>
    %eq3A_345 = arith.cmpi eq, %broadcast_in_dim3A_330, %eq3A_344 : vector<128x250xi32>
    %select_n3A_346 = arith.select %eq3A_345, %concatenate3A_342, %select_n3A_338 : vector<128x250xi1>, vector<128x250xi32>
    %broadcast_in_dim3A_347 = arith.constant 0 : i32
    %broadcast_in_dim3A_348 = vector.broadcast %broadcast_in_dim3A_347 : i32 to vector<128x4xi32>
    %slice3A_349 = vector.extract_strided_slice %convert_element_type3A_277 {offsets = [0, 0], sizes = [128, 246], strides = [1, 1]} : vector<128x250xi32> to vector<128x246xi32>
    %concatenate3A_350 = tpu.concatenate %broadcast_in_dim3A_348, %slice3A_349 in 1 : vector<128x4xi32>, vector<128x246xi32> -> vector<128x250xi32>
    %eq3A_351 = arith.constant 4 : i32
    %eq3A_352 = vector.broadcast %eq3A_351 : i32 to vector<128x250xi32>
    %eq3A_353 = arith.cmpi eq, %broadcast_in_dim3A_330, %eq3A_352 : vector<128x250xi32>
    %select_n3A_354 = arith.select %eq3A_353, %concatenate3A_350, %select_n3A_346 : vector<128x250xi1>, vector<128x250xi32>
    %broadcast_in_dim3A_355 = arith.constant 0 : i32
    %broadcast_in_dim3A_356 = vector.broadcast %broadcast_in_dim3A_355 : i32 to vector<128x5xi32>
    %slice3A_357 = vector.extract_strided_slice %convert_element_type3A_277 {offsets = [0, 0], sizes = [128, 245], strides = [1, 1]} : vector<128x250xi32> to vector<128x245xi32>
    %concatenate3A_358 = tpu.concatenate %broadcast_in_dim3A_356, %slice3A_357 in 1 : vector<128x5xi32>, vector<128x245xi32> -> vector<128x250xi32>
    %eq3A_359 = arith.constant 5 : i32
    %eq3A_360 = vector.broadcast %eq3A_359 : i32 to vector<128x250xi32>
    %eq3A_361 = arith.cmpi eq, %broadcast_in_dim3A_330, %eq3A_360 : vector<128x250xi32>
    %select_n3A_362 = arith.select %eq3A_361, %concatenate3A_358, %select_n3A_354 : vector<128x250xi1>, vector<128x250xi32>
    %broadcast_in_dim3A_363 = arith.constant 0 : i32
    %broadcast_in_dim3A_364 = vector.broadcast %broadcast_in_dim3A_363 : i32 to vector<128x6xi32>
    %slice3A_365 = vector.extract_strided_slice %convert_element_type3A_277 {offsets = [0, 0], sizes = [128, 244], strides = [1, 1]} : vector<128x250xi32> to vector<128x244xi32>
    %concatenate3A_366 = tpu.concatenate %broadcast_in_dim3A_364, %slice3A_365 in 1 : vector<128x6xi32>, vector<128x244xi32> -> vector<128x250xi32>
    %eq3A_367 = arith.constant 6 : i32
    %eq3A_368 = vector.broadcast %eq3A_367 : i32 to vector<128x250xi32>
    %eq3A_369 = arith.cmpi eq, %broadcast_in_dim3A_330, %eq3A_368 : vector<128x250xi32>
    %select_n3A_370 = arith.select %eq3A_369, %concatenate3A_366, %select_n3A_362 : vector<128x250xi1>, vector<128x250xi32>
    %broadcast_in_dim3A_371 = arith.constant 0 : i32
    %broadcast_in_dim3A_372 = vector.broadcast %broadcast_in_dim3A_371 : i32 to vector<128x7xi32>
    %slice3A_373 = vector.extract_strided_slice %convert_element_type3A_277 {offsets = [0, 0], sizes = [128, 243], strides = [1, 1]} : vector<128x250xi32> to vector<128x243xi32>
    %concatenate3A_374 = tpu.concatenate %broadcast_in_dim3A_372, %slice3A_373 in 1 : vector<128x7xi32>, vector<128x243xi32> -> vector<128x250xi32>
    %eq3A_375 = arith.constant 7 : i32
    %eq3A_376 = vector.broadcast %eq3A_375 : i32 to vector<128x250xi32>
    %eq3A_377 = arith.cmpi eq, %broadcast_in_dim3A_330, %eq3A_376 : vector<128x250xi32>
    %select_n3A_378 = arith.select %eq3A_377, %concatenate3A_374, %select_n3A_370 : vector<128x250xi1>, vector<128x250xi32>
    %broadcast_in_dim3A_379 = arith.constant 0 : i32
    %broadcast_in_dim3A_380 = vector.broadcast %broadcast_in_dim3A_379 : i32 to vector<128x8xi32>
    %slice3A_381 = vector.extract_strided_slice %convert_element_type3A_277 {offsets = [0, 0], sizes = [128, 242], strides = [1, 1]} : vector<128x250xi32> to vector<128x242xi32>
    %concatenate3A_382 = tpu.concatenate %broadcast_in_dim3A_380, %slice3A_381 in 1 : vector<128x8xi32>, vector<128x242xi32> -> vector<128x250xi32>
    %eq3A_383 = arith.constant 8 : i32
    %eq3A_384 = vector.broadcast %eq3A_383 : i32 to vector<128x250xi32>
    %eq3A_385 = arith.cmpi eq, %broadcast_in_dim3A_330, %eq3A_384 : vector<128x250xi32>
    %select_n3A_386 = arith.select %eq3A_385, %concatenate3A_382, %select_n3A_378 : vector<128x250xi1>, vector<128x250xi32>
    %broadcast_in_dim3A_387 = arith.constant 0 : i32
    %broadcast_in_dim3A_388 = vector.broadcast %broadcast_in_dim3A_387 : i32 to vector<128x9xi32>
    %slice3A_389 = vector.extract_strided_slice %convert_element_type3A_277 {offsets = [0, 0], sizes = [128, 241], strides = [1, 1]} : vector<128x250xi32> to vector<128x241xi32>
    %concatenate3A_390 = tpu.concatenate %broadcast_in_dim3A_388, %slice3A_389 in 1 : vector<128x9xi32>, vector<128x241xi32> -> vector<128x250xi32>
    %eq3A_391 = arith.constant 9 : i32
    %eq3A_392 = vector.broadcast %eq3A_391 : i32 to vector<128x250xi32>
    %eq3A_393 = arith.cmpi eq, %broadcast_in_dim3A_330, %eq3A_392 : vector<128x250xi32>
    %select_n3A_394 = arith.select %eq3A_393, %concatenate3A_390, %select_n3A_386 : vector<128x250xi1>, vector<128x250xi32>
    %broadcast_in_dim3A_395 = arith.constant 0 : i32
    %broadcast_in_dim3A_396 = vector.broadcast %broadcast_in_dim3A_395 : i32 to vector<128x10xi32>
    %slice3A_397 = vector.extract_strided_slice %convert_element_type3A_277 {offsets = [0, 0], sizes = [128, 240], strides = [1, 1]} : vector<128x250xi32> to vector<128x240xi32>
    %concatenate3A_398 = tpu.concatenate %broadcast_in_dim3A_396, %slice3A_397 in 1 : vector<128x10xi32>, vector<128x240xi32> -> vector<128x250xi32>
    %eq3A_399 = arith.constant 10 : i32
    %eq3A_400 = vector.broadcast %eq3A_399 : i32 to vector<128x250xi32>
    %eq3A_401 = arith.cmpi eq, %broadcast_in_dim3A_330, %eq3A_400 : vector<128x250xi32>
    %select_n3A_402 = arith.select %eq3A_401, %concatenate3A_398, %select_n3A_394 : vector<128x250xi1>, vector<128x250xi32>
    %mul3A_403 = arith.muli %select_n3A_402, %select_n3A_320 : vector<128x250xi32>
    %broadcast_in_dim3A_404 = vector.shape_cast %mul3A_403 : vector<128x250xi32> to vector<128x1x250xi32>
    %broadcast_in_dim3A_405 = vector.shape_cast %broadcast_in_dim3A_404 : vector<128x1x250xi32> to vector<128x1x250xi32>
    %broadcast_in_dim3A_406 = vector.broadcast %broadcast_in_dim3A_405 : vector<128x1x250xi32> to vector<128x50x250xi32>
    %mul3A_407 = arith.muli %broadcast_in_dim3A_406, %convert_element_type3A_89 : vector<128x50x250xi32>
    %reduce_max3A_408 = arith.constant dense<-2147483648> : vector<128x50xi32>
    %reduce_max3A_409 = vector.multi_reduction <maxsi>, %mul3A_407, %reduce_max3A_408 [2] : vector<128x50x250xi32> to vector<128x50xi32>
    %iota3A_410 = tpu.iota {dimensions = array<i32: 1>} : vector<1x50xi32>
    %iota3A_411 = tpu.iota {dimensions = array<i32: 2>} : vector<1x1x50xi32>
    %broadcast_in_dim3A_412 = vector.shape_cast %get3A_1 : vector<128x50xi32> to vector<128x50x1xi32>
    %broadcast_in_dim3A_413 = vector.shape_cast %get3A_1 : vector<128x50xi32> to vector<128x1x50xi32>
    %eq3A_414 = vector.broadcast %broadcast_in_dim3A_412 : vector<128x50x1xi32> to vector<128x50x50xi32>
    %eq3A_415 = vector.broadcast %broadcast_in_dim3A_413 : vector<128x1x50xi32> to vector<128x50x50xi32>
    %eq3A_416 = arith.cmpi eq, %eq3A_414, %eq3A_415 : vector<128x50x50xi32>
    %jit3A_417 = arith.constant 50 : i32
    %broadcast_in_dim3A_418 = vector.shape_cast %iota3A_411 : vector<1x1x50xi32> to vector<1x1x50xi32>
    %broadcast_in_dim3A_419 = vector.broadcast %broadcast_in_dim3A_418 : vector<1x1x50xi32> to vector<128x50x50xi32>
    %broadcast_in_dim3A_420 = vector.broadcast %jit3A_417 : i32 to vector<128x50x50xi32>
    %select_n3A_421 = arith.select %eq3A_416, %broadcast_in_dim3A_419, %broadcast_in_dim3A_420 : vector<128x50x50xi1>, vector<128x50x50xi32>
    %reduce_min3A = arith.constant dense<2147483647> : vector<128x50xi32>
    %reduce_min3A_422 = vector.multi_reduction <minsi>, %select_n3A_421, %reduce_min3A [2] : vector<128x50x50xi32> to vector<128x50xi32>
    %broadcast_in_dim3A_423 = vector.shape_cast %slice3A_90 : vector<128x1xi32> to vector<128x1xi32>
    %broadcast_in_dim3A_424 = vector.broadcast %broadcast_in_dim3A_423 : vector<128x1xi32> to vector<128x50xi32>
    %eq3A_425 = arith.cmpi eq, %get3A_1, %broadcast_in_dim3A_424 : vector<128x50xi32>
    %convert_element_type3A_426 = arith.extui %eq3A_425 : vector<128x50xi1> to vector<128x50xi32>
    %reduce_max3A_427 = arith.constant dense<-2147483648> : vector<128xi32>
    %reduce_max3A_428 = vector.multi_reduction <maxsi>, %convert_element_type3A_426, %reduce_max3A_427 [1] : vector<128x50xi32> to vector<128xi32>
    %broadcast_in_dim3A_429 = vector.shape_cast %reduce_max3A_428 : vector<128xi32> to vector<128x1xi32>
    %eq3A_430 = arith.constant 1 : i32
    %eq3A_431 = vector.broadcast %eq3A_430 : i32 to vector<128x50xi32>
    %eq3A_432 = arith.cmpi eq, %convert_element_type3A_426, %eq3A_431 : vector<128x50xi32>
    %broadcast_in_dim3A_433 = vector.shape_cast %iota3A_410 : vector<1x50xi32> to vector<1x50xi32>
    %broadcast_in_dim3A_434 = vector.broadcast %broadcast_in_dim3A_433 : vector<1x50xi32> to vector<128x50xi32>
    %jit3A_435 = arith.constant 50 : i32
    %broadcast_in_dim3A_436 = vector.broadcast %jit3A_435 : i32 to vector<128x50xi32>
    %select_n3A_437 = arith.select %eq3A_432, %broadcast_in_dim3A_434, %broadcast_in_dim3A_436 : vector<128x50xi1>, vector<128x50xi32>
    %reduce_min3A_438 = arith.constant dense<2147483647> : vector<128xi32>
    %reduce_min3A_439 = vector.multi_reduction <minsi>, %select_n3A_437, %reduce_min3A_438 [1] : vector<128x50xi32> to vector<128xi32>
    %broadcast_in_dim3A_440 = vector.shape_cast %reduce_min3A_439 : vector<128xi32> to vector<128x1xi32>
    %broadcast_in_dim3A_441 = vector.shape_cast %get3A_7 : vector<128x1xi32> to vector<128x1xi32>
    %broadcast_in_dim3A_442 = vector.broadcast %broadcast_in_dim3A_441 : vector<128x1xi32> to vector<128x50xi32>
    %lt3A_443 = arith.cmpi slt, %reduce_min3A_422, %broadcast_in_dim3A_442 : vector<128x50xi32>
    %convert_element_type3A_444 = arith.extui %lt3A_443 : vector<128x50xi1> to vector<128x50xi32>
    %broadcast_in_dim3A_445 = vector.shape_cast %broadcast_in_dim3A_429 : vector<128x1xi32> to vector<128x1xi32>
    %broadcast_in_dim3A_446 = vector.broadcast %broadcast_in_dim3A_445 : vector<128x1xi32> to vector<128x50xi32>
    %broadcast_in_dim3A_447 = vector.shape_cast %broadcast_in_dim3A_440 : vector<128x1xi32> to vector<128x1xi32>
    %broadcast_in_dim3A_448 = vector.broadcast %broadcast_in_dim3A_447 : vector<128x1xi32> to vector<128x50xi32>
    %lt3A_449 = arith.cmpi slt, %reduce_min3A_422, %broadcast_in_dim3A_448 : vector<128x50xi32>
    %convert_element_type3A_450 = arith.extui %lt3A_449 : vector<128x50xi1> to vector<128x50xi32>
    %mul3A_451 = arith.muli %broadcast_in_dim3A_446, %convert_element_type3A_450 : vector<128x50xi32>
    %add3A_452 = arith.constant 1 : i32
    %add3A_453 = vector.broadcast %add3A_452 : i32 to vector<128x50xi32>
    %add3A_454 = arith.addi %add3A_453, %reduce_max3A_325 : vector<128x50xi32>
    %add3A_455 = arith.addi %add3A_454, %reduce_max3A_409 : vector<128x50xi32>
    %add3A_456 = arith.addi %add3A_455, %mul3A_451 : vector<128x50xi32>
    %mul3A_457 = arith.muli %convert_element_type3A_444, %add3A_456 : vector<128x50xi32>
    %convert_element_type3A_458 = arith.sitofp %mul3A_457 : vector<128x50xi32> to vector<128x50xf32>
    %broadcast_in_dim3A_459 = vector.shape_cast %iota3A_410 : vector<1x50xi32> to vector<1x50xi32>
    %broadcast_in_dim3A_460 = vector.broadcast %broadcast_in_dim3A_459 : vector<1x50xi32> to vector<128x50xi32>
    %eq3A_461 = arith.cmpi eq, %reduce_min3A_422, %broadcast_in_dim3A_460 : vector<128x50xi32>
    %mul3A_462 = arith.constant 5.000000e-01 : f32
    %mul3A_463 = vector.broadcast %mul3A_462 : f32 to vector<128x50xf32>
    %mul3A_464 = arith.mulf %mul3A_463, %convert_element_type3A_458 : vector<128x50xf32>
    %jit3A_465 = arith.constant 0.000000e+00 : f32
    %broadcast_in_dim3A_466 = vector.broadcast %jit3A_465 : f32 to vector<128x50xf32>
    %select_n3A_467 = arith.select %eq3A_461, %mul3A_464, %broadcast_in_dim3A_466 : vector<128x50xi1>, vector<128x50xf32>
    %broadcast_in_dim3A_468 = vector.shape_cast %iota3A_410 : vector<1x50xi32> to vector<1x50xi32>
    %broadcast_in_dim3A_469 = vector.broadcast %broadcast_in_dim3A_468 : vector<1x50xi32> to vector<128x50xi32>
    %add3A_470 = arith.constant 32000 : i32
    %add3A_471 = vector.broadcast %add3A_470 : i32 to vector<128x50xi32>
    %add3A_472 = arith.addi %add3A_471, %broadcast_in_dim3A_469 : vector<128x50xi32>
    %select_n3A_473 = arith.select %eq3A_461, %get3A_1, %add3A_472 : vector<128x50xi1>, vector<128x50xi32>
    %iota3A_474 = tpu.iota {dimensions = array<i32: 1>} : vector<128x14xi32>
    %add3A_475 = arith.constant 32050 : i32
    %add3A_476 = vector.broadcast %add3A_475 : i32 to vector<128x14xi32>
    %add3A_477 = arith.addi %iota3A_474, %add3A_476 : vector<128x14xi32>
    %broadcast_in_dim3A_478 = arith.constant 0.000000e+00 : f32
    %broadcast_in_dim3A_479 = vector.broadcast %broadcast_in_dim3A_478 : f32 to vector<128x14xf32>
    %concatenate3A_480 = tpu.concatenate %select_n3A_467, %broadcast_in_dim3A_479 in 1 : vector<128x50xf32>, vector<128x14xf32> -> vector<128x64xf32>
    %swap3A = arith.constant 0 : index
    %swap3A_481 = arith.constant 0 : index
    %swap3A_482 = vector.load %arg5[%swap3A, %swap3A_481] : memref<128x64xf32, #tpu.memory_space<vmem>>, vector<128x64xf32>
    tpu.vector_store %arg5[%swap3A, %swap3A_481], %concatenate3A_480 {strides = array<i32>} : memref<128x64xf32, #tpu.memory_space<vmem>>, vector<128x64xf32>,
    %concatenate3A_483 = tpu.concatenate %select_n3A_473, %add3A_477 in 1 : vector<128x50xi32>, vector<128x14xi32> -> vector<128x64xi32>
    %swap3A_484 = arith.constant 0 : index
    %swap3A_485 = arith.constant 0 : index
    %swap3A_486 = vector.load %arg6[%swap3A_484, %swap3A_485] : memref<128x64xi32, #tpu.memory_space<vmem>>, vector<128x64xi32>
    tpu.vector_store %arg6[%swap3A_484, %swap3A_485], %concatenate3A_483 {strides = array<i32>} : memref<128x64xi32, #tpu.memory_space<vmem>>, vector<128x64xi32>,
    return
  }
  func.func @transform_0(%arg0: i32) -> (i32, i32) {
    %c0_i32 = arith.constant 0 : i32
    %c0_i32_0 = arith.constant 0 : i32
    return %arg0, %c0_i32 : i32, i32
  }
  func.func @transform_1(%arg0: i32) -> (i32, i32) {
    %c0_i32 = arith.constant 0 : i32
    %c0_i32_0 = arith.constant 0 : i32
    return %arg0, %c0_i32 : i32, i32
  }
  func.func @transform_2(%arg0: i32) -> (i32, i32) {
    %c0_i32 = arith.constant 0 : i32
    %c0_i32_0 = arith.constant 0 : i32
    return %arg0, %c0_i32 : i32, i32
  }
  func.func @transform_3(%arg0: i32) -> (i32, i32) {
    %c0_i32 = arith.constant 0 : i32
    %c0_i32_0 = arith.constant 0 : i32
    return %arg0, %c0_i32 : i32, i32
  }
  func.func @transform_4(%arg0: i32) -> (i32, i32) {
    %c0_i32 = arith.constant 0 : i32
    %c0_i32_0 = arith.constant 0 : i32
    return %arg0, %c0_i32 : i32, i32
  }
  func.func @transform_5(%arg0: i32) -> (i32, i32) {
    %c0_i32 = arith.constant 0 : i32
    %c0_i32_0 = arith.constant 0 : i32
    return %arg0, %c0_i32 : i32, i32
  }
}

module attributes {stable_mosaic.version = 14 : i64} {
  func.func @_softmax_body(%arg0: i32, %arg1: memref<32x32000xf32, #tpu.memory_space<vmem>>, %arg2: memref<32x32000xf32, #tpu.memory_space<vmem>>, %arg3: memref<32x32000xf32, #tpu.memory_space<vmem>>) attributes {dimension_semantics = [#tpu.dimension_semantics<arbitrary>], iteration_bounds = array<i64: 8>, scalar_prefetch = 0 : i64, scratch_operands = 0 : i64, tpu.core_type = #tpu.core_type<tc>, window_params = [{transform_indices = @transform_0, window_bounds = array<i64: 32, 32000>}, {transform_indices = @transform_1, window_bounds = array<i64: 32, 32000>}, {transform_indices = @transform_2, window_bounds = array<i64: 32, 32000>}]} {
    %get3A = arith.constant 0 : index
    %get3A_0 = arith.constant 0 : index
    %get3A_1 = vector.load %arg1[%get3A, %get3A_0] : memref<32x32000xf32, #tpu.memory_space<vmem>>, vector<32x32000xf32>
    %get3A_2 = arith.constant 0 : index
    %get3A_3 = arith.constant 0 : index
    %get3A_4 = vector.load %arg2[%get3A_2, %get3A_3] : memref<32x32000xf32, #tpu.memory_space<vmem>>, vector<32x32000xf32>
    %add3A = arith.addf %get3A_1, %get3A_4 : vector<32x32000xf32>
    %reduce_max3A = arith.constant dense<0xFF800000> : vector<32xf32>
    %reduce_max3A_5 = vector.multi_reduction <maximumf>, %add3A, %reduce_max3A [1] : vector<32x32000xf32> to vector<32xf32>
    %broadcast_in_dim3A = vector.shape_cast %reduce_max3A_5 : vector<32xf32> to vector<32x1xf32>
    %sub3A = vector.broadcast %broadcast_in_dim3A : vector<32x1xf32> to vector<32x32000xf32>
    %sub3A_6 = arith.subf %add3A, %sub3A : vector<32x32000xf32>
    %exp3A = math.exp %sub3A_6 : vector<32x32000xf32>
    %reduce_sum3A = arith.constant dense<0.000000e+00> : vector<32xf32>
    %reduce_sum3A_7 = vector.multi_reduction <add>, %exp3A, %reduce_sum3A [1] : vector<32x32000xf32> to vector<32xf32>
    %broadcast_in_dim3A_8 = vector.shape_cast %reduce_sum3A_7 : vector<32xf32> to vector<32x1xf32>
    %div3A = vector.broadcast %broadcast_in_dim3A_8 : vector<32x1xf32> to vector<32x32000xf32>
    %div3A_9 = arith.divf %exp3A, %div3A : vector<32x32000xf32>
    %swap3A = arith.constant 0 : index
    %swap3A_10 = arith.constant 0 : index
    %swap3A_11 = vector.load %arg3[%swap3A, %swap3A_10] : memref<32x32000xf32, #tpu.memory_space<vmem>>, vector<32x32000xf32>
    tpu.vector_store %arg3[%swap3A, %swap3A_10], %div3A_9 {strides = array<i32>} : memref<32x32000xf32, #tpu.memory_space<vmem>>, vector<32x32000xf32>,
    return
  }
  func.func @transform_0(%arg0: i32) -> (i32, i32) {
    %c0_i32 = arith.constant 0 : i32
    %c0_i32_0 = arith.constant 0 : i32
    return %arg0, %c0_i32 : i32, i32
  }
  func.func @transform_1(%arg0: i32) -> (i32, i32) {
    %c0_i32 = arith.constant 0 : i32
    %c0_i32_0 = arith.constant 0 : i32
    return %arg0, %c0_i32 : i32, i32
  }
  func.func @transform_2(%arg0: i32) -> (i32, i32) {
    %c0_i32 = arith.constant 0 : i32
    %c0_i32_0 = arith.constant 0 : i32
    return %arg0, %c0_i32 : i32, i32
  }
}

</mosaic_0001>

<sc_bundles>
// kernel: kernel.10.cloned.1.call-start
scs
__scs_entry_jumppad:
0x0: {  	(pc) =	sbr.rel $0x88, $3  }
0x1: {  	(tag) =	ssettag $0x0;
	lr =	simm.s32 $0x1  }
0x2: {  	[smem:$0x3F96] =	sst lr;
	_ =	strace $0xD0000000  }
0x3: {  	_ = 	snop  }
0x4: {  	_ = 	snop  }
0x5: {  	_ = 	snop  }
0x6: {  	_ = 	snop  }
0x7: {  	_ = 	snop  }
__scs_overlays_trampoline_lowered:
0x8: {  	[smem:$0x3FA5] =	sst s0  }
0x9: {  	[smem:$0x3FA6] =	sst s1  }
0xa: {  	[smem:$0x3FA7] =	sst s2  }
0xb: {  	[smem:$0x3FA8] =	sst s3  }
0xc: {  	[smem:$0x3FA9] =	sst s4  }
0xd: {  	[smem:$0x3FAA] =	sst s5  }
0xe: {  	[smem:$0x3FAB] =	sst s6  }
0xf: {  	[smem:$0x3FAC] =	sst s7  }
0x10: {  	[smem:$0x3FAD] =	sst s8  }
0x11: {  	[smem:$0x3FAE] =	sst s9;
	s0 =	simm.s32 @!p0 $0x0  }
0x12: {  	s1 =	sld [smem:$0x3F94];
	s0 =	simm.s32 @p0 $0x1  }
0x13: {  	[smem:$0x3FAF] =	sst s0;
	s0 =	simm.s32 @!p1 $0x0  }
0x14: {  	s2 =	sld [smem:$0x3F93];
	s0 =	simm.s32 @p1 $0x1  }
0x15: {  	[smem:$0x3FB0] =	sst s0;
	s0 =	simm.s32 @!p2 $0x0  }
0x16: {  	s3 =	sld [smem:$0x3FDB];
	s0 =	simm.s32 @p2 $0x1  }
0x17: {  	s4 =	simm.s32 $0x1BF5;
	[smem:$0x3FB2] =	sst s0  }
0x18: {  	s0 =	sld [smem:$0x3F95];
	_ =	swait.ge [sflag:s4], $0x0  }
0x19: {  	s7 =	sld [smem:$0x3F96]  }
0x1a: {  	s8 =	sadd.s32 $0xFFFFE003, lr  }
0x1b: {  	s9 =	sadd.s32 $0xFFFFFEF7, lr;
	s5 =	simm.s32 $0xFFFFFFFF;
	p2 =	slt.u32 s8, $0xFFFFF086  }
0x1c: {  	p1 =	slt.u32 s9, $0xF7A;
	s5 =	simm.s32 @!p2 $0x0  }
0x1d: {  	s5 =	simm.s32 @p1 $0x1;
	p0 =	seq.s32 s7, s2  }
0x1e: {  	s7 =	smul.u32 @!p0 $0xF7A, s2;
	p2 =	seq.s32 @!p0 s5, $0x0  }
0x1f: {  	s9 =	smul.u32 $0xF7A, s1;
	s8 =	simm.s32 @!p0 $0x1BF5;
	p2 =	por !p2, p0  }
0x20: {  	[sflag:s8] =	ssyncset.s32 @!p0 $0xFFFFF086;
	s6 =	sadd.s32 @!p0 s3, s7;
	s7 =	simm.s32 @!p0 $0x108  }
0x21: {  	s3 =	sadd.s32 s3, s9;
	s6 =	sadd.s32 @!p0 $0x88, s6;
	s7 =	simm.s32 @p2 $0x1082  }
0x22: {  	[simem:s7], [sflag:s8] =	dma.local @!p0 [hbm:s6], $0xF7A  }
0x23: {  	s9 =	sor.u32 $0xD0000000, s2;
	s6 =	simm.s32 $0x108;
	_ =	swait.ge @!p0 [sflag:s8], $0x0  }
0x24: {  	s3 =	sadd.s32 $0x88, s3;
	s6 =	simm.s32 @!p1 $0x1082;
	[sflag:s4] =	ssyncset.s32 $0xFFFFF086  }
0x25: {  	[simem:s6], [sflag:s4] =	dma.local [hbm:s3], $0xF7A  }
0x26: {  	[smem:$0x3F96] =	sst s1;
	(tag) =	ssettag s2;
	_ =	strace s9  }
0x27: {  	s1 =	sld [smem:$0x3FA6]  }
0x28: {  	s2 =	sld [smem:$0x3FA7]  }
0x29: {  	s4 =	sld [smem:$0x3FA9]  }
0x2a: {  	p0 =	seq.s32 s5, $0x0;
	s5 =	sld [smem:$0x3FAA]  }
0x2b: {  	s6 =	sld [smem:$0x3FAB]  }
0x2c: {  	s7 =	sld [smem:$0x3FAC]  }
0x2d: {  	s3 =	simm.s32 $0x108;
	s8 =	sld [smem:$0x3FAD]  }
0x2e: {  	s3 =	simm.s32 @!p0 $0x1082;
	s9 =	sld [smem:$0x3FAE]  }
0x2f: {  	lr =	sadd.s32 s0, s3;
	s0 =	sld [smem:$0x3FA5]  }
0x30: {  	s3 =	sld [smem:$0x3FA8]  }
0x31: {  	[smem:$0x3FB1] =	sst s10  }
0x32: {  	s10 =	sld [smem:$0x3FAF];
	_ =	sdelay $0x3  }
0x33: {  	p0 =	seq.s32 s10, $0x1;
	s10 =	sld [smem:$0x3FB1];
	_ =	sdelay $0x3  }
0x34: {  	[smem:$0x3FB1] =	sst s10  }
0x35: {  	s10 =	sld [smem:$0x3FB0];
	_ =	sdelay $0x3  }
0x36: {  	p1 =	seq.s32 s10, $0x1;
	s10 =	sld [smem:$0x3FB1];
	_ =	sdelay $0x3  }
0x37: {  	[smem:$0x3FB1] =	sst s10  }
0x38: {  	s10 =	sld [smem:$0x3FB2]  }
0x39: {  	_ = 	snop;
	(pc) =	sbr.ind lr, $3  }
0x3a: {  	_ = 	snop  }
0x3b: {  	_ = 	snop  }
0x3c: {  	p2 =	seq.s32 s10, $0x1;
	s10 =	sld [smem:$0x3FB1]  }
0x3d: {  	_ =	shalt  }
0x3e: {  	_ =	shalt  }
0x3f: {  	_ =	shalt  }
0x40: {  	_ =	shalt  }
0x41: {  	_ =	shalt  }
0x42: {  	_ =	shalt  }
0x43: {  	_ =	shalt  }
0x44: {  	_ =	shalt  }
0x45: {  	_ =	shalt  }
0x46: {  	_ =	shalt  }
0x47: {  	_ =	shalt  }
0x48: {  	_ =	shalt  }
0x49: {  	_ =	shalt  }
0x4a: {  	_ =	shalt  }
0x4b: {  	_ =	shalt  }
0x4c: {  	_ =	shalt  }
0x4d: {  	_ =	shalt  }
0x4e: {  	_ =	shalt  }
0x4f: {  	_ =	shalt  }
0x50: {  	_ =	shalt  }
0x51: {  	_ =	shalt  }
0x52: {  	_ =	shalt  }
0x53: {  	_ =	shalt  }
0x54: {  	_ =	shalt  }
0x55: {  	_ =	shalt  }
0x56: {  	_ =	shalt  }
0x57: {  	_ =	shalt  }
0x58: {  	_ =	shalt  }
0x59: {  	_ =	shalt  }
0x5a: {  	_ =	shalt  }
0x5b: {  	_ =	shalt  }
0x5c: {  	_ =	shalt  }
0x5d: {  	_ =	shalt  }
0x5e: {  	_ =	shalt  }
0x5f: {  	_ =	shalt  }
0x60: {  	_ =	shalt  }
0x61: {  	_ =	shalt  }
0x62: {  	_ =	shalt  }
0x63: {  	_ =	shalt  }
0x64: {  	_ =	shalt  }
0x65: {  	_ =	shalt  }
0x66: {  	_ =	shalt  }
0x67: {  	_ =	shalt  }
0x68: {  	_ =	shalt  }
0x69: {  	_ =	shalt  }
0x6a: {  	_ =	shalt  }
0x6b: {  	_ =	shalt  }
0x6c: {  	_ =	shalt  }
0x6d: {  	_ =	shalt  }
0x6e: {  	_ =	shalt  }
0x6f: {  	_ =	shalt  }
0x70: {  	_ =	shalt  }
0x71: {  	_ =	shalt  }
0x72: {  	_ =	shalt  }
0x73: {  	_ =	shalt  }
0x74: {  	_ =	shalt  }
0x75: {  	_ =	shalt  }
0x76: {  	_ =	shalt  }
0x77: {  	_ =	shalt  }
0x78: {  	_ =	shalt  }
0x79: {  	_ =	shalt  }
0x7a: {  	_ =	shalt  }
0x7b: {  	_ =	shalt  }
0x7c: {  	_ =	shalt  }
0x7d: {  	_ =	shalt  }
0x7e: {  	_ =	shalt  }
0x7f: {  	_ =	shalt  }
0x80: {  	_ =	shalt  }
0x81: {  	_ =	shalt  }
0x82: {  	_ =	shalt  }
0x83: {  	_ =	shalt  }
0x84: {  	_ =	shalt  }
0x85: {  	_ =	shalt  }
0x86: {  	_ =	shalt  }
0x87: {  	_ =	shalt  }
.Lfunc_end0:
.L_simem_size_0:
called_computation.1_lowered:
.L_overlay_start_0:
0x88: {  	s2 =	sld [smem:$0x3FD9]  }
0x89: {  	s3 =	sld [smem:$0x3FFE];
	_ =	sdelay $0x1  }
0x8a: {  	s1 =	srdreg.scid  }
0x8b: {  	s0 =	sand.u32 $0x1, s1  }
0x8c: {  	s16 =	sshll.u32 s0, $0xA;
	s2 =	sadd.s32 s3, s2  }
0x8d: {  	s2 =	sadd.s32 s2, s16  }
0x8e: {  	[smem:$0x3FBD] =	sst s2  }
0x8f: {  	_ = 	snop  }
0x90: {  	(tm) =	ssettm $0x1  }
0x91: {  	s17 =	sld [smem:$0x3FFB];
	_ =	sdelay $0x3  }
0x92: {  	_ =	strace s17  }
0x93: {  	s2 =	sld [smem:$0x3FFC];
	_ =	sdelay $0x3  }
0x94: {  	_ =	strace s2  }
0x95: {  	s2 =	sld [smem:$0x3FFD];
	_ =	sdelay $0x3  }
0x96: {  	_ =	strace s2  }
0x97: {  	_ =	strace $0x8FFFFFFF  }
0x98: {  	s18 =	sld [smem:$0x3FDB];
	_ =	sdelay $0x1  }
0x99: {  	s19 =	simm.s32 $_scs_section_size  }
0x9a: {  	s4 =	simm.s32 $_size__tile_overlayer_lowered;
	s5 =	simm.s32 $_tile_overlayer_lowered  }
0x9b: {  	s22 =	simm.s32 $0x1BFF;
	s21 =	sshll.u32 s5, $0x1;
	s2 =	sadd.s32 s19, s18  }
0x9c: {  	s6 =	simm.s32 $0x0;
	s20 =	sshll.u32 s4, $0x1;
	s4 =	sadd.s32 s21, s2  }
0x9d: {  	[timem:s6], [sflag:s22] =	dma.local [hbm:s4], s20  }
0x9e: {  	_ =	swait.ge [sflag:s22], s20  }
0x9f: {  	s3 =	ssub.s32 $0x0, s20;
	[sflag:s22] =	ssyncset.done $0x0  }
0xa0: {  	[sflag:s22] =	ssyncadd.s32 s3;
	_ =	sdelay $0x1  }
0xa1: {  	s23 =	simm.s32 $0x1B8B  }
0xa2: {  	_ =	swait.ge [sflag:s23], $0x1  }
0xa3: {  	[sflag:s23] =	ssyncset.done $0x0  }
0xa4: {  	s25 =	simm.s32 $0x1B8E;
	s24 =	sld [smem:$0x3FFE];
	[sflag:s23] =	ssyncadd.s32 $0xFFFFFFFF  }
0xa5: {  	s26 =	simm.s32 $execute0_lowered;
	[smem:$0x3FD2] =	sst s25  }
0xa6: {  	s4 =	sshll.u32 s26, $0x1;
	_ =	strace $0x80000049;
	[dreg:$0x1] =	wrdreg $0xFFFFFFFF  }
0xa7: {  	s28 =	simm.s32 $_size_execute0_lowered;
	s2 =	sadd.s32 s2, s4;
	[dreg:$0x0] =	wrdreg $0x0  }
0xa8: {  	s4 =	sshll.u32 s28, $0x1;
	[dreg:$0x2] =	wrdreg s2  }
0xa9: {  	[dreg:$0x3] =	wrdreg s4  }
0xaa: {  	[dreg:$0x4] =	wrdreg $0xC0  }
0xab: {  	_ =	task [dreg:s6], $0x5FFFF  }
0xac: {  	[dreg:$0x1] =	wrdreg $0xFFFFFFFF  }
0xad: {  	[dreg:$0x0] =	wrdreg $0x60  }
0xae: {  	[dreg:$0x2] =	wrdreg s24  }
0xaf: {  	[dreg:$0x3] =	wrdreg $0x9  }
0xb0: {  	_ =	task.clear_ibuf [dreg:s6], $0x4FFFF;
	_ =	strace $0x90000049  }
0xb1: {  	s29 =	simm.s32 $0x9;
	_ =	strace $0x8000004B  }
0xb2: {  	_ =	swait.ge [sflag:s29], $0x1  }
0xb3: {  	[sflag:s29] =	ssyncadd.s32 $0xFFFFFFFF  }
0xb4: {  	_ =	strace $0x9000004B  }
0xb5: {  	_ =	sfence  }
0xb6: {  	s30 =	sld [smem:$0x0];
	_ =	sdelay $0x2  }
0xb7: {  	s31 =	sshll.u32 s1, $0xD;
	s1 =	sshrl.u32 s1, $0x2  }
0xb8: {  	s3 =	sand.u32 $0x4000, s31;
	s1 =	sadd.s32 s1, s30  }
0xb9: {  	s0 =	sor.u32 s3, s0;
	s1 =	sshll.u32 s1, $0x11  }
0xba: {  	s0 =	sor.u32 s1, s0  }
0xbb: {  	s0 =	sadd.s32 $0x8F2B, s0  }
0xbc: {  	[sflag:s0] =	ssyncadd.remote.s32 $0x1  }
0xbd: {  	_ =	sfence.sel $0xFFFF  }
0xbe: {  	[dreg:$0x0] =	wrdreg $0xFFFFFFFF;
	(pc) =	sbr.abs _section_cstart, $3  }
0xbf: {  	[dreg:$0x1] =	wrdreg $0xFFFFFFFF  }
0xc0: {  	_ =	task.clear_ibuf [dreg:s6], $0x2FFFF;
	_ =	strace $0x9FFFFFFF  }
0xc1: {  	(tm) =	ssettm $0x7FFFFFFF  }
tec
execute0_lowered:
.L_overlay_start_1:
0x0: {  	(tag) =	ssettag $0x1  }
0x1: {  	s1 =	srdreg.scid  }
0x2: {  	s0 =	stileid.u32;
	s4 =	rddreg [dreg:$0x0]  }
0x3: {  	s14 =	simm.s32 $0xFB00;
	s15 =	simm.s32 $0x3;
	s16 =	simm.s32 $0xFF00  }
0x4: {  	s17 =	simm.s32 $0x80;
	s18 =	simm.s32 $0x400;
	s19 =	simm.s32 $0x7D80  }
0x5: {  	s20 =	simm.s32 $0x1;
	s21 =	simm.s32 $0x2;
	s3 =	sand.u32 $0x1, s1  }
0x6: {  	s22 =	simm.s32 $0x0;
	s30 =	sshll.u32 s0, $0x4;
	s2 =	sshll.u32 s3, $0x3  }
0x7: {  	s1 =	rddreg [dreg:$0x1];
	s3 =	ssub.s32 $0x2, s3;
	s5 =	sor.u32 s2, s30  }
0x8: {  	s2 =	simm.s32 $0x0;
	s31 =	sshrl.u32 s3, $0x1;
	s6 =	sshrl.u32 s5, $0x3  }
0x9: {  	[smem:$0x7FF] =	sst s2;
	s5 =	sshll.u32 s5, $0x4;
	s6 =	smul.u32 $0x7D00, s6  }
0xa: {  	s13 =	ssub.s32 s3, s31;
	_ =	strace $0x8000004A;
	s5 =	sadd.s32 s5, s4  }
0xb: {  	s13 =	smax.u32 s13, $0x1;
	s3 =	sadd.s32 $0x1E00, s5;
	s12 =	sadd.s32 s6, s4  }
0xc: {  	s4 =	sadd.s32 $0x2E00, s5;
	s5 =	sadd.s32 $0x3E00, s12;
	s6 =	sadd.s32 $0x3E10, s12  }
0xd: {  	s7 =	sadd.s32 $0x3E20, s12;
	s8 =	sadd.s32 $0x3E30, s12;
	s9 =	sadd.s32 $0x3E40, s12  }
0xe: {  	v0 =	vimm.f32 $0.0e+00;
	s10 =	sadd.s32 $0x3E50, s12;
	s11 =	sadd.s32 $0x3E60, s12;
	s12 =	sadd.s32 $0x3E70, s12  }
.LBB2_1:
0xf: {  	s23 =	simm.s32 $0x40;
	s24 =	simm.s32 $0x0  }
.LBB2_2:
0x10: {  	p0 =	sne.s32 s23, $0x1F4C0;
	[tilespmem:s24+$0x0] =	vst v0;
	s25 =	smov.u32 s23;
	s23 =	sadd.s32 $0x40, s23  }
.Ltmp0:
0x11: {  	[tilespmem:s24+$0x7D80] =	vst v0;
	(pc) =	sbr.rel @p0 .LBB2_2-.Ltmp0, $2  }
0x12: {  	_ =	sdelay $0x2  }
0x13: {  	s24 =	sshra.s32 s25, $0x2  }
0x14: {  	[tilespmem:s24+$0x0] =	vst v0  }
0x15: {  	[tilespmem:s24+$0x7D80] =	vst v0  }
0x16: {  	[tilespmem:s14], [sflag:$0x3] =	stream.linear.gather [hbm4b:s3+s2], $0x400, $0x38;
	[tilespmem:$0x10300] =	vst v63  }
0x17: {  	_ =	swait.ge [sflag:s15], $0x400  }
0x18: {  	[sflag:s15] =	ssyncset.done $0x0  }
0x19: {  	[sflag:s15] =	ssyncadd.s32 $0xFFFFFC00  }
0x1a: {  	[tilespmem:s16], [sflag:$0x3] =	stream.linear.gather [hbm4b:s4+s2], $0x400, $0x38;
	[tilespmem:$0x10300] =	vst v63  }
0x1b: {  	_ =	swait.ge [sflag:s15], $0x400  }
0x1c: {  	[sflag:s15] =	ssyncset.done $0x0  }
0x1d: {  	[sflag:s15] =	ssyncadd.s32 $0xFFFFFC00  }
0x1e: {  	v1 =	vld [tilespmem:$0xFB00];
	_ =	sdelay $0x2  }
0x1f: {  	v2 =	vld [tilespmem:$0xFF00];
	_ =	sdelay $0x4  }
0x20: {  	[tilespmem:v1+s2+$0x0] =	vst.idx.add.f32.msk $0xffff, v2  }
0x21: {  	v1 =	vld [tilespmem:$0xFB10];
	_ =	sdelay $0x2  }
0x22: {  	v2 =	vld [tilespmem:$0xFF10];
	_ =	sdelay $0x4  }
0x23: {  	[tilespmem:v1+s2+$0x0] =	vst.idx.add.f32.msk $0xffff, v2  }
0x24: {  	v1 =	vld [tilespmem:$0xFB20];
	_ =	sdelay $0x2  }
0x25: {  	v2 =	vld [tilespmem:$0xFF20];
	_ =	sdelay $0x4  }
0x26: {  	[tilespmem:v1+s2+$0x0] =	vst.idx.add.f32.msk $0xffff, v2  }
0x27: {  	v1 =	vld [tilespmem:$0xFB30];
	_ =	sdelay $0x2  }
0x28: {  	v2 =	vld [tilespmem:$0xFF30];
	_ =	sdelay $0x4  }
0x29: {  	[tilespmem:v1+s2+$0x0] =	vst.idx.add.f32.msk $0xffff, v2  }
0x2a: {  	[hbm4b:s5+s17] =	stream.strided.scatter [tilespmem:s2], [sflag:$0x1], $0x7D00, s18, s17, $0x38;
	[tilespmem:$0x10300] =	vst v63  }
0x2b: {  	v1 =	vld [tilespmem:$0xFB80];
	_ =	sdelay $0x2  }
0x2c: {  	v2 =	vld [tilespmem:$0xFF80];
	_ =	sdelay $0x4  }
0x2d: {  	[tilespmem:v1+s19+$0x0] =	vst.idx.add.f32.msk $0xffff, v2  }
0x2e: {  	v1 =	vld [tilespmem:$0xFB90];
	_ =	sdelay $0x2  }
0x2f: {  	v2 =	vld [tilespmem:$0xFF90];
	_ =	sdelay $0x4  }
0x30: {  	[tilespmem:v1+s19+$0x0] =	vst.idx.add.f32.msk $0xffff, v2  }
0x31: {  	v1 =	vld [tilespmem:$0xFBA0];
	_ =	sdelay $0x2  }
0x32: {  	v2 =	vld [tilespmem:$0xFFA0];
	_ =	sdelay $0x4  }
0x33: {  	[tilespmem:v1+s19+$0x0] =	vst.idx.add.f32.msk $0xffff, v2  }
0x34: {  	v1 =	vld [tilespmem:$0xFBB0];
	_ =	sdelay $0x2  }
0x35: {  	v2 =	vld [tilespmem:$0xFFB0];
	_ =	sdelay $0x4  }
0x36: {  	[tilespmem:v1+s19+$0x0] =	vst.idx.add.f32.msk $0xffff, v2  }
0x37: {  	[hbm4b:s6+s17] =	stream.strided.scatter [tilespmem:s19], [sflag:$0x2], $0x7D00, s18, s17, $0x38;
	[tilespmem:$0x10300] =	vst v63  }
0x38: {  	_ =	swait.ge [sflag:s20], $0x7D00  }
0x39: {  	[sflag:s20] =	ssyncset.done $0x0  }
0x3a: {  	[sflag:s20] =	ssyncadd.s32 $0xFFFF8300  }
0x3b: {  	v1 =	vld [tilespmem:$0xFB00];
	_ =	sdelay $0x7  }
0x3c: {  	[tilespmem:v1+s2+$0x0] =	vst.idx.msk $0xffff, v0  }
0x3d: {  	v1 =	vld [tilespmem:$0xFB10];
	_ =	sdelay $0x7  }
0x3e: {  	[tilespmem:v1+s2+$0x0] =	vst.idx.msk $0xffff, v0  }
0x3f: {  	v1 =	vld [tilespmem:$0xFB20];
	_ =	sdelay $0x7  }
0x40: {  	[tilespmem:v1+s2+$0x0] =	vst.idx.msk $0xffff, v0  }
0x41: {  	v1 =	vld [tilespmem:$0xFB30];
	_ =	sdelay $0x7  }
0x42: {  	[tilespmem:v1+s2+$0x0] =	vst.idx.msk $0xffff, v0  }
0x43: {  	v1 =	vld [tilespmem:$0xFC00];
	_ =	sdelay $0x2  }
0x44: {  	v2 =	vld [tilespmem:$0x10000];
	_ =	sdelay $0x4  }
0x45: {  	[tilespmem:v1+s2+$0x0] =	vst.idx.add.f32.msk $0xffff, v2  }
0x46: {  	v1 =	vld [tilespmem:$0xFC10];
	_ =	sdelay $0x2  }
0x47: {  	v2 =	vld [tilespmem:$0x10010];
	_ =	sdelay $0x4  }
0x48: {  	[tilespmem:v1+s2+$0x0] =	vst.idx.add.f32.msk $0xffff, v2  }
0x49: {  	v1 =	vld [tilespmem:$0xFC20];
	_ =	sdelay $0x2  }
0x4a: {  	v2 =	vld [tilespmem:$0x10020];
	_ =	sdelay $0x4  }
0x4b: {  	[tilespmem:v1+s2+$0x0] =	vst.idx.add.f32.msk $0xffff, v2  }
0x4c: {  	v1 =	vld [tilespmem:$0xFC30];
	_ =	sdelay $0x2  }
0x4d: {  	v2 =	vld [tilespmem:$0x10030];
	_ =	sdelay $0x4  }
0x4e: {  	[tilespmem:v1+s2+$0x0] =	vst.idx.add.f32.msk $0xffff, v2  }
0x4f: {  	[hbm4b:s7+s17] =	stream.strided.scatter [tilespmem:s2], [sflag:$0x1], $0x7D00, s18, s17, $0x38;
	[tilespmem:$0x10300] =	vst v63  }
0x50: {  	_ =	swait.ge [sflag:s21], $0x7D00  }
0x51: {  	[sflag:s21] =	ssyncset.done $0x0  }
0x52: {  	[sflag:s21] =	ssyncadd.s32 $0xFFFF8300  }
0x53: {  	v1 =	vld [tilespmem:$0xFB80];
	_ =	sdelay $0x7  }
0x54: {  	[tilespmem:v1+s19+$0x0] =	vst.idx.msk $0xffff, v0  }
0x55: {  	v1 =	vld [tilespmem:$0xFB90];
	_ =	sdelay $0x7  }
0x56: {  	[tilespmem:v1+s19+$0x0] =	vst.idx.msk $0xffff, v0  }
0x57: {  	v1 =	vld [tilespmem:$0xFBA0];
	_ =	sdelay $0x7  }
0x58: {  	[tilespmem:v1+s19+$0x0] =	vst.idx.msk $0xffff, v0  }
0x59: {  	v1 =	vld [tilespmem:$0xFBB0];
	_ =	sdelay $0x7  }
0x5a: {  	[tilespmem:v1+s19+$0x0] =	vst.idx.msk $0xffff, v0  }
0x5b: {  	v1 =	vld [tilespmem:$0xFC80];
	_ =	sdelay $0x2  }
0x5c: {  	v2 =	vld [tilespmem:$0x10080];
	_ =	sdelay $0x4  }
0x5d: {  	[tilespmem:v1+s19+$0x0] =	vst.idx.add.f32.msk $0xffff, v2  }
0x5e: {  	v1 =	vld [tilespmem:$0xFC90];
	_ =	sdelay $0x2  }
0x5f: {  	v2 =	vld [tilespmem:$0x10090];
	_ =	sdelay $0x4  }
0x60: {  	[tilespmem:v1+s19+$0x0] =	vst.idx.add.f32.msk $0xffff, v2  }
0x61: {  	v1 =	vld [tilespmem:$0xFCA0];
	_ =	sdelay $0x2  }
0x62: {  	v2 =	vld [tilespmem:$0x100A0];
	_ =	sdelay $0x4  }
0x63: {  	[tilespmem:v1+s19+$0x0] =	vst.idx.add.f32.msk $0xffff, v2  }
0x64: {  	v1 =	vld [tilespmem:$0xFCB0];
	_ =	sdelay $0x2  }
0x65: {  	v2 =	vld [tilespmem:$0x100B0];
	_ =	sdelay $0x4  }
0x66: {  	[tilespmem:v1+s19+$0x0] =	vst.idx.add.f32.msk $0xffff, v2  }
0x67: {  	[hbm4b:s8+s17] =	stream.strided.scatter [tilespmem:s19], [sflag:$0x2], $0x7D00, s18, s17, $0x38;
	[tilespmem:$0x10300] =	vst v63  }
0x68: {  	_ =	swait.ge [sflag:s20], $0x7D00  }
0x69: {  	[sflag:s20] =	ssyncset.done $0x0  }
0x6a: {  	[sflag:s20] =	ssyncadd.s32 $0xFFFF8300  }
0x6b: {  	v1 =	vld [tilespmem:$0xFC00];
	_ =	sdelay $0x7  }
0x6c: {  	[tilespmem:v1+s2+$0x0] =	vst.idx.msk $0xffff, v0  }
0x6d: {  	v1 =	vld [tilespmem:$0xFC10];
	_ =	sdelay $0x7  }
0x6e: {  	[tilespmem:v1+s2+$0x0] =	vst.idx.msk $0xffff, v0  }
0x6f: {  	v1 =	vld [tilespmem:$0xFC20];
	_ =	sdelay $0x7  }
0x70: {  	[tilespmem:v1+s2+$0x0] =	vst.idx.msk $0xffff, v0  }
0x71: {  	v1 =	vld [tilespmem:$0xFC30];
	_ =	sdelay $0x7  }
0x72: {  	[tilespmem:v1+s2+$0x0] =	vst.idx.msk $0xffff, v0  }
0x73: {  	v1 =	vld [tilespmem:$0xFD00];
	_ =	sdelay $0x2  }
0x74: {  	v2 =	vld [tilespmem:$0x10100];
	_ =	sdelay $0x4  }
0x75: {  	[tilespmem:v1+s2+$0x0] =	vst.idx.add.f32.msk $0xffff, v2  }
0x76: {  	v1 =	vld [tilespmem:$0xFD10];
	_ =	sdelay $0x2  }
0x77: {  	v2 =	vld [tilespmem:$0x10110];
	_ =	sdelay $0x4  }
0x78: {  	[tilespmem:v1+s2+$0x0] =	vst.idx.add.f32.msk $0xffff, v2  }
0x79: {  	v1 =	vld [tilespmem:$0xFD20];
	_ =	sdelay $0x2  }
0x7a: {  	v2 =	vld [tilespmem:$0x10120];
	_ =	sdelay $0x4  }
0x7b: {  	[tilespmem:v1+s2+$0x0] =	vst.idx.add.f32.msk $0xffff, v2  }
0x7c: {  	v1 =	vld [tilespmem:$0xFD30];
	_ =	sdelay $0x2  }
0x7d: {  	v2 =	vld [tilespmem:$0x10130];
	_ =	sdelay $0x4  }
0x7e: {  	[tilespmem:v1+s2+$0x0] =	vst.idx.add.f32.msk $0xffff, v2  }
0x7f: {  	[hbm4b:s9+s17] =	stream.strided.scatter [tilespmem:s2], [sflag:$0x1], $0x7D00, s18, s17, $0x38;
	[tilespmem:$0x10300] =	vst v63  }
0x80: {  	_ =	swait.ge [sflag:s21], $0x7D00  }
0x81: {  	[sflag:s21] =	ssyncset.done $0x0  }
0x82: {  	[sflag:s21] =	ssyncadd.s32 $0xFFFF8300  }
0x83: {  	v1 =	vld [tilespmem:$0xFC80];
	_ =	sdelay $0x7  }
0x84: {  	[tilespmem:v1+s19+$0x0] =	vst.idx.msk $0xffff, v0  }
0x85: {  	v1 =	vld [tilespmem:$0xFC90];
	_ =	sdelay $0x7  }
0x86: {  	[tilespmem:v1+s19+$0x0] =	vst.idx.msk $0xffff, v0  }
0x87: {  	v1 =	vld [tilespmem:$0xFCA0];
	_ =	sdelay $0x7  }
0x88: {  	[tilespmem:v1+s19+$0x0] =	vst.idx.msk $0xffff, v0  }
0x89: {  	v1 =	vld [tilespmem:$0xFCB0];
	_ =	sdelay $0x7  }
0x8a: {  	[tilespmem:v1+s19+$0x0] =	vst.idx.msk $0xffff, v0  }
0x8b: {  	v1 =	vld [tilespmem:$0xFD80];
	_ =	sdelay $0x2  }
0x8c: {  	v2 =	vld [tilespmem:$0x10180];
	_ =	sdelay $0x4  }
0x8d: {  	[tilespmem:v1+s19+$0x0] =	vst.idx.add.f32.msk $0xffff, v2  }
0x8e: {  	v1 =	vld [tilespmem:$0xFD90];
	_ =	sdelay $0x2  }
0x8f: {  	v2 =	vld [tilespmem:$0x10190];
	_ =	sdelay $0x4  }
0x90: {  	[tilespmem:v1+s19+$0x0] =	vst.idx.add.f32.msk $0xffff, v2  }
0x91: {  	v1 =	vld [tilespmem:$0xFDA0];
	_ =	sdelay $0x2  }
0x92: {  	v2 =	vld [tilespmem:$0x101A0];
	_ =	sdelay $0x4  }
0x93: {  	[tilespmem:v1+s19+$0x0] =	vst.idx.add.f32.msk $0xffff, v2  }
0x94: {  	v1 =	vld [tilespmem:$0xFDB0];
	_ =	sdelay $0x2  }
0x95: {  	v2 =	vld [tilespmem:$0x101B0];
	_ =	sdelay $0x4  }
0x96: {  	[tilespmem:v1+s19+$0x0] =	vst.idx.add.f32.msk $0xffff, v2  }
0x97: {  	[hbm4b:s10+s17] =	stream.strided.scatter [tilespmem:s19], [sflag:$0x2], $0x7D00, s18, s17, $0x38;
	[tilespmem:$0x10300] =	vst v63  }
0x98: {  	_ =	swait.ge [sflag:s20], $0x7D00  }
0x99: {  	[sflag:s20] =	ssyncset.done $0x0  }
0x9a: {  	[sflag:s20] =	ssyncadd.s32 $0xFFFF8300  }
0x9b: {  	v1 =	vld [tilespmem:$0xFD00];
	_ =	sdelay $0x7  }
0x9c: {  	[tilespmem:v1+s2+$0x0] =	vst.idx.msk $0xffff, v0  }
0x9d: {  	v1 =	vld [tilespmem:$0xFD10];
	_ =	sdelay $0x7  }
0x9e: {  	[tilespmem:v1+s2+$0x0] =	vst.idx.msk $0xffff, v0  }
0x9f: {  	v1 =	vld [tilespmem:$0xFD20];
	_ =	sdelay $0x7  }
0xa0: {  	[tilespmem:v1+s2+$0x0] =	vst.idx.msk $0xffff, v0  }
0xa1: {  	v1 =	vld [tilespmem:$0xFD30];
	_ =	sdelay $0x7  }
0xa2: {  	[tilespmem:v1+s2+$0x0] =	vst.idx.msk $0xffff, v0  }
0xa3: {  	v1 =	vld [tilespmem:$0xFE00];
	_ =	sdelay $0x2  }
0xa4: {  	v2 =	vld [tilespmem:$0x10200];
	_ =	sdelay $0x4  }
0xa5: {  	[tilespmem:v1+s2+$0x0] =	vst.idx.add.f32.msk $0xffff, v2  }
0xa6: {  	v1 =	vld [tilespmem:$0xFE10];
	_ =	sdelay $0x2  }
0xa7: {  	v2 =	vld [tilespmem:$0x10210];
	_ =	sdelay $0x4  }
0xa8: {  	[tilespmem:v1+s2+$0x0] =	vst.idx.add.f32.msk $0xffff, v2  }
0xa9: {  	v1 =	vld [tilespmem:$0xFE20];
	_ =	sdelay $0x2  }
0xaa: {  	v2 =	vld [tilespmem:$0x10220];
	_ =	sdelay $0x4  }
0xab: {  	[tilespmem:v1+s2+$0x0] =	vst.idx.add.f32.msk $0xffff, v2  }
0xac: {  	v1 =	vld [tilespmem:$0xFE30];
	_ =	sdelay $0x2  }
0xad: {  	v2 =	vld [tilespmem:$0x10230];
	_ =	sdelay $0x4  }
0xae: {  	[tilespmem:v1+s2+$0x0] =	vst.idx.add.f32.msk $0xffff, v2  }
0xaf: {  	[hbm4b:s11+s17] =	stream.strided.scatter [tilespmem:s2], [sflag:$0x1], $0x7D00, s18, s17, $0x38;
	[tilespmem:$0x10300] =	vst v63  }
0xb0: {  	_ =	swait.ge [sflag:s21], $0x7D00  }
0xb1: {  	[sflag:s21] =	ssyncset.done $0x0  }
0xb2: {  	[sflag:s21] =	ssyncadd.s32 $0xFFFF8300  }
0xb3: {  	v1 =	vld [tilespmem:$0xFD80];
	_ =	sdelay $0x7  }
0xb4: {  	[tilespmem:v1+s19+$0x0] =	vst.idx.msk $0xffff, v0  }
0xb5: {  	v1 =	vld [tilespmem:$0xFD90];
	_ =	sdelay $0x7  }
0xb6: {  	[tilespmem:v1+s19+$0x0] =	vst.idx.msk $0xffff, v0  }
0xb7: {  	v1 =	vld [tilespmem:$0xFDA0];
	_ =	sdelay $0x7  }
0xb8: {  	[tilespmem:v1+s19+$0x0] =	vst.idx.msk $0xffff, v0  }
0xb9: {  	v1 =	vld [tilespmem:$0xFDB0];
	_ =	sdelay $0x7  }
0xba: {  	[tilespmem:v1+s19+$0x0] =	vst.idx.msk $0xffff, v0  }
0xbb: {  	v1 =	vld [tilespmem:$0xFE80];
	_ =	sdelay $0x2  }
0xbc: {  	v2 =	vld [tilespmem:$0x10280];
	_ =	sdelay $0x4  }
0xbd: {  	[tilespmem:v1+s19+$0x0] =	vst.idx.add.f32.msk $0xffff, v2  }
0xbe: {  	v1 =	vld [tilespmem:$0xFE90];
	_ =	sdelay $0x2  }
0xbf: {  	v2 =	vld [tilespmem:$0x10290];
	_ =	sdelay $0x4  }
0xc0: {  	[tilespmem:v1+s19+$0x0] =	vst.idx.add.f32.msk $0xffff, v2  }
0xc1: {  	v1 =	vld [tilespmem:$0xFEA0];
	_ =	sdelay $0x2  }
0xc2: {  	v2 =	vld [tilespmem:$0x102A0];
	_ =	sdelay $0x4  }
0xc3: {  	[tilespmem:v1+s19+$0x0] =	vst.idx.add.f32.msk $0xffff, v2  }
0xc4: {  	v1 =	vld [tilespmem:$0xFEB0];
	_ =	sdelay $0x2  }
0xc5: {  	v2 =	vld [tilespmem:$0x102B0];
	_ =	sdelay $0x4  }
0xc6: {  	s22 =	sadd.s32 $0x1, s22;
	[tilespmem:v1+s19+$0x0] =	vst.idx.add.f32.msk $0xffff, v2  }
0xc7: {  	[hbm4b:s12+s17] =	stream.strided.scatter [tilespmem:s19], [sflag:$0x2], $0x7D00, s18, s17, $0x38;
	[tilespmem:$0x10300] =	vst v63  }
0xc8: {  	p0 =	sne.s32 s22, s13;
	_ =	swait.ge [sflag:s20], $0x7D00  }
.Ltmp1:
0xc9: {  	[sflag:s20] =	ssyncset.done $0x0;
	(pc) =	sbr.rel @p0 .LBB2_1-.Ltmp1, $4  }
0xca: {  	[sflag:s20] =	ssyncadd.s32 $0xFFFF8300  }
0xcb: {  	_ =	swait.ge [sflag:s21], $0x7D00  }
0xcc: {  	[sflag:s21] =	ssyncset.done $0x0  }
0xcd: {  	[sflag:s21] =	ssyncadd.s32 $0xFFFF8300  }
0xce: {  	_ =	sfence.sel $0x180000  }
0xcf: {  	[bflag:$0x0] =	sbarrier.arrive $0xFFFF  }
0xd0: {  	p0 =	sne.s32 s0, $0x0;
	_ =	strace $0x9000004A  }
0xd1: {  	s0 =	sadd.s32 @!p0 $0x100000, s1;
	[bflag:$0x2] =	sbarrier.arrive $0xFFFF  }
0xd2: {  	[sflag:s0] =	ssyncadd.tile.s32 @!p0 $0x1;
	_ =	shalt  }
.Lfunc_end2:
_tile_overlayer_lowered:
.L_overlay_start_2:
0xd3: {  	(tag) =	ssettag $0x2  }
0xd4: {  	s0 =	rddreg [dreg:$0x0];
	s2 =	stileid.u32  }
0xd5: {  	s1 =	rddreg [dreg:$0x1];
	p0 =	sne.s32 s2, $0x0  }
0xd6: {  	s3 =	rddreg [dreg:$0x2];
	[bflag:$0x3] =	sbarrier.arrive $0xFFFF;
	s2 =	simm.s32 @!p0 $0x1C03  }
0xd7: {  	[timem:s3], [sflag:s2] =	dma.local @!p0 [hbm:s0], s1  }
0xd8: {  	s0 =	simm.s32 @!p0 $0x3  }
0xd9: {  	_ =	swait.ge @!p0 [sflag:s0], s1  }
0xda: {  	s1 =	ssub.s32 @!p0 $0x0, s1;
	[sflag:s0] =	ssyncset.done @!p0 $0x0  }
0xdb: {  	[sflag:s0] =	ssyncadd.s32 @!p0 s1  }
0xdc: {  	[bflag:$0x3] =	sbarrier.arrive $0xFFFF  }
0xdd: {  	_ =	shalt  }

// kernel: kernel.7.cloned.1.call-start
scs
__scs_entry_jumppad:
0x0: {  	(pc) =	sbr.rel $0x88, $3  }
0x1: {  	(tag) =	ssettag $0x0;
	lr =	simm.s32 $0x1  }
0x2: {  	[smem:$0x3F96] =	sst lr;
	_ =	strace $0xD0000000  }
0x3: {  	_ = 	snop  }
0x4: {  	_ = 	snop  }
0x5: {  	_ = 	snop  }
0x6: {  	_ = 	snop  }
0x7: {  	_ = 	snop  }
__scs_overlays_trampoline_lowered:
0x8: {  	[smem:$0x3FA5] =	sst s0  }
0x9: {  	[smem:$0x3FA6] =	sst s1  }
0xa: {  	[smem:$0x3FA7] =	sst s2  }
0xb: {  	[smem:$0x3FA8] =	sst s3  }
0xc: {  	[smem:$0x3FA9] =	sst s4  }
0xd: {  	[smem:$0x3FAA] =	sst s5  }
0xe: {  	[smem:$0x3FAB] =	sst s6  }
0xf: {  	[smem:$0x3FAC] =	sst s7  }
0x10: {  	[smem:$0x3FAD] =	sst s8  }
0x11: {  	[smem:$0x3FAE] =	sst s9;
	s0 =	simm.s32 @!p0 $0x0  }
0x12: {  	s1 =	sld [smem:$0x3F94];
	s0 =	simm.s32 @p0 $0x1  }
0x13: {  	[smem:$0x3FAF] =	sst s0;
	s0 =	simm.s32 @!p1 $0x0  }
0x14: {  	s2 =	sld [smem:$0x3F93];
	s0 =	simm.s32 @p1 $0x1  }
0x15: {  	[smem:$0x3FB0] =	sst s0;
	s0 =	simm.s32 @!p2 $0x0  }
0x16: {  	s3 =	sld [smem:$0x3FDB];
	s0 =	simm.s32 @p2 $0x1  }
0x17: {  	s4 =	simm.s32 $0x1BF5;
	[smem:$0x3FB2] =	sst s0  }
0x18: {  	s0 =	sld [smem:$0x3F95];
	_ =	swait.ge [sflag:s4], $0x0  }
0x19: {  	s7 =	sld [smem:$0x3F96]  }
0x1a: {  	s8 =	sadd.s32 $0xFFFFE003, lr  }
0x1b: {  	s9 =	sadd.s32 $0xFFFFFEF7, lr;
	s5 =	simm.s32 $0xFFFFFFFF;
	p2 =	slt.u32 s8, $0xFFFFF086  }
0x1c: {  	p1 =	slt.u32 s9, $0xF7A;
	s5 =	simm.s32 @!p2 $0x0  }
0x1d: {  	s5 =	simm.s32 @p1 $0x1;
	p0 =	seq.s32 s7, s2  }
0x1e: {  	s7 =	smul.u32 @!p0 $0xF7A, s2;
	p2 =	seq.s32 @!p0 s5, $0x0  }
0x1f: {  	s9 =	smul.u32 $0xF7A, s1;
	s8 =	simm.s32 @!p0 $0x1BF5;
	p2 =	por !p2, p0  }
0x20: {  	[sflag:s8] =	ssyncset.s32 @!p0 $0xFFFFF086;
	s6 =	sadd.s32 @!p0 s3, s7;
	s7 =	simm.s32 @!p0 $0x108  }
0x21: {  	s3 =	sadd.s32 s3, s9;
	s6 =	sadd.s32 @!p0 $0x88, s6;
	s7 =	simm.s32 @p2 $0x1082  }
0x22: {  	[simem:s7], [sflag:s8] =	dma.local @!p0 [hbm:s6], $0xF7A  }
0x23: {  	s9 =	sor.u32 $0xD0000000, s2;
	s6 =	simm.s32 $0x108;
	_ =	swait.ge @!p0 [sflag:s8], $0x0  }
0x24: {  	s3 =	sadd.s32 $0x88, s3;
	s6 =	simm.s32 @!p1 $0x1082;
	[sflag:s4] =	ssyncset.s32 $0xFFFFF086  }
0x25: {  	[simem:s6], [sflag:s4] =	dma.local [hbm:s3], $0xF7A  }
0x26: {  	[smem:$0x3F96] =	sst s1;
	(tag) =	ssettag s2;
	_ =	strace s9  }
0x27: {  	s1 =	sld [smem:$0x3FA6]  }
0x28: {  	s2 =	sld [smem:$0x3FA7]  }
0x29: {  	s4 =	sld [smem:$0x3FA9]  }
0x2a: {  	p0 =	seq.s32 s5, $0x0;
	s5 =	sld [smem:$0x3FAA]  }
0x2b: {  	s6 =	sld [smem:$0x3FAB]  }
0x2c: {  	s7 =	sld [smem:$0x3FAC]  }
0x2d: {  	s3 =	simm.s32 $0x108;
	s8 =	sld [smem:$0x3FAD]  }
0x2e: {  	s3 =	simm.s32 @!p0 $0x1082;
	s9 =	sld [smem:$0x3FAE]  }
0x2f: {  	lr =	sadd.s32 s0, s3;
	s0 =	sld [smem:$0x3FA5]  }
0x30: {  	s3 =	sld [smem:$0x3FA8]  }
0x31: {  	[smem:$0x3FB1] =	sst s10  }
0x32: {  	s10 =	sld [smem:$0x3FAF];
	_ =	sdelay $0x3  }
0x33: {  	p0 =	seq.s32 s10, $0x1;
	s10 =	sld [smem:$0x3FB1];
	_ =	sdelay $0x3  }
0x34: {  	[smem:$0x3FB1] =	sst s10  }
0x35: {  	s10 =	sld [smem:$0x3FB0];
	_ =	sdelay $0x3  }
0x36: {  	p1 =	seq.s32 s10, $0x1;
	s10 =	sld [smem:$0x3FB1];
	_ =	sdelay $0x3  }
0x37: {  	[smem:$0x3FB1] =	sst s10  }
0x38: {  	s10 =	sld [smem:$0x3FB2]  }
0x39: {  	_ = 	snop;
	(pc) =	sbr.ind lr, $3  }
0x3a: {  	_ = 	snop  }
0x3b: {  	_ = 	snop  }
0x3c: {  	p2 =	seq.s32 s10, $0x1;
	s10 =	sld [smem:$0x3FB1]  }
0x3d: {  	_ =	shalt  }
0x3e: {  	_ =	shalt  }
0x3f: {  	_ =	shalt  }
0x40: {  	_ =	shalt  }
0x41: {  	_ =	shalt  }
0x42: {  	_ =	shalt  }
0x43: {  	_ =	shalt  }
0x44: {  	_ =	shalt  }
0x45: {  	_ =	shalt  }
0x46: {  	_ =	shalt  }
0x47: {  	_ =	shalt  }
0x48: {  	_ =	shalt  }
0x49: {  	_ =	shalt  }
0x4a: {  	_ =	shalt  }
0x4b: {  	_ =	shalt  }
0x4c: {  	_ =	shalt  }
0x4d: {  	_ =	shalt  }
0x4e: {  	_ =	shalt  }
0x4f: {  	_ =	shalt  }
0x50: {  	_ =	shalt  }
0x51: {  	_ =	shalt  }
0x52: {  	_ =	shalt  }
0x53: {  	_ =	shalt  }
0x54: {  	_ =	shalt  }
0x55: {  	_ =	shalt  }
0x56: {  	_ =	shalt  }
0x57: {  	_ =	shalt  }
0x58: {  	_ =	shalt  }
0x59: {  	_ =	shalt  }
0x5a: {  	_ =	shalt  }
0x5b: {  	_ =	shalt  }
0x5c: {  	_ =	shalt  }
0x5d: {  	_ =	shalt  }
0x5e: {  	_ =	shalt  }
0x5f: {  	_ =	shalt  }
0x60: {  	_ =	shalt  }
0x61: {  	_ =	shalt  }
0x62: {  	_ =	shalt  }
0x63: {  	_ =	shalt  }
0x64: {  	_ =	shalt  }
0x65: {  	_ =	shalt  }
0x66: {  	_ =	shalt  }
0x67: {  	_ =	shalt  }
0x68: {  	_ =	shalt  }
0x69: {  	_ =	shalt  }
0x6a: {  	_ =	shalt  }
0x6b: {  	_ =	shalt  }
0x6c: {  	_ =	shalt  }
0x6d: {  	_ =	shalt  }
0x6e: {  	_ =	shalt  }
0x6f: {  	_ =	shalt  }
0x70: {  	_ =	shalt  }
0x71: {  	_ =	shalt  }
0x72: {  	_ =	shalt  }
0x73: {  	_ =	shalt  }
0x74: {  	_ =	shalt  }
0x75: {  	_ =	shalt  }
0x76: {  	_ =	shalt  }
0x77: {  	_ =	shalt  }
0x78: {  	_ =	shalt  }
0x79: {  	_ =	shalt  }
0x7a: {  	_ =	shalt  }
0x7b: {  	_ =	shalt  }
0x7c: {  	_ =	shalt  }
0x7d: {  	_ =	shalt  }
0x7e: {  	_ =	shalt  }
0x7f: {  	_ =	shalt  }
0x80: {  	_ =	shalt  }
0x81: {  	_ =	shalt  }
0x82: {  	_ =	shalt  }
0x83: {  	_ =	shalt  }
0x84: {  	_ =	shalt  }
0x85: {  	_ =	shalt  }
0x86: {  	_ =	shalt  }
0x87: {  	_ =	shalt  }
.Lfunc_end0:
.L_simem_size_0:
called_computation_lowered:
.L_overlay_start_0:
0x88: {  	s2 =	sld [smem:$0x3FD9]  }
0x89: {  	s3 =	sld [smem:$0x3FFE];
	_ =	sdelay $0x1  }
0x8a: {  	s1 =	srdreg.scid  }
0x8b: {  	s0 =	sand.u32 $0x1, s1  }
0x8c: {  	s17 =	sshll.u32 s0, $0xA;
	s2 =	sadd.s32 s3, s2  }
0x8d: {  	s2 =	sadd.s32 s2, s17  }
0x8e: {  	[smem:$0x3FBD] =	sst s2  }
0x8f: {  	_ = 	snop  }
0x90: {  	s2 =	sld [smem:$0x3FC5]  }
0x91: {  	s18 =	sld [smem:$0x3FD0];
	(tm) =	ssettm $0x1  }
0x92: {  	s4 =	sld [smem:$0x3FFB];
	_ =	sdelay $0x3  }
0x93: {  	_ =	strace s4  }
0x94: {  	s4 =	sld [smem:$0x3FFC];
	_ =	sdelay $0x3  }
0x95: {  	_ =	strace s4  }
0x96: {  	s4 =	sld [smem:$0x3FFD];
	_ =	sdelay $0x3  }
0x97: {  	_ =	strace s4  }
0x98: {  	_ =	strace $0x8FFFFFFF  }
0x99: {  	s19 =	sld [smem:$0x3FDB];
	_ =	sdelay $0x1  }
0x9a: {  	s5 =	simm.s32 $_scs_section_size  }
0x9b: {  	s6 =	simm.s32 $_size__tile_overlayer_lowered;
	s7 =	simm.s32 $_tile_overlayer_lowered  }
0x9c: {  	s22 =	simm.s32 $0x1BFF;
	s21 =	sshll.u32 s7, $0x1;
	s4 =	sadd.s32 s5, s19  }
0x9d: {  	s8 =	simm.s32 $0x0;
	s20 =	sshll.u32 s6, $0x1;
	s6 =	sadd.s32 s21, s4  }
0x9e: {  	[timem:s8], [sflag:s22] =	dma.local [hbm:s6], s20  }
0x9f: {  	_ =	swait.ge [sflag:s22], s20  }
0xa0: {  	s5 =	ssub.s32 $0x0, s20;
	[sflag:s22] =	ssyncset.done $0x0  }
0xa1: {  	[sflag:s22] =	ssyncadd.s32 s5;
	_ =	sdelay $0x1  }
0xa2: {  	s23 =	simm.s32 $0x1B8B  }
0xa3: {  	_ =	swait.ge [sflag:s23], $0x1  }
0xa4: {  	[sflag:s23] =	ssyncset.done $0x0  }
0xa5: {  	s25 =	simm.s32 $0x1B8E;
	s24 =	sld [smem:$0x3FFE];
	[sflag:s23] =	ssyncadd.s32 $0xFFFFFFFF  }
0xa6: {  	s26 =	simm.s32 $execute0_lowered;
	[smem:$0x3FD2] =	sst s25  }
0xa7: {  	s6 =	sshll.u32 s26, $0x1;
	_ =	strace $0x80000046;
	[dreg:$0x1] =	wrdreg $0xFFFFFFFF  }
0xa8: {  	s28 =	simm.s32 $_size_execute0_lowered;
	s4 =	sadd.s32 s4, s6;
	[dreg:$0x0] =	wrdreg $0x0  }
0xa9: {  	s6 =	sshll.u32 s28, $0x1;
	[dreg:$0x2] =	wrdreg s4  }
0xaa: {  	[dreg:$0x3] =	wrdreg s6  }
0xab: {  	[dreg:$0x4] =	wrdreg $0xC0  }
0xac: {  	_ =	task [dreg:s8], $0x5FFFF  }
0xad: {  	[dreg:$0x1] =	wrdreg $0xFFFFFFFF  }
0xae: {  	[dreg:$0x0] =	wrdreg $0x60  }
0xaf: {  	[dreg:$0x2] =	wrdreg s2  }
0xb0: {  	[dreg:$0x3] =	wrdreg s24  }
0xb1: {  	[dreg:$0x4] =	wrdreg s18  }
0xb2: {  	[dreg:$0x5] =	wrdreg $0x9  }
0xb3: {  	_ =	task.clear_ibuf [dreg:s8], $0x6FFFF;
	_ =	strace $0x90000046  }
0xb4: {  	s29 =	simm.s32 $0x9;
	_ =	strace $0x80000048  }
0xb5: {  	_ =	swait.ge [sflag:s29], $0x1  }
0xb6: {  	[sflag:s29] =	ssyncadd.s32 $0xFFFFFFFF  }
0xb7: {  	_ =	strace $0x90000048  }
0xb8: {  	_ =	sfence  }
0xb9: {  	s30 =	sld [smem:$0x0];
	_ =	sdelay $0x2  }
0xba: {  	s31 =	sshll.u32 s1, $0xD;
	s1 =	sshrl.u32 s1, $0x2  }
0xbb: {  	s3 =	sand.u32 $0x4000, s31;
	s1 =	sadd.s32 s1, s30  }
0xbc: {  	s0 =	sor.u32 s3, s0;
	s1 =	sshll.u32 s1, $0x11  }
0xbd: {  	s0 =	sor.u32 s1, s0  }
0xbe: {  	s0 =	sadd.s32 $0x8F2B, s0  }
0xbf: {  	[sflag:s0] =	ssyncadd.remote.s32 $0x1  }
0xc0: {  	_ =	sfence.sel $0xFFFF  }
0xc1: {  	[dreg:$0x0] =	wrdreg $0xFFFFFFFF;
	(pc) =	sbr.abs _section_cstart, $3  }
0xc2: {  	[dreg:$0x1] =	wrdreg $0xFFFFFFFF  }
0xc3: {  	_ =	task.clear_ibuf [dreg:s8], $0x2FFFF;
	_ =	strace $0x9FFFFFFF  }
0xc4: {  	(tm) =	ssettm $0x7FFFFFFF  }
0xc5: {  	_ =	shalt  }
tec
execute0_lowered:
.L_overlay_start_1:
0x0: {  	(tag) =	ssettag $0x1  }
0x1: {  	s4 =	rddreg [dreg:$0x1]  }
0x2: {  	s5 =	rddreg [dreg:$0x2]  }
0x3: {  	s1 =	simm.s32 $0x0;
	s6 =	srdreg.scid;
	s0 =	stileid.u32  }
0x4: {  	s2 =	simm.s32 $0x2;
	s31 =	simm.s32 $0x1480;
	s12 =	simm.s32 $0x400  }
0x5: {  	[smem:$0x7FF] =	sst s1;
	s6 =	sand.u32 $0x1, s6;
	s7 =	sshll.u32 s0, $0x1  }
0x6: {  	s9 =	sshll.u32 s0, $0xB;
	s23 =	sshll.u32 s0, $0xC;
	_ =	strace $0x80000047  }
0x7: {  	s7 =	sor.u32 s6, s7;
	s10 =	sshll.u32 s6, $0xA;
	s11 =	sshll.u32 s6, $0xB  }
0x8: {  	v1 =	vimm.s32 $0xECA86420;
	s6 =	ssub.s32 $0x2, s6;
	[dreg:$0x5] =	wrdreg s31;
	s8 =	smul.u32 $0x5, s7  }
0x9: {  	v0 =	vimm.s32 $0x0;
	vm0 =	vcmask $0xB08;
	vm1 =	vcmask $0x1310;
	[dreg:$0x7] =	wrdreg s12;
	s9 =	sor.u32 s10, s9;
	s7 =	smul.u32 $0x280, s7  }
0xa: {  	vm2 =	vcmask $0x1B18;
	vm3 =	vcmask $0x300;
	vm4 =	vcmask $0x2320;
	s10 =	sor.u32 s11, s23;
	s24 =	sshrl.u32 s6, $0x1;
	s9 =	sshrl.u32 s9, $0x3  }
0xb: {  	vm5 =	vcmask $0x2B28;
	v3 =	vlaneseq.u32;
	vm6 =	vcmask $0x3330;
	s10 =	sshrl.u32 s10, $0x3;
	s6 =	ssub.s32 s6, s24;
	s28 =	sadd.s32 s5, s7  }
0xc: {  	vm7 =	vcmask $0x3B38;
	vm8 =	vmmov $0xff;
	v4 =	vimm.s32 $0x0;
	s8 =	sadd.s32 s8, s4;
	s30 =	smax.u32 s6, $0x1;
	[dreg:$0x9] =	wrdreg s28  }
0xd: {  	vm14 =	vcmask $0x1714;
	vm12 =	vcmask $0x1F1C;
	v4 =	vsel vm8, $0xFFFFFFFF, v4;
	s10 =	sadd.s32 s10, s4;
	s25 =	sadd.s32 $0x1E00, s8;
	[dreg:$0xa] =	wrdreg s30  }
0xe: {  	vm9 =	vmmov $0x3;
	v2 =	vunpack.c.l.s4.s8 v1;
	[tilespmem:$0x1FFE0] =	vst v4;
	v4 =	vimm.s32 $0x0;
	s9 =	sadd.s32 s9, s4;
	s26 =	sadd.s32 $0x3000, s10;
	[dreg:$0x8] =	wrdreg s25  }
0xf: {  	vm15 =	vcmask $0x2724;
	s3 =	simm.s32 $0x0;
	v1 =	vimm.s32 $0x1;
	v4 =	vsel vm9, $0xFFFFFFFF, v4;
	s29 =	sadd.s32 $0x2000, s9;
	[dreg:$0x6] =	wrdreg s26  }
0x10: {  	v3 =	vmul.u32 $0x2, v3;
	vm8 =	vcmask $0x704;
	v2 =	vunpack.c.0.s8.s32 v2;
	s11 =	simm.s32 $0x1500;
	[tilespmem:$0x1FFF0] =	vst v4;
	s4 =	simm.s32 $0x80;
	[dreg:$0x4] =	wrdreg s29  }
.LBB2_1:
0x11: {  	[dreg:$0xb] =	wrdreg s3  }
0x12: {  	s0 =	rddreg [dreg:$0x8]  }
0x13: {  	[tilespmem:s1], [sflag:$0x2] =	stream.linear.gather [hbm4b:s0+s1], $0x28, $0x38;
	[tilespmem:$0x1600] =	vst v63  }
0x14: {  	_ =	swait.ge [sflag:s2], $0x28  }
0x15: {  	[sflag:s2] =	ssyncset.done $0x0  }
0x16: {  	[sflag:s2] =	ssyncadd.s32 $0xFFFFFFD8  }
0x17: {  	s29 =	simm.s32 $0x28;
	s30 =	simm.s32 $0x1;
	s28 =	rddreg [dreg:$0x0]  }
0x18: {  	[tilespmem:s4], [sflag:$0x1] =	stream.indirect.gather [hbm4b:s28+s29], $0x80, s1, s29, $0xb8;
	[tilespmem:$0x1600] =	vst v63  }
0x19: {  	_ =	swait.ge [sflag:s30], $0x1400  }
0x1a: {  	[sflag:s30] =	ssyncset.done $0x0  }
0x1b: {  	s31 =	rddreg [dreg:$0x9];
	[sflag:s30] =	ssyncadd.s32 $0xFFFFEC00  }
0x1c: {  	[hbm4b:s31+s1] =	stream.linear.scatter [tilespmem:s4], [sflag:$0x2], $0x1400, $0x38;
	[tilespmem:$0x1600] =	vst v63  }
0x1d: {  	_ =	swait.ge [sflag:s2], $0x1400  }
0x1e: {  	[sflag:s2] =	ssyncset.done $0x0  }
0x1f: {  	s0 =	simm.s32 $0x0;
	[sflag:s2] =	ssyncadd.s32 $0xFFFFEC00  }
.LBB2_2:
0x20: {  	[tilespmem:$0x1500] =	vst v0  }
0x21: {  	[tilespmem:$0x1510] =	vst v0  }
0x22: {  	[tilespmem:$0x1520] =	vst v0  }
0x23: {  	[tilespmem:$0x1530] =	vst v0  }
0x24: {  	[tilespmem:$0x1540] =	vst v0  }
0x25: {  	[tilespmem:$0x1550] =	vst v0  }
0x26: {  	[tilespmem:$0x1560] =	vst v0  }
0x27: {  	[tilespmem:$0x1570] =	vst v0  }
0x28: {  	[tilespmem:$0x1580] =	vst v0  }
0x29: {  	[tilespmem:$0x1590] =	vst v0  }
0x2a: {  	[tilespmem:$0x15A0] =	vst v0  }
0x2b: {  	[tilespmem:$0x15B0] =	vst v0  }
0x2c: {  	[tilespmem:$0x15C0] =	vst v0  }
0x2d: {  	[dreg:$0xc] =	wrdreg s0;
	[tilespmem:$0x15D0] =	vst v0  }
0x2e: {  	s14 =	rddreg [dreg:$0x4];
	[tilespmem:$0x15E0] =	vst v0  }
0x2f: {  	s15 =	rddreg [dreg:$0x5];
	[tilespmem:$0x15F0] =	vst v0;
	s14 =	sadd.s32 s0, s14  }
0x30: {  	[tilespmem:s15], [sflag:$0x2] =	stream.linear.gather [hbm4b:s14+s1], $0x80, $0x38;
	[tilespmem:$0x1600] =	vst v63  }
0x31: {  	_ =	swait.ge [sflag:s2], $0x80  }
0x32: {  	[sflag:s2] =	ssyncset.done $0x0  }
0x33: {  	[sflag:s2] =	ssyncadd.s32 $0xFFFFFF80  }
0x34: {  	v7 =	vld [tilespmem:$0x1480];
	_ =	sdelay $0x4  }
0x35: {  	vm9 =	vgt.s32 v7, $0x9;
	vm10 =	vgt.s32 v7, $0x63  }
0x36: {  	v4 =	vsel vm9, $0x2, v1;
	v5 =	vsel vm10, $0x1, v0;
	vm9 =	vgt.s32 v7, $0x3E7  }
0x37: {  	v4 =	vadd.s32 v5, v4;
	v5 =	vsel vm9, $0x1, v0;
	vm9 =	vgt.s32 v7, $0x270F  }
0x38: {  	v4 =	vadd.s32 v5, v4;
	v5 =	vsel vm9, $0x1, v0  }
0x39: {  	v5 =	vadd.s32 v5, v4  }
0x3a: {  	(xrf0) =	vadd.scan.msk.s32 $0xffff, v5;
	_ =	sdelay $0x5  }
0x3b: {  	v4, _, _ =	vpop (xrf0)  }
0x3c: {  	(v2sf) =	vpush v4, $0xF  }
0x3d: {  	(v2sf) =	vpush v7, $0xD;
	_ =	sdelay $0x1  }
0x3e: {  	(v2sf) =	vpush v7, $0xC;
	_ =	sdelay $0x1  }
0x3f: {  	(v2sf) =	vpush v7, $0xE;
	_ =	sdelay $0x1  }
0x40: {  	(v2sf) =	vpush v7, $0xF;
	_ =	sdelay $0x1  }
0x41: {  	(v2sf) =	vpush v7, $0x9;
	_ =	sdelay $0x1  }
0x42: {  	(v2sf) =	vpush v7, $0x8;
	_ =	sdelay $0x1  }
0x43: {  	(v2sf) =	vpush v7, $0xA;
	_ =	sdelay $0x1  }
0x44: {  	s14 =	spop (v2sf);
	(v2sf) =	vpush v7, $0xB  }
0x45: {  	s2 =	spop (v2sf)  }
0x46: {  	(v2sf) =	vpush v7, $0x0;
	s16 =	smulhi.u32 $0x66666667, s2;
	s15 =	sshra.s32 s2, $0x1F  }
0x47: {  	s17 =	spop (v2sf);
	s15 =	smul.u32 $0x66666667, s15  }
0x48: {  	(v2sf) =	vpush v7, $0x1;
	s18 =	smulhi.u32 $0x66666667, s17;
	s17 =	sshra.s32 s17, $0x1F  }
0x49: {  	s19 =	spop (v2sf);
	(v2sf) =	vpush v7, $0x2;
	s17 =	smul.u32 $0x66666667, s17  }
0x4a: {  	s20 =	smulhi.u32 $0x66666667, s19;
	s19 =	sshra.s32 s19, $0x1F;
	(v2sf) =	vpush v7, $0x3  }
0x4b: {  	s21 =	spop (v2sf);
	s19 =	smul.u32 $0x66666667, s19;
	(v2sf) =	vpush v7, $0x4  }
0x4c: {  	s22 =	smulhi.u32 $0x66666667, s21;
	s21 =	sshra.s32 s21, $0x1F;
	(v2sf) =	vpush v7, $0x5  }
0x4d: {  	s23 =	spop (v2sf);
	s21 =	smul.u32 $0x66666667, s21;
	(v2sf) =	vpush v7, $0x6  }
0x4e: {  	s25 =	smulhi.u32 $0x66666667, s23;
	s23 =	sshra.s32 s23, $0x1F;
	(v2sf) =	vpush v7, $0x7  }
0x4f: {  	s3 =	spop (v2sf);
	s23 =	smul.u32 $0x66666667, s23  }
0x50: {  	s15 =	sadd.s32 s15, s16;
	s26 =	smulhi.u32 $0x66666667, s3;
	s16 =	sshra.s32 s3, $0x1F  }
0x51: {  	s24 =	sshrl.u32 s15, $0x1F;
	s4 =	spop (v2sf);
	s28 =	smul.u32 $0x66666667, s16  }
0x52: {  	s18 =	sadd.s32 s17, s18;
	s30 =	smulhi.u32 $0x66666667, s4;
	s5 =	sshra.s32 s4, $0x1F  }
0x53: {  	s29 =	sshrl.u32 s18, $0x1F;
	s6 =	smul.u32 $0x66666667, s5;
	s7 =	spop (v2sf)  }
0x54: {  	s16 =	sadd.s32 s19, s20;
	s0 =	smulhi.u32 $0x66666667, s7;
	s8 =	sshra.s32 s7, $0x1F  }
0x55: {  	s17 =	sadd.s32 s21, s22;
	s10 =	spop (v2sf);
	s9 =	smul.u32 $0x66666667, s8  }
0x56: {  	s31 =	sshrl.u32 s16, $0x1F;
	s22 =	smulhi.u32 $0x66666667, s10;
	s12 =	sshra.s32 s10, $0x1F  }
0x57: {  	s19 =	sadd.s32 s23, s25;
	s13 =	spop (v2sf);
	s1 =	smul.u32 $0x66666667, s12  }
0x58: {  	s25 =	smulhi.u32 $0x66666667, s13;
	s8 =	sshra.s32 s13, $0x1F;
	s4 =	spop (v2sf)  }
0x59: {  	s23 =	sadd.s32 s28, s26;
	s8 =	smul.u32 $0x66666667, s8;
	s3 =	spop (v2sf)  }
0x5a: {  	s7 =	smulhi.u32 $0x66666667, s4;
	s4 =	sshra.s32 s4, $0x1F;
	s5 =	spop (v2sf)  }
0x5b: {  	s20 =	sadd.s32 s6, s30;
	s4 =	smul.u32 $0x66666667, s4;
	s30 =	spop (v2sf)  }
0x5c: {  	s6 =	smulhi.u32 $0x66666667, s3;
	s26 =	sshra.s32 s3, $0x1F;
	s10 =	spop (v2sf)  }
0x5d: {  	s21 =	sadd.s32 s9, s0;
	s9 =	smul.u32 $0x66666667, s26;
	s12 =	spop (v2sf)  }
0x5e: {  	s2 =	sshrl.u32 s17, $0x1F;
	s13 =	smulhi.u32 $0x66666667, s12;
	s26 =	sshra.s32 s12, $0x1F  }
0x5f: {  	s28 =	sshrl.u32 s20, $0x1F;
	s1 =	sadd.s32 s1, s22;
	s3 =	smul.u32 $0x66666667, s26  }
0x60: {  	s8 =	sadd.s32 s8, s25;
	s25 =	smulhi.u32 $0x66666667, s5;
	s5 =	sshra.s32 s5, $0x1F  }
0x61: {  	s4 =	sadd.s32 s4, s7;
	s5 =	smul.u32 $0x66666667, s5;
	s22 =	sadd.s32 s3, s13  }
0x62: {  	v8 =	vmov s29;
	s7 =	sshrl.u32 s1, $0x1F;
	s0 =	sadd.s32 s9, s6;
	s9 =	sshra.s32 s22, $0x1F  }
0x63: {  	vm11 =	vmmov vm8;
	v8 =	vsel vm0, s24, v8;
	s6 =	sshrl.u32 s21, $0x1F;
	s29 =	sshrl.u32 s4, $0x1F;
	s3 =	sshra.s32 s1, $0x2;
	v6 =	vmov s9  }
0x64: {  	vm9 =	vcmask $0x3734;
	v8 =	vsel vm1, s31, v8;
	s31 =	sshra.s32 s4, $0x2;
	s26 =	sshrl.u32 s23, $0x1F;
	s1 =	sshra.s32 s1, $0x1F;
	v6 =	vsel vm3, s3, v6  }
0x65: {  	v8 =	vsel vm2, s2, v8;
	v9 =	vmov s7;
	s13 =	sshra.s32 s30, $0x1F;
	v6 =	vsel vm8, s1, v6;
	s1 =	smulhi.u32 $0x66666667, s30;
	s30 =	sshra.s32 s8, $0x2  }
0x66: {  	s12 =	sshrl.u32 s19, $0x1F;
	v10 =	vmov s26;
	s3 =	sshrl.u32 s8, $0x1F;
	s8 =	sshra.s32 s8, $0x1F;
	vm8 =	vcmask $0xF0C;
	v6 =	vsel vm0, s30, v6  }
0x67: {  	s4 =	sshra.s32 s4, $0x1F;
	v9 =	vnsel vm3, $0x0, v9;
	s7 =	sshrl.u32 s0, $0x1F;
	v10 =	vsel vm0, s12, v10;
	s9 =	smul.u32 $0x66666667, s13;
	v6 =	vsel vm8, s8, v6  }
0x68: {  	s5 =	sadd.s32 s5, s25;
	v10 =	vsel vm1, s28, v10;
	s13 =	smulhi.u32 $0x66666667, s10;
	v9 =	vsel vm0, s3, v9;
	s30 =	sshra.s32 s10, $0x1F;
	v6 =	vsel vm1, s31, v6  }
0x69: {  	v10 =	vsel vm2, s6, v10;
	v9 =	vsel vm1, s29, v9;
	s3 =	smul.u32 $0x66666667, s30;
	s1 =	sadd.s32 s9, s1;
	s9 =	sshra.s32 s0, $0x2;
	v6 =	vsel vm14, s4, v6  }
0x6a: {  	s12 =	sshra.s32 s5, $0x2;
	v8 =	vcombine.low v10, v8;
	v9 =	vsel vm2, s7, v9;
	s7 =	sshrl.u32 s5, $0x1F;
	s0 =	sshra.s32 s0, $0x1F;
	v6 =	vsel vm2, s9, v6  }
0x6b: {  	vm8 =	vcmask $0x2F2C;
	v9 =	vsel vm4, s7, v9;
	s10 =	sshrl.u32 s1, $0x1F;
	s2 =	sadd.s32 s3, s13;
	s13 =	sshra.s32 s18, $0x2;
	v6 =	vsel vm12, s0, v6  }
0x6c: {  	v9 =	vsel vm5, s10, v9;
	s18 =	sshra.s32 s23, $0x2;
	s23 =	sshra.s32 s5, $0x1F;
	s3 =	sshrl.u32 s2, $0x1F;
	v30 =	vmov s13;
	v6 =	vsel vm4, s12, v6  }
0x6d: {  	s24 =	sshra.s32 s15, $0x2;
	s25 =	sshra.s32 s19, $0x2;
	s26 =	sshra.s32 s1, $0x2;
	v11 =	vmov s18;
	v9 =	vsel vm6, s3, v9;
	v6 =	vsel vm15, s23, v6  }
0x6e: {  	s28 =	sshra.s32 s16, $0x2;
	s29 =	sshra.s32 s20, $0x2;
	s30 =	sshra.s32 s1, $0x1F;
	v10 =	vsel vm0, s24, v30;
	v11 =	vsel vm0, s25, v11;
	v6 =	vsel vm5, s26, v6  }
0x6f: {  	v31 =	vld [tilespmem:$0x1FFE0];
	s31 =	sshra.s32 s17, $0x2;
	s4 =	sshra.s32 s21, $0x2;
	s5 =	sshra.s32 s2, $0x2;
	v10 =	vsel vm1, s28, v10;
	v11 =	vsel vm1, s29, v11;
	v6 =	vsel vm8, s30, v6  }
0x70: {  	s6 =	sshrl.u32 s22, $0x1F;
	s7 =	sshra.s32 s2, $0x1F;
	v10 =	vsel vm2, s31, v10;
	v11 =	vsel vm2, s4, v11;
	v6 =	vsel vm6, s5, v6  }
0x71: {  	s8 =	sshra.s32 s22, $0x2;
	v9 =	vsel vm7, s6, v9;
	v10 =	vcombine.low v11, v10;
	v6 =	vsel vm9, s7, v6  }
0x72: {  	v8 =	vperm.xlane v8, v2;
	v9 =	vperm.xlane v9, v3;
	v6 =	vsel vm7, s8, v6  }
0x73: {  	v10 =	vperm.xlane v10, v2;
	v6 =	vperm.xlane v6, v3  }
0x74: {  	vm13 =	vnez.u8 v31  }
0x75: {  	v8 =	vsel vm13, v9, v8;
	v6 =	vsel vm13, v6, v10  }
0x76: {  	v8 =	vadd.s32 v8, v6  }
0x77: {  	v6 =	vmul.u32 $0xFFFFFFF6, v8;
	_ =	sdelay $0x1  }
0x78: {  	v6 =	vadd.s32 v7, v6  }
0x79: {  	vm10 =	vlt.s32 v7, $0x1;
	vm9 =	vne.s32 v6, $0x0  }
0x7a: {  	vm9 =	vmand vm10, vm9  }
0x7b: {  	v32 =	vsel vm9, $0xFFFFFFFF, v0  }
0x7c: {  	v8 =	vadd.s32 v32, v8  }
0x7d: {  	(v2sf) =	vpush v8, $0xD  }
0x7e: {  	(v2sf) =	vpush v8, $0xC  }
0x7f: {  	(v2sf) =	vpush v8, $0xE  }
0x80: {  	(v2sf) =	vpush v8, $0xF  }
0x81: {  	(v2sf) =	vpush v8, $0x9  }
0x82: {  	(v2sf) =	vpush v8, $0x8  }
0x83: {  	(v2sf) =	vpush v8, $0xA  }
0x84: {  	(v2sf) =	vpush v8, $0xB  }
0x85: {  	(v2sf) =	vpush v8, $0x0;
	_ =	sdelay $0x6  }
0x86: {  	s9 =	spop (v2sf)  }
0x87: {  	s10 =	spop (v2sf)  }
0x88: {  	s12 =	spop (v2sf)  }
0x89: {  	s13 =	spop (v2sf)  }
0x8a: {  	s18 =	smulhi.u32 $0x66666667, s9;
	s0 =	sshra.s32 s9, $0x1F;
	s15 =	spop (v2sf)  }
0x8b: {  	s0 =	smul.u32 $0x66666667, s0;
	s16 =	spop (v2sf)  }
0x8c: {  	(v2sf) =	vpush v8, $0x1;
	s21 =	smulhi.u32 $0x66666667, s10;
	s1 =	sshra.s32 s10, $0x1F;
	s17 =	spop (v2sf)  }
0x8d: {  	(v2sf) =	vpush v8, $0x2;
	s1 =	smul.u32 $0x66666667, s1;
	s19 =	spop (v2sf)  }
0x8e: {  	(v2sf) =	vpush v8, $0x3;
	s22 =	smulhi.u32 $0x66666667, s12;
	s2 =	sshra.s32 s12, $0x1F;
	s20 =	spop (v2sf)  }
0x8f: {  	s2 =	smul.u32 $0x66666667, s2;
	(v2sf) =	vpush v8, $0x4  }
0x90: {  	s23 =	smulhi.u32 $0x66666667, s13;
	s3 =	sshra.s32 s13, $0x1F;
	(v2sf) =	vpush v8, $0x5  }
0x91: {  	s3 =	smul.u32 $0x66666667, s3;
	(v2sf) =	vpush v8, $0x6  }
0x92: {  	s24 =	smulhi.u32 $0x66666667, s15;
	s4 =	sshra.s32 s15, $0x1F;
	(v2sf) =	vpush v8, $0x7  }
0x93: {  	s4 =	smul.u32 $0x66666667, s4  }
0x94: {  	s25 =	smulhi.u32 $0x66666667, s16;
	s5 =	sshra.s32 s16, $0x1F  }
0x95: {  	s16 =	sadd.s32 s0, s18;
	s26 =	smul.u32 $0x66666667, s5  }
0x96: {  	s18 =	sadd.s32 s1, s21;
	s28 =	smulhi.u32 $0x66666667, s17;
	s12 =	sshra.s32 s17, $0x1F  }
0x97: {  	s6 =	sshrl.u32 s16, $0x1F;
	s8 =	sshrl.u32 s18, $0x1F;
	s5 =	smul.u32 $0x66666667, s12  }
0x98: {  	s17 =	sadd.s32 s2, s22;
	s2 =	smulhi.u32 $0x66666667, s19;
	s9 =	sshra.s32 s19, $0x1F  }
0x99: {  	s15 =	sadd.s32 s3, s23;
	s12 =	sshrl.u32 s17, $0x1F;
	s13 =	smul.u32 $0x66666667, s9  }
0x9a: {  	s19 =	sadd.s32 s4, s24;
	s9 =	sshrl.u32 s15, $0x1F;
	s22 =	smulhi.u32 $0x66666667, s20  }
0x9b: {  	s10 =	sshra.s32 s20, $0x1F;
	s23 =	sadd.s32 s26, s25;
	s29 =	spop (v2sf)  }
0x9c: {  	s4 =	smul.u32 $0x66666667, s10;
	s20 =	sadd.s32 s5, s28;
	s30 =	spop (v2sf)  }
0x9d: {  	v34 =	vmov s8;
	s24 =	smulhi.u32 $0x66666667, s29;
	s10 =	sshra.s32 s29, $0x1F;
	s31 =	spop (v2sf)  }
0x9e: {  	v9 =	vsel vm0, s6, v34;
	s6 =	sshra.s32 s23, $0x2;
	s0 =	smul.u32 $0x66666667, s10;
	s26 =	spop (v2sf)  }
0x9f: {  	s25 =	smulhi.u32 $0x66666667, s30;
	s7 =	sshra.s32 s30, $0x1F;
	s5 =	spop (v2sf)  }
0xa0: {  	s21 =	sadd.s32 s13, s2;
	s1 =	smul.u32 $0x66666667, s7;
	s29 =	spop (v2sf)  }
0xa1: {  	s28 =	smulhi.u32 $0x66666667, s31;
	s10 =	sshra.s32 s31, $0x1F;
	s31 =	spop (v2sf)  }
0xa2: {  	s4 =	sadd.s32 s4, s22;
	s7 =	smulhi.u32 $0x66666667, s31;
	s3 =	sshra.s32 s31, $0x1F  }
0xa3: {  	s30 =	sshrl.u32 s19, $0x1F;
	s0 =	sadd.s32 s0, s24;
	s3 =	smul.u32 $0x66666667, s3  }
0xa4: {  	s24 =	sshrl.u32 s23, $0x1F;
	s1 =	sadd.s32 s1, s25;
	s13 =	smul.u32 $0x66666667, s10  }
0xa5: {  	s25 =	sshrl.u32 s20, $0x1F;
	s8 =	sshrl.u32 s0, $0x1F;
	s22 =	sadd.s32 s3, s7  }
0xa6: {  	s2 =	sadd.s32 s13, s28;
	s13 =	sshra.s32 s26, $0x1F;
	s31 =	sshra.s32 s22, $0x1F  }
0xa7: {  	v9 =	vsel vm1, s12, v9;
	s12 =	sshra.s32 s1, $0x1F;
	s10 =	smul.u32 $0x66666667, s13;
	s13 =	sshra.s32 s4, $0x2;
	v33 =	vmov s31  }
0xa8: {  	s28 =	sshrl.u32 s21, $0x1F;
	s7 =	sshrl.u32 s4, $0x1F;
	s4 =	sshra.s32 s4, $0x1F;
	v7 =	vsel vm3, s13, v33  }
0xa9: {  	v36 =	vmov s24;
	s24 =	sshra.s32 s2, $0x2;
	s3 =	smulhi.u32 $0x66666667, s26;
	v35 =	vmov s7;
	s7 =	sshra.s32 s0, $0x2;
	v7 =	vsel vm11, s4, v7  }
0xaa: {  	vm9 =	vcmask $0xF0C;
	v9 =	vsel vm2, s9, v9;
	s26 =	smulhi.u32 $0x66666667, s29;
	s29 =	sshra.s32 s29, $0x1F;
	s0 =	sshra.s32 s0, $0x1F;
	v7 =	vsel vm0, s7, v7  }
0xab: {  	v12 =	vmov s6;
	v11 =	vsel vm0, s30, v36;
	s9 =	smul.u32 $0x66666667, s29;
	s29 =	sshra.s32 s2, $0x1F;
	s7 =	sshra.s32 s1, $0x2;
	v7 =	vsel vm9, s0, v7  }
0xac: {  	v11 =	vsel vm1, s25, v11;
	s31 =	sshrl.u32 s1, $0x1F;
	v10 =	vnsel vm3, $0x0, v35;
	s3 =	sadd.s32 s10, s3;
	s13 =	sshrl.u32 s2, $0x1F;
	v7 =	vsel vm1, s7, v7  }
0xad: {  	v11 =	vsel vm2, s28, v11;
	v10 =	vsel vm0, s8, v10;
	s26 =	sadd.s32 s9, s26;
	s4 =	smulhi.u32 $0x66666667, s5;
	s5 =	sshra.s32 s5, $0x1F;
	v7 =	vsel vm14, s12, v7  }
0xae: {  	v9 =	vcombine.low v11, v9;
	s2 =	sshra.s32 s18, $0x2;
	s8 =	sshra.s32 s16, $0x2;
	v10 =	vsel vm1, s31, v10;
	s5 =	smul.u32 $0x66666667, s5;
	v7 =	vsel vm2, s24, v7  }
0xaf: {  	s9 =	sshra.s32 s19, $0x2;
	s31 =	sshra.s32 s3, $0x2;
	v37 =	vmov s2;
	v10 =	vsel vm2, s13, v10;
	s13 =	sshrl.u32 s3, $0x1F;
	v7 =	vsel vm12, s29, v7  }
0xb0: {  	v12 =	vsel vm0, s9, v12;
	v10 =	vsel vm4, s13, v10;
	s13 =	sshra.s32 s20, $0x2;
	s4 =	sadd.s32 s5, s4;
	s7 =	sshra.s32 s3, $0x1F;
	v7 =	vsel vm4, s31, v7  }
0xb1: {  	s18 =	sshra.s32 s21, $0x2;
	v11 =	vsel vm0, s8, v37;
	v12 =	vsel vm1, s13, v12;
	s25 =	sshrl.u32 s4, $0x1F;
	s10 =	sshra.s32 s4, $0x2;
	v7 =	vsel vm15, s7, v7  }
0xb2: {  	s30 =	sshrl.u32 s26, $0x1F;
	s12 =	sshra.s32 s17, $0x2;
	s16 =	sshra.s32 s4, $0x1F;
	v12 =	vsel vm2, s18, v12;
	v10 =	vsel vm5, s25, v10;
	v7 =	vsel vm5, s10, v7  }
0xb3: {  	s19 =	sshra.s32 s26, $0x2;
	s17 =	sshra.s32 s15, $0x2;
	v11 =	vsel vm1, s12, v11;
	v10 =	vsel vm6, s30, v10;
	v7 =	vsel vm8, s16, v7  }
0xb4: {  	s21 =	sshra.s32 s26, $0x1F;
	s20 =	sshrl.u32 s22, $0x1F;
	v11 =	vsel vm2, s17, v11;
	vm8 =	vcmask $0x3734;
	v7 =	vsel vm6, s19, v7  }
0xb5: {  	s23 =	sshra.s32 s22, $0x2;
	v10 =	vsel vm7, s20, v10;
	v11 =	vcombine.low v12, v11;
	v7 =	vsel vm8, s21, v7  }
0xb6: {  	v9 =	vperm.xlane v9, v2;
	v10 =	vperm.xlane v10, v3;
	v7 =	vsel vm7, s23, v7  }
0xb7: {  	v11 =	vperm.xlane v11, v2;
	v7 =	vperm.xlane v7, v3;
	_ =	sdelay $0x1  }
0xb8: {  	v9 =	vsel vm13, v10, v9;
	v7 =	vsel vm13, v7, v11  }
0xb9: {  	v9 =	vadd.s32 v9, v7  }
0xba: {  	v7 =	vmul.u32 $0xFFFFFFF6, v9;
	_ =	sdelay $0x1  }
0xbb: {  	v7 =	vadd.s32 v8, v7  }
0xbc: {  	vm10 =	vlt.s32 v8, $0x1;
	vm9 =	vne.s32 v7, $0x0  }
0xbd: {  	vm9 =	vmand vm10, vm9  }
0xbe: {  	v38 =	vsel vm9, $0xFFFFFFFF, v0  }
0xbf: {  	v9 =	vadd.s32 v38, v9  }
0xc0: {  	(v2sf) =	vpush v9, $0xD;
	_ =	sdelay $0x1  }
0xc1: {  	(v2sf) =	vpush v9, $0xC;
	_ =	sdelay $0x1  }
0xc2: {  	(v2sf) =	vpush v9, $0xE;
	_ =	sdelay $0x1  }
0xc3: {  	(v2sf) =	vpush v9, $0xF;
	_ =	sdelay $0x1  }
0xc4: {  	(v2sf) =	vpush v9, $0x9;
	_ =	sdelay $0x1  }
0xc5: {  	(v2sf) =	vpush v9, $0x8;
	_ =	sdelay $0x1  }
0xc6: {  	(v2sf) =	vpush v9, $0xA;
	_ =	sdelay $0x1  }
0xc7: {  	(v2sf) =	vpush v9, $0xB  }
0xc8: {  	s24 =	spop (v2sf)  }
0xc9: {  	(v2sf) =	vpush v9, $0x0;
	s25 =	smulhi.u32 $0x66666667, s24;
	s0 =	sshra.s32 s24, $0x1F  }
0xca: {  	s26 =	spop (v2sf);
	s0 =	smul.u32 $0x66666667, s0  }
0xcb: {  	(v2sf) =	vpush v9, $0x1;
	s28 =	smulhi.u32 $0x66666667, s26;
	s2 =	sshra.s32 s26, $0x1F  }
0xcc: {  	(v2sf) =	vpush v9, $0x2;
	s29 =	spop (v2sf);
	s2 =	smul.u32 $0x66666667, s2  }
0xcd: {  	(v2sf) =	vpush v9, $0x3;
	s30 =	smulhi.u32 $0x66666667, s29;
	s4 =	sshra.s32 s29, $0x1F  }
0xce: {  	(v2sf) =	vpush v9, $0x4;
	s31 =	spop (v2sf);
	s4 =	smul.u32 $0x66666667, s4  }
0xcf: {  	(v2sf) =	vpush v9, $0x5;
	s7 =	smulhi.u32 $0x66666667, s31;
	s6 =	sshra.s32 s31, $0x1F  }
0xd0: {  	(v2sf) =	vpush v9, $0x6;
	s10 =	spop (v2sf);
	s6 =	smul.u32 $0x66666667, s6  }
0xd1: {  	(v2sf) =	vpush v9, $0x7;
	s12 =	smulhi.u32 $0x66666667, s10;
	s9 =	sshra.s32 s10, $0x1F  }
0xd2: {  	s19 =	spop (v2sf);
	s13 =	smul.u32 $0x66666667, s9  }
0xd3: {  	s15 =	sadd.s32 s0, s25;
	s20 =	smulhi.u32 $0x66666667, s19;
	s1 =	sshra.s32 s19, $0x1F  }
0xd4: {  	s24 =	sshrl.u32 s15, $0x1F;
	s23 =	spop (v2sf);
	s1 =	smul.u32 $0x66666667, s1  }
0xd5: {  	s18 =	sadd.s32 s2, s28;
	s25 =	smulhi.u32 $0x66666667, s23;
	s2 =	sshra.s32 s23, $0x1F  }
0xd6: {  	s3 =	sshrl.u32 s18, $0x1F;
	s26 =	spop (v2sf);
	s2 =	smul.u32 $0x66666667, s2  }
0xd7: {  	s16 =	sadd.s32 s4, s30;
	s21 =	smulhi.u32 $0x66666667, s26;
	s4 =	sshra.s32 s26, $0x1F  }
0xd8: {  	s5 =	sshrl.u32 s16, $0x1F;
	s28 =	spop (v2sf);
	s4 =	smul.u32 $0x66666667, s4  }
0xd9: {  	s17 =	sadd.s32 s6, s7;
	s22 =	smulhi.u32 $0x66666667, s28;
	s6 =	sshra.s32 s28, $0x1F  }
0xda: {  	s19 =	sadd.s32 s13, s12;
	s29 =	spop (v2sf);
	s0 =	smul.u32 $0x66666667, s6  }
0xdb: {  	s10 =	smulhi.u32 $0x66666667, s29;
	s6 =	sshra.s32 s29, $0x1F;
	s30 =	spop (v2sf)  }
0xdc: {  	s23 =	sadd.s32 s1, s20;
	s1 =	smul.u32 $0x66666667, s6;
	s31 =	spop (v2sf)  }
0xdd: {  	s9 =	smulhi.u32 $0x66666667, s30;
	s13 =	sshra.s32 s30, $0x1F;
	s26 =	spop (v2sf)  }
0xde: {  	s20 =	sadd.s32 s2, s25;
	s25 =	smul.u32 $0x66666667, s13;
	s12 =	spop (v2sf)  }
0xdf: {  	s7 =	smulhi.u32 $0x66666667, s31;
	s6 =	sshra.s32 s31, $0x1F;
	s28 =	spop (v2sf)  }
0xe0: {  	s8 =	sshrl.u32 s17, $0x1F;
	s13 =	smul.u32 $0x66666667, s6;
	s30 =	spop (v2sf)  }
0xe1: {  	s29 =	sshrl.u32 s19, $0x1F;
	s31 =	smulhi.u32 $0x66666667, s30;
	s6 =	sshra.s32 s30, $0x1F  }
0xe2: {  	s21 =	sadd.s32 s4, s21;
	s0 =	sadd.s32 s0, s22;
	s6 =	smul.u32 $0x66666667, s6  }
0xe3: {  	s1 =	sadd.s32 s1, s10;
	s10 =	sshrl.u32 s23, $0x1F;
	s2 =	sadd.s32 s25, s9  }
0xe4: {  	v40 =	vmov s3;
	s9 =	sshrl.u32 s20, $0x1F;
	s25 =	sshrl.u32 s21, $0x1F;
	s22 =	sadd.s32 s6, s31  }
0xe5: {  	v10 =	vsel vm0, s24, v40;
	s24 =	sshra.s32 s2, $0x2;
	s4 =	sadd.s32 s13, s7;
	s7 =	sshra.s32 s22, $0x1F  }
0xe6: {  	v42 =	vmov s10;
	s13 =	sshra.s32 s0, $0x2;
	s30 =	sshrl.u32 s0, $0x1F;
	s0 =	sshra.s32 s0, $0x1F;
	v39 =	vmov s7  }
0xe7: {  	v12 =	vsel vm0, s29, v42;
	s29 =	sshra.s32 s4, $0x2;
	v41 =	vmov s30;
	s6 =	smulhi.u32 $0x66666667, s26;
	s26 =	sshra.s32 s26, $0x1F;
	v8 =	vsel vm3, s13, v39  }
0xe8: {  	v11 =	vnsel vm3, $0x0, v41;
	s26 =	smul.u32 $0x66666667, s26;
	s7 =	sshrl.u32 s1, $0x1F;
	s13 =	sshra.s32 s1, $0x2;
	v8 =	vsel vm11, s0, v8  }
0xe9: {  	vm9 =	vcmask $0xF0C;
	s31 =	sshrl.u32 s2, $0x1F;
	s1 =	sshra.s32 s1, $0x1F;
	v11 =	vsel vm0, s7, v11;
	s7 =	smulhi.u32 $0x66666667, s28;
	v8 =	vsel vm0, s13, v8  }
0xea: {  	v10 =	vsel vm1, s5, v10;
	s6 =	sadd.s32 s26, s6;
	s0 =	smulhi.u32 $0x66666667, s12;
	s12 =	sshra.s32 s12, $0x1F;
	v8 =	vsel vm9, s1, v8  }
0xeb: {  	v10 =	vsel vm2, s8, v10;
	v12 =	vsel vm1, s9, v12;
	s26 =	sshra.s32 s2, $0x1F;
	s12 =	smul.u32 $0x66666667, s12;
	s13 =	sshra.s32 s28, $0x1F;
	v8 =	vsel vm1, s24, v8  }
0xec: {  	v12 =	vsel vm2, s25, v12;
	s30 =	sshrl.u32 s4, $0x1F;
	v11 =	vsel vm1, s31, v11;
	s31 =	sshra.s32 s4, $0x1F;
	s8 =	smul.u32 $0x66666667, s13;
	v8 =	vsel vm14, s26, v8  }
0xed: {  	v10 =	vcombine.low v12, v10;
	s5 =	sshra.s32 s6, $0x2;
	v11 =	vsel vm2, s30, v11;
	s28 =	sshrl.u32 s6, $0x1F;
	s0 =	sadd.s32 s12, s0;
	v8 =	vsel vm2, s29, v8  }
0xee: {  	v11 =	vsel vm4, s28, v11;
	vm9 =	vcmask $0x2F2C;
	s30 =	sshrl.u32 s0, $0x1F;
	s3 =	sadd.s32 s8, s7;
	s7 =	sshra.s32 s18, $0x2;
	v8 =	vsel vm12, s31, v8  }
0xef: {  	s9 =	sshra.s32 s6, $0x1F;
	s8 =	sshra.s32 s23, $0x2;
	v11 =	vsel vm5, s30, v11;
	s4 =	sshrl.u32 s3, $0x1F;
	v43 =	vmov s7;
	v8 =	vsel vm4, s5, v8  }
0xf0: {  	s10 =	sshra.s32 s15, $0x2;
	s12 =	sshra.s32 s19, $0x2;
	s13 =	sshra.s32 s0, $0x2;
	v13 =	vmov s8;
	v11 =	vsel vm6, s4, v11;
	v8 =	vsel vm15, s9, v8  }
0xf1: {  	s15 =	sshra.s32 s16, $0x2;
	s16 =	sshra.s32 s20, $0x2;
	s0 =	sshra.s32 s0, $0x1F;
	v12 =	vsel vm0, s10, v43;
	v13 =	vsel vm0, s12, v13;
	v8 =	vsel vm5, s13, v8  }
0xf2: {  	s17 =	sshra.s32 s17, $0x2;
	s18 =	sshra.s32 s21, $0x2;
	s19 =	sshra.s32 s3, $0x2;
	v12 =	vsel vm1, s15, v12;
	v13 =	vsel vm1, s16, v13;
	v8 =	vsel vm9, s0, v8  }
0xf3: {  	s20 =	sshrl.u32 s22, $0x1F;
	s21 =	sshra.s32 s3, $0x1F;
	v12 =	vsel vm2, s17, v12;
	v13 =	vsel vm2, s18, v13;
	v8 =	vsel vm6, s19, v8  }
0xf4: {  	s23 =	sshra.s32 s22, $0x2;
	v11 =	vsel vm7, s20, v11;
	v12 =	vcombine.low v13, v12;
	v8 =	vsel vm8, s21, v8  }
0xf5: {  	v10 =	vperm.xlane v10, v2;
	v11 =	vperm.xlane v11, v3;
	v8 =	vsel vm7, s23, v8  }
0xf6: {  	v12 =	vperm.xlane v12, v2;
	v8 =	vperm.xlane v8, v3;
	_ =	sdelay $0x1  }
0xf7: {  	v10 =	vsel vm13, v11, v10;
	v8 =	vsel vm13, v8, v12  }
0xf8: {  	v10 =	vadd.s32 v10, v8  }
0xf9: {  	v8 =	vmul.u32 $0xFFFFFFF6, v10;
	_ =	sdelay $0x1  }
0xfa: {  	v8 =	vadd.s32 v9, v8  }
0xfb: {  	vm10 =	vlt.s32 v9, $0x1;
	vm9 =	vne.s32 v8, $0x0  }
0xfc: {  	vm9 =	vmand vm10, vm9  }
0xfd: {  	v44 =	vsel vm9, $0xFFFFFFFF, v0  }
0xfe: {  	v9 =	vadd.s32 v44, v10  }
0xff: {  	(v2sf) =	vpush v9, $0xD;
	_ =	sdelay $0x1  }
0x100: {  	(v2sf) =	vpush v9, $0xC;
	_ =	sdelay $0x1  }
0x101: {  	(v2sf) =	vpush v9, $0xE;
	_ =	sdelay $0x1  }
0x102: {  	(v2sf) =	vpush v9, $0xF;
	_ =	sdelay $0x1  }
0x103: {  	(v2sf) =	vpush v9, $0x9;
	_ =	sdelay $0x1  }
0x104: {  	(v2sf) =	vpush v9, $0x8;
	_ =	sdelay $0x1  }
0x105: {  	(v2sf) =	vpush v9, $0xA;
	_ =	sdelay $0x1  }
0x106: {  	(v2sf) =	vpush v9, $0xB  }
0x107: {  	s24 =	spop (v2sf)  }
0x108: {  	(v2sf) =	vpush v9, $0x0;
	s25 =	smulhi.u32 $0x66666667, s24;
	s0 =	sshra.s32 s24, $0x1F  }
0x109: {  	s26 =	spop (v2sf);
	s0 =	smul.u32 $0x66666667, s0  }
0x10a: {  	(v2sf) =	vpush v9, $0x1;
	s28 =	smulhi.u32 $0x66666667, s26;
	s2 =	sshra.s32 s26, $0x1F  }
0x10b: {  	(v2sf) =	vpush v9, $0x2;
	s29 =	spop (v2sf);
	s2 =	smul.u32 $0x66666667, s2  }
0x10c: {  	(v2sf) =	vpush v9, $0x3;
	s30 =	smulhi.u32 $0x66666667, s29;
	s4 =	sshra.s32 s29, $0x1F  }
0x10d: {  	(v2sf) =	vpush v9, $0x4;
	s31 =	spop (v2sf);
	s4 =	smul.u32 $0x66666667, s4  }
0x10e: {  	(v2sf) =	vpush v9, $0x5;
	s7 =	smulhi.u32 $0x66666667, s31;
	s6 =	sshra.s32 s31, $0x1F  }
0x10f: {  	(v2sf) =	vpush v9, $0x6;
	s10 =	spop (v2sf);
	s6 =	smul.u32 $0x66666667, s6  }
0x110: {  	(v2sf) =	vpush v9, $0x7;
	s12 =	smulhi.u32 $0x66666667, s10;
	s9 =	sshra.s32 s10, $0x1F  }
0x111: {  	s15 =	sadd.s32 s0, s25;
	s19 =	spop (v2sf);
	s13 =	smul.u32 $0x66666667, s9  }
0x112: {  	s24 =	sshrl.u32 s15, $0x1F;
	s20 =	smulhi.u32 $0x66666667, s19;
	s1 =	sshra.s32 s19, $0x1F  }
0x113: {  	s18 =	sadd.s32 s2, s28;
	s23 =	spop (v2sf);
	s1 =	smul.u32 $0x66666667, s1  }
0x114: {  	s3 =	sshrl.u32 s18, $0x1F;
	s25 =	smulhi.u32 $0x66666667, s23;
	s2 =	sshra.s32 s23, $0x1F  }
0x115: {  	s16 =	sadd.s32 s4, s30;
	s26 =	spop (v2sf);
	s2 =	smul.u32 $0x66666667, s2  }
0x116: {  	s5 =	sshrl.u32 s16, $0x1F;
	s21 =	smulhi.u32 $0x66666667, s26;
	s4 =	sshra.s32 s26, $0x1F  }
0x117: {  	s17 =	sadd.s32 s6, s7;
	s28 =	spop (v2sf);
	s4 =	smul.u32 $0x66666667, s4  }
0x118: {  	s8 =	sshrl.u32 s17, $0x1F;
	s22 =	smulhi.u32 $0x66666667, s28;
	s6 =	sshra.s32 s28, $0x1F  }
0x119: {  	s19 =	sadd.s32 s13, s12;
	s29 =	spop (v2sf);
	s0 =	smul.u32 $0x66666667, s6  }
0x11a: {  	s10 =	smulhi.u32 $0x66666667, s29;
	s6 =	sshra.s32 s29, $0x1F;
	s30 =	spop (v2sf)  }
0x11b: {  	s23 =	sadd.s32 s1, s20;
	s1 =	smul.u32 $0x66666667, s6;
	s31 =	spop (v2sf)  }
0x11c: {  	s9 =	smulhi.u32 $0x66666667, s30;
	s13 =	sshra.s32 s30, $0x1F;
	s26 =	spop (v2sf)  }
0x11d: {  	s20 =	sadd.s32 s2, s25;
	s25 =	smul.u32 $0x66666667, s13;
	s12 =	spop (v2sf)  }
0x11e: {  	s7 =	smulhi.u32 $0x66666667, s31;
	s6 =	sshra.s32 s31, $0x1F;
	s28 =	spop (v2sf)  }
0x11f: {  	s29 =	sshrl.u32 s19, $0x1F;
	s13 =	smul.u32 $0x66666667, s6;
	s30 =	spop (v2sf)  }
0x120: {  	s21 =	sadd.s32 s4, s21;
	s31 =	smulhi.u32 $0x66666667, s30;
	s6 =	sshra.s32 s30, $0x1F  }
0x121: {  	s0 =	sadd.s32 s0, s22;
	s1 =	sadd.s32 s1, s10;
	s6 =	smul.u32 $0x66666667, s6  }
0x122: {  	v46 =	vmov s3;
	s10 =	sshrl.u32 s23, $0x1F;
	s2 =	sadd.s32 s25, s9;
	s9 =	sshrl.u32 s20, $0x1F  }
0x123: {  	v11 =	vsel vm0, s24, v46;
	s25 =	sshrl.u32 s21, $0x1F;
	s24 =	sshra.s32 s2, $0x2;
	s22 =	sadd.s32 s6, s31  }
0x124: {  	v55 =	vadd.s32 $0xFFFFFFFF, v5;
	v59 =	vadd.s32 $0xFFFFFFFE, v5;
	v63 =	vadd.s32 $0xFFFFFFFD, v5;
	s4 =	sadd.s32 s13, s7;
	s30 =	sshrl.u32 s0, $0x1F;
	s7 =	sshra.s32 s22, $0x1F  }
0x125: {  	v60 =	vsub.s32 v4, v5;
	s13 =	sshra.s32 s0, $0x2;
	v47 =	vmov s30;
	s6 =	smulhi.u32 $0x66666667, s26;
	s26 =	sshra.s32 s26, $0x1F;
	v45 =	vmov s7  }
0x126: {  	v48 =	vmov s10;
	s0 =	sshra.s32 s0, $0x1F;
	v12 =	vnsel vm3, $0x0, v47;
	s26 =	smul.u32 $0x66666667, s26;
	s7 =	sshrl.u32 s1, $0x1F;
	v10 =	vsel vm3, s13, v45  }
0x127: {  	v13 =	vsel vm0, s29, v48;
	s29 =	sshra.s32 s4, $0x2;
	s13 =	sshra.s32 s1, $0x2;
	v12 =	vsel vm0, s7, v12;
	s7 =	smulhi.u32 $0x66666667, s28;
	v10 =	vsel vm11, s0, v10  }
0x128: {  	vm8 =	vmmov vm11;
	s1 =	sshra.s32 s1, $0x1F;
	s0 =	smulhi.u32 $0x66666667, s12;
	s12 =	sshra.s32 s12, $0x1F;
	vm11 =	vcmask $0xF0C;
	v10 =	vsel vm0, s13, v10  }
0x129: {  	vm9 =	vcmask $0x3734;
	v11 =	vsel vm1, s5, v11;
	s30 =	sshrl.u32 s4, $0x1F;
	s31 =	sshrl.u32 s2, $0x1F;
	s12 =	smul.u32 $0x66666667, s12;
	v10 =	vsel vm11, s1, v10  }
0x12a: {  	v11 =	vsel vm2, s8, v11;
	s6 =	sadd.s32 s26, s6;
	s26 =	sshra.s32 s2, $0x1F;
	v12 =	vsel vm1, s31, v12;
	s13 =	sshra.s32 s28, $0x1F;
	v10 =	vsel vm1, s24, v10  }
0x12b: {  	v13 =	vsel vm1, s9, v13;
	v12 =	vsel vm2, s30, v12;
	s28 =	sshrl.u32 s6, $0x1F;
	s8 =	smul.u32 $0x66666667, s13;
	s0 =	sadd.s32 s12, s0;
	v10 =	vsel vm14, s26, v10  }
0x12c: {  	v13 =	vsel vm2, s25, v13;
	s31 =	sshra.s32 s4, $0x1F;
	s5 =	sshra.s32 s6, $0x2;
	v12 =	vsel vm4, s28, v12;
	s30 =	sshrl.u32 s0, $0x1F;
	v10 =	vsel vm2, s29, v10  }
0x12d: {  	v11 =	vcombine.low v13, v11;
	s3 =	sadd.s32 s8, s7;
	s7 =	sshra.s32 s18, $0x2;
	s8 =	sshra.s32 s23, $0x2;
	v12 =	vsel vm5, s30, v12;
	v10 =	vsel vm12, s31, v10  }
0x12e: {  	s10 =	sshra.s32 s15, $0x2;
	s9 =	sshra.s32 s6, $0x1F;
	s4 =	sshrl.u32 s3, $0x1F;
	v49 =	vmov s7;
	v14 =	vmov s8;
	v10 =	vsel vm4, s5, v10  }
0x12f: {  	s12 =	sshra.s32 s19, $0x2;
	s13 =	sshra.s32 s0, $0x2;
	v12 =	vsel vm6, s4, v12;
	v13 =	vsel vm0, s10, v49;
	v10 =	vsel vm15, s9, v10  }
0x130: {  	s15 =	sshra.s32 s16, $0x2;
	s16 =	sshra.s32 s20, $0x2;
	s0 =	sshra.s32 s0, $0x1F;
	v14 =	vsel vm0, s12, v14;
	vm12 =	vcmask $0x2F2C;
	v10 =	vsel vm5, s13, v10  }
0x131: {  	s17 =	sshra.s32 s17, $0x2;
	s18 =	sshra.s32 s21, $0x2;
	s19 =	sshra.s32 s3, $0x2;
	v13 =	vsel vm1, s15, v13;
	v14 =	vsel vm1, s16, v14;
	v10 =	vsel vm12, s0, v10  }
0x132: {  	s20 =	sshrl.u32 s22, $0x1F;
	s21 =	sshra.s32 s3, $0x1F;
	v13 =	vsel vm2, s17, v13;
	v14 =	vsel vm2, s18, v14;
	v10 =	vsel vm6, s19, v10  }
0x133: {  	s23 =	sshra.s32 s22, $0x2;
	v12 =	vsel vm7, s20, v12;
	v13 =	vcombine.low v14, v13;
	v10 =	vsel vm9, s21, v10  }
0x134: {  	v11 =	vperm.xlane v11, v2;
	v12 =	vperm.xlane v12, v3;
	v10 =	vsel vm7, s23, v10  }
0x135: {  	v61 =	vadd.s32 $0x1, v60;
	v13 =	vperm.xlane v13, v2;
	v10 =	vperm.xlane v10, v3  }
0x136: {  	v18 =	vadd.s32 $0x2, v60;
	v15 =	vadd.s32 $0x3, v60;
	v16 =	vadd.s32 $0x4, v60  }
0x137: {  	v50 =	vadd.s32 $0xA, v6;
	v11 =	vsel vm13, v12, v11;
	v10 =	vsel vm13, v10, v13  }
0x138: {  	v52 =	vadd.s32 $0xA, v7;
	v53 =	vadd.s32 $0xA, v8;
	v10 =	vadd.s32 v11, v10  }
0x139: {  	vm15 =	vmmov vm11;
	vm11 =	vlt.s32 v8, $0x0;
	v51 =	vmul.u32 $0xFFFFFFF6, v10  }
0x13a: {  	vm10 =	vlt.s32 v9, $0x1;
	v8 =	vsel vm11, v53, v8;
	vm9 =	vlt.s32 v6, $0x0  }
0x13b: {  	v6 =	vsel vm9, v50, v6;
	vm9 =	vlt.s32 v7, $0x0;
	v12 =	vadd.s32 v9, v51  }
0x13c: {  	vm11 =	vgt.u32 v5, $0x1;
	v7 =	vsel vm9, v52, v7;
	vm9 =	vne.s32 v12, $0x0  }
0x13d: {  	v62 =	vnsel vm11, $0xFF, v61;
	vm11 =	vgt.u32 v5, $0x2;
	vm9 =	vmand vm10, vm9  }
0x13e: {  	v14 =	vnsel vm11, $0xFF, v18;
	v56 =	vadd.s32 $0xA, v12;
	v54 =	vsel vm9, $0xFFFFFFFF, v0  }
0x13f: {  	vm10 =	vlt.s32 v12, $0x0;
	vm9 =	veq.s32 v55, $0x4;
	v10 =	vadd.s32 v54, v10  }
0x140: {  	v57 =	vsel vm10, v56, v12;
	vm10 =	veq.s32 v55, $0x3;
	v10 =	vsel vm9, v10, v6  }
0x141: {  	vm11 =	vgt.u32 v5, $0x3;
	vm9 =	veq.s32 v55, $0x2;
	v58 =	vsel vm10, v57, v10  }
0x142: {  	v15 =	vnsel vm11, $0xFF, v15;
	vm10 =	veq.s32 v55, $0x1;
	v9 =	vsel vm9, v8, v58  }
0x143: {  	vm11 =	vgt.u32 v5, $0x4;
	v9 =	vsel vm10, v7, v9;
	vm10 =	veq.s32 v59, $0x3  }
0x144: {  	v16 =	vnsel vm11, $0xFF, v16;
	v11 =	vsel vm10, v57, v6;
	vm10 =	veq.s32 v59, $0x2  }
0x145: {  	vm9 =	veq.s32 v59, $0x1;
	v11 =	vsel vm10, v8, v11;
	vm10 =	veq.s32 v63, $0x2  }
0x146: {  	[tilespmem:v60+s11+$0x0] =	vst.idx.msk $0xffff, v9;
	v19 =	vsel vm9, v7, v11;
	vm9 =	veq.s32 v63, $0x1;
	v8 =	vsel vm10, v8, v6  }
0x147: {  	[tilespmem:v62+s11+$0x0] =	vst.idx.msk $0xffff, v19;
	v8 =	vsel vm9, v7, v8;
	vm9 =	veq.s32 v5, $0x5  }
0x148: {  	[tilespmem:v14+s11+$0x0] =	vst.idx.msk $0xffff, v8;
	v5 =	vsel vm9, v7, v6  }
0x149: {  	[tilespmem:v15+s11+$0x0] =	vst.idx.msk $0xffff, v5  }
0x14a: {  	[tilespmem:v16+s11+$0x0] =	vst.idx.msk $0xffff, v6  }
0x14b: {  	v8 =	vld [tilespmem:$0x1490];
	_ =	sdelay $0x4  }
0x14c: {  	vm9 =	vgt.s32 v8, $0x9;
	vm10 =	vgt.s32 v8, $0x63  }
0x14d: {  	v5 =	vsel vm9, $0x2, v1;
	v20 =	vsel vm10, $0x1, v0;
	vm9 =	vgt.s32 v8, $0x3E7  }
0x14e: {  	v5 =	vadd.s32 v20, v5;
	v21 =	vsel vm9, $0x1, v0;
	vm9 =	vgt.s32 v8, $0x270F  }
0x14f: {  	v5 =	vadd.s32 v21, v5;
	v22 =	vsel vm9, $0x1, v0  }
0x150: {  	v5 =	vadd.s32 v22, v5  }
0x151: {  	(xrf0) =	vadd.scan.msk.s32 $0xffff, v5;
	_ =	sdelay $0x5  }
0x152: {  	v23, _, _ =	vpop (xrf0)  }
0x153: {  	(v2sf) =	vpush v23, $0xF  }
0x154: {  	(v2sf) =	vpush v8, $0xD;
	_ =	sdelay $0x1  }
0x155: {  	(v2sf) =	vpush v8, $0xC;
	_ =	sdelay $0x1  }
0x156: {  	(v2sf) =	vpush v8, $0xE;
	_ =	sdelay $0x1  }
0x157: {  	(v2sf) =	vpush v8, $0xF;
	_ =	sdelay $0x1  }
0x158: {  	(v2sf) =	vpush v8, $0x9;
	_ =	sdelay $0x1  }
0x159: {  	(v2sf) =	vpush v8, $0x8;
	_ =	sdelay $0x1  }
0x15a: {  	(v2sf) =	vpush v8, $0xA;
	_ =	sdelay $0x1  }
0x15b: {  	(v2sf) =	vpush v8, $0xB;
	s16 =	spop (v2sf)  }
0x15c: {  	s24 =	spop (v2sf)  }
0x15d: {  	(v2sf) =	vpush v8, $0x0;
	s25 =	smulhi.u32 $0x66666667, s24;
	s0 =	sshra.s32 s24, $0x1F  }
0x15e: {  	s26 =	spop (v2sf);
	s0 =	smul.u32 $0x66666667, s0  }
0x15f: {  	(v2sf) =	vpush v8, $0x1;
	s28 =	smulhi.u32 $0x66666667, s26;
	s2 =	sshra.s32 s26, $0x1F  }
0x160: {  	(v2sf) =	vpush v8, $0x2;
	s29 =	spop (v2sf);
	s2 =	smul.u32 $0x66666667, s2  }
0x161: {  	(v2sf) =	vpush v8, $0x3;
	s30 =	smulhi.u32 $0x66666667, s29;
	s4 =	sshra.s32 s29, $0x1F  }
0x162: {  	(v2sf) =	vpush v8, $0x4;
	s31 =	spop (v2sf);
	s4 =	smul.u32 $0x66666667, s4  }
0x163: {  	(v2sf) =	vpush v8, $0x5;
	s7 =	smulhi.u32 $0x66666667, s31;
	s6 =	sshra.s32 s31, $0x1F  }
0x164: {  	(v2sf) =	vpush v8, $0x6;
	s10 =	spop (v2sf);
	s6 =	smul.u32 $0x66666667, s6  }
0x165: {  	(v2sf) =	vpush v8, $0x7;
	s12 =	smulhi.u32 $0x66666667, s10;
	s9 =	sshra.s32 s10, $0x1F  }
0x166: {  	s15 =	sadd.s32 s0, s25;
	s20 =	spop (v2sf);
	s13 =	smul.u32 $0x66666667, s9  }
0x167: {  	s25 =	sshrl.u32 s15, $0x1F;
	s21 =	smulhi.u32 $0x66666667, s20;
	s1 =	sshra.s32 s20, $0x1F  }
0x168: {  	s19 =	sadd.s32 s2, s28;
	s24 =	spop (v2sf);
	s1 =	smul.u32 $0x66666667, s1  }
0x169: {  	s3 =	sshrl.u32 s19, $0x1F;
	s26 =	smulhi.u32 $0x66666667, s24;
	s2 =	sshra.s32 s24, $0x1F  }
0x16a: {  	s17 =	sadd.s32 s4, s30;
	s28 =	spop (v2sf);
	s2 =	smul.u32 $0x66666667, s2  }
0x16b: {  	s5 =	sshrl.u32 s17, $0x1F;
	s22 =	smulhi.u32 $0x66666667, s28;
	s4 =	sshra.s32 s28, $0x1F  }
0x16c: {  	s18 =	sadd.s32 s6, s7;
	s29 =	spop (v2sf);
	s4 =	smul.u32 $0x66666667, s4  }
0x16d: {  	s8 =	sshrl.u32 s18, $0x1F;
	s23 =	smulhi.u32 $0x66666667, s29;
	s6 =	sshra.s32 s29, $0x1F  }
0x16e: {  	s20 =	sadd.s32 s13, s12;
	s30 =	spop (v2sf);
	s0 =	smul.u32 $0x66666667, s6  }
0x16f: {  	s10 =	smulhi.u32 $0x66666667, s30;
	s6 =	sshra.s32 s30, $0x1F;
	s31 =	spop (v2sf)  }
0x170: {  	s24 =	sadd.s32 s1, s21;
	s1 =	smul.u32 $0x66666667, s6;
	s7 =	spop (v2sf)  }
0x171: {  	v25 =	vmov s3;
	s9 =	smulhi.u32 $0x66666667, s31;
	s13 =	sshra.s32 s31, $0x1F;
	s28 =	spop (v2sf)  }
0x172: {  	v9 =	vsel vm0, s25, v25;
	s21 =	sadd.s32 s2, s26;
	s26 =	smul.u32 $0x66666667, s13;
	s12 =	spop (v2sf)  }
0x173: {  	v9 =	vsel vm1, s5, v9;
	s13 =	smulhi.u32 $0x66666667, s7;
	s6 =	sshra.s32 s7, $0x1F;
	s29 =	spop (v2sf)  }
0x174: {  	v9 =	vsel vm2, s8, v9;
	s8 =	sshra.s32 s17, $0x2;
	s30 =	smul.u32 $0x66666667, s6;
	s31 =	spop (v2sf)  }
0x175: {  	s22 =	sadd.s32 s4, s22;
	s7 =	smulhi.u32 $0x66666667, s31;
	s6 =	sshra.s32 s31, $0x1F  }
0x176: {  	s0 =	sadd.s32 s0, s23;
	s1 =	sadd.s32 s1, s10;
	s6 =	smul.u32 $0x66666667, s6  }
0x177: {  	s3 =	sshrl.u32 s22, $0x1F;
	s10 =	sshrl.u32 s20, $0x1F;
	s25 =	sshra.s32 s1, $0x2  }
0x178: {  	s2 =	sadd.s32 s26, s9;
	s9 =	sshrl.u32 s0, $0x1F;
	s23 =	sadd.s32 s6, s7  }
0x179: {  	s26 =	smulhi.u32 $0x66666667, s28;
	s28 =	sshra.s32 s28, $0x1F;
	s7 =	sshra.s32 s23, $0x1F  }
0x17a: {  	s4 =	sadd.s32 s30, s13;
	s13 =	sshra.s32 s0, $0x2;
	s0 =	sshra.s32 s0, $0x1F;
	v26 =	vmov s9;
	v24 =	vmov s7  }
0x17b: {  	vm14 =	vmmov vm8;
	s30 =	sshrl.u32 s24, $0x1F;
	v10 =	vnsel vm3, $0x0, v26;
	s6 =	smul.u32 $0x66666667, s28;
	s28 =	sshrl.u32 s1, $0x1F;
	v7 =	vsel vm3, s13, v24  }
0x17c: {  	s9 =	sshrl.u32 s2, $0x1F;
	v27 =	vmov s30;
	v10 =	vsel vm0, s28, v10;
	s28 =	sshra.s32 s29, $0x1F;
	s7 =	smulhi.u32 $0x66666667, s12;
	v7 =	vsel vm8, s0, v7  }
0x17d: {  	vm11 =	vmmov vm12;
	s31 =	sshrl.u32 s21, $0x1F;
	v11 =	vsel vm0, s10, v27;
	s1 =	sshra.s32 s1, $0x1F;
	s30 =	smul.u32 $0x66666667, s28;
	v7 =	vsel vm0, s25, v7  }
0x17e: {  	vm9 =	vcmask $0x2724;
	v11 =	vsel vm1, s31, v11;
	s13 =	sshra.s32 s12, $0x1F;
	s25 =	smulhi.u32 $0x66666667, s29;
	s29 =	sshra.s32 s2, $0x2;
	v7 =	vsel vm15, s1, v7  }
0x17f: {  	v11 =	vsel vm2, s3, v11;
	s28 =	sshra.s32 s19, $0x2;
	s0 =	smul.u32 $0x66666667, s13;
	vm8 =	vcmask $0x1714;
	s2 =	sshra.s32 s2, $0x1F;
	v7 =	vsel vm1, s29, v7  }
0x180: {  	s10 =	sshra.s32 s4, $0x2;
	s31 =	sshra.s32 s15, $0x2;
	v10 =	vsel vm1, s9, v10;
	v28 =	vmov s28;
	s13 =	sshrl.u32 s4, $0x1F;
	v7 =	vsel vm8, s2, v7  }
0x181: {  	s6 =	sadd.s32 s6, s26;
	v10 =	vsel vm2, s13, v10;
	s13 =	sshra.s32 s4, $0x1F;
	s0 =	sadd.s32 s0, s7;
	vm8 =	vcmask $0x1F1C;
	v7 =	vsel vm2, s10, v7  }
0x182: {  	v9 =	vcombine.low v11, v9;
	s5 =	sshrl.u32 s6, $0x1F;
	s26 =	sshra.s32 s6, $0x2;
	v11 =	vsel vm0, s31, v28;
	s12 =	sshrl.u32 s0, $0x1F;
	v7 =	vsel vm8, s13, v7  }
0x183: {  	v11 =	vsel vm1, s8, v11;
	v10 =	vsel vm4, s5, v10;
	s5 =	sadd.s32 s30, s25;
	s29 =	sshra.s32 s24, $0x2;
	s30 =	sshra.s32 s6, $0x1F;
	v7 =	vsel vm4, s26, v7  }
0x184: {  	s6 =	sshra.s32 s20, $0x2;
	s7 =	sshra.s32 s0, $0x2;
	v10 =	vsel vm5, s12, v10;
	s25 =	sshrl.u32 s5, $0x1F;
	v29 =	vmov s29;
	v7 =	vsel vm9, s30, v7  }
0x185: {  	s9 =	sshra.s32 s21, $0x2;
	s0 =	sshra.s32 s0, $0x1F;
	v10 =	vsel vm6, s25, v10;
	v12 =	vsel vm0, s6, v29;
	s10 =	sshra.s32 s18, $0x2;
	v7 =	vsel vm5, s7, v7  }
0x186: {  	s12 =	sshra.s32 s22, $0x2;
	v12 =	vsel vm1, s9, v12;
	s13 =	sshra.s32 s5, $0x2;
	v11 =	vsel vm2, s10, v11;
	v7 =	vsel vm12, s0, v7  }
0x187: {  	s15 =	sshrl.u32 s23, $0x1F;
	s17 =	sshra.s32 s5, $0x1F;
	v12 =	vsel vm2, s12, v12;
	vm12 =	vcmask $0x3734;
	v7 =	vsel vm6, s13, v7  }
0x188: {  	s18 =	sshra.s32 s23, $0x2;
	v10 =	vsel vm7, s15, v10;
	v11 =	vcombine.low v12, v11;
	v7 =	vsel vm12, s17, v7  }
0x189: {  	v9 =	vperm.xlane v9, v2;
	v10 =	vperm.xlane v10, v3;
	v7 =	vsel vm7, s18, v7  }
0x18a: {  	v11 =	vperm.xlane v11, v2;
	v7 =	vperm.xlane v7, v3;
	_ =	sdelay $0x1  }
0x18b: {  	v9 =	vsel vm13, v10, v9;
	v7 =	vsel vm13, v7, v11  }
0x18c: {  	v9 =	vadd.s32 v9, v7  }
0x18d: {  	v7 =	vmul.u32 $0xFFFFFFF6, v9;
	_ =	sdelay $0x1  }
0x18e: {  	v7 =	vadd.s32 v8, v7  }
0x18f: {  	vm10 =	vlt.s32 v8, $0x1;
	vm9 =	vne.s32 v7, $0x0  }
0x190: {  	vm9 =	vmand vm10, vm9  }
0x191: {  	v30 =	vsel vm9, $0xFFFFFFFF, v0  }
0x192: {  	v9 =	vadd.s32 v30, v9  }
0x193: {  	(v2sf) =	vpush v9, $0xD;
	_ =	sdelay $0x1  }
0x194: {  	(v2sf) =	vpush v9, $0xC;
	_ =	sdelay $0x1  }
0x195: {  	(v2sf) =	vpush v9, $0xE;
	_ =	sdelay $0x1  }
0x196: {  	(v2sf) =	vpush v9, $0xF;
	_ =	sdelay $0x1  }
0x197: {  	(v2sf) =	vpush v9, $0x9;
	_ =	sdelay $0x1  }
0x198: {  	(v2sf) =	vpush v9, $0x8;
	_ =	sdelay $0x1  }
0x199: {  	(v2sf) =	vpush v9, $0xA;
	_ =	sdelay $0x1  }
0x19a: {  	(v2sf) =	vpush v9, $0xB  }
0x19b: {  	s19 =	spop (v2sf)  }
0x19c: {  	(v2sf) =	vpush v9, $0x0;
	s20 =	smulhi.u32 $0x66666667, s19;
	s0 =	sshra.s32 s19, $0x1F  }
0x19d: {  	s21 =	spop (v2sf);
	s0 =	smul.u32 $0x66666667, s0  }
0x19e: {  	(v2sf) =	vpush v9, $0x1;
	s22 =	smulhi.u32 $0x66666667, s21;
	s2 =	sshra.s32 s21, $0x1F  }
0x19f: {  	(v2sf) =	vpush v9, $0x2;
	s23 =	spop (v2sf);
	s2 =	smul.u32 $0x66666667, s2  }
0x1a0: {  	(v2sf) =	vpush v9, $0x3;
	s24 =	smulhi.u32 $0x66666667, s23;
	s4 =	sshra.s32 s23, $0x1F  }
0x1a1: {  	(v2sf) =	vpush v9, $0x4;
	s26 =	spop (v2sf);
	s4 =	smul.u32 $0x66666667, s4  }
0x1a2: {  	(v2sf) =	vpush v9, $0x5;
	s28 =	smulhi.u32 $0x66666667, s26;
	s6 =	sshra.s32 s26, $0x1F  }
0x1a3: {  	(v2sf) =	vpush v9, $0x6;
	s29 =	spop (v2sf);
	s6 =	smul.u32 $0x66666667, s6  }
0x1a4: {  	(v2sf) =	vpush v9, $0x7;
	s30 =	smulhi.u32 $0x66666667, s29;
	s8 =	sshra.s32 s29, $0x1F  }
0x1a5: {  	s31 =	smul.u32 $0x66666667, s8;
	s8 =	spop (v2sf)  }
0x1a6: {  	s15 =	sadd.s32 s0, s20;
	s10 =	smulhi.u32 $0x66666667, s8;
	s1 =	sshra.s32 s8, $0x1F  }
0x1a7: {  	s25 =	sshrl.u32 s15, $0x1F;
	s21 =	spop (v2sf);
	s1 =	smul.u32 $0x66666667, s1  }
0x1a8: {  	s19 =	sadd.s32 s2, s22;
	s22 =	smulhi.u32 $0x66666667, s21;
	s2 =	sshra.s32 s21, $0x1F  }
0x1a9: {  	s3 =	sshrl.u32 s19, $0x1F;
	s12 =	spop (v2sf);
	s2 =	smul.u32 $0x66666667, s2  }
0x1aa: {  	s17 =	sadd.s32 s4, s24;
	s13 =	smulhi.u32 $0x66666667, s12;
	s4 =	sshra.s32 s12, $0x1F  }
0x1ab: {  	s5 =	sshrl.u32 s17, $0x1F;
	s26 =	spop (v2sf);
	s4 =	smul.u32 $0x66666667, s4  }
0x1ac: {  	s18 =	sadd.s32 s6, s28;
	s23 =	smulhi.u32 $0x66666667, s26;
	s6 =	sshra.s32 s26, $0x1F  }
0x1ad: {  	s20 =	sadd.s32 s31, s30;
	s28 =	spop (v2sf);
	s0 =	smul.u32 $0x66666667, s6  }
0x1ae: {  	s9 =	smulhi.u32 $0x66666667, s28;
	s6 =	sshra.s32 s28, $0x1F;
	s29 =	spop (v2sf)  }
0x1af: {  	s24 =	sadd.s32 s1, s10;
	s1 =	smul.u32 $0x66666667, s6;
	s30 =	spop (v2sf)  }
0x1b0: {  	s8 =	smulhi.u32 $0x66666667, s29;
	s31 =	sshra.s32 s29, $0x1F;
	s26 =	spop (v2sf)  }
0x1b1: {  	s21 =	sadd.s32 s2, s22;
	s2 =	smul.u32 $0x66666667, s31;
	s10 =	spop (v2sf)  }
0x1b2: {  	s28 =	smulhi.u32 $0x66666667, s30;
	s6 =	sshra.s32 s30, $0x1F;
	s29 =	spop (v2sf)  }
0x1b3: {  	s22 =	sadd.s32 s4, s13;
	s13 =	smul.u32 $0x66666667, s6;
	s30 =	spop (v2sf)  }
0x1b4: {  	s7 =	sshrl.u32 s18, $0x1F;
	s31 =	smulhi.u32 $0x66666667, s30;
	s6 =	sshra.s32 s30, $0x1F  }
0x1b5: {  	v32 =	vmov s3;
	s0 =	sadd.s32 s0, s23;
	s3 =	sshrl.u32 s22, $0x1F;
	s6 =	smul.u32 $0x66666667, s6  }
0x1b6: {  	s1 =	sadd.s32 s1, s9;
	s9 =	sshrl.u32 s20, $0x1F;
	s2 =	sadd.s32 s2, s8  }
0x1b7: {  	s8 =	sshrl.u32 s0, $0x1F;
	s12 =	sshrl.u32 s1, $0x1F;
	s23 =	sadd.s32 s6, s31  }
0x1b8: {  	v10 =	vsel vm0, s25, v32;
	s25 =	sshra.s32 s1, $0x2;
	s1 =	sshra.s32 s1, $0x1F;
	s31 =	sshra.s32 s23, $0x1F  }
0x1b9: {  	v10 =	vsel vm1, s5, v10;
	s4 =	sadd.s32 s13, s28;
	s28 =	smulhi.u32 $0x66666667, s26;
	s13 =	sshra.s32 s0, $0x2;
	v31 =	vmov s31  }
0x1ba: {  	v10 =	vsel vm2, s7, v10;
	s26 =	sshra.s32 s26, $0x1F;
	s0 =	sshra.s32 s0, $0x1F;
	s7 =	smulhi.u32 $0x66666667, s29;
	v8 =	vsel vm3, s13, v31  }
0x1bb: {  	vm8 =	vcmask $0x1714;
	v33 =	vmov s8;
	s8 =	sshrl.u32 s2, $0x1F;
	s30 =	sshrl.u32 s21, $0x1F;
	s6 =	smul.u32 $0x66666667, s26;
	v8 =	vsel vm14, s0, v8  }
0x1bc: {  	vm9 =	vcmask $0x2724;
	v11 =	vnsel vm3, $0x0, v33;
	s5 =	sshrl.u32 s4, $0x1F;
	s26 =	sshrl.u32 s24, $0x1F;
	s31 =	smulhi.u32 $0x66666667, s10;
	v8 =	vsel vm0, s25, v8  }
0x1bd: {  	v11 =	vsel vm0, s12, v11;
	v34 =	vmov s26;
	s6 =	sadd.s32 s6, s28;
	s28 =	sshra.s32 s19, $0x2;
	s25 =	sshra.s32 s2, $0x2;
	v8 =	vsel vm15, s1, v8  }
0x1be: {  	v11 =	vsel vm1, s8, v11;
	v12 =	vsel vm0, s9, v34;
	s13 =	sshra.s32 s10, $0x1F;
	s9 =	sshrl.u32 s6, $0x1F;
	s2 =	sshra.s32 s2, $0x1F;
	v8 =	vsel vm1, s25, v8  }
0x1bf: {  	v11 =	vsel vm2, s5, v11;
	s10 =	sshra.s32 s4, $0x2;
	v12 =	vsel vm1, s30, v12;
	s0 =	smul.u32 $0x66666667, s13;
	s13 =	sshra.s32 s29, $0x1F;
	v8 =	vsel vm8, s2, v8  }
0x1c0: {  	s26 =	sshra.s32 s6, $0x2;
	v35 =	vmov s28;
	s29 =	smul.u32 $0x66666667, s13;
	s13 =	sshra.s32 s4, $0x1F;
	vm8 =	vcmask $0x1F1C;
	v8 =	vsel vm2, s10, v8  }
0x1c1: {  	s30 =	sshra.s32 s6, $0x1F;
	v11 =	vsel vm4, s9, v11;
	v12 =	vsel vm2, s3, v12;
	s0 =	sadd.s32 s0, s31;
	s31 =	sshra.s32 s15, $0x2;
	v8 =	vsel vm8, s13, v8  }
0x1c2: {  	v10 =	vcombine.low v12, v10;
	s12 =	sshrl.u32 s0, $0x1F;
	s5 =	sadd.s32 s29, s7;
	s29 =	sshra.s32 s24, $0x2;
	v12 =	vsel vm0, s31, v35;
	v8 =	vsel vm4, s26, v8  }
0x1c3: {  	s8 =	sshra.s32 s17, $0x2;
	s6 =	sshra.s32 s20, $0x2;
	s7 =	sshra.s32 s0, $0x2;
	v11 =	vsel vm5, s12, v11;
	v36 =	vmov s29;
	v8 =	vsel vm9, s30, v8  }
0x1c4: {  	s9 =	sshra.s32 s21, $0x2;
	s0 =	sshra.s32 s0, $0x1F;
	s25 =	sshrl.u32 s5, $0x1F;
	v12 =	vsel vm1, s8, v12;
	v13 =	vsel vm0, s6, v36;
	v8 =	vsel vm5, s7, v8  }
0x1c5: {  	s12 =	sshra.s32 s22, $0x2;
	v11 =	vsel vm6, s25, v11;
	s10 =	sshra.s32 s18, $0x2;
	v13 =	vsel vm1, s9, v13;
	s13 =	sshra.s32 s5, $0x2;
	v8 =	vsel vm11, s0, v8  }
0x1c6: {  	s15 =	sshrl.u32 s23, $0x1F;
	s17 =	sshra.s32 s5, $0x1F;
	v12 =	vsel vm2, s10, v12;
	v13 =	vsel vm2, s12, v13;
	v8 =	vsel vm6, s13, v8  }
0x1c7: {  	s18 =	sshra.s32 s23, $0x2;
	v11 =	vsel vm7, s15, v11;
	v12 =	vcombine.low v13, v12;
	v8 =	vsel vm12, s17, v8  }
0x1c8: {  	v10 =	vperm.xlane v10, v2;
	v11 =	vperm.xlane v11, v3;
	v8 =	vsel vm7, s18, v8  }
0x1c9: {  	v12 =	vperm.xlane v12, v2;
	v8 =	vperm.xlane v8, v3;
	_ =	sdelay $0x1  }
0x1ca: {  	v10 =	vsel vm13, v11, v10;
	v8 =	vsel vm13, v8, v12  }
0x1cb: {  	v10 =	vadd.s32 v10, v8  }
0x1cc: {  	v8 =	vmul.u32 $0xFFFFFFF6, v10;
	_ =	sdelay $0x1  }
0x1cd: {  	v8 =	vadd.s32 v9, v8  }
0x1ce: {  	vm10 =	vlt.s32 v9, $0x1;
	vm9 =	vne.s32 v8, $0x0  }
0x1cf: {  	vm9 =	vmand vm10, vm9  }
0x1d0: {  	v37 =	vsel vm9, $0xFFFFFFFF, v0  }
0x1d1: {  	v10 =	vadd.s32 v37, v10  }
0x1d2: {  	(v2sf) =	vpush v10, $0xD;
	_ =	sdelay $0x1  }
0x1d3: {  	(v2sf) =	vpush v10, $0xC;
	_ =	sdelay $0x1  }
0x1d4: {  	(v2sf) =	vpush v10, $0xE;
	_ =	sdelay $0x1  }
0x1d5: {  	(v2sf) =	vpush v10, $0xF;
	_ =	sdelay $0x1  }
0x1d6: {  	(v2sf) =	vpush v10, $0x9;
	_ =	sdelay $0x1  }
0x1d7: {  	(v2sf) =	vpush v10, $0x8;
	_ =	sdelay $0x1  }
0x1d8: {  	(v2sf) =	vpush v10, $0xA;
	_ =	sdelay $0x1  }
0x1d9: {  	(v2sf) =	vpush v10, $0xB  }
0x1da: {  	s19 =	spop (v2sf)  }
0x1db: {  	(v2sf) =	vpush v10, $0x0;
	s20 =	smulhi.u32 $0x66666667, s19;
	s0 =	sshra.s32 s19, $0x1F  }
0x1dc: {  	s21 =	spop (v2sf);
	s0 =	smul.u32 $0x66666667, s0  }
0x1dd: {  	(v2sf) =	vpush v10, $0x1;
	s22 =	smulhi.u32 $0x66666667, s21;
	s2 =	sshra.s32 s21, $0x1F  }
0x1de: {  	(v2sf) =	vpush v10, $0x2;
	s23 =	spop (v2sf);
	s2 =	smul.u32 $0x66666667, s2  }
0x1df: {  	(v2sf) =	vpush v10, $0x3;
	s24 =	smulhi.u32 $0x66666667, s23;
	s4 =	sshra.s32 s23, $0x1F  }
0x1e0: {  	(v2sf) =	vpush v10, $0x4;
	s26 =	spop (v2sf);
	s4 =	smul.u32 $0x66666667, s4  }
0x1e1: {  	(v2sf) =	vpush v10, $0x5;
	s28 =	smulhi.u32 $0x66666667, s26;
	s6 =	sshra.s32 s26, $0x1F  }
0x1e2: {  	(v2sf) =	vpush v10, $0x6;
	s29 =	spop (v2sf);
	s6 =	smul.u32 $0x66666667, s6  }
0x1e3: {  	(v2sf) =	vpush v10, $0x7;
	s30 =	smulhi.u32 $0x66666667, s29;
	s8 =	sshra.s32 s29, $0x1F  }
0x1e4: {  	s31 =	smul.u32 $0x66666667, s8;
	s8 =	spop (v2sf)  }
0x1e5: {  	s15 =	sadd.s32 s0, s20;
	s10 =	smulhi.u32 $0x66666667, s8;
	s1 =	sshra.s32 s8, $0x1F  }
0x1e6: {  	s25 =	sshrl.u32 s15, $0x1F;
	s21 =	spop (v2sf);
	s1 =	smul.u32 $0x66666667, s1  }
0x1e7: {  	s19 =	sadd.s32 s2, s22;
	s22 =	smulhi.u32 $0x66666667, s21;
	s2 =	sshra.s32 s21, $0x1F  }
0x1e8: {  	s3 =	sshrl.u32 s19, $0x1F;
	s12 =	spop (v2sf);
	s2 =	smul.u32 $0x66666667, s2  }
0x1e9: {  	s17 =	sadd.s32 s4, s24;
	s13 =	smulhi.u32 $0x66666667, s12;
	s4 =	sshra.s32 s12, $0x1F  }
0x1ea: {  	s5 =	sshrl.u32 s17, $0x1F;
	s26 =	spop (v2sf);
	s4 =	smul.u32 $0x66666667, s4  }
0x1eb: {  	s18 =	sadd.s32 s6, s28;
	s23 =	smulhi.u32 $0x66666667, s26;
	s6 =	sshra.s32 s26, $0x1F  }
0x1ec: {  	s20 =	sadd.s32 s31, s30;
	s28 =	spop (v2sf);
	s0 =	smul.u32 $0x66666667, s6  }
0x1ed: {  	s9 =	smulhi.u32 $0x66666667, s28;
	s6 =	sshra.s32 s28, $0x1F;
	s29 =	spop (v2sf)  }
0x1ee: {  	s24 =	sadd.s32 s1, s10;
	s1 =	smul.u32 $0x66666667, s6;
	s30 =	spop (v2sf)  }
0x1ef: {  	s8 =	smulhi.u32 $0x66666667, s29;
	s31 =	sshra.s32 s29, $0x1F;
	s26 =	spop (v2sf)  }
0x1f0: {  	s21 =	sadd.s32 s2, s22;
	s2 =	smul.u32 $0x66666667, s31;
	s10 =	spop (v2sf)  }
0x1f1: {  	s28 =	smulhi.u32 $0x66666667, s30;
	s6 =	sshra.s32 s30, $0x1F;
	s29 =	spop (v2sf)  }
0x1f2: {  	s22 =	sadd.s32 s4, s13;
	s13 =	smul.u32 $0x66666667, s6;
	s30 =	spop (v2sf)  }
0x1f3: {  	s7 =	sshrl.u32 s18, $0x1F;
	s31 =	smulhi.u32 $0x66666667, s30;
	s6 =	sshra.s32 s30, $0x1F  }
0x1f4: {  	v39 =	vmov s3;
	s0 =	sadd.s32 s0, s23;
	s3 =	sshrl.u32 s22, $0x1F;
	s6 =	smul.u32 $0x66666667, s6  }
0x1f5: {  	s1 =	sadd.s32 s1, s9;
	s9 =	sshrl.u32 s20, $0x1F;
	s2 =	sadd.s32 s2, s8  }
0x1f6: {  	s8 =	sshrl.u32 s0, $0x1F;
	s12 =	sshrl.u32 s1, $0x1F;
	s23 =	sadd.s32 s6, s31  }
0x1f7: {  	v11 =	vsel vm0, s25, v39;
	s25 =	sshra.s32 s1, $0x2;
	s1 =	sshra.s32 s1, $0x1F;
	s31 =	sshra.s32 s23, $0x1F  }
0x1f8: {  	v11 =	vsel vm1, s5, v11;
	s4 =	sadd.s32 s13, s28;
	s28 =	smulhi.u32 $0x66666667, s26;
	s13 =	sshra.s32 s0, $0x2;
	v38 =	vmov s31  }
0x1f9: {  	v11 =	vsel vm2, s7, v11;
	s26 =	sshra.s32 s26, $0x1F;
	s0 =	sshra.s32 s0, $0x1F;
	s7 =	smulhi.u32 $0x66666667, s29;
	v9 =	vsel vm3, s13, v38  }
0x1fa: {  	vm8 =	vcmask $0x1714;
	v40 =	vmov s8;
	s8 =	sshrl.u32 s2, $0x1F;
	s30 =	sshrl.u32 s21, $0x1F;
	s6 =	smul.u32 $0x66666667, s26;
	v9 =	vsel vm14, s0, v9  }
0x1fb: {  	vm9 =	vcmask $0x2724;
	v12 =	vnsel vm3, $0x0, v40;
	s5 =	sshrl.u32 s4, $0x1F;
	s26 =	sshrl.u32 s24, $0x1F;
	s31 =	smulhi.u32 $0x66666667, s10;
	v9 =	vsel vm0, s25, v9  }
0x1fc: {  	v12 =	vsel vm0, s12, v12;
	v41 =	vmov s26;
	s6 =	sadd.s32 s6, s28;
	s28 =	sshra.s32 s19, $0x2;
	s25 =	sshra.s32 s2, $0x2;
	v9 =	vsel vm15, s1, v9  }
0x1fd: {  	v12 =	vsel vm1, s8, v12;
	v13 =	vsel vm0, s9, v41;
	s13 =	sshra.s32 s10, $0x1F;
	s9 =	sshrl.u32 s6, $0x1F;
	s2 =	sshra.s32 s2, $0x1F;
	v9 =	vsel vm1, s25, v9  }
0x1fe: {  	v12 =	vsel vm2, s5, v12;
	s10 =	sshra.s32 s4, $0x2;
	v13 =	vsel vm1, s30, v13;
	s0 =	smul.u32 $0x66666667, s13;
	s13 =	sshra.s32 s29, $0x1F;
	v9 =	vsel vm8, s2, v9  }
0x1ff: {  	s26 =	sshra.s32 s6, $0x2;
	v42 =	vmov s28;
	s29 =	smul.u32 $0x66666667, s13;
	s13 =	sshra.s32 s4, $0x1F;
	vm8 =	vcmask $0x1F1C;
	v9 =	vsel vm2, s10, v9  }
0x200: {  	s30 =	sshra.s32 s6, $0x1F;
	v12 =	vsel vm4, s9, v12;
	v13 =	vsel vm2, s3, v13;
	s0 =	sadd.s32 s0, s31;
	s31 =	sshra.s32 s15, $0x2;
	v9 =	vsel vm8, s13, v9  }
0x201: {  	v11 =	vcombine.low v13, v11;
	s12 =	sshrl.u32 s0, $0x1F;
	s5 =	sadd.s32 s29, s7;
	s29 =	sshra.s32 s24, $0x2;
	v13 =	vsel vm0, s31, v42;
	v9 =	vsel vm4, s26, v9  }
0x202: {  	s8 =	sshra.s32 s17, $0x2;
	s6 =	sshra.s32 s20, $0x2;
	s7 =	sshra.s32 s0, $0x2;
	v12 =	vsel vm5, s12, v12;
	v43 =	vmov s29;
	v9 =	vsel vm9, s30, v9  }
0x203: {  	s9 =	sshra.s32 s21, $0x2;
	s0 =	sshra.s32 s0, $0x1F;
	s25 =	sshrl.u32 s5, $0x1F;
	v13 =	vsel vm1, s8, v13;
	v14 =	vsel vm0, s6, v43;
	v9 =	vsel vm5, s7, v9  }
0x204: {  	s12 =	sshra.s32 s22, $0x2;
	v12 =	vsel vm6, s25, v12;
	s10 =	sshra.s32 s18, $0x2;
	v14 =	vsel vm1, s9, v14;
	s13 =	sshra.s32 s5, $0x2;
	v9 =	vsel vm11, s0, v9  }
0x205: {  	s15 =	sshrl.u32 s23, $0x1F;
	s17 =	sshra.s32 s5, $0x1F;
	v13 =	vsel vm2, s10, v13;
	v14 =	vsel vm2, s12, v14;
	v9 =	vsel vm6, s13, v9  }
0x206: {  	s18 =	sshra.s32 s23, $0x2;
	v12 =	vsel vm7, s15, v12;
	v13 =	vcombine.low v14, v13;
	v9 =	vsel vm12, s17, v9  }
0x207: {  	v11 =	vperm.xlane v11, v2;
	v12 =	vperm.xlane v12, v3;
	v9 =	vsel vm7, s18, v9  }
0x208: {  	v13 =	vperm.xlane v13, v2;
	v9 =	vperm.xlane v9, v3;
	_ =	sdelay $0x1  }
0x209: {  	v11 =	vsel vm13, v12, v11;
	v9 =	vsel vm13, v9, v13  }
0x20a: {  	v11 =	vadd.s32 v11, v9  }
0x20b: {  	v9 =	vmul.u32 $0xFFFFFFF6, v11;
	_ =	sdelay $0x1  }
0x20c: {  	v9 =	vadd.s32 v10, v9  }
0x20d: {  	vm10 =	vlt.s32 v10, $0x1;
	vm9 =	vne.s32 v9, $0x0  }
0x20e: {  	vm9 =	vmand vm10, vm9  }
0x20f: {  	v44 =	vsel vm9, $0xFFFFFFFF, v0  }
0x210: {  	v10 =	vadd.s32 v44, v11  }
0x211: {  	(v2sf) =	vpush v10, $0xD;
	_ =	sdelay $0x1  }
0x212: {  	(v2sf) =	vpush v10, $0xC;
	_ =	sdelay $0x1  }
0x213: {  	(v2sf) =	vpush v10, $0xE;
	_ =	sdelay $0x1  }
0x214: {  	(v2sf) =	vpush v10, $0xF;
	_ =	sdelay $0x1  }
0x215: {  	(v2sf) =	vpush v10, $0x9;
	_ =	sdelay $0x1  }
0x216: {  	(v2sf) =	vpush v10, $0x8;
	_ =	sdelay $0x1  }
0x217: {  	(v2sf) =	vpush v10, $0xA;
	_ =	sdelay $0x1  }
0x218: {  	(v2sf) =	vpush v10, $0xB  }
0x219: {  	s19 =	spop (v2sf)  }
0x21a: {  	(v2sf) =	vpush v10, $0x0;
	s20 =	smulhi.u32 $0x66666667, s19;
	s0 =	sshra.s32 s19, $0x1F  }
0x21b: {  	s21 =	spop (v2sf);
	s0 =	smul.u32 $0x66666667, s0  }
0x21c: {  	(v2sf) =	vpush v10, $0x1;
	s22 =	smulhi.u32 $0x66666667, s21;
	s2 =	sshra.s32 s21, $0x1F  }
0x21d: {  	(v2sf) =	vpush v10, $0x2;
	s23 =	spop (v2sf);
	s2 =	smul.u32 $0x66666667, s2  }
0x21e: {  	(v2sf) =	vpush v10, $0x3;
	s24 =	smulhi.u32 $0x66666667, s23;
	s4 =	sshra.s32 s23, $0x1F  }
0x21f: {  	(v2sf) =	vpush v10, $0x4;
	s26 =	spop (v2sf);
	s4 =	smul.u32 $0x66666667, s4  }
0x220: {  	(v2sf) =	vpush v10, $0x5;
	s28 =	smulhi.u32 $0x66666667, s26;
	s6 =	sshra.s32 s26, $0x1F  }
0x221: {  	(v2sf) =	vpush v10, $0x6;
	s29 =	spop (v2sf);
	s6 =	smul.u32 $0x66666667, s6  }
0x222: {  	(v2sf) =	vpush v10, $0x7;
	s30 =	smulhi.u32 $0x66666667, s29;
	s8 =	sshra.s32 s29, $0x1F  }
0x223: {  	s15 =	sadd.s32 s0, s20;
	s31 =	smul.u32 $0x66666667, s8;
	s8 =	spop (v2sf)  }
0x224: {  	s25 =	sshrl.u32 s15, $0x1F;
	s10 =	smulhi.u32 $0x66666667, s8;
	s1 =	sshra.s32 s8, $0x1F  }
0x225: {  	s19 =	sadd.s32 s2, s22;
	s21 =	spop (v2sf);
	s1 =	smul.u32 $0x66666667, s1  }
0x226: {  	s3 =	sshrl.u32 s19, $0x1F;
	s22 =	smulhi.u32 $0x66666667, s21;
	s2 =	sshra.s32 s21, $0x1F  }
0x227: {  	s17 =	sadd.s32 s4, s24;
	s12 =	spop (v2sf);
	s2 =	smul.u32 $0x66666667, s2  }
0x228: {  	s5 =	sshrl.u32 s17, $0x1F;
	s13 =	smulhi.u32 $0x66666667, s12;
	s4 =	sshra.s32 s12, $0x1F  }
0x229: {  	s18 =	sadd.s32 s6, s28;
	s26 =	spop (v2sf);
	s4 =	smul.u32 $0x66666667, s4  }
0x22a: {  	s7 =	sshrl.u32 s18, $0x1F;
	s23 =	smulhi.u32 $0x66666667, s26;
	s6 =	sshra.s32 s26, $0x1F  }
0x22b: {  	s20 =	sadd.s32 s31, s30;
	s28 =	spop (v2sf);
	s0 =	smul.u32 $0x66666667, s6  }
0x22c: {  	s9 =	smulhi.u32 $0x66666667, s28;
	s6 =	sshra.s32 s28, $0x1F;
	s29 =	spop (v2sf)  }
0x22d: {  	s24 =	sadd.s32 s1, s10;
	s1 =	smul.u32 $0x66666667, s6;
	s30 =	spop (v2sf)  }
0x22e: {  	s8 =	smulhi.u32 $0x66666667, s29;
	s31 =	sshra.s32 s29, $0x1F;
	s26 =	spop (v2sf)  }
0x22f: {  	s21 =	sadd.s32 s2, s22;
	s2 =	smul.u32 $0x66666667, s31;
	s10 =	spop (v2sf)  }
0x230: {  	s28 =	smulhi.u32 $0x66666667, s30;
	s6 =	sshra.s32 s30, $0x1F;
	s29 =	spop (v2sf)  }
0x231: {  	s22 =	sadd.s32 s4, s13;
	s13 =	smul.u32 $0x66666667, s6;
	s30 =	spop (v2sf)  }
0x232: {  	s0 =	sadd.s32 s0, s23;
	s31 =	smulhi.u32 $0x66666667, s30;
	s6 =	sshra.s32 s30, $0x1F  }
0x233: {  	v46 =	vmov s3;
	s3 =	sshrl.u32 s22, $0x1F;
	s1 =	sadd.s32 s1, s9;
	s6 =	smul.u32 $0x66666667, s6  }
0x234: {  	s9 =	sshrl.u32 s20, $0x1F;
	s2 =	sadd.s32 s2, s8;
	s8 =	sshrl.u32 s0, $0x1F  }
0x235: {  	v12 =	vsel vm0, s25, v46;
	s12 =	sshrl.u32 s1, $0x1F;
	s25 =	sshra.s32 s1, $0x2;
	s23 =	sadd.s32 s6, s31  }
0x236: {  	s1 =	sshra.s32 s1, $0x1F;
	v47 =	vmov s8;
	s8 =	sshrl.u32 s2, $0x1F;
	s31 =	sshra.s32 s23, $0x1F  }
0x237: {  	v12 =	vsel vm1, s5, v12;
	s4 =	sadd.s32 s13, s28;
	s28 =	smulhi.u32 $0x66666667, s26;
	s13 =	sshra.s32 s0, $0x2;
	v45 =	vmov s31  }
0x238: {  	v12 =	vsel vm2, s7, v12;
	v13 =	vnsel vm3, $0x0, v47;
	s26 =	sshra.s32 s26, $0x1F;
	s0 =	sshra.s32 s0, $0x1F;
	s7 =	smulhi.u32 $0x66666667, s29;
	v11 =	vsel vm3, s13, v45  }
0x239: {  	v13 =	vsel vm0, s12, v13;
	s12 =	sshra.s32 s29, $0x1F;
	s30 =	sshrl.u32 s21, $0x1F;
	s6 =	smul.u32 $0x66666667, s26;
	v11 =	vsel vm14, s0, v11  }
0x23a: {  	vm8 =	vcmask $0x1714;
	s26 =	sshrl.u32 s24, $0x1F;
	s31 =	smulhi.u32 $0x66666667, s10;
	s13 =	sshra.s32 s10, $0x1F;
	v11 =	vsel vm0, s25, v11  }
0x23b: {  	vm9 =	vcmask $0x2724;
	s5 =	sshrl.u32 s4, $0x1F;
	v48 =	vmov s26;
	s0 =	smul.u32 $0x66666667, s13;
	s13 =	sshra.s32 s2, $0x2;
	v11 =	vsel vm15, s1, v11  }
0x23c: {  	v13 =	vsel vm1, s8, v13;
	s26 =	sshra.s32 s2, $0x1F;
	s6 =	sadd.s32 s6, s28;
	v14 =	vsel vm0, s9, v48;
	s25 =	smul.u32 $0x66666667, s12;
	v11 =	vsel vm1, s13, v11  }
0x23d: {  	s29 =	sshra.s32 s4, $0x2;
	v13 =	vsel vm2, s5, v13;
	s28 =	sshrl.u32 s6, $0x1F;
	v14 =	vsel vm1, s30, v14;
	s10 =	sshra.s32 s19, $0x2;
	v11 =	vsel vm8, s26, v11  }
0x23e: {  	v13 =	vsel vm4, s28, v13;
	s0 =	sadd.s32 s0, s31;
	s31 =	sadd.s32 s25, s7;
	s7 =	sshra.s32 s4, $0x1F;
	vm8 =	vcmask $0x1F1C;
	v11 =	vsel vm2, s29, v11  }
0x23f: {  	s15 =	sshra.s32 s15, $0x2;
	s9 =	sshra.s32 s6, $0x2;
	v14 =	vsel vm2, s3, v14;
	v49 =	vmov s10;
	v11 =	vsel vm8, s7, v11  }
0x240: {  	v12 =	vcombine.low v14, v12;
	s12 =	sshra.s32 s24, $0x2;
	v14 =	vsel vm0, s15, v49;
	s24 =	sshra.s32 s17, $0x2;
	s13 =	sshra.s32 s6, $0x1F;
	v11 =	vsel vm4, s9, v11  }
0x241: {  	s19 =	sshra.s32 s20, $0x2;
	v50 =	vmov s12;
	v14 =	vsel vm1, s24, v14;
	s30 =	sshrl.u32 s0, $0x1F;
	s20 =	sshra.s32 s0, $0x2;
	v11 =	vsel vm9, s13, v11  }
0x242: {  	v15 =	vsel vm0, s19, v50;
	s25 =	sshra.s32 s21, $0x2;
	s0 =	sshra.s32 s0, $0x1F;
	v13 =	vsel vm5, s30, v13;
	s8 =	sshrl.u32 s31, $0x1F;
	v11 =	vsel vm5, s20, v11  }
0x243: {  	s28 =	sshra.s32 s22, $0x2;
	s26 =	sshra.s32 s18, $0x2;
	v15 =	vsel vm1, s25, v15;
	v13 =	vsel vm6, s8, v13;
	s29 =	sshra.s32 s31, $0x2;
	v11 =	vsel vm11, s0, v11  }
0x244: {  	s30 =	sshrl.u32 s23, $0x1F;
	v14 =	vsel vm2, s26, v14;
	v15 =	vsel vm2, s28, v15;
	s31 =	sshra.s32 s31, $0x1F;
	v11 =	vsel vm6, s29, v11  }
0x245: {  	s1 =	sshra.s32 s23, $0x2;
	v13 =	vsel vm7, s30, v13;
	v14 =	vcombine.low v15, v14;
	v11 =	vsel vm12, s31, v11  }
0x246: {  	v12 =	vperm.xlane v12, v2;
	v13 =	vperm.xlane v13, v3;
	v11 =	vsel vm7, s1, v11  }
0x247: {  	v14 =	vperm.xlane v14, v2;
	v11 =	vperm.xlane v11, v3  }
0x248: {  	v4 =	vbroadcast v4, $0xF;
	v56 =	vadd.s32 $0xFFFFFFFF, v5;
	v60 =	vadd.s32 $0xFFFFFFFE, v5  }
0x249: {  	v6 =	vsub.s32 v23, v5;
	v12 =	vsel vm13, v13, v12;
	v11 =	vsel vm13, v11, v14  }
0x24a: {  	v63 =	vadd.s32 $0xFFFFFFFD, v5;
	v4 =	vadd.s32 v4, v6;
	v11 =	vadd.s32 v12, v11  }
0x24b: {  	v62 =	vadd.s32 $0x1, v4;
	v18 =	vadd.s32 $0x2, v4;
	v52 =	vmul.u32 $0xFFFFFFF6, v11  }
0x24c: {  	v51 =	vadd.s32 $0xA, v7;
	v53 =	vadd.s32 $0xA, v8;
	vm9 =	vlt.s32 v7, $0x0  }
0x24d: {  	v7 =	vsel vm9, v51, v7;
	vm9 =	vlt.s32 v8, $0x0;
	v13 =	vadd.s32 v10, v52  }
0x24e: {  	vm10 =	vlt.s32 v10, $0x1;
	v8 =	vsel vm9, v53, v8;
	vm9 =	vne.s32 v13, $0x0  }
0x24f: {  	v19 =	vadd.s32 $0x3, v4;
	v54 =	vadd.s32 $0xA, v9;
	vm9 =	vmand vm10, vm9  }
0x250: {  	vm11 =	vlt.s32 v9, $0x0;
	v57 =	vadd.s32 $0xA, v13;
	v55 =	vsel vm9, $0xFFFFFFFF, v0  }
0x251: {  	vm10 =	vlt.s32 v13, $0x0;
	vm9 =	veq.s32 v56, $0x4;
	v11 =	vadd.s32 v55, v11  }
0x252: {  	v58 =	vsel vm10, v57, v13;
	vm10 =	veq.s32 v56, $0x3;
	v11 =	vsel vm9, v11, v7  }
0x253: {  	v9 =	vsel vm11, v54, v9;
	vm9 =	veq.s32 v56, $0x2;
	v59 =	vsel vm10, v58, v11  }
0x254: {  	v20 =	vadd.s32 $0x4, v4;
	vm10 =	veq.s32 v56, $0x1;
	v10 =	vsel vm9, v9, v59  }
0x255: {  	vm11 =	vgt.u32 v5, $0x1;
	vm9 =	veq.s32 v60, $0x1;
	v61 =	vsel vm10, v8, v10  }
0x256: {  	vm10 =	veq.s32 v60, $0x3;
	v10 =	vnsel vm11, $0xFF, v62;
	vm11 =	vgt.u32 v5, $0x2  }
0x257: {  	v12 =	vsel vm10, v58, v7;
	v13 =	vnsel vm11, $0xFF, v18;
	vm11 =	vgt.u32 v5, $0x3  }
0x258: {  	vm10 =	veq.s32 v60, $0x2;
	v14 =	vnsel vm11, $0xFF, v19;
	vm11 =	vgt.u32 v5, $0x4  }
0x259: {  	v12 =	vsel vm10, v9, v12;
	vm10 =	veq.s32 v63, $0x2;
	v15 =	vnsel vm11, $0xFF, v20  }
0x25a: {  	[tilespmem:v4+s11+$0x0] =	vst.idx.msk $0xffff, v61;
	v4 =	vsel vm9, v8, v12;
	vm9 =	veq.s32 v63, $0x1;
	v21 =	vsel vm10, v9, v7  }
0x25b: {  	[tilespmem:v10+s11+$0x0] =	vst.idx.msk $0xffff, v4;
	v4 =	vsel vm9, v8, v21;
	vm9 =	veq.s32 v5, $0x5  }
0x25c: {  	[tilespmem:v13+s11+$0x0] =	vst.idx.msk $0xffff, v4;
	v4 =	vsel vm9, v8, v7  }
0x25d: {  	[tilespmem:v14+s11+$0x0] =	vst.idx.msk $0xffff, v4  }
0x25e: {  	[tilespmem:v15+s11+$0x0] =	vst.idx.msk $0xffff, v7  }
0x25f: {  	v7 =	vld [tilespmem:$0x14A0];
	_ =	sdelay $0x4  }
0x260: {  	vm9 =	vgt.s32 v7, $0x9;
	vm10 =	vgt.s32 v7, $0x63  }
0x261: {  	v4 =	vsel vm9, $0x2, v1;
	v5 =	vsel vm10, $0x1, v0;
	vm9 =	vgt.s32 v7, $0x3E7  }
0x262: {  	v4 =	vadd.s32 v5, v4;
	v5 =	vsel vm9, $0x1, v0;
	vm9 =	vgt.s32 v7, $0x270F  }
0x263: {  	v4 =	vadd.s32 v5, v4;
	v5 =	vsel vm9, $0x1, v0  }
0x264: {  	v4 =	vadd.s32 v5, v4  }
0x265: {  	(xrf0) =	vadd.scan.msk.s32 $0xffff, v4;
	_ =	sdelay $0x5  }
0x266: {  	v5, _, _ =	vpop (xrf0)  }
0x267: {  	(v2sf) =	vpush v5, $0xF  }
0x268: {  	(v2sf) =	vpush v7, $0xD;
	_ =	sdelay $0x1  }
0x269: {  	(v2sf) =	vpush v7, $0xC;
	_ =	sdelay $0x1  }
0x26a: {  	(v2sf) =	vpush v7, $0xE;
	_ =	sdelay $0x1  }
0x26b: {  	(v2sf) =	vpush v7, $0xF;
	_ =	sdelay $0x1  }
0x26c: {  	(v2sf) =	vpush v7, $0x9;
	_ =	sdelay $0x1  }
0x26d: {  	(v2sf) =	vpush v7, $0x8;
	_ =	sdelay $0x1  }
0x26e: {  	(v2sf) =	vpush v7, $0xA;
	_ =	sdelay $0x1  }
0x26f: {  	(v2sf) =	vpush v7, $0xB;
	s15 =	spop (v2sf)  }
0x270: {  	s2 =	spop (v2sf)  }
0x271: {  	(v2sf) =	vpush v7, $0x0;
	s3 =	smulhi.u32 $0x66666667, s2;
	s0 =	sshra.s32 s2, $0x1F  }
0x272: {  	s4 =	spop (v2sf);
	s0 =	smul.u32 $0x66666667, s0  }
0x273: {  	(v2sf) =	vpush v7, $0x1;
	s5 =	smulhi.u32 $0x66666667, s4;
	s2 =	sshra.s32 s4, $0x1F  }
0x274: {  	s6 =	spop (v2sf);
	s2 =	smul.u32 $0x66666667, s2  }
0x275: {  	(v2sf) =	vpush v7, $0x2;
	s7 =	smulhi.u32 $0x66666667, s6;
	s4 =	sshra.s32 s6, $0x1F  }
0x276: {  	(v2sf) =	vpush v7, $0x3;
	s8 =	spop (v2sf);
	s4 =	smul.u32 $0x66666667, s4  }
0x277: {  	(v2sf) =	vpush v7, $0x4;
	s9 =	smulhi.u32 $0x66666667, s8;
	s6 =	sshra.s32 s8, $0x1F  }
0x278: {  	(v2sf) =	vpush v7, $0x5;
	s10 =	spop (v2sf);
	s6 =	smul.u32 $0x66666667, s6  }
0x279: {  	(v2sf) =	vpush v7, $0x6;
	s12 =	smulhi.u32 $0x66666667, s10;
	s8 =	sshra.s32 s10, $0x1F  }
0x27a: {  	s29 =	spop (v2sf);
	(v2sf) =	vpush v7, $0x7;
	s8 =	smul.u32 $0x66666667, s8  }
0x27b: {  	s30 =	smulhi.u32 $0x66666667, s29;
	s10 =	sshra.s32 s29, $0x1F  }
0x27c: {  	s31 =	spop (v2sf);
	s10 =	smul.u32 $0x66666667, s10  }
0x27d: {  	s13 =	smulhi.u32 $0x66666667, s31;
	s20 =	sshra.s32 s31, $0x1F  }
0x27e: {  	s17 =	sadd.s32 s0, s3;
	s21 =	spop (v2sf);
	s1 =	smul.u32 $0x66666667, s20  }
0x27f: {  	s20 =	sadd.s32 s2, s5;
	s2 =	smulhi.u32 $0x66666667, s21;
	s22 =	sshra.s32 s21, $0x1F  }
0x280: {  	s26 =	sshrl.u32 s17, $0x1F;
	s23 =	spop (v2sf);
	s3 =	smul.u32 $0x66666667, s22  }
0x281: {  	s19 =	sadd.s32 s4, s7;
	s4 =	smulhi.u32 $0x66666667, s23;
	s24 =	sshra.s32 s23, $0x1F  }
0x282: {  	s18 =	sadd.s32 s6, s9;
	s25 =	spop (v2sf);
	s5 =	smul.u32 $0x66666667, s24  }
0x283: {  	s21 =	sadd.s32 s8, s12;
	s28 =	sshrl.u32 s20, $0x1F;
	s29 =	smulhi.u32 $0x66666667, s25  }
0x284: {  	s6 =	sshra.s32 s25, $0x1F;
	s24 =	sadd.s32 s10, s30;
	s30 =	spop (v2sf)  }
0x285: {  	s6 =	smul.u32 $0x66666667, s6;
	s8 =	sshra.s32 s30, $0x1F;
	s31 =	spop (v2sf)  }
0x286: {  	s22 =	sadd.s32 s1, s13;
	s0 =	smul.u32 $0x66666667, s8;
	s8 =	spop (v2sf)  }
0x287: {  	s23 =	sadd.s32 s3, s2;
	s9 =	smulhi.u32 $0x66666667, s30;
	s13 =	spop (v2sf)  }
0x288: {  	s12 =	smulhi.u32 $0x66666667, s31;
	s10 =	sshra.s32 s31, $0x1F;
	s3 =	spop (v2sf)  }
0x289: {  	v23 =	vmov s28;
	s28 =	sshrl.u32 s22, $0x1F;
	s25 =	smul.u32 $0x66666667, s10;
	s30 =	spop (v2sf)  }
0x28a: {  	s4 =	sadd.s32 s5, s4;
	s31 =	smulhi.u32 $0x66666667, s30;
	s10 =	sshra.s32 s30, $0x1F  }
0x28b: {  	s6 =	sadd.s32 s6, s29;
	s29 =	sshrl.u32 s19, $0x1F;
	s10 =	smul.u32 $0x66666667, s10  }
0x28c: {  	s5 =	smulhi.u32 $0x66666667, s8;
	s1 =	sshra.s32 s8, $0x1F;
	s0 =	sadd.s32 s0, s9  }
0x28d: {  	s1 =	smul.u32 $0x66666667, s1;
	s2 =	sadd.s32 s25, s12;
	s25 =	sadd.s32 s10, s31  }
0x28e: {  	vm8 =	vcmask $0x1714;
	s9 =	sshrl.u32 s4, $0x1F;
	s8 =	smulhi.u32 $0x66666667, s13;
	s31 =	sshra.s32 s25, $0x1F  }
0x28f: {  	vm12 =	vcmask $0x2F2C;
	vm11 =	vcmask $0x3734;
	s7 =	sshra.s32 s13, $0x1F;
	s13 =	sshra.s32 s4, $0x2;
	s4 =	sshra.s32 s4, $0x1F;
	v22 =	vmov s31  }
0x290: {  	v8 =	vsel vm0, s26, v23;
	s12 =	sshrl.u32 s18, $0x1F;
	v24 =	vmov s9;
	s26 =	sshrl.u32 s0, $0x1F;
	s9 =	sshra.s32 s20, $0x2;
	v6 =	vsel vm3, s13, v22  }
0x291: {  	vm9 =	vcmask $0x2724;
	v8 =	vsel vm1, s29, v8;
	s30 =	sshrl.u32 s21, $0x1F;
	s29 =	sshrl.u32 s2, $0x1F;
	s13 =	sshra.s32 s6, $0x2;
	v6 =	vsel vm14, s4, v6  }
0x292: {  	v9 =	vnsel vm3, $0x0, v24;
	v8 =	vsel vm2, s12, v8;
	s4 =	smul.u32 $0x66666667, s7;
	s7 =	sshrl.u32 s6, $0x1F;
	s6 =	sshra.s32 s6, $0x1F;
	v6 =	vsel vm0, s13, v6  }
0x293: {  	s12 =	smulhi.u32 $0x66666667, s3;
	v26 =	vmov s9;
	s10 =	sshrl.u32 s24, $0x1F;
	v9 =	vsel vm0, s7, v9;
	s13 =	sshra.s32 s0, $0x2;
	v6 =	vsel vm15, s6, v6  }
0x294: {  	s3 =	sshra.s32 s3, $0x1F;
	s1 =	sadd.s32 s1, s5;
	v25 =	vmov s10;
	s0 =	sshra.s32 s0, $0x1F;
	v9 =	vsel vm1, s26, v9;
	v6 =	vsel vm1, s13, v6  }
0x295: {  	s3 =	smul.u32 $0x66666667, s3;
	s5 =	sshrl.u32 s1, $0x1F;
	v10 =	vsel vm0, s30, v25;
	v9 =	vsel vm2, s29, v9;
	s29 =	sshra.s32 s2, $0x2;
	v6 =	vsel vm8, s0, v6  }
0x296: {  	s10 =	sshra.s32 s24, $0x2;
	s31 =	sshrl.u32 s23, $0x1F;
	v10 =	vsel vm1, s28, v10;
	s6 =	sshra.s32 s2, $0x1F;
	vm8 =	vcmask $0x1F1C;
	v6 =	vsel vm2, s29, v6  }
0x297: {  	s3 =	sadd.s32 s3, s12;
	v27 =	vmov s10;
	v10 =	vsel vm2, s31, v10;
	s4 =	sadd.s32 s4, s8;
	s8 =	sshra.s32 s1, $0x2;
	v6 =	vsel vm8, s6, v6  }
0x298: {  	s12 =	sshra.s32 s1, $0x1F;
	v8 =	vcombine.low v10, v8;
	s13 =	sshra.s32 s17, $0x2;
	s17 =	sshra.s32 s21, $0x2;
	v9 =	vsel vm4, s5, v9;
	v6 =	vsel vm4, s8, v6  }
0x299: {  	s30 =	sshrl.u32 s4, $0x1F;
	s20 =	sshra.s32 s4, $0x2;
	s21 =	sshra.s32 s19, $0x2;
	v10 =	vsel vm0, s13, v26;
	v11 =	vsel vm0, s17, v27;
	v6 =	vsel vm9, s12, v6  }
0x29a: {  	s22 =	sshra.s32 s22, $0x2;
	s7 =	sshrl.u32 s3, $0x1F;
	s24 =	sshra.s32 s4, $0x1F;
	v9 =	vsel vm5, s30, v9;
	v10 =	vsel vm1, s21, v10;
	v6 =	vsel vm5, s20, v6  }
0x29b: {  	s28 =	sshra.s32 s23, $0x2;
	s26 =	sshra.s32 s18, $0x2;
	v11 =	vsel vm1, s22, v11;
	s29 =	sshra.s32 s3, $0x2;
	v9 =	vsel vm6, s7, v9;
	v6 =	vsel vm12, s24, v6  }
0x29c: {  	s31 =	sshra.s32 s3, $0x1F;
	s30 =	sshrl.u32 s25, $0x1F;
	v10 =	vsel vm2, s26, v10;
	v11 =	vsel vm2, s28, v11;
	v6 =	vsel vm6, s29, v6  }
0x29d: {  	s1 =	sshra.s32 s25, $0x2;
	v9 =	vsel vm7, s30, v9;
	v10 =	vcombine.low v11, v10;
	v6 =	vsel vm11, s31, v6  }
0x29e: {  	v8 =	vperm.xlane v8, v2;
	v9 =	vperm.xlane v9, v3;
	v6 =	vsel vm7, s1, v6  }
0x29f: {  	v10 =	vperm.xlane v10, v2;
	v6 =	vperm.xlane v6, v3;
	_ =	sdelay $0x1  }
0x2a0: {  	v8 =	vsel vm13, v9, v8;
	v6 =	vsel vm13, v6, v10  }
0x2a1: {  	v8 =	vadd.s32 v8, v6  }
0x2a2: {  	v6 =	vmul.u32 $0xFFFFFFF6, v8;
	_ =	sdelay $0x1  }
0x2a3: {  	v6 =	vadd.s32 v7, v6  }
0x2a4: {  	vm10 =	vlt.s32 v7, $0x1;
	vm9 =	vne.s32 v6, $0x0  }
0x2a5: {  	vm9 =	vmand vm10, vm9  }
0x2a6: {  	v28 =	vsel vm9, $0xFFFFFFFF, v0  }
0x2a7: {  	v8 =	vadd.s32 v28, v8  }
0x2a8: {  	(v2sf) =	vpush v8, $0xD;
	_ =	sdelay $0x1  }
0x2a9: {  	(v2sf) =	vpush v8, $0xC;
	_ =	sdelay $0x1  }
0x2aa: {  	(v2sf) =	vpush v8, $0xE;
	_ =	sdelay $0x1  }
0x2ab: {  	(v2sf) =	vpush v8, $0xF;
	_ =	sdelay $0x1  }
0x2ac: {  	(v2sf) =	vpush v8, $0x9;
	_ =	sdelay $0x1  }
0x2ad: {  	(v2sf) =	vpush v8, $0x8;
	_ =	sdelay $0x1  }
0x2ae: {  	(v2sf) =	vpush v8, $0xA;
	_ =	sdelay $0x1  }
0x2af: {  	(v2sf) =	vpush v8, $0xB  }
0x2b0: {  	s2 =	spop (v2sf)  }
0x2b1: {  	(v2sf) =	vpush v8, $0x0;
	s3 =	smulhi.u32 $0x66666667, s2;
	s0 =	sshra.s32 s2, $0x1F  }
0x2b2: {  	s4 =	spop (v2sf);
	s0 =	smul.u32 $0x66666667, s0  }
0x2b3: {  	(v2sf) =	vpush v8, $0x1;
	s5 =	smulhi.u32 $0x66666667, s4;
	s2 =	sshra.s32 s4, $0x1F  }
0x2b4: {  	s6 =	spop (v2sf);
	s2 =	smul.u32 $0x66666667, s2  }
0x2b5: {  	(v2sf) =	vpush v8, $0x2;
	s7 =	smulhi.u32 $0x66666667, s6;
	s4 =	sshra.s32 s6, $0x1F  }
0x2b6: {  	(v2sf) =	vpush v8, $0x3;
	s8 =	spop (v2sf);
	s4 =	smul.u32 $0x66666667, s4  }
0x2b7: {  	(v2sf) =	vpush v8, $0x4;
	s9 =	smulhi.u32 $0x66666667, s8;
	s6 =	sshra.s32 s8, $0x1F  }
0x2b8: {  	(v2sf) =	vpush v8, $0x5;
	s10 =	spop (v2sf);
	s6 =	smul.u32 $0x66666667, s6  }
0x2b9: {  	(v2sf) =	vpush v8, $0x6;
	s12 =	smulhi.u32 $0x66666667, s10;
	s8 =	sshra.s32 s10, $0x1F  }
0x2ba: {  	s29 =	spop (v2sf);
	(v2sf) =	vpush v8, $0x7;
	s8 =	smul.u32 $0x66666667, s8  }
0x2bb: {  	s30 =	smulhi.u32 $0x66666667, s29;
	s10 =	sshra.s32 s29, $0x1F  }
0x2bc: {  	s31 =	spop (v2sf);
	s10 =	smul.u32 $0x66666667, s10  }
0x2bd: {  	s13 =	smulhi.u32 $0x66666667, s31;
	s20 =	sshra.s32 s31, $0x1F  }
0x2be: {  	s17 =	sadd.s32 s0, s3;
	s21 =	spop (v2sf);
	s1 =	smul.u32 $0x66666667, s20  }
0x2bf: {  	s20 =	sadd.s32 s2, s5;
	s2 =	smulhi.u32 $0x66666667, s21;
	s22 =	sshra.s32 s21, $0x1F  }
0x2c0: {  	s26 =	sshrl.u32 s17, $0x1F;
	s23 =	spop (v2sf);
	s3 =	smul.u32 $0x66666667, s22  }
0x2c1: {  	s19 =	sadd.s32 s4, s7;
	s4 =	smulhi.u32 $0x66666667, s23;
	s24 =	sshra.s32 s23, $0x1F  }
0x2c2: {  	s18 =	sadd.s32 s6, s9;
	s25 =	spop (v2sf);
	s5 =	smul.u32 $0x66666667, s24  }
0x2c3: {  	s21 =	sadd.s32 s8, s12;
	s28 =	sshrl.u32 s20, $0x1F;
	s29 =	smulhi.u32 $0x66666667, s25  }
0x2c4: {  	s6 =	sshra.s32 s25, $0x1F;
	s24 =	sadd.s32 s10, s30;
	s30 =	spop (v2sf)  }
0x2c5: {  	s6 =	smul.u32 $0x66666667, s6;
	s8 =	sshra.s32 s30, $0x1F;
	s31 =	spop (v2sf)  }
0x2c6: {  	s22 =	sadd.s32 s1, s13;
	s0 =	smul.u32 $0x66666667, s8;
	s8 =	spop (v2sf)  }
0x2c7: {  	s23 =	sadd.s32 s3, s2;
	s9 =	smulhi.u32 $0x66666667, s30;
	s13 =	spop (v2sf)  }
0x2c8: {  	s12 =	smulhi.u32 $0x66666667, s31;
	s10 =	sshra.s32 s31, $0x1F;
	s3 =	spop (v2sf)  }
0x2c9: {  	v30 =	vmov s28;
	s28 =	sshrl.u32 s22, $0x1F;
	s25 =	smul.u32 $0x66666667, s10;
	s30 =	spop (v2sf)  }
0x2ca: {  	s4 =	sadd.s32 s5, s4;
	s31 =	smulhi.u32 $0x66666667, s30;
	s10 =	sshra.s32 s30, $0x1F  }
0x2cb: {  	s6 =	sadd.s32 s6, s29;
	s29 =	sshrl.u32 s19, $0x1F;
	s10 =	smul.u32 $0x66666667, s10  }
0x2cc: {  	s5 =	smulhi.u32 $0x66666667, s8;
	s1 =	sshra.s32 s8, $0x1F;
	s0 =	sadd.s32 s0, s9  }
0x2cd: {  	s1 =	smul.u32 $0x66666667, s1;
	s2 =	sadd.s32 s25, s12;
	s25 =	sadd.s32 s10, s31  }
0x2ce: {  	s9 =	sshrl.u32 s4, $0x1F;
	s8 =	smulhi.u32 $0x66666667, s13;
	s31 =	sshra.s32 s25, $0x1F  }
0x2cf: {  	vm8 =	vcmask $0x1714;
	s7 =	sshra.s32 s13, $0x1F;
	s13 =	sshra.s32 s4, $0x2;
	s4 =	sshra.s32 s4, $0x1F;
	v29 =	vmov s31  }
0x2d0: {  	v9 =	vsel vm0, s26, v30;
	s12 =	sshrl.u32 s18, $0x1F;
	v31 =	vmov s9;
	s26 =	sshrl.u32 s0, $0x1F;
	s9 =	sshra.s32 s20, $0x2;
	v7 =	vsel vm3, s13, v29  }
0x2d1: {  	vm9 =	vcmask $0x2724;
	v9 =	vsel vm1, s29, v9;
	s30 =	sshrl.u32 s21, $0x1F;
	s29 =	sshrl.u32 s2, $0x1F;
	s13 =	sshra.s32 s6, $0x2;
	v7 =	vsel vm14, s4, v7  }
0x2d2: {  	v10 =	vnsel vm3, $0x0, v31;
	v9 =	vsel vm2, s12, v9;
	s4 =	smul.u32 $0x66666667, s7;
	s7 =	sshrl.u32 s6, $0x1F;
	s6 =	sshra.s32 s6, $0x1F;
	v7 =	vsel vm0, s13, v7  }
0x2d3: {  	s12 =	smulhi.u32 $0x66666667, s3;
	v33 =	vmov s9;
	s10 =	sshrl.u32 s24, $0x1F;
	v10 =	vsel vm0, s7, v10;
	s13 =	sshra.s32 s0, $0x2;
	v7 =	vsel vm15, s6, v7  }
0x2d4: {  	s3 =	sshra.s32 s3, $0x1F;
	s1 =	sadd.s32 s1, s5;
	v32 =	vmov s10;
	s0 =	sshra.s32 s0, $0x1F;
	v10 =	vsel vm1, s26, v10;
	v7 =	vsel vm1, s13, v7  }
0x2d5: {  	s3 =	smul.u32 $0x66666667, s3;
	s5 =	sshrl.u32 s1, $0x1F;
	v11 =	vsel vm0, s30, v32;
	v10 =	vsel vm2, s29, v10;
	s29 =	sshra.s32 s2, $0x2;
	v7 =	vsel vm8, s0, v7  }
0x2d6: {  	s10 =	sshra.s32 s24, $0x2;
	s31 =	sshrl.u32 s23, $0x1F;
	v11 =	vsel vm1, s28, v11;
	s6 =	sshra.s32 s2, $0x1F;
	vm8 =	vcmask $0x1F1C;
	v7 =	vsel vm2, s29, v7  }
0x2d7: {  	s3 =	sadd.s32 s3, s12;
	v34 =	vmov s10;
	v11 =	vsel vm2, s31, v11;
	s4 =	sadd.s32 s4, s8;
	s8 =	sshra.s32 s1, $0x2;
	v7 =	vsel vm8, s6, v7  }
0x2d8: {  	s12 =	sshra.s32 s1, $0x1F;
	v9 =	vcombine.low v11, v9;
	s13 =	sshra.s32 s17, $0x2;
	s17 =	sshra.s32 s21, $0x2;
	v10 =	vsel vm4, s5, v10;
	v7 =	vsel vm4, s8, v7  }
0x2d9: {  	s30 =	sshrl.u32 s4, $0x1F;
	s20 =	sshra.s32 s4, $0x2;
	s21 =	sshra.s32 s19, $0x2;
	v11 =	vsel vm0, s13, v33;
	v12 =	vsel vm0, s17, v34;
	v7 =	vsel vm9, s12, v7  }
0x2da: {  	s22 =	sshra.s32 s22, $0x2;
	s7 =	sshrl.u32 s3, $0x1F;
	s24 =	sshra.s32 s4, $0x1F;
	v10 =	vsel vm5, s30, v10;
	v11 =	vsel vm1, s21, v11;
	v7 =	vsel vm5, s20, v7  }
0x2db: {  	s28 =	sshra.s32 s23, $0x2;
	s26 =	sshra.s32 s18, $0x2;
	v12 =	vsel vm1, s22, v12;
	s29 =	sshra.s32 s3, $0x2;
	v10 =	vsel vm6, s7, v10;
	v7 =	vsel vm12, s24, v7  }
0x2dc: {  	s31 =	sshra.s32 s3, $0x1F;
	s30 =	sshrl.u32 s25, $0x1F;
	v11 =	vsel vm2, s26, v11;
	v12 =	vsel vm2, s28, v12;
	v7 =	vsel vm6, s29, v7  }
0x2dd: {  	s1 =	sshra.s32 s25, $0x2;
	v10 =	vsel vm7, s30, v10;
	v11 =	vcombine.low v12, v11;
	v7 =	vsel vm11, s31, v7  }
0x2de: {  	v9 =	vperm.xlane v9, v2;
	v10 =	vperm.xlane v10, v3;
	v7 =	vsel vm7, s1, v7  }
0x2df: {  	v11 =	vperm.xlane v11, v2;
	v7 =	vperm.xlane v7, v3;
	_ =	sdelay $0x1  }
0x2e0: {  	v9 =	vsel vm13, v10, v9;
	v7 =	vsel vm13, v7, v11  }
0x2e1: {  	v9 =	vadd.s32 v9, v7  }
0x2e2: {  	v7 =	vmul.u32 $0xFFFFFFF6, v9;
	_ =	sdelay $0x1  }
0x2e3: {  	v7 =	vadd.s32 v8, v7  }
0x2e4: {  	vm10 =	vlt.s32 v8, $0x1;
	vm9 =	vne.s32 v7, $0x0  }
0x2e5: {  	vm9 =	vmand vm10, vm9  }
0x2e6: {  	v35 =	vsel vm9, $0xFFFFFFFF, v0  }
0x2e7: {  	v9 =	vadd.s32 v35, v9  }
0x2e8: {  	(v2sf) =	vpush v9, $0xD;
	_ =	sdelay $0x1  }
0x2e9: {  	(v2sf) =	vpush v9, $0xC;
	_ =	sdelay $0x1  }
0x2ea: {  	(v2sf) =	vpush v9, $0xE;
	_ =	sdelay $0x1  }
0x2eb: {  	(v2sf) =	vpush v9, $0xF;
	_ =	sdelay $0x1  }
0x2ec: {  	(v2sf) =	vpush v9, $0x9;
	_ =	sdelay $0x1  }
0x2ed: {  	(v2sf) =	vpush v9, $0x8;
	_ =	sdelay $0x1  }
0x2ee: {  	(v2sf) =	vpush v9, $0xA;
	_ =	sdelay $0x1  }
0x2ef: {  	(v2sf) =	vpush v9, $0xB  }
0x2f0: {  	s2 =	spop (v2sf)  }
0x2f1: {  	(v2sf) =	vpush v9, $0x0;
	s3 =	smulhi.u32 $0x66666667, s2;
	s0 =	sshra.s32 s2, $0x1F  }
0x2f2: {  	s4 =	spop (v2sf);
	s0 =	smul.u32 $0x66666667, s0  }
0x2f3: {  	(v2sf) =	vpush v9, $0x1;
	s5 =	smulhi.u32 $0x66666667, s4;
	s2 =	sshra.s32 s4, $0x1F  }
0x2f4: {  	s6 =	spop (v2sf);
	s2 =	smul.u32 $0x66666667, s2  }
0x2f5: {  	(v2sf) =	vpush v9, $0x2;
	s7 =	smulhi.u32 $0x66666667, s6;
	s4 =	sshra.s32 s6, $0x1F  }
0x2f6: {  	(v2sf) =	vpush v9, $0x3;
	s8 =	spop (v2sf);
	s4 =	smul.u32 $0x66666667, s4  }
0x2f7: {  	(v2sf) =	vpush v9, $0x4;
	s9 =	smulhi.u32 $0x66666667, s8;
	s6 =	sshra.s32 s8, $0x1F  }
0x2f8: {  	(v2sf) =	vpush v9, $0x5;
	s10 =	spop (v2sf);
	s6 =	smul.u32 $0x66666667, s6  }
0x2f9: {  	(v2sf) =	vpush v9, $0x6;
	s12 =	smulhi.u32 $0x66666667, s10;
	s8 =	sshra.s32 s10, $0x1F  }
0x2fa: {  	s29 =	spop (v2sf);
	(v2sf) =	vpush v9, $0x7;
	s8 =	smul.u32 $0x66666667, s8  }
0x2fb: {  	s30 =	smulhi.u32 $0x66666667, s29;
	s10 =	sshra.s32 s29, $0x1F  }
0x2fc: {  	s31 =	spop (v2sf);
	s10 =	smul.u32 $0x66666667, s10  }
0x2fd: {  	s13 =	smulhi.u32 $0x66666667, s31;
	s20 =	sshra.s32 s31, $0x1F  }
0x2fe: {  	s17 =	sadd.s32 s0, s3;
	s21 =	spop (v2sf);
	s1 =	smul.u32 $0x66666667, s20  }
0x2ff: {  	s20 =	sadd.s32 s2, s5;
	s2 =	smulhi.u32 $0x66666667, s21;
	s22 =	sshra.s32 s21, $0x1F  }
0x300: {  	s26 =	sshrl.u32 s17, $0x1F;
	s23 =	spop (v2sf);
	s3 =	smul.u32 $0x66666667, s22  }
0x301: {  	s19 =	sadd.s32 s4, s7;
	s4 =	smulhi.u32 $0x66666667, s23;
	s24 =	sshra.s32 s23, $0x1F  }
0x302: {  	s18 =	sadd.s32 s6, s9;
	s25 =	spop (v2sf);
	s5 =	smul.u32 $0x66666667, s24  }
0x303: {  	s21 =	sadd.s32 s8, s12;
	s28 =	sshrl.u32 s20, $0x1F;
	s29 =	smulhi.u32 $0x66666667, s25  }
0x304: {  	s6 =	sshra.s32 s25, $0x1F;
	s24 =	sadd.s32 s10, s30;
	s30 =	spop (v2sf)  }
0x305: {  	s6 =	smul.u32 $0x66666667, s6;
	s8 =	sshra.s32 s30, $0x1F;
	s31 =	spop (v2sf)  }
0x306: {  	s22 =	sadd.s32 s1, s13;
	s0 =	smul.u32 $0x66666667, s8;
	s8 =	spop (v2sf)  }
0x307: {  	s23 =	sadd.s32 s3, s2;
	s9 =	smulhi.u32 $0x66666667, s30;
	s13 =	spop (v2sf)  }
0x308: {  	s12 =	smulhi.u32 $0x66666667, s31;
	s10 =	sshra.s32 s31, $0x1F;
	s3 =	spop (v2sf)  }
0x309: {  	v37 =	vmov s28;
	s28 =	sshrl.u32 s22, $0x1F;
	s25 =	smul.u32 $0x66666667, s10;
	s30 =	spop (v2sf)  }
0x30a: {  	s4 =	sadd.s32 s5, s4;
	s31 =	smulhi.u32 $0x66666667, s30;
	s10 =	sshra.s32 s30, $0x1F  }
0x30b: {  	s6 =	sadd.s32 s6, s29;
	s29 =	sshrl.u32 s19, $0x1F;
	s10 =	smul.u32 $0x66666667, s10  }
0x30c: {  	s5 =	smulhi.u32 $0x66666667, s8;
	s1 =	sshra.s32 s8, $0x1F;
	s0 =	sadd.s32 s0, s9  }
0x30d: {  	s1 =	smul.u32 $0x66666667, s1;
	s2 =	sadd.s32 s25, s12;
	s25 =	sadd.s32 s10, s31  }
0x30e: {  	s9 =	sshrl.u32 s4, $0x1F;
	s8 =	smulhi.u32 $0x66666667, s13;
	s31 =	sshra.s32 s25, $0x1F  }
0x30f: {  	vm8 =	vcmask $0x1714;
	s7 =	sshra.s32 s13, $0x1F;
	s13 =	sshra.s32 s4, $0x2;
	s4 =	sshra.s32 s4, $0x1F;
	v36 =	vmov s31  }
0x310: {  	v10 =	vsel vm0, s26, v37;
	s12 =	sshrl.u32 s18, $0x1F;
	v38 =	vmov s9;
	s26 =	sshrl.u32 s0, $0x1F;
	s9 =	sshra.s32 s20, $0x2;
	v8 =	vsel vm3, s13, v36  }
0x311: {  	vm9 =	vcmask $0x2724;
	v10 =	vsel vm1, s29, v10;
	s30 =	sshrl.u32 s21, $0x1F;
	s29 =	sshrl.u32 s2, $0x1F;
	s13 =	sshra.s32 s6, $0x2;
	v8 =	vsel vm14, s4, v8  }
0x312: {  	v11 =	vnsel vm3, $0x0, v38;
	v10 =	vsel vm2, s12, v10;
	s4 =	smul.u32 $0x66666667, s7;
	s7 =	sshrl.u32 s6, $0x1F;
	s6 =	sshra.s32 s6, $0x1F;
	v8 =	vsel vm0, s13, v8  }
0x313: {  	s12 =	smulhi.u32 $0x66666667, s3;
	v40 =	vmov s9;
	s10 =	sshrl.u32 s24, $0x1F;
	v11 =	vsel vm0, s7, v11;
	s13 =	sshra.s32 s0, $0x2;
	v8 =	vsel vm15, s6, v8  }
0x314: {  	s3 =	sshra.s32 s3, $0x1F;
	s1 =	sadd.s32 s1, s5;
	v39 =	vmov s10;
	s0 =	sshra.s32 s0, $0x1F;
	v11 =	vsel vm1, s26, v11;
	v8 =	vsel vm1, s13, v8  }
0x315: {  	s3 =	smul.u32 $0x66666667, s3;
	s5 =	sshrl.u32 s1, $0x1F;
	v12 =	vsel vm0, s30, v39;
	v11 =	vsel vm2, s29, v11;
	s29 =	sshra.s32 s2, $0x2;
	v8 =	vsel vm8, s0, v8  }
0x316: {  	s10 =	sshra.s32 s24, $0x2;
	s31 =	sshrl.u32 s23, $0x1F;
	v12 =	vsel vm1, s28, v12;
	s6 =	sshra.s32 s2, $0x1F;
	vm8 =	vcmask $0x1F1C;
	v8 =	vsel vm2, s29, v8  }
0x317: {  	s3 =	sadd.s32 s3, s12;
	v41 =	vmov s10;
	v12 =	vsel vm2, s31, v12;
	s4 =	sadd.s32 s4, s8;
	s8 =	sshra.s32 s1, $0x2;
	v8 =	vsel vm8, s6, v8  }
0x318: {  	s12 =	sshra.s32 s1, $0x1F;
	v10 =	vcombine.low v12, v10;
	s13 =	sshra.s32 s17, $0x2;
	s17 =	sshra.s32 s21, $0x2;
	v11 =	vsel vm4, s5, v11;
	v8 =	vsel vm4, s8, v8  }
0x319: {  	s30 =	sshrl.u32 s4, $0x1F;
	s20 =	sshra.s32 s4, $0x2;
	s21 =	sshra.s32 s19, $0x2;
	v12 =	vsel vm0, s13, v40;
	v13 =	vsel vm0, s17, v41;
	v8 =	vsel vm9, s12, v8  }
0x31a: {  	s22 =	sshra.s32 s22, $0x2;
	s7 =	sshrl.u32 s3, $0x1F;
	s24 =	sshra.s32 s4, $0x1F;
	v11 =	vsel vm5, s30, v11;
	v12 =	vsel vm1, s21, v12;
	v8 =	vsel vm5, s20, v8  }
0x31b: {  	s28 =	sshra.s32 s23, $0x2;
	s26 =	sshra.s32 s18, $0x2;
	v13 =	vsel vm1, s22, v13;
	s29 =	sshra.s32 s3, $0x2;
	v11 =	vsel vm6, s7, v11;
	v8 =	vsel vm12, s24, v8  }
0x31c: {  	s31 =	sshra.s32 s3, $0x1F;
	s30 =	sshrl.u32 s25, $0x1F;
	v12 =	vsel vm2, s26, v12;
	v13 =	vsel vm2, s28, v13;
	v8 =	vsel vm6, s29, v8  }
0x31d: {  	s1 =	sshra.s32 s25, $0x2;
	v11 =	vsel vm7, s30, v11;
	v12 =	vcombine.low v13, v12;
	v8 =	vsel vm11, s31, v8  }
0x31e: {  	v10 =	vperm.xlane v10, v2;
	v11 =	vperm.xlane v11, v3;
	v8 =	vsel vm7, s1, v8  }
0x31f: {  	v12 =	vperm.xlane v12, v2;
	v8 =	vperm.xlane v8, v3;
	_ =	sdelay $0x1  }
0x320: {  	v10 =	vsel vm13, v11, v10;
	v8 =	vsel vm13, v8, v12  }
0x321: {  	v10 =	vadd.s32 v10, v8  }
0x322: {  	v8 =	vmul.u32 $0xFFFFFFF6, v10;
	_ =	sdelay $0x1  }
0x323: {  	v8 =	vadd.s32 v9, v8  }
0x324: {  	vm10 =	vlt.s32 v9, $0x1;
	vm9 =	vne.s32 v8, $0x0  }
0x325: {  	vm9 =	vmand vm10, vm9  }
0x326: {  	v42 =	vsel vm9, $0xFFFFFFFF, v0  }
0x327: {  	v9 =	vadd.s32 v42, v10  }
0x328: {  	(v2sf) =	vpush v9, $0xD;
	_ =	sdelay $0x1  }
0x329: {  	(v2sf) =	vpush v9, $0xC;
	_ =	sdelay $0x1  }
0x32a: {  	(v2sf) =	vpush v9, $0xE;
	_ =	sdelay $0x1  }
0x32b: {  	(v2sf) =	vpush v9, $0xF;
	_ =	sdelay $0x1  }
0x32c: {  	(v2sf) =	vpush v9, $0x9;
	_ =	sdelay $0x1  }
0x32d: {  	(v2sf) =	vpush v9, $0x8;
	_ =	sdelay $0x1  }
0x32e: {  	(v2sf) =	vpush v9, $0xA;
	_ =	sdelay $0x1  }
0x32f: {  	(v2sf) =	vpush v9, $0xB  }
0x330: {  	s2 =	spop (v2sf)  }
0x331: {  	(v2sf) =	vpush v9, $0x0;
	s3 =	smulhi.u32 $0x66666667, s2;
	s0 =	sshra.s32 s2, $0x1F  }
0x332: {  	s4 =	spop (v2sf);
	s0 =	smul.u32 $0x66666667, s0  }
0x333: {  	(v2sf) =	vpush v9, $0x1;
	s5 =	smulhi.u32 $0x66666667, s4;
	s2 =	sshra.s32 s4, $0x1F  }
0x334: {  	s6 =	spop (v2sf);
	s2 =	smul.u32 $0x66666667, s2  }
0x335: {  	(v2sf) =	vpush v9, $0x2;
	s7 =	smulhi.u32 $0x66666667, s6;
	s4 =	sshra.s32 s6, $0x1F  }
0x336: {  	(v2sf) =	vpush v9, $0x3;
	s8 =	spop (v2sf);
	s4 =	smul.u32 $0x66666667, s4  }
0x337: {  	(v2sf) =	vpush v9, $0x4;
	s9 =	smulhi.u32 $0x66666667, s8;
	s6 =	sshra.s32 s8, $0x1F  }
0x338: {  	(v2sf) =	vpush v9, $0x5;
	s10 =	spop (v2sf);
	s6 =	smul.u32 $0x66666667, s6  }
0x339: {  	(v2sf) =	vpush v9, $0x6;
	s12 =	smulhi.u32 $0x66666667, s10;
	s8 =	sshra.s32 s10, $0x1F  }
0x33a: {  	s29 =	spop (v2sf);
	(v2sf) =	vpush v9, $0x7;
	s8 =	smul.u32 $0x66666667, s8  }
0x33b: {  	s30 =	smulhi.u32 $0x66666667, s29;
	s10 =	sshra.s32 s29, $0x1F  }
0x33c: {  	s31 =	spop (v2sf);
	s10 =	smul.u32 $0x66666667, s10  }
0x33d: {  	s13 =	smulhi.u32 $0x66666667, s31;
	s20 =	sshra.s32 s31, $0x1F  }
0x33e: {  	s17 =	sadd.s32 s0, s3;
	s21 =	spop (v2sf);
	s1 =	smul.u32 $0x66666667, s20  }
0x33f: {  	s20 =	sadd.s32 s2, s5;
	s2 =	smulhi.u32 $0x66666667, s21;
	s22 =	sshra.s32 s21, $0x1F  }
0x340: {  	s26 =	sshrl.u32 s17, $0x1F;
	s23 =	spop (v2sf);
	s3 =	smul.u32 $0x66666667, s22  }
0x341: {  	s19 =	sadd.s32 s4, s7;
	s4 =	smulhi.u32 $0x66666667, s23;
	s24 =	sshra.s32 s23, $0x1F  }
0x342: {  	s18 =	sadd.s32 s6, s9;
	s25 =	spop (v2sf);
	s5 =	smul.u32 $0x66666667, s24  }
0x343: {  	s21 =	sadd.s32 s8, s12;
	s28 =	sshrl.u32 s20, $0x1F;
	s29 =	smulhi.u32 $0x66666667, s25  }
0x344: {  	s6 =	sshra.s32 s25, $0x1F;
	s24 =	sadd.s32 s10, s30;
	s30 =	spop (v2sf)  }
0x345: {  	s6 =	smul.u32 $0x66666667, s6;
	s8 =	sshra.s32 s30, $0x1F;
	s31 =	spop (v2sf)  }
0x346: {  	s22 =	sadd.s32 s1, s13;
	s0 =	smul.u32 $0x66666667, s8;
	s8 =	spop (v2sf)  }
0x347: {  	s23 =	sadd.s32 s3, s2;
	s9 =	smulhi.u32 $0x66666667, s30;
	s13 =	spop (v2sf)  }
0x348: {  	s12 =	smulhi.u32 $0x66666667, s31;
	s10 =	sshra.s32 s31, $0x1F;
	s3 =	spop (v2sf)  }
0x349: {  	v44 =	vmov s28;
	s28 =	sshrl.u32 s22, $0x1F;
	s25 =	smul.u32 $0x66666667, s10;
	s30 =	spop (v2sf)  }
0x34a: {  	s4 =	sadd.s32 s5, s4;
	s31 =	smulhi.u32 $0x66666667, s30;
	s10 =	sshra.s32 s30, $0x1F  }
0x34b: {  	s6 =	sadd.s32 s6, s29;
	s29 =	sshrl.u32 s19, $0x1F;
	s10 =	smul.u32 $0x66666667, s10  }
0x34c: {  	v11 =	vsel vm0, s26, v44;
	s26 =	sshra.s32 s6, $0x2;
	s5 =	smulhi.u32 $0x66666667, s8;
	s1 =	sshra.s32 s8, $0x1F  }
0x34d: {  	s0 =	sadd.s32 s0, s9;
	s2 =	sadd.s32 s25, s12;
	s25 =	sadd.s32 s10, s31  }
0x34e: {  	s9 =	sshrl.u32 s4, $0x1F;
	s1 =	smul.u32 $0x66666667, s1;
	s31 =	sshra.s32 s25, $0x1F  }
0x34f: {  	s8 =	smulhi.u32 $0x66666667, s13;
	s7 =	sshra.s32 s13, $0x1F;
	s13 =	sshra.s32 s4, $0x2;
	v43 =	vmov s31  }
0x350: {  	vm8 =	vcmask $0x1714;
	s4 =	sshra.s32 s4, $0x1F;
	s12 =	sshrl.u32 s18, $0x1F;
	v45 =	vmov s9;
	s9 =	sshrl.u32 s0, $0x1F;
	v10 =	vsel vm3, s13, v43  }
0x351: {  	vm9 =	vcmask $0x2724;
	v11 =	vsel vm1, s29, v11;
	s29 =	sshra.s32 s0, $0x2;
	s0 =	sshra.s32 s0, $0x1F;
	s10 =	sshrl.u32 s24, $0x1F;
	v10 =	vsel vm14, s4, v10  }
0x352: {  	s30 =	sshrl.u32 s21, $0x1F;
	v12 =	vnsel vm3, $0x0, v45;
	v46 =	vmov s10;
	s13 =	sshrl.u32 s6, $0x1F;
	s6 =	sshra.s32 s6, $0x1F;
	v10 =	vsel vm0, s26, v10  }
0x353: {  	v11 =	vsel vm2, s12, v11;
	s1 =	sadd.s32 s1, s5;
	s31 =	sshrl.u32 s23, $0x1F;
	v13 =	vsel vm0, s30, v46;
	s4 =	smul.u32 $0x66666667, s7;
	v10 =	vsel vm15, s6, v10  }
0x354: {  	v13 =	vsel vm1, s28, v13;
	s28 =	sshra.s32 s24, $0x2;
	v12 =	vsel vm0, s13, v12;
	s13 =	smulhi.u32 $0x66666667, s3;
	s3 =	sshra.s32 s3, $0x1F;
	v10 =	vsel vm1, s29, v10  }
0x355: {  	v13 =	vsel vm2, s31, v13;
	v48 =	vmov s28;
	s3 =	smul.u32 $0x66666667, s3;
	s4 =	sadd.s32 s4, s8;
	s8 =	sshra.s32 s2, $0x2;
	v10 =	vsel vm8, s0, v10  }
0x356: {  	s10 =	sshra.s32 s2, $0x1F;
	s31 =	sshra.s32 s21, $0x2;
	s7 =	sshra.s32 s22, $0x2;
	v12 =	vsel vm1, s9, v12;
	vm8 =	vcmask $0x1F1C;
	v10 =	vsel vm2, s8, v10  }
0x357: {  	s26 =	sshrl.u32 s2, $0x1F;
	v11 =	vcombine.low v13, v11;
	v14 =	vsel vm0, s31, v48;
	s3 =	sadd.s32 s3, s13;
	s13 =	sshra.s32 s1, $0x2;
	v10 =	vsel vm8, s10, v10  }
0x358: {  	s5 =	sshrl.u32 s1, $0x1F;
	v12 =	vsel vm2, s26, v12;
	s26 =	sshra.s32 s20, $0x2;
	v14 =	vsel vm1, s7, v14;
	s29 =	sshra.s32 s1, $0x1F;
	v10 =	vsel vm4, s13, v10  }
0x359: {  	s30 =	sshra.s32 s17, $0x2;
	v12 =	vsel vm4, s5, v12;
	s9 =	sshrl.u32 s4, $0x1F;
	v47 =	vmov s26;
	s5 =	sshra.s32 s4, $0x2;
	v10 =	vsel vm9, s29, v10  }
0x35a: {  	s6 =	sshra.s32 s19, $0x2;
	v12 =	vsel vm5, s9, v12;
	s12 =	sshrl.u32 s3, $0x1F;
	v13 =	vsel vm0, s30, v47;
	s8 =	sshra.s32 s4, $0x1F;
	v10 =	vsel vm5, s5, v10  }
0x35b: {  	s9 =	sshra.s32 s18, $0x2;
	v12 =	vsel vm6, s12, v12;
	v13 =	vsel vm1, s6, v13;
	s12 =	sshra.s32 s3, $0x2;
	s10 =	sshra.s32 s23, $0x2;
	v10 =	vsel vm12, s8, v10  }
0x35c: {  	s17 =	sshra.s32 s3, $0x1F;
	v13 =	vsel vm2, s9, v13;
	s13 =	sshrl.u32 s25, $0x1F;
	v14 =	vsel vm2, s10, v14;
	v10 =	vsel vm6, s12, v10  }
0x35d: {  	s18 =	sshra.s32 s25, $0x2;
	v12 =	vsel vm7, s13, v12;
	v13 =	vcombine.low v14, v13;
	v10 =	vsel vm11, s17, v10  }
0x35e: {  	v11 =	vperm.xlane v11, v2;
	v12 =	vperm.xlane v12, v3;
	v10 =	vsel vm7, s18, v10  }
0x35f: {  	v13 =	vperm.xlane v13, v2;
	v10 =	vperm.xlane v10, v3  }
0x360: {  	v56 =	vadd.s32 $0xFFFFFFFF, v4;
	v57 =	vadd.s32 $0xFFFFFFFE, v4  }
0x361: {  	s14 =	sadd.s32 s14, s16;
	v5 =	vsub.s32 v5, v4;
	v11 =	vsel vm13, v12, v11;
	v10 =	vsel vm13, v10, v13  }
0x362: {  	v59 =	vadd.s32 $0xFFFFFFFD, v4;
	v5 =	vadd.s32 s14, v5;
	v10 =	vadd.s32 v11, v10  }
0x363: {  	v49 =	vadd.s32 $0xA, v6;
	vm9 =	vlt.s32 v6, $0x0;
	v50 =	vmul.u32 $0xFFFFFFF6, v10  }
0x364: {  	v51 =	vadd.s32 $0xA, v7;
	v6 =	vsel vm9, v49, v6;
	vm9 =	vlt.s32 v7, $0x0  }
0x365: {  	v53 =	vadd.s32 $0xA, v8;
	v7 =	vsel vm9, v51, v7;
	v52 =	vadd.s32 v9, v50  }
0x366: {  	vm9 =	vlt.s32 v8, $0x0;
	vm11 =	vlt.s32 v9, $0x1;
	vm10 =	vne.s32 v52, $0x0  }
0x367: {  	v58 =	vadd.s32 $0x1, v5;
	v8 =	vsel vm9, v53, v8;
	vm10 =	vmand vm11, vm10  }
0x368: {  	vm9 =	vlt.s32 v52, $0x0;
	v54 =	vadd.s32 $0xA, v52;
	v55 =	vsel vm10, $0xFFFFFFFF, v0  }
0x369: {  	v9 =	vsel vm9, v54, v52;
	vm9 =	veq.s32 v56, $0x4;
	v10 =	vadd.s32 v55, v10  }
0x36a: {  	v60 =	vadd.s32 $0x2, v5;
	vm11 =	veq.s32 v56, $0x3;
	v10 =	vsel vm9, v10, v6  }
0x36b: {  	v61 =	vadd.s32 $0x3, v5;
	vm9 =	veq.s32 v56, $0x2;
	v10 =	vsel vm11, v9, v10  }
0x36c: {  	v62 =	vadd.s32 $0x4, v5;
	vm11 =	veq.s32 v57, $0x3;
	v10 =	vsel vm9, v8, v10  }
0x36d: {  	vm9 =	veq.s32 v57, $0x2;
	v9 =	vsel vm11, v9, v6;
	vm11 =	vgt.u32 v4, $0x1  }
0x36e: {  	v9 =	vsel vm9, v8, v9;
	v12 =	vnsel vm11, $0xFF, v58;
	vm9 =	vgt.u32 v4, $0x2  }
0x36f: {  	vm10 =	veq.s32 v56, $0x1;
	v14 =	vnsel vm9, $0xFF, v60;
	vm9 =	vgt.u32 v4, $0x3  }
0x370: {  	v10 =	vsel vm10, v7, v10;
	v15 =	vnsel vm9, $0xFF, v61;
	vm9 =	vgt.u32 v4, $0x4  }
0x371: {  	vm10 =	veq.s32 v57, $0x1;
	v63 =	vnsel vm9, $0xFF, v62;
	vm9 =	veq.s32 v59, $0x2  }
0x372: {  	[tilespmem:v5+s11+$0x0] =	vst.idx.msk $0xffff, v10;
	v5 =	vsel vm10, v7, v9;
	vm10 =	veq.s32 v59, $0x1;
	v8 =	vsel vm9, v8, v6  }
0x373: {  	vm9 =	veq.s32 v4, $0x5;
	[tilespmem:v12+s11+$0x0] =	vst.idx.msk $0xffff, v5;
	v5 =	vsel vm10, v7, v8  }
0x374: {  	v4 =	vsel vm9, v7, v6;
	[tilespmem:v14+s11+$0x0] =	vst.idx.msk $0xffff, v5  }
0x375: {  	[tilespmem:v15+s11+$0x0] =	vst.idx.msk $0xffff, v4  }
0x376: {  	[tilespmem:v63+s11+$0x0] =	vst.idx.msk $0xffff, v6  }
0x377: {  	v4 =	vld [tilespmem:$0x14B0];
	_ =	sdelay $0x4  }
0x378: {  	(v2sf) =	vpush v4, $0xD;
	_ =	sdelay $0x1  }
0x379: {  	(v2sf) =	vpush v4, $0xC;
	_ =	sdelay $0x1  }
0x37a: {  	(v2sf) =	vpush v4, $0xE;
	_ =	sdelay $0x1  }
0x37b: {  	(v2sf) =	vpush v4, $0xF;
	_ =	sdelay $0x1  }
0x37c: {  	(v2sf) =	vpush v4, $0x9;
	_ =	sdelay $0x1  }
0x37d: {  	(v2sf) =	vpush v4, $0x8;
	_ =	sdelay $0x1  }
0x37e: {  	(v2sf) =	vpush v4, $0xA;
	_ =	sdelay $0x1  }
0x37f: {  	(v2sf) =	vpush v4, $0xB  }
0x380: {  	s19 =	spop (v2sf)  }
0x381: {  	(v2sf) =	vpush v4, $0x0;
	s20 =	smulhi.u32 $0x66666667, s19;
	s0 =	sshra.s32 s19, $0x1F  }
0x382: {  	s21 =	spop (v2sf);
	s0 =	smul.u32 $0x66666667, s0  }
0x383: {  	(v2sf) =	vpush v4, $0x1;
	s22 =	smulhi.u32 $0x66666667, s21;
	s2 =	sshra.s32 s21, $0x1F  }
0x384: {  	(v2sf) =	vpush v4, $0x2;
	s23 =	spop (v2sf);
	s2 =	smul.u32 $0x66666667, s2  }
0x385: {  	(v2sf) =	vpush v4, $0x3;
	s24 =	smulhi.u32 $0x66666667, s23;
	s4 =	sshra.s32 s23, $0x1F  }
0x386: {  	(v2sf) =	vpush v4, $0x4;
	s26 =	spop (v2sf);
	s4 =	smul.u32 $0x66666667, s4  }
0x387: {  	(v2sf) =	vpush v4, $0x5;
	s28 =	smulhi.u32 $0x66666667, s26;
	s6 =	sshra.s32 s26, $0x1F  }
0x388: {  	(v2sf) =	vpush v4, $0x6;
	s29 =	spop (v2sf);
	s6 =	smul.u32 $0x66666667, s6  }
0x389: {  	(v2sf) =	vpush v4, $0x7;
	s16 =	sadd.s32 s0, s20;
	s30 =	smulhi.u32 $0x66666667, s29;
	s8 =	sshra.s32 s29, $0x1F  }
0x38a: {  	s25 =	sshrl.u32 s16, $0x1F;
	s31 =	smul.u32 $0x66666667, s8;
	s8 =	spop (v2sf)  }
0x38b: {  	s19 =	sadd.s32 s2, s22;
	s10 =	smulhi.u32 $0x66666667, s8;
	s1 =	sshra.s32 s8, $0x1F  }
0x38c: {  	s3 =	sshrl.u32 s19, $0x1F;
	s21 =	spop (v2sf);
	s1 =	smul.u32 $0x66666667, s1  }
0x38d: {  	s17 =	sadd.s32 s4, s24;
	s22 =	smulhi.u32 $0x66666667, s21;
	s2 =	sshra.s32 s21, $0x1F  }
0x38e: {  	s5 =	sshrl.u32 s17, $0x1F;
	s12 =	spop (v2sf);
	s2 =	smul.u32 $0x66666667, s2  }
0x38f: {  	s18 =	sadd.s32 s6, s28;
	s13 =	smulhi.u32 $0x66666667, s12;
	s4 =	sshra.s32 s12, $0x1F  }
0x390: {  	s7 =	sshrl.u32 s18, $0x1F;
	s26 =	spop (v2sf);
	s4 =	smul.u32 $0x66666667, s4  }
0x391: {  	s20 =	sadd.s32 s31, s30;
	s23 =	smulhi.u32 $0x66666667, s26;
	s6 =	sshra.s32 s26, $0x1F  }
0x392: {  	s28 =	spop (v2sf);
	s24 =	sadd.s32 s1, s10;
	s0 =	smul.u32 $0x66666667, s6  }
0x393: {  	s9 =	smulhi.u32 $0x66666667, s28;
	s6 =	sshra.s32 s28, $0x1F;
	s29 =	spop (v2sf)  }
0x394: {  	s21 =	sadd.s32 s2, s22;
	s1 =	smul.u32 $0x66666667, s6;
	s30 =	spop (v2sf)  }
0x395: {  	s8 =	smulhi.u32 $0x66666667, s29;
	s31 =	sshra.s32 s29, $0x1F;
	s26 =	spop (v2sf)  }
0x396: {  	s22 =	sadd.s32 s4, s13;
	s2 =	smul.u32 $0x66666667, s31;
	s10 =	spop (v2sf)  }
0x397: {  	s28 =	smulhi.u32 $0x66666667, s30;
	s6 =	sshra.s32 s30, $0x1F;
	s29 =	spop (v2sf)  }
0x398: {  	s0 =	sadd.s32 s0, s23;
	s13 =	smul.u32 $0x66666667, s6;
	s30 =	spop (v2sf)  }
0x399: {  	v10 =	vmov s3;
	s3 =	sshrl.u32 s22, $0x1F;
	s31 =	smulhi.u32 $0x66666667, s30;
	s6 =	sshra.s32 s30, $0x1F  }
0x39a: {  	s1 =	sadd.s32 s1, s9;
	s9 =	sshrl.u32 s20, $0x1F;
	s6 =	smul.u32 $0x66666667, s6  }
0x39b: {  	s2 =	sadd.s32 s2, s8;
	s8 =	sshrl.u32 s0, $0x1F;
	s12 =	sshrl.u32 s1, $0x1F  }
0x39c: {  	v6 =	vsel vm0, s25, v10;
	s25 =	sshra.s32 s1, $0x2;
	s1 =	sshra.s32 s1, $0x1F;
	s23 =	sadd.s32 s6, s31  }
0x39d: {  	v6 =	vsel vm1, s5, v6;
	s4 =	sadd.s32 s13, s28;
	s28 =	smulhi.u32 $0x66666667, s26;
	s31 =	sshra.s32 s23, $0x1F  }
0x39e: {  	vm8 =	vcmask $0x1F1C;
	v6 =	vsel vm2, s7, v6;
	s26 =	sshra.s32 s26, $0x1F;
	s13 =	sshra.s32 s0, $0x2;
	s7 =	smulhi.u32 $0x66666667, s29;
	v5 =	vmov s31  }
0x39f: {  	vm12 =	vcmask $0x1714;
	v11 =	vmov s8;
	s8 =	sshrl.u32 s2, $0x1F;
	s0 =	sshra.s32 s0, $0x1F;
	s6 =	smul.u32 $0x66666667, s26;
	v5 =	vsel vm3, s13, v5  }
0x3a0: {  	vm11 =	vmmov vm15;
	v7 =	vnsel vm3, $0x0, v11;
	s30 =	sshrl.u32 s21, $0x1F;
	s5 =	sshrl.u32 s4, $0x1F;
	s26 =	sshrl.u32 s24, $0x1F;
	v5 =	vsel vm14, s0, v5  }
0x3a1: {  	v7 =	vsel vm0, s12, v7;
	v12 =	vmov s26;
	s31 =	smulhi.u32 $0x66666667, s10;
	s6 =	sadd.s32 s6, s28;
	s28 =	sshra.s32 s19, $0x2;
	v5 =	vsel vm0, s25, v5  }
0x3a2: {  	v7 =	vsel vm1, s8, v7;
	v8 =	vsel vm0, s9, v12;
	s13 =	sshra.s32 s10, $0x1F;
	s9 =	sshrl.u32 s6, $0x1F;
	s25 =	sshra.s32 s2, $0x2;
	v5 =	vsel vm11, s1, v5  }
0x3a3: {  	vm15 =	vcmask $0x2724;
	v7 =	vsel vm2, s5, v7;
	s0 =	smul.u32 $0x66666667, s13;
	s13 =	sshra.s32 s29, $0x1F;
	s2 =	sshra.s32 s2, $0x1F;
	v5 =	vsel vm1, s25, v5  }
0x3a4: {  	s10 =	sshra.s32 s4, $0x2;
	v8 =	vsel vm1, s30, v8;
	s26 =	sshra.s32 s6, $0x2;
	v13 =	vmov s28;
	s29 =	smul.u32 $0x66666667, s13;
	v5 =	vsel vm12, s2, v5  }
0x3a5: {  	v7 =	vsel vm4, s9, v7;
	v8 =	vsel vm2, s3, v8;
	s13 =	sshra.s32 s4, $0x1F;
	s0 =	sadd.s32 s0, s31;
	s31 =	sshra.s32 s16, $0x2;
	v5 =	vsel vm2, s10, v5  }
0x3a6: {  	v6 =	vcombine.low v8, v6;
	s12 =	sshrl.u32 s0, $0x1F;
	s5 =	sadd.s32 s29, s7;
	s29 =	sshra.s32 s24, $0x2;
	v8 =	vsel vm0, s31, v13;
	v5 =	vsel vm8, s13, v5  }
0x3a7: {  	s8 =	sshra.s32 s17, $0x2;
	s30 =	sshra.s32 s6, $0x1F;
	v7 =	vsel vm5, s12, v7;
	v14 =	vmov s29;
	v5 =	vsel vm4, s26, v5  }
0x3a8: {  	s6 =	sshra.s32 s20, $0x2;
	s7 =	sshra.s32 s0, $0x2;
	s25 =	sshrl.u32 s5, $0x1F;
	v8 =	vsel vm1, s8, v8;
	vm12 =	vcmask $0x2F2C;
	v5 =	vsel vm15, s30, v5  }
0x3a9: {  	s9 =	sshra.s32 s21, $0x2;
	s0 =	sshra.s32 s0, $0x1F;
	v7 =	vsel vm6, s25, v7;
	v9 =	vsel vm0, s6, v14;
	s10 =	sshra.s32 s18, $0x2;
	v5 =	vsel vm5, s7, v5  }
0x3aa: {  	s12 =	sshra.s32 s22, $0x2;
	v9 =	vsel vm1, s9, v9;
	s13 =	sshra.s32 s5, $0x2;
	v8 =	vsel vm2, s10, v8;
	v5 =	vsel vm12, s0, v5  }
0x3ab: {  	s16 =	sshrl.u32 s23, $0x1F;
	s17 =	sshra.s32 s5, $0x1F;
	vm8 =	vcmask $0x3734;
	v9 =	vsel vm2, s12, v9;
	v5 =	vsel vm6, s13, v5  }
0x3ac: {  	s18 =	sshra.s32 s23, $0x2;
	v7 =	vsel vm7, s16, v7;
	v8 =	vcombine.low v9, v8;
	v5 =	vsel vm8, s17, v5  }
0x3ad: {  	v6 =	vperm.xlane v6, v2;
	v7 =	vperm.xlane v7, v3;
	v5 =	vsel vm7, s18, v5  }
0x3ae: {  	v8 =	vperm.xlane v8, v2;
	v5 =	vperm.xlane v5, v3;
	_ =	sdelay $0x1  }
0x3af: {  	v6 =	vsel vm13, v7, v6;
	v5 =	vsel vm13, v5, v8  }
0x3b0: {  	v6 =	vadd.s32 v6, v5  }
0x3b1: {  	v5 =	vmul.u32 $0xFFFFFFF6, v6;
	_ =	sdelay $0x1  }
0x3b2: {  	v5 =	vadd.s32 v4, v5  }
0x3b3: {  	vm10 =	vlt.s32 v4, $0x1;
	vm9 =	vne.s32 v5, $0x0  }
0x3b4: {  	vm9 =	vmand vm10, vm9  }
0x3b5: {  	v15 =	vsel vm9, $0xFFFFFFFF, v0  }
0x3b6: {  	v7 =	vadd.s32 v15, v6  }
0x3b7: {  	(v2sf) =	vpush v7, $0xD;
	_ =	sdelay $0x1  }
0x3b8: {  	(v2sf) =	vpush v7, $0xC;
	_ =	sdelay $0x1  }
0x3b9: {  	(v2sf) =	vpush v7, $0xE;
	_ =	sdelay $0x1  }
0x3ba: {  	(v2sf) =	vpush v7, $0xF;
	_ =	sdelay $0x1  }
0x3bb: {  	(v2sf) =	vpush v7, $0x9;
	_ =	sdelay $0x1  }
0x3bc: {  	(v2sf) =	vpush v7, $0x8;
	_ =	sdelay $0x1  }
0x3bd: {  	(v2sf) =	vpush v7, $0xA;
	_ =	sdelay $0x1  }
0x3be: {  	(v2sf) =	vpush v7, $0xB  }
0x3bf: {  	s19 =	spop (v2sf)  }
0x3c0: {  	(v2sf) =	vpush v7, $0x0;
	s20 =	smulhi.u32 $0x66666667, s19;
	s0 =	sshra.s32 s19, $0x1F  }
0x3c1: {  	s21 =	spop (v2sf);
	s0 =	smul.u32 $0x66666667, s0  }
0x3c2: {  	(v2sf) =	vpush v7, $0x1;
	s22 =	smulhi.u32 $0x66666667, s21;
	s2 =	sshra.s32 s21, $0x1F  }
0x3c3: {  	(v2sf) =	vpush v7, $0x2;
	s23 =	spop (v2sf);
	s2 =	smul.u32 $0x66666667, s2  }
0x3c4: {  	(v2sf) =	vpush v7, $0x3;
	s24 =	smulhi.u32 $0x66666667, s23;
	s4 =	sshra.s32 s23, $0x1F  }
0x3c5: {  	(v2sf) =	vpush v7, $0x4;
	s26 =	spop (v2sf);
	s4 =	smul.u32 $0x66666667, s4  }
0x3c6: {  	(v2sf) =	vpush v7, $0x5;
	s28 =	smulhi.u32 $0x66666667, s26;
	s6 =	sshra.s32 s26, $0x1F  }
0x3c7: {  	(v2sf) =	vpush v7, $0x6;
	s29 =	spop (v2sf);
	s6 =	smul.u32 $0x66666667, s6  }
0x3c8: {  	(v2sf) =	vpush v7, $0x7;
	s30 =	smulhi.u32 $0x66666667, s29;
	s8 =	sshra.s32 s29, $0x1F  }
0x3c9: {  	s31 =	smul.u32 $0x66666667, s8;
	s8 =	spop (v2sf)  }
0x3ca: {  	s16 =	sadd.s32 s0, s20;
	s10 =	smulhi.u32 $0x66666667, s8;
	s1 =	sshra.s32 s8, $0x1F  }
0x3cb: {  	s25 =	sshrl.u32 s16, $0x1F;
	s21 =	spop (v2sf);
	s1 =	smul.u32 $0x66666667, s1  }
0x3cc: {  	s19 =	sadd.s32 s2, s22;
	s22 =	smulhi.u32 $0x66666667, s21;
	s2 =	sshra.s32 s21, $0x1F  }
0x3cd: {  	s3 =	sshrl.u32 s19, $0x1F;
	s12 =	spop (v2sf);
	s2 =	smul.u32 $0x66666667, s2  }
0x3ce: {  	s17 =	sadd.s32 s4, s24;
	s13 =	smulhi.u32 $0x66666667, s12;
	s4 =	sshra.s32 s12, $0x1F  }
0x3cf: {  	s5 =	sshrl.u32 s17, $0x1F;
	s26 =	spop (v2sf);
	s4 =	smul.u32 $0x66666667, s4  }
0x3d0: {  	s18 =	sadd.s32 s6, s28;
	s23 =	smulhi.u32 $0x66666667, s26;
	s6 =	sshra.s32 s26, $0x1F  }
0x3d1: {  	s20 =	sadd.s32 s31, s30;
	s28 =	spop (v2sf);
	s0 =	smul.u32 $0x66666667, s6  }
0x3d2: {  	s9 =	smulhi.u32 $0x66666667, s28;
	s6 =	sshra.s32 s28, $0x1F;
	s29 =	spop (v2sf)  }
0x3d3: {  	s24 =	sadd.s32 s1, s10;
	s1 =	smul.u32 $0x66666667, s6;
	s30 =	spop (v2sf)  }
0x3d4: {  	s8 =	smulhi.u32 $0x66666667, s29;
	s31 =	sshra.s32 s29, $0x1F;
	s26 =	spop (v2sf)  }
0x3d5: {  	s21 =	sadd.s32 s2, s22;
	s2 =	smul.u32 $0x66666667, s31;
	s10 =	spop (v2sf)  }
0x3d6: {  	s28 =	smulhi.u32 $0x66666667, s30;
	s6 =	sshra.s32 s30, $0x1F;
	s29 =	spop (v2sf)  }
0x3d7: {  	s22 =	sadd.s32 s4, s13;
	s13 =	smul.u32 $0x66666667, s6;
	s30 =	spop (v2sf)  }
0x3d8: {  	s7 =	sshrl.u32 s18, $0x1F;
	s31 =	smulhi.u32 $0x66666667, s30;
	s6 =	sshra.s32 s30, $0x1F  }
0x3d9: {  	v17 =	vmov s3;
	s0 =	sadd.s32 s0, s23;
	s3 =	sshrl.u32 s22, $0x1F;
	s6 =	smul.u32 $0x66666667, s6  }
0x3da: {  	s1 =	sadd.s32 s1, s9;
	s9 =	sshrl.u32 s20, $0x1F;
	s2 =	sadd.s32 s2, s8  }
0x3db: {  	s8 =	sshrl.u32 s0, $0x1F;
	s12 =	sshrl.u32 s1, $0x1F;
	s23 =	sadd.s32 s6, s31  }
0x3dc: {  	v8 =	vsel vm0, s25, v17;
	s25 =	sshra.s32 s1, $0x2;
	s1 =	sshra.s32 s1, $0x1F;
	s31 =	sshra.s32 s23, $0x1F  }
0x3dd: {  	v8 =	vsel vm1, s5, v8;
	s4 =	sadd.s32 s13, s28;
	s28 =	smulhi.u32 $0x66666667, s26;
	s13 =	sshra.s32 s0, $0x2;
	v16 =	vmov s31  }
0x3de: {  	v8 =	vsel vm2, s7, v8;
	v18 =	vmov s8;
	s26 =	sshra.s32 s26, $0x1F;
	s0 =	sshra.s32 s0, $0x1F;
	s7 =	smulhi.u32 $0x66666667, s29;
	v6 =	vsel vm3, s13, v16  }
0x3df: {  	vm15 =	vmmov vm14;
	s8 =	sshrl.u32 s2, $0x1F;
	v9 =	vnsel vm3, $0x0, v18;
	s30 =	sshrl.u32 s21, $0x1F;
	s6 =	smul.u32 $0x66666667, s26;
	v6 =	vsel vm14, s0, v6  }
0x3e0: {  	vm9 =	vcmask $0x1F1C;
	v9 =	vsel vm0, s12, v9;
	s5 =	sshrl.u32 s4, $0x1F;
	s26 =	sshrl.u32 s24, $0x1F;
	s31 =	smulhi.u32 $0x66666667, s10;
	v6 =	vsel vm0, s25, v6  }
0x3e1: {  	v9 =	vsel vm1, s8, v9;
	v19 =	vmov s26;
	s6 =	sadd.s32 s6, s28;
	s28 =	sshra.s32 s19, $0x2;
	s25 =	sshra.s32 s2, $0x2;
	v6 =	vsel vm11, s1, v6  }
0x3e2: {  	v10 =	vsel vm0, s9, v19;
	s13 =	sshra.s32 s10, $0x1F;
	s9 =	sshrl.u32 s6, $0x1F;
	vm14 =	vcmask $0x1714;
	s2 =	sshra.s32 s2, $0x1F;
	v6 =	vsel vm1, s25, v6  }
0x3e3: {  	v9 =	vsel vm2, s5, v9;
	s10 =	sshra.s32 s4, $0x2;
	v10 =	vsel vm1, s30, v10;
	s0 =	smul.u32 $0x66666667, s13;
	s13 =	sshra.s32 s29, $0x1F;
	v6 =	vsel vm14, s2, v6  }
0x3e4: {  	s26 =	sshra.s32 s6, $0x2;
	v20 =	vmov s28;
	v10 =	vsel vm2, s3, v10;
	s29 =	smul.u32 $0x66666667, s13;
	s13 =	sshra.s32 s4, $0x1F;
	v6 =	vsel vm2, s10, v6  }
0x3e5: {  	s30 =	sshra.s32 s6, $0x1F;
	v9 =	vsel vm4, s9, v9;
	v8 =	vcombine.low v10, v8;
	s0 =	sadd.s32 s0, s31;
	s31 =	sshra.s32 s16, $0x2;
	v6 =	vsel vm9, s13, v6  }
0x3e6: {  	s12 =	sshrl.u32 s0, $0x1F;
	s5 =	sadd.s32 s29, s7;
	s29 =	sshra.s32 s24, $0x2;
	v10 =	vsel vm0, s31, v20;
	vm9 =	vcmask $0x2724;
	v6 =	vsel vm4, s26, v6  }
0x3e7: {  	s8 =	sshra.s32 s17, $0x2;
	s6 =	sshra.s32 s20, $0x2;
	s7 =	sshra.s32 s0, $0x2;
	v9 =	vsel vm5, s12, v9;
	v21 =	vmov s29;
	v6 =	vsel vm9, s30, v6  }
0x3e8: {  	s9 =	sshra.s32 s21, $0x2;
	s0 =	sshra.s32 s0, $0x1F;
	s25 =	sshrl.u32 s5, $0x1F;
	v10 =	vsel vm1, s8, v10;
	v11 =	vsel vm0, s6, v21;
	v6 =	vsel vm5, s7, v6  }
0x3e9: {  	s12 =	sshra.s32 s22, $0x2;
	v9 =	vsel vm6, s25, v9;
	s10 =	sshra.s32 s18, $0x2;
	v11 =	vsel vm1, s9, v11;
	s13 =	sshra.s32 s5, $0x2;
	v6 =	vsel vm12, s0, v6  }
0x3ea: {  	s16 =	sshrl.u32 s23, $0x1F;
	s17 =	sshra.s32 s5, $0x1F;
	v10 =	vsel vm2, s10, v10;
	v11 =	vsel vm2, s12, v11;
	v6 =	vsel vm6, s13, v6  }
0x3eb: {  	s18 =	sshra.s32 s23, $0x2;
	v9 =	vsel vm7, s16, v9;
	v10 =	vcombine.low v11, v10;
	v6 =	vsel vm8, s17, v6  }
0x3ec: {  	v8 =	vperm.xlane v8, v2;
	v9 =	vperm.xlane v9, v3;
	v6 =	vsel vm7, s18, v6  }
0x3ed: {  	v10 =	vperm.xlane v10, v2;
	v6 =	vperm.xlane v6, v3;
	_ =	sdelay $0x1  }
0x3ee: {  	v8 =	vsel vm13, v9, v8;
	v6 =	vsel vm13, v6, v10  }
0x3ef: {  	v8 =	vadd.s32 v8, v6  }
0x3f0: {  	v6 =	vmul.u32 $0xFFFFFFF6, v8;
	_ =	sdelay $0x1  }
0x3f1: {  	v6 =	vadd.s32 v7, v6  }
0x3f2: {  	vm10 =	vlt.s32 v7, $0x1;
	vm9 =	vne.s32 v6, $0x0  }
0x3f3: {  	vm9 =	vmand vm10, vm9  }
0x3f4: {  	v22 =	vsel vm9, $0xFFFFFFFF, v0  }
0x3f5: {  	v8 =	vadd.s32 v22, v8  }
0x3f6: {  	(v2sf) =	vpush v8, $0xD;
	_ =	sdelay $0x1  }
0x3f7: {  	(v2sf) =	vpush v8, $0xC;
	_ =	sdelay $0x1  }
0x3f8: {  	(v2sf) =	vpush v8, $0xE;
	_ =	sdelay $0x1  }
0x3f9: {  	(v2sf) =	vpush v8, $0xF;
	_ =	sdelay $0x1  }
0x3fa: {  	(v2sf) =	vpush v8, $0x9;
	_ =	sdelay $0x1  }
0x3fb: {  	(v2sf) =	vpush v8, $0x8;
	_ =	sdelay $0x1  }
0x3fc: {  	(v2sf) =	vpush v8, $0xA;
	_ =	sdelay $0x1  }
0x3fd: {  	(v2sf) =	vpush v8, $0xB  }
0x3fe: {  	s19 =	spop (v2sf)  }
0x3ff: {  	(v2sf) =	vpush v8, $0x0;
	s20 =	smulhi.u32 $0x66666667, s19;
	s0 =	sshra.s32 s19, $0x1F  }
0x400: {  	s21 =	spop (v2sf);
	s0 =	smul.u32 $0x66666667, s0  }
0x401: {  	(v2sf) =	vpush v8, $0x1;
	s22 =	smulhi.u32 $0x66666667, s21;
	s2 =	sshra.s32 s21, $0x1F  }
0x402: {  	(v2sf) =	vpush v8, $0x2;
	s23 =	spop (v2sf);
	s2 =	smul.u32 $0x66666667, s2  }
0x403: {  	(v2sf) =	vpush v8, $0x3;
	s24 =	smulhi.u32 $0x66666667, s23;
	s4 =	sshra.s32 s23, $0x1F  }
0x404: {  	(v2sf) =	vpush v8, $0x4;
	s26 =	spop (v2sf);
	s4 =	smul.u32 $0x66666667, s4  }
0x405: {  	(v2sf) =	vpush v8, $0x5;
	s28 =	smulhi.u32 $0x66666667, s26;
	s6 =	sshra.s32 s26, $0x1F  }
0x406: {  	s29 =	spop (v2sf);
	(v2sf) =	vpush v8, $0x6;
	s6 =	smul.u32 $0x66666667, s6  }
0x407: {  	s30 =	smulhi.u32 $0x66666667, s29;
	s8 =	sshra.s32 s29, $0x1F;
	(v2sf) =	vpush v8, $0x7  }
0x408: {  	s16 =	sadd.s32 s0, s20;
	s31 =	smul.u32 $0x66666667, s8;
	s8 =	spop (v2sf)  }
0x409: {  	s25 =	sshrl.u32 s16, $0x1F;
	s10 =	smulhi.u32 $0x66666667, s8;
	s1 =	sshra.s32 s8, $0x1F  }
0x40a: {  	s19 =	sadd.s32 s2, s22;
	s21 =	spop (v2sf);
	s1 =	smul.u32 $0x66666667, s1  }
0x40b: {  	s3 =	sshrl.u32 s19, $0x1F;
	s22 =	smulhi.u32 $0x66666667, s21;
	s2 =	sshra.s32 s21, $0x1F  }
0x40c: {  	s17 =	sadd.s32 s4, s24;
	s12 =	spop (v2sf);
	s2 =	smul.u32 $0x66666667, s2  }
0x40d: {  	s19 =	sshra.s32 s19, $0x2;
	s13 =	smulhi.u32 $0x66666667, s12;
	s4 =	sshra.s32 s12, $0x1F  }
0x40e: {  	s5 =	sshrl.u32 s17, $0x1F;
	s26 =	spop (v2sf);
	s4 =	smul.u32 $0x66666667, s4  }
0x40f: {  	s18 =	sadd.s32 s6, s28;
	s23 =	smulhi.u32 $0x66666667, s26;
	s6 =	sshra.s32 s26, $0x1F  }
0x410: {  	s20 =	sadd.s32 s31, s30;
	s28 =	spop (v2sf);
	s0 =	smul.u32 $0x66666667, s6  }
0x411: {  	s9 =	smulhi.u32 $0x66666667, s28;
	s6 =	sshra.s32 s28, $0x1F;
	s29 =	spop (v2sf)  }
0x412: {  	s24 =	sadd.s32 s1, s10;
	s1 =	smul.u32 $0x66666667, s6;
	s30 =	spop (v2sf)  }
0x413: {  	s8 =	smulhi.u32 $0x66666667, s29;
	s31 =	sshra.s32 s29, $0x1F;
	s26 =	spop (v2sf)  }
0x414: {  	s21 =	sadd.s32 s2, s22;
	s2 =	smul.u32 $0x66666667, s31;
	s10 =	spop (v2sf)  }
0x415: {  	s28 =	smulhi.u32 $0x66666667, s30;
	s6 =	sshra.s32 s30, $0x1F;
	s29 =	spop (v2sf)  }
0x416: {  	s22 =	sadd.s32 s4, s13;
	s13 =	smul.u32 $0x66666667, s6;
	s30 =	spop (v2sf)  }
0x417: {  	s7 =	sshrl.u32 s18, $0x1F;
	s31 =	smulhi.u32 $0x66666667, s30;
	s6 =	sshra.s32 s30, $0x1F  }
0x418: {  	s0 =	sadd.s32 s0, s23;
	s1 =	sadd.s32 s1, s9;
	s6 =	smul.u32 $0x66666667, s6  }
0x419: {  	v24 =	vmov s3;
	s3 =	sshrl.u32 s22, $0x1F;
	s9 =	sshrl.u32 s20, $0x1F;
	s12 =	sshrl.u32 s1, $0x1F  }
0x41a: {  	s2 =	sadd.s32 s2, s8;
	s8 =	sshrl.u32 s0, $0x1F;
	s23 =	sadd.s32 s6, s31  }
0x41b: {  	v9 =	vsel vm0, s25, v24;
	s25 =	sshra.s32 s1, $0x2;
	s1 =	sshra.s32 s1, $0x1F;
	v25 =	vmov s8;
	s31 =	sshra.s32 s23, $0x1F  }
0x41c: {  	s4 =	sadd.s32 s13, s28;
	s28 =	smulhi.u32 $0x66666667, s26;
	s13 =	sshra.s32 s0, $0x2;
	v10 =	vnsel vm3, $0x0, v25;
	v23 =	vmov s31  }
0x41d: {  	s26 =	sshra.s32 s26, $0x1F;
	s0 =	sshra.s32 s0, $0x1F;
	v10 =	vsel vm0, s12, v10;
	s12 =	smulhi.u32 $0x66666667, s29;
	v7 =	vsel vm3, s13, v23  }
0x41e: {  	s8 =	sshrl.u32 s2, $0x1F;
	s30 =	sshrl.u32 s21, $0x1F;
	s6 =	smul.u32 $0x66666667, s26;
	v7 =	vsel vm15, s0, v7  }
0x41f: {  	vm9 =	vcmask $0x1F1C;
	v9 =	vsel vm1, s5, v9;
	s5 =	sshrl.u32 s4, $0x1F;
	s31 =	smulhi.u32 $0x66666667, s10;
	s13 =	sshra.s32 s10, $0x1F;
	v7 =	vsel vm0, s25, v7  }
0x420: {  	v27 =	vmov s19;
	v9 =	vsel vm2, s7, v9;
	s26 =	sshrl.u32 s24, $0x1F;
	s0 =	smul.u32 $0x66666667, s13;
	s25 =	sshra.s32 s2, $0x2;
	v7 =	vsel vm11, s1, v7  }
0x421: {  	v10 =	vsel vm1, s8, v10;
	s24 =	sshra.s32 s24, $0x2;
	v26 =	vmov s26;
	s6 =	sadd.s32 s6, s28;
	s28 =	sshra.s32 s2, $0x1F;
	v7 =	vsel vm1, s25, v7  }
0x422: {  	v10 =	vsel vm2, s5, v10;
	v11 =	vsel vm0, s9, v26;
	s13 =	sshra.s32 s29, $0x1F;
	s0 =	sadd.s32 s0, s31;
	s31 =	sshra.s32 s4, $0x2;
	v7 =	vsel vm14, s28, v7  }
0x423: {  	v28 =	vmov s24;
	v11 =	vsel vm1, s30, v11;
	s10 =	sshra.s32 s4, $0x1F;
	s29 =	sshrl.u32 s6, $0x1F;
	s26 =	smul.u32 $0x66666667, s13;
	v7 =	vsel vm2, s31, v7  }
0x424: {  	v11 =	vsel vm2, s3, v11;
	v10 =	vsel vm4, s29, v10;
	s13 =	sshra.s32 s6, $0x2;
	s5 =	sshrl.u32 s0, $0x1F;
	v7 =	vsel vm9, s10, v7  }
0x425: {  	v9 =	vcombine.low v11, v9;
	s9 =	sadd.s32 s26, s12;
	s25 =	sshra.s32 s6, $0x1F;
	s26 =	sshra.s32 s16, $0x2;
	vm9 =	vcmask $0x2724;
	v7 =	vsel vm4, s13, v7  }
0x426: {  	s29 =	sshra.s32 s0, $0x2;
	v10 =	vsel vm5, s5, v10;
	s12 =	sshrl.u32 s9, $0x1F;
	s28 =	sshra.s32 s20, $0x2;
	v11 =	vsel vm0, s26, v27;
	v7 =	vsel vm9, s25, v7  }
0x427: {  	s30 =	sshra.s32 s17, $0x2;
	s0 =	sshra.s32 s0, $0x1F;
	v10 =	vsel vm6, s12, v10;
	v12 =	vsel vm0, s28, v28;
	s31 =	sshra.s32 s21, $0x2;
	v7 =	vsel vm5, s29, v7  }
0x428: {  	s3 =	sshra.s32 s18, $0x2;
	s4 =	sshra.s32 s22, $0x2;
	s6 =	sshra.s32 s9, $0x2;
	v11 =	vsel vm1, s30, v11;
	v12 =	vsel vm1, s31, v12;
	v7 =	vsel vm12, s0, v7  }
0x429: {  	s7 =	sshrl.u32 s23, $0x1F;
	s8 =	sshra.s32 s9, $0x1F;
	v11 =	vsel vm2, s3, v11;
	v12 =	vsel vm2, s4, v12;
	v7 =	vsel vm6, s6, v7  }
0x42a: {  	s9 =	sshra.s32 s23, $0x2;
	v10 =	vsel vm7, s7, v10;
	v11 =	vcombine.low v12, v11;
	v7 =	vsel vm8, s8, v7  }
0x42b: {  	v9 =	vperm.xlane v9, v2;
	v10 =	vperm.xlane v10, v3;
	v7 =	vsel vm7, s9, v7  }
0x42c: {  	v11 =	vperm.xlane v11, v2;
	v7 =	vperm.xlane v7, v3;
	_ =	sdelay $0x1  }
0x42d: {  	v9 =	vsel vm13, v10, v9;
	v7 =	vsel vm13, v7, v11  }
0x42e: {  	v9 =	vadd.s32 v9, v7  }
0x42f: {  	v7 =	vmul.u32 $0xFFFFFFF6, v9;
	_ =	sdelay $0x1  }
0x430: {  	v7 =	vadd.s32 v8, v7  }
0x431: {  	vm10 =	vlt.s32 v8, $0x1;
	vm9 =	vne.s32 v7, $0x0  }
0x432: {  	vm9 =	vmand vm10, vm9  }
0x433: {  	v29 =	vsel vm9, $0xFFFFFFFF, v0  }
0x434: {  	v8 =	vadd.s32 v29, v9  }
0x435: {  	(v2sf) =	vpush v8, $0xD;
	_ =	sdelay $0x1  }
0x436: {  	(v2sf) =	vpush v8, $0xC;
	_ =	sdelay $0x1  }
0x437: {  	(v2sf) =	vpush v8, $0xE;
	_ =	sdelay $0x1  }
0x438: {  	(v2sf) =	vpush v8, $0xF;
	_ =	sdelay $0x1  }
0x439: {  	(v2sf) =	vpush v8, $0x9;
	_ =	sdelay $0x1  }
0x43a: {  	(v2sf) =	vpush v8, $0x8;
	_ =	sdelay $0x1  }
0x43b: {  	(v2sf) =	vpush v8, $0xA  }
0x43c: {  	(v2sf) =	vpush v8, $0xB;
	_ =	sdelay $0x1  }
0x43d: {  	(v2sf) =	vpush v8, $0x0;
	s10 =	spop (v2sf)  }
0x43e: {  	(v2sf) =	vpush v8, $0x1;
	s1 =	smulhi.u32 $0x66666667, s10;
	s0 =	sshra.s32 s10, $0x1F  }
0x43f: {  	s12 =	spop (v2sf);
	s0 =	smul.u32 $0x66666667, s0  }
0x440: {  	(v2sf) =	vpush v8, $0x2;
	s3 =	smulhi.u32 $0x66666667, s12;
	s2 =	sshra.s32 s12, $0x1F  }
0x441: {  	(v2sf) =	vpush v8, $0x3;
	s13 =	spop (v2sf);
	s2 =	smul.u32 $0x66666667, s2  }
0x442: {  	s6 =	smulhi.u32 $0x66666667, s13;
	s4 =	sshra.s32 s13, $0x1F  }
0x443: {  	s16 =	spop (v2sf);
	s4 =	smul.u32 $0x66666667, s4  }
0x444: {  	s9 =	smulhi.u32 $0x66666667, s16;
	s5 =	sshra.s32 s16, $0x1F  }
0x445: {  	(v2sf) =	vpush v8, $0x4;
	s17 =	spop (v2sf);
	s5 =	smul.u32 $0x66666667, s5  }
0x446: {  	(v2sf) =	vpush v8, $0x5;
	s12 =	smulhi.u32 $0x66666667, s17;
	s7 =	sshra.s32 s17, $0x1F  }
0x447: {  	(v2sf) =	vpush v8, $0x6;
	s18 =	spop (v2sf);
	s7 =	smul.u32 $0x66666667, s7  }
0x448: {  	(v2sf) =	vpush v8, $0x7;
	s21 =	smulhi.u32 $0x66666667, s18;
	s8 =	sshra.s32 s18, $0x1F  }
0x449: {  	s17 =	sadd.s32 s0, s1;
	s19 =	spop (v2sf);
	s8 =	smul.u32 $0x66666667, s8  }
0x44a: {  	s20 =	spop (v2sf);
	s29 =	smulhi.u32 $0x66666667, s19;
	s10 =	sshra.s32 s19, $0x1F  }
0x44b: {  	s19 =	sadd.s32 s2, s3;
	s3 =	sshrl.u32 s17, $0x1F;
	s10 =	smul.u32 $0x66666667, s10  }
0x44c: {  	s22 =	spop (v2sf);
	s31 =	smulhi.u32 $0x66666667, s20;
	s16 =	sshra.s32 s20, $0x1F  }
0x44d: {  	s13 =	sshrl.u32 s19, $0x1F;
	s23 =	spop (v2sf);
	s0 =	smul.u32 $0x66666667, s16  }
0x44e: {  	s1 =	smulhi.u32 $0x66666667, s22;
	s18 =	sshra.s32 s22, $0x1F;
	s16 =	sadd.s32 s5, s9  }
0x44f: {  	s24 =	spop (v2sf);
	s2 =	smul.u32 $0x66666667, s18;
	s18 =	sadd.s32 s4, s6  }
0x450: {  	s4 =	smulhi.u32 $0x66666667, s23;
	s22 =	sshra.s32 s23, $0x1F;
	s28 =	spop (v2sf)  }
0x451: {  	s5 =	sshrl.u32 s18, $0x1F;
	s6 =	smul.u32 $0x66666667, s22;
	s22 =	sadd.s32 s7, s12  }
0x452: {  	s7 =	smulhi.u32 $0x66666667, s24;
	s23 =	sshra.s32 s24, $0x1F;
	s24 =	sadd.s32 s8, s21  }
0x453: {  	s8 =	sshrl.u32 s16, $0x1F;
	s21 =	sadd.s32 s10, s29;
	s9 =	smul.u32 $0x66666667, s23  }
0x454: {  	s20 =	sadd.s32 s0, s31;
	s30 =	spop (v2sf);
	s10 =	smulhi.u32 $0x66666667, s28  }
0x455: {  	s29 =	sshra.s32 s28, $0x1F;
	s1 =	sadd.s32 s2, s1;
	s26 =	spop (v2sf)  }
0x456: {  	v30 =	vmov s13;
	s28 =	sshrl.u32 s24, $0x1F;
	s0 =	smul.u32 $0x66666667, s29;
	s25 =	spop (v2sf)  }
0x457: {  	vm10 =	vgt.s32 v4, $0x63;
	v9 =	vsel vm0, s3, v30;
	s2 =	sadd.s32 s6, s4;
	s31 =	smulhi.u32 $0x66666667, s30;
	s23 =	spop (v2sf)  }
0x458: {  	vm9 =	vgt.s32 v4, $0x9;
	v34 =	vsel vm10, $0x1, v0;
	v9 =	vsel vm1, s5, v9;
	s6 =	sshra.s32 s30, $0x1F;
	s13 =	smulhi.u32 $0x66666667, s23;
	s12 =	sshra.s32 s23, $0x1F  }
0x459: {  	v33 =	vsel vm9, $0x2, v1;
	v31 =	vmov s28;
	v9 =	vsel vm2, s8, v9;
	s8 =	sshrl.u32 s1, $0x1F;
	s28 =	sshra.s32 s1, $0x2;
	s29 =	smul.u32 $0x66666667, s12  }
0x45a: {  	vm9 =	vgt.s32 v4, $0x3E7;
	v12 =	vadd.s32 v34, v33;
	s1 =	sshra.s32 s1, $0x1F;
	s5 =	smul.u32 $0x66666667, s6;
	s23 =	sshrl.u32 s22, $0x1F  }
0x45b: {  	v36 =	vsel vm9, $0x1, v0;
	vm9 =	vgt.s32 v4, $0x270F;
	s3 =	sadd.s32 s9, s7;
	s30 =	smulhi.u32 $0x66666667, s26;
	v10 =	vsel vm0, s23, v31;
	s23 =	sadd.s32 s29, s13  }
0x45c: {  	vm8 =	vmmov vm15;
	v12 =	vadd.s32 v36, v12;
	v38 =	vsel vm9, $0x1, v0;
	s4 =	sadd.s32 s5, s31;
	s31 =	sshra.s32 s26, $0x1F;
	s12 =	sshra.s32 s23, $0x1F  }
0x45d: {  	vm9 =	vcmask $0x1F1C;
	v32 =	vmov s8;
	s8 =	sshra.s32 s2, $0x2;
	s6 =	sshra.s32 s19, $0x2;
	s7 =	smul.u32 $0x66666667, s31;
	v35 =	vmov s12  }
0x45e: {  	v12 =	vadd.s32 v38, v12;
	vm12 =	vmmov vm9;
	s0 =	sadd.s32 s0, s10;
	s9 =	sshrl.u32 s3, $0x1F;
	s5 =	sshrl.u32 s20, $0x1F;
	v14 =	vsel vm3, s28, v35  }
0x45f: {  	v39 =	vld [tilespmem:$0x1FFF0];
	v11 =	vnsel vm3, $0x0, v32;
	v41 =	vmov s6;
	s26 =	sadd.s32 s7, s30;
	s7 =	sshra.s32 s24, $0x2;
	s29 =	sshrl.u32 s2, $0x1F;
	v14 =	vsel vm15, s1, v14  }
0x460: {  	s10 =	smulhi.u32 $0x66666667, s25;
	s13 =	sshrl.u32 s21, $0x1F;
	s2 =	sshra.s32 s2, $0x1F;
	v42 =	vmov s7;
	v11 =	vsel vm0, s29, v11;
	v14 =	vsel vm0, s8, v14  }
0x461: {  	v10 =	vsel vm1, s13, v10;
	s13 =	sshra.s32 s3, $0x2;
	v4 =	vsel vm1, s9, v11;
	s12 =	sshra.s32 s25, $0x1F;
	s25 =	sshrl.u32 s0, $0x1F;
	v37 =	vsel vm11, s2, v14  }
0x462: {  	s3 =	sshra.s32 s3, $0x1F;
	v10 =	vsel vm2, s5, v10;
	v4 =	vsel vm2, s25, v4;
	s28 =	sshrl.u32 s4, $0x1F;
	s8 =	smul.u32 $0x66666667, s12;
	v11 =	vsel vm1, s13, v37  }
0x463: {  	s30 =	sshrl.u32 s26, $0x1F;
	s29 =	sshra.s32 s0, $0x2;
	v9 =	vcombine.low v10, v9;
	v4 =	vsel vm4, s28, v4;
	v11 =	vsel vm14, s3, v11  }
0x464: {  	s0 =	sshra.s32 s0, $0x1F;
	v4 =	vsel vm5, s30, v4;
	vm11 =	vnez.u8 v39;
	s1 =	sadd.s32 s8, s10;
	s10 =	sshra.s32 s22, $0x2;
	v11 =	vsel vm2, s29, v11  }
0x465: {  	s5 =	sshra.s32 s4, $0x2;
	v12 =	vnsel vm11, $0x0, v12;
	s31 =	sshrl.u32 s1, $0x1F;
	v13 =	vsel vm0, s10, v42;
	v11 =	vsel vm9, s0, v11  }
0x466: {  	s9 =	sshra.s32 s17, $0x2;
	s17 =	sshra.s32 s21, $0x2;
	s8 =	sshra.s32 s4, $0x1F;
	v4 =	vsel vm6, s31, v4;
	vm9 =	vcmask $0x2724;
	v40 =	vsel vm4, s5, v11  }
0x467: {  	s12 =	sshra.s32 s26, $0x2;
	v13 =	vsel vm1, s17, v13;
	vm15 =	vmmov vm9;
	v10 =	vsel vm9, s8, v40  }
0x468: {  	s20 =	sshra.s32 s20, $0x2;
	s13 =	sshra.s32 s18, $0x2;
	s18 =	sshra.s32 s26, $0x1F;
	v11 =	vsel vm0, s9, v41;
	vm9 =	vcmask $0x2F2C;
	v10 =	vsel vm5, s12, v10  }
0x469: {  	s19 =	sshra.s32 s16, $0x2;
	s21 =	sshra.s32 s1, $0x2;
	v13 =	vsel vm2, s20, v13;
	v11 =	vsel vm1, s13, v11;
	v10 =	vsel vm9, s18, v10  }
0x46a: {  	s22 =	sshrl.u32 s23, $0x1F;
	s24 =	sshra.s32 s1, $0x1F;
	v11 =	vsel vm2, s19, v11;
	vm9 =	vcmask $0x3734;
	v10 =	vsel vm6, s21, v10  }
0x46b: {  	s25 =	sshra.s32 s23, $0x2;
	(xrf0) =	vadd.scan.msk.s32 $0xffff, v12;
	v4 =	vsel vm7, s22, v4;
	v11 =	vcombine.low v13, v11;
	v10 =	vsel vm9, s24, v10  }
0x46c: {  	v9 =	vperm.xlane v9, v2;
	v4 =	vperm.xlane v4, v3;
	v10 =	vsel vm7, s25, v10  }
0x46d: {  	v11 =	vperm.xlane v11, v2;
	v10 =	vperm.xlane v10, v3  }
0x46e: {  	v47 =	vadd.s32 $0xA, v5;
	v52 =	vadd.s32 $0xA, v6;
	v48 =	vadd.s32 $0xA, v7  }
0x46f: {  	vm10 =	vlt.s32 v8, $0x1;
	v4 =	vsel vm13, v4, v9;
	v43 =	vsel vm13, v10, v11  }
0x470: {  	v51 =	vadd.s32 $0xFFFFFFFF, v12;
	v54 =	vadd.s32 $0xFFFFFFFE, v12;
	v4 =	vadd.s32 v4, v43  }
0x471: {  	v57 =	vadd.s32 $0xFFFFFFFD, v12;
	v17 =	vadd.s32 $0xFFFFFFFC, v12;
	v44, _, _ =	vpop (xrf0);
	v46 =	vmul.u32 $0xFFFFFFF6, v4  }
0x472: {  	s26 =	sadd.s32 s14, s15;
	v20 =	vadd.s32 $0xFFFFFFFB, v12;
	v45 =	vsub.s32 v44, v12;
	vm9 =	vlt.s32 v5, $0x0  }
0x473: {  	v9 =	vadd.s32 s26, v45;
	v5 =	vsel vm9, v47, v5;
	v10 =	vadd.s32 v8, v46  }
0x474: {  	v58 =	vnsel vm11, $0xFF, v9;
	v60 =	vadd.s32 $0x1, v9;
	vm9 =	vne.s32 v10, $0x0  }
0x475: {  	v18 =	vadd.s32 $0x2, v9;
	v50 =	vadd.s32 $0xA, v10;
	vm9 =	vmand vm10, vm9  }
0x476: {  	vm10 =	vlt.s32 v7, $0x0;
	v49 =	vsel vm9, $0xFFFFFFFF, v0;
	vm9 =	vlt.s32 v10, $0x0  }
0x477: {  	v10 =	vsel vm9, v50, v10;
	v4 =	vadd.s32 v49, v4;
	vm9 =	veq.s32 v51, $0x4  }
0x478: {  	v7 =	vsel vm10, v48, v7;
	v53 =	vsel vm9, v4, v5;
	vm9 =	veq.s32 v51, $0x3  }
0x479: {  	vm10 =	vlt.s32 v6, $0x0;
	v11 =	vsel vm9, v10, v53;
	vm9 =	veq.s32 v51, $0x2  }
0x47a: {  	v6 =	vsel vm10, v52, v6;
	v55 =	vsel vm9, v7, v11;
	vm9 =	veq.s32 v54, $0x4  }
0x47b: {  	vm10 =	veq.s32 v51, $0x1;
	v56 =	vsel vm9, v4, v5;
	vm9 =	veq.s32 v54, $0x3  }
0x47c: {  	v8 =	vsel vm10, v6, v55;
	vm10 =	veq.s32 v54, $0x2;
	v11 =	vsel vm9, v10, v56  }
0x47d: {  	vm9 =	veq.s32 v54, $0x1;
	v11 =	vsel vm10, v7, v11;
	vm10 =	vgt.u32 v12, $0x1  }
0x47e: {  	v11 =	vsel vm9, v6, v11;
	vm9 =	veq.s32 v57, $0x4;
	v16 =	vnsel vm10, $0xFF, v60  }
0x47f: {  	vm10 =	veq.s32 v17, $0x4;
	v59 =	vsel vm9, v4, v5;
	vm9 =	veq.s32 v57, $0x3  }
0x480: {  	v19 =	vsel vm10, v4, v5;
	v15 =	vsel vm9, v10, v59;
	vm9 =	veq.s32 v57, $0x2  }
0x481: {  	vm10 =	veq.s32 v17, $0x3;
	v15 =	vsel vm9, v7, v15;
	vm9 =	vgt.u32 v12, $0x2  }
0x482: {  	v19 =	vsel vm10, v10, v19;
	v18 =	vnsel vm9, $0xFF, v18;
	vm9 =	veq.s32 v20, $0x4  }
0x483: {  	v4 =	vsel vm9, v4, v5;
	vm9 =	vgt.u32 v12, $0x3;
	v5 =	vadd.s32 $0x3, v9  }
0x484: {  	vm10 =	vgt.u32 v12, $0x4;
	v9 =	vadd.s32 $0x4, v9;
	v5 =	vnsel vm9, $0xFF, v5  }
0x485: {  	vm9 =	veq.s32 v57, $0x1;
	v9 =	vnsel vm10, $0xFF, v9;
	vm10 =	veq.s32 v17, $0x2  }
0x486: {  	s28 =	rddreg [dreg:$0x6];
	[tilespmem:v58+s11+$0x0] =	vst.idx.msk $0xffff, v8;
	v61 =	vsel vm9, v6, v15;
	v62 =	vsel vm10, v7, v19;
	vm9 =	veq.s32 v20, $0x3  }
0x487: {  	s30 =	rddreg [dreg:$0xc];
	[tilespmem:v16+s11+$0x0] =	vst.idx.msk $0xffff, v11;
	vm10 =	veq.s32 v17, $0x1;
	v4 =	vsel vm9, v10, v4;
	vm9 =	veq.s32 v20, $0x2  }
0x488: {  	s31 =	rddreg [dreg:$0xc];
	v63 =	vsel vm10, v6, v62;
	[tilespmem:v18+s11+$0x0] =	vst.idx.msk $0xffff, v61;
	v4 =	vsel vm9, v7, v4;
	vm9 =	veq.s32 v20, $0x1  }
0x489: {  	s2 =	simm.s32 $0x2;
	s4 =	simm.s32 $0x80;
	p0 =	sne.s32 s31, $0x70;
	v4 =	vsel vm9, v6, v4;
	[tilespmem:v5+s11+$0x0] =	vst.idx.msk $0xffff, v63  }
.Ltmp0:
0x48a: {  	s29 =	rddreg [dreg:$0x7];
	s0 =	sadd.s32 s30, s28;
	[tilespmem:v9+s11+$0x0] =	vst.idx.msk $0xffff, v4;
	(pc) =	sbr.rel @p0 .LBB2_2-.Ltmp0, $4  }
0x48b: {  	[hbm4b:s0+s4] =	stream.strided.scatter [tilespmem:s11], [sflag:$0x2], $0x100, s29, s4, $0x38;
	[tilespmem:$0x1600] =	vst v63  }
0x48c: {  	_ =	swait.ge [sflag:s2], $0x100  }
0x48d: {  	[sflag:s2] =	ssyncset.done $0x0  }
0x48e: {  	s1 =	simm.s32 $0x0;
	s0 =	sadd.s32 $0x10, s31;
	[sflag:s2] =	ssyncadd.s32 $0xFFFFFF00  }
0x48f: {  	s3 =	rddreg [dreg:$0xb]  }
0x490: {  	s0 =	rddreg [dreg:$0xa];
	s3 =	sadd.s32 $0x1, s3  }
0x491: {  	p0 =	sne.s32 s3, s0  }
.Ltmp1:
0x492: {  	_ = 	snop;
	(pc) =	sbr.rel @p0 .LBB2_1-.Ltmp1, $1  }
0x493: {  	_ =	sdelay $0x3  }
0x494: {  	_ =	sfence.sel $0x180000  }
0x495: {  	[bflag:$0x0] =	sbarrier.arrive $0xFFFF  }
0x496: {  	_ =	strace $0x90000047  }
0x497: {  	s0 =	stileid.u32;
	[bflag:$0x2] =	sbarrier.arrive $0xFFFF  }
0x498: {  	p0 =	sne.s32 s0, $0x0;
	s0 =	rddreg [dreg:$0x3]  }
0x499: {  	s0 =	sadd.s32 @!p0 $0x100000, s0  }
0x49a: {  	[sflag:s0] =	ssyncadd.tile.s32 @!p0 $0x1;
	_ =	shalt  }
.Lfunc_end2:
_tile_overlayer_lowered:
.L_overlay_start_2:
0x49b: {  	(tag) =	ssettag $0x2  }
0x49c: {  	s0 =	rddreg [dreg:$0x0];
	s2 =	stileid.u32  }
0x49d: {  	s1 =	rddreg [dreg:$0x1];
	p0 =	sne.s32 s2, $0x0  }
0x49e: {  	s3 =	rddreg [dreg:$0x2];
	[bflag:$0x3] =	sbarrier.arrive $0xFFFF;
	s2 =	simm.s32 @!p0 $0x1C02  }
0x49f: {  	[timem:s3], [sflag:s2] =	dma.local @!p0 [hbm:s0], s1  }
0x4a0: {  	s0 =	simm.s32 @!p0 $0x2  }
0x4a1: {  	_ =	swait.ge @!p0 [sflag:s0], s1  }
0x4a2: {  	s1 =	ssub.s32 @!p0 $0x0, s1;
	[sflag:s0] =	ssyncset.done @!p0 $0x0  }
0x4a3: {  	[sflag:s0] =	ssyncadd.s32 @!p0 s1  }
0x4a4: {  	[bflag:$0x3] =	sbarrier.arrive $0xFFFF  }
0x4a5: {  	_ =	shalt  }

</sc_bundles>
